<compile_context>
chip_gen: v7x
topology: tpu7x:2x2x1
jax: 0.10.2.dev20260603
libtpu: 0.0.44.dev20260713+nightly
codegen_flags: <defaults>
</compile_context>

<pallas_src>
import math

import jax
import jax.numpy as jnp
import numpy as np
from jax import lax
from jax.experimental import pallas as pl
from jax.experimental.pallas import tpu as pltpu
from jax.experimental.pallas import tpu_sc as plsc

SEQ_LEN = 2048
DIM = 128
BATCH = 16
SCALE = math.sqrt(float(DIM))

NUM_CORES = 2
NUM_SUBCORES = 16
NW = NUM_CORES * NUM_SUBCORES
P_PER_W = SEQ_LEN // NW
B_PER_STEP = 4
N_STEPS = BATCH // B_PER_STEP
ROWS_PER_STEP = B_PER_STEP * P_PER_W
NBUF = 3
DEPTH = 2
LANES = 16
VECS_PER_ROW = DIM // LANES


def _positional_encoding_np():
    n = 10000.0
    pos = np.arange(SEQ_LEN, dtype=np.float64)[:, None]
    i = np.arange(DIM // 2, dtype=np.float64)[None, :]
    denom = n ** (2.0 * i / DIM)
    enc = np.zeros((SEQ_LEN, DIM), dtype=np.float32)
    enc[:, 0::2] = np.sin(pos / denom).astype(np.float32)
    enc[:, 1::2] = np.cos(pos / denom).astype(np.float32)
    return enc.reshape(-1)


_POS_ENC = _positional_encoding_np()


def _embed_body(table_hbm, idx_hbm, pos_hbm, out_hbm,
                idx_v, pos_v, b0, b1, b2,
                isem, gs0, gs1, gs2, ws0, ws1, ws2):
    bufs = [b0, b1, b2]
    gsems = [gs0, gs1, gs2]
    wsems = [ws0, ws1, ws2]
    wid = lax.axis_index("s") * NUM_CORES + lax.axis_index("c")
    pbase = wid * P_PER_W

    idx_hs = [
        pltpu.async_copy(idx_hbm.at[b, pl.ds(pbase, P_PER_W)],
                         idx_v.at[pl.ds(b * P_PER_W, P_PER_W)], isem)
        for b in range(BATCH)
    ]
    pos_h = pltpu.async_copy(
        pos_hbm.at[pl.ds(pbase * DIM, P_PER_W * DIM)], pos_v, isem)

    def start_gather(s):
        idx_slice = idx_v.at[pl.ds(s * ROWS_PER_STEP, ROWS_PER_STEP)]
        return pltpu.async_copy(table_hbm.at[idx_slice], bufs[s % NBUF],
                                gsems[s % NBUF])

    gather_h = {}
    for d in range(DEPTH):
        for h in idx_hs[d * B_PER_STEP:(d + 1) * B_PER_STEP]:
            h.wait()
        gather_h[d] = start_gather(d)
    for h in idx_hs[DEPTH * B_PER_STEP:]:
        h.wait()
    pos_h.wait()

    write_h = {}
    for s in range(N_STEPS):
        buf = bufs[s % NBUF]
        gather_h.pop(s).wait()
        if s + DEPTH < N_STEPS:
            for h in write_h.pop(s + DEPTH - NBUF, ()):
                h.wait()
            gather_h[s + DEPTH] = start_gather(s + DEPTH)
        for h in write_h.pop(s - NBUF, ()):
            h.wait()

        cur = buf

        @plsc.parallel_loop(0, P_PER_W, 1)
        def fma_pos(p):
            for j in range(VECS_PER_ROW):
                pv = pos_v[pl.ds(p * DIM + j * LANES, LANES)]
                for bb in range(B_PER_STEP):
                    r = bb * P_PER_W + p
                    cur[r, pl.ds(j * LANES, LANES)] = (
                        cur[r, pl.ds(j * LANES, LANES)] * SCALE + pv)

        hs = []
        for bb in range(B_PER_STEP):
            b = s * B_PER_STEP + bb
            hs.append(pltpu.async_copy(
                buf.at[pl.ds(bb * P_PER_W, P_PER_W)],
                out_hbm.at[b, pl.ds(pbase, P_PER_W)],
                wsems[s % NBUF]))
        write_h[s] = hs

    for hs in write_h.values():
        for h in hs:
            h.wait()


@jax.jit
def _embed(idx, table):
    pos_enc = jnp.asarray(_POS_ENC)
    mesh = plsc.VectorSubcoreMesh(
        core_axis_name="c", subcore_axis_name="s",
        num_cores=NUM_CORES, num_subcores=NUM_SUBCORES)
    fn = pl.kernel(
        _embed_body,
        out_type=jax.ShapeDtypeStruct((BATCH, SEQ_LEN, DIM), jnp.float32),
        mesh=mesh,
        scratch_types=[
            pltpu.VMEM((BATCH * P_PER_W,), jnp.int32),
            pltpu.VMEM((P_PER_W * DIM,), jnp.float32),
            pltpu.VMEM((ROWS_PER_STEP, DIM), jnp.float32),
            pltpu.VMEM((ROWS_PER_STEP, DIM), jnp.float32),
            pltpu.VMEM((ROWS_PER_STEP, DIM), jnp.float32),
            pltpu.SemaphoreType.DMA,
            pltpu.SemaphoreType.DMA,
            pltpu.SemaphoreType.DMA,
            pltpu.SemaphoreType.DMA,
            pltpu.SemaphoreType.DMA,
            pltpu.SemaphoreType.DMA,
            pltpu.SemaphoreType.DMA,
        ],
    )
    return fn(table, idx, pos_enc)


def kernel(inputs, table):
    return _embed(inputs.astype(jnp.int32), table)

# --- scband reference (transcript-rebuilt; emitter-appended) ---
"""Pipeline reference for scband-positional-embedding-layer-40656160424202 (READ-ONLY COPY).

The authoritative reference and input builder live on the scoring server;
editing this copy changes nothing except your own understanding.
"""

import jax, jax.numpy as jnp
import numpy as np

SEQ_LEN = 2048
VOCAB = 100000
DIM = 128
BATCH = 16

def _positional_encoding(n=10000):
    pos = np.arange(SEQ_LEN, dtype=np.float64)[:, None]
    i = np.arange(DIM // 2, dtype=np.float64)[None, :]
    denom = n ** (2.0 * i / DIM)
    enc = np.zeros((SEQ_LEN, DIM), dtype=np.float32)
    enc[:, 0::2] = np.sin(pos / denom).astype(np.float32)
    enc[:, 1::2] = np.cos(pos / denom).astype(np.float32)
    return jnp.asarray(enc)[None, :, :]

def setup_inputs(seed: int = 0) -> dict:
    key = jax.random.key(seed)
    k1, k2 = jax.random.split(key)
    inputs = jax.random.randint(k1, (BATCH, SEQ_LEN), 0, VOCAB, dtype=jnp.int64 if jax.config.jax_enable_x64 else jnp.int32)
    table = jax.random.normal(k2, (VOCAB, DIM), dtype=jnp.float32) * 0.02
    return {"inputs": inputs, "table": table}

def reference(inputs, table):
    # Embedding lookup (gather)
    embedded_tokens = jnp.take(table, inputs, axis=0)
    # Scale by sqrt(embed_dim)
    embedded_tokens = embedded_tokens * jnp.sqrt(jnp.asarray(DIM, dtype=jnp.float32))
    # Add fixed sinusoidal positional encoding (broadcast over batch)
    out = embedded_tokens + _positional_encoding()
    # Dropout is identity at inference (training=False)
    return out

if __name__ == "__main__":
    import jax
    _d = setup_inputs()
    print(jax.jit(kernel)(*tuple(_d.values())))

</pallas_src>

<mosaic_0001>
#map = affine_map<(d0, d1) -> (0, 0)>
#map1 = affine_map<(d0, d1) -> (0)>
#map2 = affine_map<(d0, d1) -> (0, 0, 0)>
module attributes {stable_mosaic.version = 14 : i64} {
  func.func @_embed_body(%arg0: i32, %arg1: i32, %arg2: memref<100000x128xf32, #tpu.memory_space<hbm>>, %arg3: memref<16x2048xi32, #tpu.memory_space<hbm>>, %arg4: memref<262144xf32, #tpu.memory_space<hbm>>, %arg5: memref<16x2048x128xf32, #tpu.memory_space<hbm>>, %arg6: memref<1024xi32, #tpu.memory_space<vmem>>, %arg7: memref<8192xf32, #tpu.memory_space<vmem>>, %arg8: memref<256x128xf32, #tpu.memory_space<vmem>>, %arg9: memref<256x128xf32, #tpu.memory_space<vmem>>, %arg10: memref<256x128xf32, #tpu.memory_space<vmem>>, %arg11: memref<!tpu.dma_semaphore, #tpu.memory_space<semaphore_mem>>, %arg12: memref<!tpu.dma_semaphore, #tpu.memory_space<semaphore_mem>>, %arg13: memref<!tpu.dma_semaphore, #tpu.memory_space<semaphore_mem>>, %arg14: memref<!tpu.dma_semaphore, #tpu.memory_space<semaphore_mem>>, %arg15: memref<!tpu.dma_semaphore, #tpu.memory_space<semaphore_mem>>, %arg16: memref<!tpu.dma_semaphore, #tpu.memory_space<semaphore_mem>>, %arg17: memref<!tpu.dma_semaphore, #tpu.memory_space<semaphore_mem>>) attributes {dimension_semantics = [#tpu.dimension_semantics<core_parallel>, #tpu.dimension_semantics<subcore_parallel>], iteration_bounds = array<i64: 2, 16>, scalar_prefetch = 0 : i64, scratch_operands = 12 : i64, tpu.core_type = #tpu.core_type<sc_vector_subcore>, window_params = [{transform_indices = #map}, {transform_indices = #map}, {transform_indices = #map1}, {transform_indices = #map2}]} {
    %mul3A = arith.constant 2 : i32
    %mul3A_0 = arith.muli %arg1, %mul3A : i32
    %add3A = arith.addi %mul3A_0, %arg0 : i32
    %mul3A_1 = arith.constant 64 : i32
    %mul3A_2 = arith.muli %add3A, %mul3A_1 : i32
    %dma_start3A = arith.constant 0 : i32
    %dma_start3A_3 = arith.constant 0 : i32
    %dma_start3A_4 = tpu.memref_slice %arg6[%dma_start3A_3] : memref<1024xi32, #tpu.memory_space<vmem>> -> memref<64xi32, #tpu.memory_space<vmem>>
    %dma_start3A_5 = tpu.memref_slice %arg3[%dma_start3A, %mul3A_2] : memref<16x2048xi32, #tpu.memory_space<hbm>> -> memref<1x64xi32, #tpu.memory_space<hbm>>
    %dma_start3A_6 = tpu.memref_squeeze %dma_start3A_5 : memref<1x64xi32, #tpu.memory_space<hbm>> -> memref<64xi32, #tpu.memory_space<hbm>>
    %dma_start3A_7 = arith.constant 0 : i32
    %dma_start3A_8 = tpu.memref_slice %arg6[%dma_start3A_7] : memref<1024xi32, #tpu.memory_space<vmem>> -> memref<64xi32, #tpu.memory_space<vmem>>
    %dma_start3A_9 = tpu.memref_slice %arg3[%dma_start3A, %mul3A_2] : memref<16x2048xi32, #tpu.memory_space<hbm>> -> memref<1x64xi32, #tpu.memory_space<hbm>>
    %dma_start3A_10 = tpu.memref_squeeze %dma_start3A_9 : memref<1x64xi32, #tpu.memory_space<hbm>> -> memref<64xi32, #tpu.memory_space<hbm>>
    tpu.enqueue_dma source(%dma_start3A_10 : memref<64xi32, #tpu.memory_space<hbm>>) target(%dma_start3A_8 : memref<64xi32, #tpu.memory_space<vmem>>) target_semaphore(%arg11 : memref<!tpu.dma_semaphore, #tpu.memory_space<semaphore_mem>>)
    %dma_start3A_11 = arith.constant 1 : i32
    %dma_start3A_12 = arith.constant 64 : i32
    %dma_start3A_13 = tpu.memref_slice %arg6[%dma_start3A_12] : memref<1024xi32, #tpu.memory_space<vmem>> -> memref<64xi32, #tpu.memory_space<vmem>>
    %dma_start3A_14 = tpu.memref_slice %arg3[%dma_start3A_11, %mul3A_2] : memref<16x2048xi32, #tpu.memory_space<hbm>> -> memref<1x64xi32, #tpu.memory_space<hbm>>
    %dma_start3A_15 = tpu.memref_squeeze %dma_start3A_14 : memref<1x64xi32, #tpu.memory_space<hbm>> -> memref<64xi32, #tpu.memory_space<hbm>>
    %dma_start3A_16 = arith.constant 64 : i32
    %dma_start3A_17 = tpu.memref_slice %arg6[%dma_start3A_16] : memref<1024xi32, #tpu.memory_space<vmem>> -> memref<64xi32, #tpu.memory_space<vmem>>
    %dma_start3A_18 = tpu.memref_slice %arg3[%dma_start3A_11, %mul3A_2] : memref<16x2048xi32, #tpu.memory_space<hbm>> -> memref<1x64xi32, #tpu.memory_space<hbm>>
    %dma_start3A_19 = tpu.memref_squeeze %dma_start3A_18 : memref<1x64xi32, #tpu.memory_space<hbm>> -> memref<64xi32, #tpu.memory_space<hbm>>
    tpu.enqueue_dma source(%dma_start3A_19 : memref<64xi32, #tpu.memory_space<hbm>>) target(%dma_start3A_17 : memref<64xi32, #tpu.memory_space<vmem>>) target_semaphore(%arg11 : memref<!tpu.dma_semaphore, #tpu.memory_space<semaphore_mem>>)
    %dma_start3A_20 = arith.constant 2 : i32
    %dma_start3A_21 = arith.constant 128 : i32
    %dma_start3A_22 = tpu.memref_slice %arg6[%dma_start3A_21] : memref<1024xi32, #tpu.memory_space<vmem>> -> memref<64xi32, #tpu.memory_space<vmem>>
    %dma_start3A_23 = tpu.memref_slice %arg3[%dma_start3A_20, %mul3A_2] : memref<16x2048xi32, #tpu.memory_space<hbm>> -> memref<1x64xi32, #tpu.memory_space<hbm>>
    %dma_start3A_24 = tpu.memref_squeeze %dma_start3A_23 : memref<1x64xi32, #tpu.memory_space<hbm>> -> memref<64xi32, #tpu.memory_space<hbm>>
    %dma_start3A_25 = arith.constant 128 : i32
    %dma_start3A_26 = tpu.memref_slice %arg6[%dma_start3A_25] : memref<1024xi32, #tpu.memory_space<vmem>> -> memref<64xi32, #tpu.memory_space<vmem>>
    %dma_start3A_27 = tpu.memref_slice %arg3[%dma_start3A_20, %mul3A_2] : memref<16x2048xi32, #tpu.memory_space<hbm>> -> memref<1x64xi32, #tpu.memory_space<hbm>>
    %dma_start3A_28 = tpu.memref_squeeze %dma_start3A_27 : memref<1x64xi32, #tpu.memory_space<hbm>> -> memref<64xi32, #tpu.memory_space<hbm>>
    tpu.enqueue_dma source(%dma_start3A_28 : memref<64xi32, #tpu.memory_space<hbm>>) target(%dma_start3A_26 : memref<64xi32, #tpu.memory_space<vmem>>) target_semaphore(%arg11 : memref<!tpu.dma_semaphore, #tpu.memory_space<semaphore_mem>>)
    %dma_start3A_29 = arith.constant 3 : i32
    %dma_start3A_30 = arith.constant 192 : i32
    %dma_start3A_31 = tpu.memref_slice %arg6[%dma_start3A_30] : memref<1024xi32, #tpu.memory_space<vmem>> -> memref<64xi32, #tpu.memory_space<vmem>>
    %dma_start3A_32 = tpu.memref_slice %arg3[%dma_start3A_29, %mul3A_2] : memref<16x2048xi32, #tpu.memory_space<hbm>> -> memref<1x64xi32, #tpu.memory_space<hbm>>
    %dma_start3A_33 = tpu.memref_squeeze %dma_start3A_32 : memref<1x64xi32, #tpu.memory_space<hbm>> -> memref<64xi32, #tpu.memory_space<hbm>>
    %dma_start3A_34 = arith.constant 192 : i32
    %dma_start3A_35 = tpu.memref_slice %arg6[%dma_start3A_34] : memref<1024xi32, #tpu.memory_space<vmem>> -> memref<64xi32, #tpu.memory_space<vmem>>
    %dma_start3A_36 = tpu.memref_slice %arg3[%dma_start3A_29, %mul3A_2] : memref<16x2048xi32, #tpu.memory_space<hbm>> -> memref<1x64xi32, #tpu.memory_space<hbm>>
    %dma_start3A_37 = tpu.memref_squeeze %dma_start3A_36 : memref<1x64xi32, #tpu.memory_space<hbm>> -> memref<64xi32, #tpu.memory_space<hbm>>
    tpu.enqueue_dma source(%dma_start3A_37 : memref<64xi32, #tpu.memory_space<hbm>>) target(%dma_start3A_35 : memref<64xi32, #tpu.memory_space<vmem>>) target_semaphore(%arg11 : memref<!tpu.dma_semaphore, #tpu.memory_space<semaphore_mem>>)
    %dma_start3A_38 = arith.constant 4 : i32
    %dma_start3A_39 = arith.constant 256 : i32
    %dma_start3A_40 = tpu.memref_slice %arg6[%dma_start3A_39] : memref<1024xi32, #tpu.memory_space<vmem>> -> memref<64xi32, #tpu.memory_space<vmem>>
    %dma_start3A_41 = tpu.memref_slice %arg3[%dma_start3A_38, %mul3A_2] : memref<16x2048xi32, #tpu.memory_space<hbm>> -> memref<1x64xi32, #tpu.memory_space<hbm>>
    %dma_start3A_42 = tpu.memref_squeeze %dma_start3A_41 : memref<1x64xi32, #tpu.memory_space<hbm>> -> memref<64xi32, #tpu.memory_space<hbm>>
    %dma_start3A_43 = arith.constant 256 : i32
    %dma_start3A_44 = tpu.memref_slice %arg6[%dma_start3A_43] : memref<1024xi32, #tpu.memory_space<vmem>> -> memref<64xi32, #tpu.memory_space<vmem>>
    %dma_start3A_45 = tpu.memref_slice %arg3[%dma_start3A_38, %mul3A_2] : memref<16x2048xi32, #tpu.memory_space<hbm>> -> memref<1x64xi32, #tpu.memory_space<hbm>>
    %dma_start3A_46 = tpu.memref_squeeze %dma_start3A_45 : memref<1x64xi32, #tpu.memory_space<hbm>> -> memref<64xi32, #tpu.memory_space<hbm>>
    tpu.enqueue_dma source(%dma_start3A_46 : memref<64xi32, #tpu.memory_space<hbm>>) target(%dma_start3A_44 : memref<64xi32, #tpu.memory_space<vmem>>) target_semaphore(%arg11 : memref<!tpu.dma_semaphore, #tpu.memory_space<semaphore_mem>>)
    %dma_start3A_47 = arith.constant 5 : i32
    %dma_start3A_48 = arith.constant 320 : i32
    %dma_start3A_49 = tpu.memref_slice %arg6[%dma_start3A_48] : memref<1024xi32, #tpu.memory_space<vmem>> -> memref<64xi32, #tpu.memory_space<vmem>>
    %dma_start3A_50 = tpu.memref_slice %arg3[%dma_start3A_47, %mul3A_2] : memref<16x2048xi32, #tpu.memory_space<hbm>> -> memref<1x64xi32, #tpu.memory_space<hbm>>
    %dma_start3A_51 = tpu.memref_squeeze %dma_start3A_50 : memref<1x64xi32, #tpu.memory_space<hbm>> -> memref<64xi32, #tpu.memory_space<hbm>>
    %dma_start3A_52 = arith.constant 320 : i32
    %dma_start3A_53 = tpu.memref_slice %arg6[%dma_start3A_52] : memref<1024xi32, #tpu.memory_space<vmem>> -> memref<64xi32, #tpu.memory_space<vmem>>
    %dma_start3A_54 = tpu.memref_slice %arg3[%dma_start3A_47, %mul3A_2] : memref<16x2048xi32, #tpu.memory_space<hbm>> -> memref<1x64xi32, #tpu.memory_space<hbm>>
    %dma_start3A_55 = tpu.memref_squeeze %dma_start3A_54 : memref<1x64xi32, #tpu.memory_space<hbm>> -> memref<64xi32, #tpu.memory_space<hbm>>
    tpu.enqueue_dma source(%dma_start3A_55 : memref<64xi32, #tpu.memory_space<hbm>>) target(%dma_start3A_53 : memref<64xi32, #tpu.memory_space<vmem>>) target_semaphore(%arg11 : memref<!tpu.dma_semaphore, #tpu.memory_space<semaphore_mem>>)
    %dma_start3A_56 = arith.constant 6 : i32
    %dma_start3A_57 = arith.constant 384 : i32
    %dma_start3A_58 = tpu.memref_slice %arg6[%dma_start3A_57] : memref<1024xi32, #tpu.memory_space<vmem>> -> memref<64xi32, #tpu.memory_space<vmem>>
    %dma_start3A_59 = tpu.memref_slice %arg3[%dma_start3A_56, %mul3A_2] : memref<16x2048xi32, #tpu.memory_space<hbm>> -> memref<1x64xi32, #tpu.memory_space<hbm>>
    %dma_start3A_60 = tpu.memref_squeeze %dma_start3A_59 : memref<1x64xi32, #tpu.memory_space<hbm>> -> memref<64xi32, #tpu.memory_space<hbm>>
    %dma_start3A_61 = arith.constant 384 : i32
    %dma_start3A_62 = tpu.memref_slice %arg6[%dma_start3A_61] : memref<1024xi32, #tpu.memory_space<vmem>> -> memref<64xi32, #tpu.memory_space<vmem>>
    %dma_start3A_63 = tpu.memref_slice %arg3[%dma_start3A_56, %mul3A_2] : memref<16x2048xi32, #tpu.memory_space<hbm>> -> memref<1x64xi32, #tpu.memory_space<hbm>>
    %dma_start3A_64 = tpu.memref_squeeze %dma_start3A_63 : memref<1x64xi32, #tpu.memory_space<hbm>> -> memref<64xi32, #tpu.memory_space<hbm>>
    tpu.enqueue_dma source(%dma_start3A_64 : memref<64xi32, #tpu.memory_space<hbm>>) target(%dma_start3A_62 : memref<64xi32, #tpu.memory_space<vmem>>) target_semaphore(%arg11 : memref<!tpu.dma_semaphore, #tpu.memory_space<semaphore_mem>>)
    %dma_start3A_65 = arith.constant 7 : i32
    %dma_start3A_66 = arith.constant 448 : i32
    %dma_start3A_67 = tpu.memref_slice %arg6[%dma_start3A_66] : memref<1024xi32, #tpu.memory_space<vmem>> -> memref<64xi32, #tpu.memory_space<vmem>>
    %dma_start3A_68 = tpu.memref_slice %arg3[%dma_start3A_65, %mul3A_2] : memref<16x2048xi32, #tpu.memory_space<hbm>> -> memref<1x64xi32, #tpu.memory_space<hbm>>
    %dma_start3A_69 = tpu.memref_squeeze %dma_start3A_68 : memref<1x64xi32, #tpu.memory_space<hbm>> -> memref<64xi32, #tpu.memory_space<hbm>>
    %dma_start3A_70 = arith.constant 448 : i32
    %dma_start3A_71 = tpu.memref_slice %arg6[%dma_start3A_70] : memref<1024xi32, #tpu.memory_space<vmem>> -> memref<64xi32, #tpu.memory_space<vmem>>
    %dma_start3A_72 = tpu.memref_slice %arg3[%dma_start3A_65, %mul3A_2] : memref<16x2048xi32, #tpu.memory_space<hbm>> -> memref<1x64xi32, #tpu.memory_space<hbm>>
    %dma_start3A_73 = tpu.memref_squeeze %dma_start3A_72 : memref<1x64xi32, #tpu.memory_space<hbm>> -> memref<64xi32, #tpu.memory_space<hbm>>
    tpu.enqueue_dma source(%dma_start3A_73 : memref<64xi32, #tpu.memory_space<hbm>>) target(%dma_start3A_71 : memref<64xi32, #tpu.memory_space<vmem>>) target_semaphore(%arg11 : memref<!tpu.dma_semaphore, #tpu.memory_space<semaphore_mem>>)
    %dma_start3A_74 = arith.constant 8 : i32
    %dma_start3A_75 = arith.constant 512 : i32
    %dma_start3A_76 = tpu.memref_slice %arg6[%dma_start3A_75] : memref<1024xi32, #tpu.memory_space<vmem>> -> memref<64xi32, #tpu.memory_space<vmem>>
    %dma_start3A_77 = tpu.memref_slice %arg3[%dma_start3A_74, %mul3A_2] : memref<16x2048xi32, #tpu.memory_space<hbm>> -> memref<1x64xi32, #tpu.memory_space<hbm>>
    %dma_start3A_78 = tpu.memref_squeeze %dma_start3A_77 : memref<1x64xi32, #tpu.memory_space<hbm>> -> memref<64xi32, #tpu.memory_space<hbm>>
    %dma_start3A_79 = arith.constant 512 : i32
    %dma_start3A_80 = tpu.memref_slice %arg6[%dma_start3A_79] : memref<1024xi32, #tpu.memory_space<vmem>> -> memref<64xi32, #tpu.memory_space<vmem>>
    %dma_start3A_81 = tpu.memref_slice %arg3[%dma_start3A_74, %mul3A_2] : memref<16x2048xi32, #tpu.memory_space<hbm>> -> memref<1x64xi32, #tpu.memory_space<hbm>>
    %dma_start3A_82 = tpu.memref_squeeze %dma_start3A_81 : memref<1x64xi32, #tpu.memory_space<hbm>> -> memref<64xi32, #tpu.memory_space<hbm>>
    tpu.enqueue_dma source(%dma_start3A_82 : memref<64xi32, #tpu.memory_space<hbm>>) target(%dma_start3A_80 : memref<64xi32, #tpu.memory_space<vmem>>) target_semaphore(%arg11 : memref<!tpu.dma_semaphore, #tpu.memory_space<semaphore_mem>>)
    %dma_start3A_83 = arith.constant 9 : i32
    %dma_start3A_84 = arith.constant 576 : i32
    %dma_start3A_85 = tpu.memref_slice %arg6[%dma_start3A_84] : memref<1024xi32, #tpu.memory_space<vmem>> -> memref<64xi32, #tpu.memory_space<vmem>>
    %dma_start3A_86 = tpu.memref_slice %arg3[%dma_start3A_83, %mul3A_2] : memref<16x2048xi32, #tpu.memory_space<hbm>> -> memref<1x64xi32, #tpu.memory_space<hbm>>
    %dma_start3A_87 = tpu.memref_squeeze %dma_start3A_86 : memref<1x64xi32, #tpu.memory_space<hbm>> -> memref<64xi32, #tpu.memory_space<hbm>>
    %dma_start3A_88 = arith.constant 576 : i32
    %dma_start3A_89 = tpu.memref_slice %arg6[%dma_start3A_88] : memref<1024xi32, #tpu.memory_space<vmem>> -> memref<64xi32, #tpu.memory_space<vmem>>
    %dma_start3A_90 = tpu.memref_slice %arg3[%dma_start3A_83, %mul3A_2] : memref<16x2048xi32, #tpu.memory_space<hbm>> -> memref<1x64xi32, #tpu.memory_space<hbm>>
    %dma_start3A_91 = tpu.memref_squeeze %dma_start3A_90 : memref<1x64xi32, #tpu.memory_space<hbm>> -> memref<64xi32, #tpu.memory_space<hbm>>
    tpu.enqueue_dma source(%dma_start3A_91 : memref<64xi32, #tpu.memory_space<hbm>>) target(%dma_start3A_89 : memref<64xi32, #tpu.memory_space<vmem>>) target_semaphore(%arg11 : memref<!tpu.dma_semaphore, #tpu.memory_space<semaphore_mem>>)
    %dma_start3A_92 = arith.constant 10 : i32
    %dma_start3A_93 = arith.constant 640 : i32
    %dma_start3A_94 = tpu.memref_slice %arg6[%dma_start3A_93] : memref<1024xi32, #tpu.memory_space<vmem>> -> memref<64xi32, #tpu.memory_space<vmem>>
    %dma_start3A_95 = tpu.memref_slice %arg3[%dma_start3A_92, %mul3A_2] : memref<16x2048xi32, #tpu.memory_space<hbm>> -> memref<1x64xi32, #tpu.memory_space<hbm>>
    %dma_start3A_96 = tpu.memref_squeeze %dma_start3A_95 : memref<1x64xi32, #tpu.memory_space<hbm>> -> memref<64xi32, #tpu.memory_space<hbm>>
    %dma_start3A_97 = arith.constant 640 : i32
    %dma_start3A_98 = tpu.memref_slice %arg6[%dma_start3A_97] : memref<1024xi32, #tpu.memory_space<vmem>> -> memref<64xi32, #tpu.memory_space<vmem>>
    %dma_start3A_99 = tpu.memref_slice %arg3[%dma_start3A_92, %mul3A_2] : memref<16x2048xi32, #tpu.memory_space<hbm>> -> memref<1x64xi32, #tpu.memory_space<hbm>>
    %dma_start3A_100 = tpu.memref_squeeze %dma_start3A_99 : memref<1x64xi32, #tpu.memory_space<hbm>> -> memref<64xi32, #tpu.memory_space<hbm>>
    tpu.enqueue_dma source(%dma_start3A_100 : memref<64xi32, #tpu.memory_space<hbm>>) target(%dma_start3A_98 : memref<64xi32, #tpu.memory_space<vmem>>) target_semaphore(%arg11 : memref<!tpu.dma_semaphore, #tpu.memory_space<semaphore_mem>>)
    %dma_start3A_101 = arith.constant 11 : i32
    %dma_start3A_102 = arith.constant 704 : i32
    %dma_start3A_103 = tpu.memref_slice %arg6[%dma_start3A_102] : memref<1024xi32, #tpu.memory_space<vmem>> -> memref<64xi32, #tpu.memory_space<vmem>>
    %dma_start3A_104 = tpu.memref_slice %arg3[%dma_start3A_101, %mul3A_2] : memref<16x2048xi32, #tpu.memory_space<hbm>> -> memref<1x64xi32, #tpu.memory_space<hbm>>
    %dma_start3A_105 = tpu.memref_squeeze %dma_start3A_104 : memref<1x64xi32, #tpu.memory_space<hbm>> -> memref<64xi32, #tpu.memory_space<hbm>>
    %dma_start3A_106 = arith.constant 704 : i32
    %dma_start3A_107 = tpu.memref_slice %arg6[%dma_start3A_106] : memref<1024xi32, #tpu.memory_space<vmem>> -> memref<64xi32, #tpu.memory_space<vmem>>
    %dma_start3A_108 = tpu.memref_slice %arg3[%dma_start3A_101, %mul3A_2] : memref<16x2048xi32, #tpu.memory_space<hbm>> -> memref<1x64xi32, #tpu.memory_space<hbm>>
    %dma_start3A_109 = tpu.memref_squeeze %dma_start3A_108 : memref<1x64xi32, #tpu.memory_space<hbm>> -> memref<64xi32, #tpu.memory_space<hbm>>
    tpu.enqueue_dma source(%dma_start3A_109 : memref<64xi32, #tpu.memory_space<hbm>>) target(%dma_start3A_107 : memref<64xi32, #tpu.memory_space<vmem>>) target_semaphore(%arg11 : memref<!tpu.dma_semaphore, #tpu.memory_space<semaphore_mem>>)
    %dma_start3A_110 = arith.constant 12 : i32
    %dma_start3A_111 = arith.constant 768 : i32
    %dma_start3A_112 = tpu.memref_slice %arg6[%dma_start3A_111] : memref<1024xi32, #tpu.memory_space<vmem>> -> memref<64xi32, #tpu.memory_space<vmem>>
    %dma_start3A_113 = tpu.memref_slice %arg3[%dma_start3A_110, %mul3A_2] : memref<16x2048xi32, #tpu.memory_space<hbm>> -> memref<1x64xi32, #tpu.memory_space<hbm>>
    %dma_start3A_114 = tpu.memref_squeeze %dma_start3A_113 : memref<1x64xi32, #tpu.memory_space<hbm>> -> memref<64xi32, #tpu.memory_space<hbm>>
    %dma_start3A_115 = arith.constant 768 : i32
    %dma_start3A_116 = tpu.memref_slice %arg6[%dma_start3A_115] : memref<1024xi32, #tpu.memory_space<vmem>> -> memref<64xi32, #tpu.memory_space<vmem>>
    %dma_start3A_117 = tpu.memref_slice %arg3[%dma_start3A_110, %mul3A_2] : memref<16x2048xi32, #tpu.memory_space<hbm>> -> memref<1x64xi32, #tpu.memory_space<hbm>>
    %dma_start3A_118 = tpu.memref_squeeze %dma_start3A_117 : memref<1x64xi32, #tpu.memory_space<hbm>> -> memref<64xi32, #tpu.memory_space<hbm>>
    tpu.enqueue_dma source(%dma_start3A_118 : memref<64xi32, #tpu.memory_space<hbm>>) target(%dma_start3A_116 : memref<64xi32, #tpu.memory_space<vmem>>) target_semaphore(%arg11 : memref<!tpu.dma_semaphore, #tpu.memory_space<semaphore_mem>>)
    %dma_start3A_119 = arith.constant 13 : i32
    %dma_start3A_120 = arith.constant 832 : i32
    %dma_start3A_121 = tpu.memref_slice %arg6[%dma_start3A_120] : memref<1024xi32, #tpu.memory_space<vmem>> -> memref<64xi32, #tpu.memory_space<vmem>>
    %dma_start3A_122 = tpu.memref_slice %arg3[%dma_start3A_119, %mul3A_2] : memref<16x2048xi32, #tpu.memory_space<hbm>> -> memref<1x64xi32, #tpu.memory_space<hbm>>
    %dma_start3A_123 = tpu.memref_squeeze %dma_start3A_122 : memref<1x64xi32, #tpu.memory_space<hbm>> -> memref<64xi32, #tpu.memory_space<hbm>>
    %dma_start3A_124 = arith.constant 832 : i32
    %dma_start3A_125 = tpu.memref_slice %arg6[%dma_start3A_124] : memref<1024xi32, #tpu.memory_space<vmem>> -> memref<64xi32, #tpu.memory_space<vmem>>
    %dma_start3A_126 = tpu.memref_slice %arg3[%dma_start3A_119, %mul3A_2] : memref<16x2048xi32, #tpu.memory_space<hbm>> -> memref<1x64xi32, #tpu.memory_space<hbm>>
    %dma_start3A_127 = tpu.memref_squeeze %dma_start3A_126 : memref<1x64xi32, #tpu.memory_space<hbm>> -> memref<64xi32, #tpu.memory_space<hbm>>
    tpu.enqueue_dma source(%dma_start3A_127 : memref<64xi32, #tpu.memory_space<hbm>>) target(%dma_start3A_125 : memref<64xi32, #tpu.memory_space<vmem>>) target_semaphore(%arg11 : memref<!tpu.dma_semaphore, #tpu.memory_space<semaphore_mem>>)
    %dma_start3A_128 = arith.constant 14 : i32
    %dma_start3A_129 = arith.constant 896 : i32
    %dma_start3A_130 = tpu.memref_slice %arg6[%dma_start3A_129] : memref<1024xi32, #tpu.memory_space<vmem>> -> memref<64xi32, #tpu.memory_space<vmem>>
    %dma_start3A_131 = tpu.memref_slice %arg3[%dma_start3A_128, %mul3A_2] : memref<16x2048xi32, #tpu.memory_space<hbm>> -> memref<1x64xi32, #tpu.memory_space<hbm>>
    %dma_start3A_132 = tpu.memref_squeeze %dma_start3A_131 : memref<1x64xi32, #tpu.memory_space<hbm>> -> memref<64xi32, #tpu.memory_space<hbm>>
    %dma_start3A_133 = arith.constant 896 : i32
    %dma_start3A_134 = tpu.memref_slice %arg6[%dma_start3A_133] : memref<1024xi32, #tpu.memory_space<vmem>> -> memref<64xi32, #tpu.memory_space<vmem>>
    %dma_start3A_135 = tpu.memref_slice %arg3[%dma_start3A_128, %mul3A_2] : memref<16x2048xi32, #tpu.memory_space<hbm>> -> memref<1x64xi32, #tpu.memory_space<hbm>>
    %dma_start3A_136 = tpu.memref_squeeze %dma_start3A_135 : memref<1x64xi32, #tpu.memory_space<hbm>> -> memref<64xi32, #tpu.memory_space<hbm>>
    tpu.enqueue_dma source(%dma_start3A_136 : memref<64xi32, #tpu.memory_space<hbm>>) target(%dma_start3A_134 : memref<64xi32, #tpu.memory_space<vmem>>) target_semaphore(%arg11 : memref<!tpu.dma_semaphore, #tpu.memory_space<semaphore_mem>>)
    %dma_start3A_137 = arith.constant 15 : i32
    %dma_start3A_138 = arith.constant 960 : i32
    %dma_start3A_139 = tpu.memref_slice %arg6[%dma_start3A_138] : memref<1024xi32, #tpu.memory_space<vmem>> -> memref<64xi32, #tpu.memory_space<vmem>>
    %dma_start3A_140 = tpu.memref_slice %arg3[%dma_start3A_137, %mul3A_2] : memref<16x2048xi32, #tpu.memory_space<hbm>> -> memref<1x64xi32, #tpu.memory_space<hbm>>
    %dma_start3A_141 = tpu.memref_squeeze %dma_start3A_140 : memref<1x64xi32, #tpu.memory_space<hbm>> -> memref<64xi32, #tpu.memory_space<hbm>>
    %dma_start3A_142 = arith.constant 960 : i32
    %dma_start3A_143 = tpu.memref_slice %arg6[%dma_start3A_142] : memref<1024xi32, #tpu.memory_space<vmem>> -> memref<64xi32, #tpu.memory_space<vmem>>
    %dma_start3A_144 = tpu.memref_slice %arg3[%dma_start3A_137, %mul3A_2] : memref<16x2048xi32, #tpu.memory_space<hbm>> -> memref<1x64xi32, #tpu.memory_space<hbm>>
    %dma_start3A_145 = tpu.memref_squeeze %dma_start3A_144 : memref<1x64xi32, #tpu.memory_space<hbm>> -> memref<64xi32, #tpu.memory_space<hbm>>
    tpu.enqueue_dma source(%dma_start3A_145 : memref<64xi32, #tpu.memory_space<hbm>>) target(%dma_start3A_143 : memref<64xi32, #tpu.memory_space<vmem>>) target_semaphore(%arg11 : memref<!tpu.dma_semaphore, #tpu.memory_space<semaphore_mem>>)
    %mul3A_146 = arith.constant 128 : i32
    %mul3A_147 = arith.muli %mul3A_2, %mul3A_146 : i32
    %dma_start3A_148 = tpu.memref_slice %arg4[%mul3A_147] : memref<262144xf32, #tpu.memory_space<hbm>> -> memref<8192xf32, #tpu.memory_space<hbm>>
    %dma_start3A_149 = tpu.memref_slice %arg4[%mul3A_147] : memref<262144xf32, #tpu.memory_space<hbm>> -> memref<8192xf32, #tpu.memory_space<hbm>>
    tpu.enqueue_dma source(%dma_start3A_149 : memref<8192xf32, #tpu.memory_space<hbm>>) target(%arg7 : memref<8192xf32, #tpu.memory_space<vmem>>) target_semaphore(%arg11 : memref<!tpu.dma_semaphore, #tpu.memory_space<semaphore_mem>>)
    %dma_wait3A = arith.constant 0 : i32
    %dma_wait3A_150 = arith.constant 0 : i32
    %dma_wait3A_151 = tpu.memref_slice %arg6[%dma_wait3A_150] : memref<1024xi32, #tpu.memory_space<vmem>> -> memref<64xi32, #tpu.memory_space<vmem>>
    %dma_wait3A_152 = tpu.memref_slice %arg3[%dma_wait3A, %mul3A_2] : memref<16x2048xi32, #tpu.memory_space<hbm>> -> memref<1x64xi32, #tpu.memory_space<hbm>>
    %dma_wait3A_153 = tpu.memref_squeeze %dma_wait3A_152 : memref<1x64xi32, #tpu.memory_space<hbm>> -> memref<64xi32, #tpu.memory_space<hbm>>
    %dma_wait3A_154 = arith.constant 0 : i32
    %dma_wait3A_155 = tpu.memref_slice %arg6[%dma_wait3A_154] : memref<1024xi32, #tpu.memory_space<vmem>> -> memref<64xi32, #tpu.memory_space<vmem>>
    %dma_wait3A_156 = tpu.memref_slice %arg3[%dma_wait3A, %mul3A_2] : memref<16x2048xi32, #tpu.memory_space<hbm>> -> memref<1x64xi32, #tpu.memory_space<hbm>>
    %dma_wait3A_157 = tpu.memref_squeeze %dma_wait3A_156 : memref<1x64xi32, #tpu.memory_space<hbm>> -> memref<64xi32, #tpu.memory_space<hbm>>
    tpu.wait_dma2 semaphore(%arg11 : memref<!tpu.dma_semaphore, #tpu.memory_space<semaphore_mem>>) src(%dma_wait3A_157 : memref<64xi32, #tpu.memory_space<hbm>>) dst(%dma_wait3A_155 : memref<64xi32, #tpu.memory_space<vmem>>)
    %dma_wait3A_158 = arith.constant 1 : i32
    %dma_wait3A_159 = arith.constant 64 : i32
    %dma_wait3A_160 = tpu.memref_slice %arg6[%dma_wait3A_159] : memref<1024xi32, #tpu.memory_space<vmem>> -> memref<64xi32, #tpu.memory_space<vmem>>
    %dma_wait3A_161 = tpu.memref_slice %arg3[%dma_wait3A_158, %mul3A_2] : memref<16x2048xi32, #tpu.memory_space<hbm>> -> memref<1x64xi32, #tpu.memory_space<hbm>>
    %dma_wait3A_162 = tpu.memref_squeeze %dma_wait3A_161 : memref<1x64xi32, #tpu.memory_space<hbm>> -> memref<64xi32, #tpu.memory_space<hbm>>
    %dma_wait3A_163 = arith.constant 64 : i32
    %dma_wait3A_164 = tpu.memref_slice %arg6[%dma_wait3A_163] : memref<1024xi32, #tpu.memory_space<vmem>> -> memref<64xi32, #tpu.memory_space<vmem>>
    %dma_wait3A_165 = tpu.memref_slice %arg3[%dma_wait3A_158, %mul3A_2] : memref<16x2048xi32, #tpu.memory_space<hbm>> -> memref<1x64xi32, #tpu.memory_space<hbm>>
    %dma_wait3A_166 = tpu.memref_squeeze %dma_wait3A_165 : memref<1x64xi32, #tpu.memory_space<hbm>> -> memref<64xi32, #tpu.memory_space<hbm>>
    tpu.wait_dma2 semaphore(%arg11 : memref<!tpu.dma_semaphore, #tpu.memory_space<semaphore_mem>>) src(%dma_wait3A_166 : memref<64xi32, #tpu.memory_space<hbm>>) dst(%dma_wait3A_164 : memref<64xi32, #tpu.memory_space<vmem>>)
    %dma_wait3A_167 = arith.constant 2 : i32
    %dma_wait3A_168 = arith.constant 128 : i32
    %dma_wait3A_169 = tpu.memref_slice %arg6[%dma_wait3A_168] : memref<1024xi32, #tpu.memory_space<vmem>> -> memref<64xi32, #tpu.memory_space<vmem>>
    %dma_wait3A_170 = tpu.memref_slice %arg3[%dma_wait3A_167, %mul3A_2] : memref<16x2048xi32, #tpu.memory_space<hbm>> -> memref<1x64xi32, #tpu.memory_space<hbm>>
    %dma_wait3A_171 = tpu.memref_squeeze %dma_wait3A_170 : memref<1x64xi32, #tpu.memory_space<hbm>> -> memref<64xi32, #tpu.memory_space<hbm>>
    %dma_wait3A_172 = arith.constant 128 : i32
    %dma_wait3A_173 = tpu.memref_slice %arg6[%dma_wait3A_172] : memref<1024xi32, #tpu.memory_space<vmem>> -> memref<64xi32, #tpu.memory_space<vmem>>
    %dma_wait3A_174 = tpu.memref_slice %arg3[%dma_wait3A_167, %mul3A_2] : memref<16x2048xi32, #tpu.memory_space<hbm>> -> memref<1x64xi32, #tpu.memory_space<hbm>>
    %dma_wait3A_175 = tpu.memref_squeeze %dma_wait3A_174 : memref<1x64xi32, #tpu.memory_space<hbm>> -> memref<64xi32, #tpu.memory_space<hbm>>
    tpu.wait_dma2 semaphore(%arg11 : memref<!tpu.dma_semaphore, #tpu.memory_space<semaphore_mem>>) src(%dma_wait3A_175 : memref<64xi32, #tpu.memory_space<hbm>>) dst(%dma_wait3A_173 : memref<64xi32, #tpu.memory_space<vmem>>)
    %dma_wait3A_176 = arith.constant 3 : i32
    %dma_wait3A_177 = arith.constant 192 : i32
    %dma_wait3A_178 = tpu.memref_slice %arg6[%dma_wait3A_177] : memref<1024xi32, #tpu.memory_space<vmem>> -> memref<64xi32, #tpu.memory_space<vmem>>
    %dma_wait3A_179 = tpu.memref_slice %arg3[%dma_wait3A_176, %mul3A_2] : memref<16x2048xi32, #tpu.memory_space<hbm>> -> memref<1x64xi32, #tpu.memory_space<hbm>>
    %dma_wait3A_180 = tpu.memref_squeeze %dma_wait3A_179 : memref<1x64xi32, #tpu.memory_space<hbm>> -> memref<64xi32, #tpu.memory_space<hbm>>
    %dma_wait3A_181 = arith.constant 192 : i32
    %dma_wait3A_182 = tpu.memref_slice %arg6[%dma_wait3A_181] : memref<1024xi32, #tpu.memory_space<vmem>> -> memref<64xi32, #tpu.memory_space<vmem>>
    %dma_wait3A_183 = tpu.memref_slice %arg3[%dma_wait3A_176, %mul3A_2] : memref<16x2048xi32, #tpu.memory_space<hbm>> -> memref<1x64xi32, #tpu.memory_space<hbm>>
    %dma_wait3A_184 = tpu.memref_squeeze %dma_wait3A_183 : memref<1x64xi32, #tpu.memory_space<hbm>> -> memref<64xi32, #tpu.memory_space<hbm>>
    tpu.wait_dma2 semaphore(%arg11 : memref<!tpu.dma_semaphore, #tpu.memory_space<semaphore_mem>>) src(%dma_wait3A_184 : memref<64xi32, #tpu.memory_space<hbm>>) dst(%dma_wait3A_182 : memref<64xi32, #tpu.memory_space<vmem>>)
    %dma_start3A_185 = arith.constant 0 : i32
    %dma_start3A_186 = tpu.memref_slice %arg6[%dma_start3A_185] : memref<1024xi32, #tpu.memory_space<vmem>> -> memref<256xi32, #tpu.memory_space<vmem>>
    %dma_start3A_187 = arith.constant 0 : i32
    %dma_start3A_188 = arith.constant 0 : i32
    %dma_start3A_189 = tpu.memref_slice %arg2[%dma_start3A_187, %dma_start3A_188] : memref<100000x128xf32, #tpu.memory_space<hbm>> -> memref<100000x128xf32, #tpu.memory_space<hbm>>
    tpu.enqueue_indirect_dma source(%dma_start3A_189 : memref<100000x128xf32, #tpu.memory_space<hbm>>) target(%arg8 : memref<256x128xf32, #tpu.memory_space<vmem>>) offsets(%dma_start3A_186 : memref<256xi32, #tpu.memory_space<vmem>>) semaphore(%arg12 : memref<!tpu.dma_semaphore, #tpu.memory_space<semaphore_mem>>)
    %dma_wait3A_190 = arith.constant 4 : i32
    %dma_wait3A_191 = arith.constant 256 : i32
    %dma_wait3A_192 = tpu.memref_slice %arg6[%dma_wait3A_191] : memref<1024xi32, #tpu.memory_space<vmem>> -> memref<64xi32, #tpu.memory_space<vmem>>
    %dma_wait3A_193 = tpu.memref_slice %arg3[%dma_wait3A_190, %mul3A_2] : memref<16x2048xi32, #tpu.memory_space<hbm>> -> memref<1x64xi32, #tpu.memory_space<hbm>>
    %dma_wait3A_194 = tpu.memref_squeeze %dma_wait3A_193 : memref<1x64xi32, #tpu.memory_space<hbm>> -> memref<64xi32, #tpu.memory_space<hbm>>
    %dma_wait3A_195 = arith.constant 256 : i32
    %dma_wait3A_196 = tpu.memref_slice %arg6[%dma_wait3A_195] : memref<1024xi32, #tpu.memory_space<vmem>> -> memref<64xi32, #tpu.memory_space<vmem>>
    %dma_wait3A_197 = tpu.memref_slice %arg3[%dma_wait3A_190, %mul3A_2] : memref<16x2048xi32, #tpu.memory_space<hbm>> -> memref<1x64xi32, #tpu.memory_space<hbm>>
    %dma_wait3A_198 = tpu.memref_squeeze %dma_wait3A_197 : memref<1x64xi32, #tpu.memory_space<hbm>> -> memref<64xi32, #tpu.memory_space<hbm>>
    tpu.wait_dma2 semaphore(%arg11 : memref<!tpu.dma_semaphore, #tpu.memory_space<semaphore_mem>>) src(%dma_wait3A_198 : memref<64xi32, #tpu.memory_space<hbm>>) dst(%dma_wait3A_196 : memref<64xi32, #tpu.memory_space<vmem>>)
    %dma_wait3A_199 = arith.constant 5 : i32
    %dma_wait3A_200 = arith.constant 320 : i32
    %dma_wait3A_201 = tpu.memref_slice %arg6[%dma_wait3A_200] : memref<1024xi32, #tpu.memory_space<vmem>> -> memref<64xi32, #tpu.memory_space<vmem>>
    %dma_wait3A_202 = tpu.memref_slice %arg3[%dma_wait3A_199, %mul3A_2] : memref<16x2048xi32, #tpu.memory_space<hbm>> -> memref<1x64xi32, #tpu.memory_space<hbm>>
    %dma_wait3A_203 = tpu.memref_squeeze %dma_wait3A_202 : memref<1x64xi32, #tpu.memory_space<hbm>> -> memref<64xi32, #tpu.memory_space<hbm>>
    %dma_wait3A_204 = arith.constant 320 : i32
    %dma_wait3A_205 = tpu.memref_slice %arg6[%dma_wait3A_204] : memref<1024xi32, #tpu.memory_space<vmem>> -> memref<64xi32, #tpu.memory_space<vmem>>
    %dma_wait3A_206 = tpu.memref_slice %arg3[%dma_wait3A_199, %mul3A_2] : memref<16x2048xi32, #tpu.memory_space<hbm>> -> memref<1x64xi32, #tpu.memory_space<hbm>>
    %dma_wait3A_207 = tpu.memref_squeeze %dma_wait3A_206 : memref<1x64xi32, #tpu.memory_space<hbm>> -> memref<64xi32, #tpu.memory_space<hbm>>
    tpu.wait_dma2 semaphore(%arg11 : memref<!tpu.dma_semaphore, #tpu.memory_space<semaphore_mem>>) src(%dma_wait3A_207 : memref<64xi32, #tpu.memory_space<hbm>>) dst(%dma_wait3A_205 : memref<64xi32, #tpu.memory_space<vmem>>)
    %dma_wait3A_208 = arith.constant 6 : i32
    %dma_wait3A_209 = arith.constant 384 : i32
    %dma_wait3A_210 = tpu.memref_slice %arg6[%dma_wait3A_209] : memref<1024xi32, #tpu.memory_space<vmem>> -> memref<64xi32, #tpu.memory_space<vmem>>
    %dma_wait3A_211 = tpu.memref_slice %arg3[%dma_wait3A_208, %mul3A_2] : memref<16x2048xi32, #tpu.memory_space<hbm>> -> memref<1x64xi32, #tpu.memory_space<hbm>>
    %dma_wait3A_212 = tpu.memref_squeeze %dma_wait3A_211 : memref<1x64xi32, #tpu.memory_space<hbm>> -> memref<64xi32, #tpu.memory_space<hbm>>
    %dma_wait3A_213 = arith.constant 384 : i32
    %dma_wait3A_214 = tpu.memref_slice %arg6[%dma_wait3A_213] : memref<1024xi32, #tpu.memory_space<vmem>> -> memref<64xi32, #tpu.memory_space<vmem>>
    %dma_wait3A_215 = tpu.memref_slice %arg3[%dma_wait3A_208, %mul3A_2] : memref<16x2048xi32, #tpu.memory_space<hbm>> -> memref<1x64xi32, #tpu.memory_space<hbm>>
    %dma_wait3A_216 = tpu.memref_squeeze %dma_wait3A_215 : memref<1x64xi32, #tpu.memory_space<hbm>> -> memref<64xi32, #tpu.memory_space<hbm>>
    tpu.wait_dma2 semaphore(%arg11 : memref<!tpu.dma_semaphore, #tpu.memory_space<semaphore_mem>>) src(%dma_wait3A_216 : memref<64xi32, #tpu.memory_space<hbm>>) dst(%dma_wait3A_214 : memref<64xi32, #tpu.memory_space<vmem>>)
    %dma_wait3A_217 = arith.constant 7 : i32
    %dma_wait3A_218 = arith.constant 448 : i32
    %dma_wait3A_219 = tpu.memref_slice %arg6[%dma_wait3A_218] : memref<1024xi32, #tpu.memory_space<vmem>> -> memref<64xi32, #tpu.memory_space<vmem>>
    %dma_wait3A_220 = tpu.memref_slice %arg3[%dma_wait3A_217, %mul3A_2] : memref<16x2048xi32, #tpu.memory_space<hbm>> -> memref<1x64xi32, #tpu.memory_space<hbm>>
    %dma_wait3A_221 = tpu.memref_squeeze %dma_wait3A_220 : memref<1x64xi32, #tpu.memory_space<hbm>> -> memref<64xi32, #tpu.memory_space<hbm>>
    %dma_wait3A_222 = arith.constant 448 : i32
    %dma_wait3A_223 = tpu.memref_slice %arg6[%dma_wait3A_222] : memref<1024xi32, #tpu.memory_space<vmem>> -> memref<64xi32, #tpu.memory_space<vmem>>
    %dma_wait3A_224 = tpu.memref_slice %arg3[%dma_wait3A_217, %mul3A_2] : memref<16x2048xi32, #tpu.memory_space<hbm>> -> memref<1x64xi32, #tpu.memory_space<hbm>>
    %dma_wait3A_225 = tpu.memref_squeeze %dma_wait3A_224 : memref<1x64xi32, #tpu.memory_space<hbm>> -> memref<64xi32, #tpu.memory_space<hbm>>
    tpu.wait_dma2 semaphore(%arg11 : memref<!tpu.dma_semaphore, #tpu.memory_space<semaphore_mem>>) src(%dma_wait3A_225 : memref<64xi32, #tpu.memory_space<hbm>>) dst(%dma_wait3A_223 : memref<64xi32, #tpu.memory_space<vmem>>)
    %dma_start3A_226 = arith.constant 256 : i32
    %dma_start3A_227 = tpu.memref_slice %arg6[%dma_start3A_226] : memref<1024xi32, #tpu.memory_space<vmem>> -> memref<256xi32, #tpu.memory_space<vmem>>
    %dma_start3A_228 = arith.constant 0 : i32
    %dma_start3A_229 = arith.constant 0 : i32
    %dma_start3A_230 = tpu.memref_slice %arg2[%dma_start3A_228, %dma_start3A_229] : memref<100000x128xf32, #tpu.memory_space<hbm>> -> memref<100000x128xf32, #tpu.memory_space<hbm>>
    tpu.enqueue_indirect_dma source(%dma_start3A_230 : memref<100000x128xf32, #tpu.memory_space<hbm>>) target(%arg9 : memref<256x128xf32, #tpu.memory_space<vmem>>) offsets(%dma_start3A_227 : memref<256xi32, #tpu.memory_space<vmem>>) semaphore(%arg13 : memref<!tpu.dma_semaphore, #tpu.memory_space<semaphore_mem>>)
    %dma_wait3A_231 = arith.constant 8 : i32
    %dma_wait3A_232 = arith.constant 512 : i32
    %dma_wait3A_233 = tpu.memref_slice %arg6[%dma_wait3A_232] : memref<1024xi32, #tpu.memory_space<vmem>> -> memref<64xi32, #tpu.memory_space<vmem>>
    %dma_wait3A_234 = tpu.memref_slice %arg3[%dma_wait3A_231, %mul3A_2] : memref<16x2048xi32, #tpu.memory_space<hbm>> -> memref<1x64xi32, #tpu.memory_space<hbm>>
    %dma_wait3A_235 = tpu.memref_squeeze %dma_wait3A_234 : memref<1x64xi32, #tpu.memory_space<hbm>> -> memref<64xi32, #tpu.memory_space<hbm>>
    %dma_wait3A_236 = arith.constant 512 : i32
    %dma_wait3A_237 = tpu.memref_slice %arg6[%dma_wait3A_236] : memref<1024xi32, #tpu.memory_space<vmem>> -> memref<64xi32, #tpu.memory_space<vmem>>
    %dma_wait3A_238 = tpu.memref_slice %arg3[%dma_wait3A_231, %mul3A_2] : memref<16x2048xi32, #tpu.memory_space<hbm>> -> memref<1x64xi32, #tpu.memory_space<hbm>>
    %dma_wait3A_239 = tpu.memref_squeeze %dma_wait3A_238 : memref<1x64xi32, #tpu.memory_space<hbm>> -> memref<64xi32, #tpu.memory_space<hbm>>
    tpu.wait_dma2 semaphore(%arg11 : memref<!tpu.dma_semaphore, #tpu.memory_space<semaphore_mem>>) src(%dma_wait3A_239 : memref<64xi32, #tpu.memory_space<hbm>>) dst(%dma_wait3A_237 : memref<64xi32, #tpu.memory_space<vmem>>)
    %dma_wait3A_240 = arith.constant 9 : i32
    %dma_wait3A_241 = arith.constant 576 : i32
    %dma_wait3A_242 = tpu.memref_slice %arg6[%dma_wait3A_241] : memref<1024xi32, #tpu.memory_space<vmem>> -> memref<64xi32, #tpu.memory_space<vmem>>
    %dma_wait3A_243 = tpu.memref_slice %arg3[%dma_wait3A_240, %mul3A_2] : memref<16x2048xi32, #tpu.memory_space<hbm>> -> memref<1x64xi32, #tpu.memory_space<hbm>>
    %dma_wait3A_244 = tpu.memref_squeeze %dma_wait3A_243 : memref<1x64xi32, #tpu.memory_space<hbm>> -> memref<64xi32, #tpu.memory_space<hbm>>
    %dma_wait3A_245 = arith.constant 576 : i32
    %dma_wait3A_246 = tpu.memref_slice %arg6[%dma_wait3A_245] : memref<1024xi32, #tpu.memory_space<vmem>> -> memref<64xi32, #tpu.memory_space<vmem>>
    %dma_wait3A_247 = tpu.memref_slice %arg3[%dma_wait3A_240, %mul3A_2] : memref<16x2048xi32, #tpu.memory_space<hbm>> -> memref<1x64xi32, #tpu.memory_space<hbm>>
    %dma_wait3A_248 = tpu.memref_squeeze %dma_wait3A_247 : memref<1x64xi32, #tpu.memory_space<hbm>> -> memref<64xi32, #tpu.memory_space<hbm>>
    tpu.wait_dma2 semaphore(%arg11 : memref<!tpu.dma_semaphore, #tpu.memory_space<semaphore_mem>>) src(%dma_wait3A_248 : memref<64xi32, #tpu.memory_space<hbm>>) dst(%dma_wait3A_246 : memref<64xi32, #tpu.memory_space<vmem>>)
    %dma_wait3A_249 = arith.constant 10 : i32
    %dma_wait3A_250 = arith.constant 640 : i32
    %dma_wait3A_251 = tpu.memref_slice %arg6[%dma_wait3A_250] : memref<1024xi32, #tpu.memory_space<vmem>> -> memref<64xi32, #tpu.memory_space<vmem>>
    %dma_wait3A_252 = tpu.memref_slice %arg3[%dma_wait3A_249, %mul3A_2] : memref<16x2048xi32, #tpu.memory_space<hbm>> -> memref<1x64xi32, #tpu.memory_space<hbm>>
    %dma_wait3A_253 = tpu.memref_squeeze %dma_wait3A_252 : memref<1x64xi32, #tpu.memory_space<hbm>> -> memref<64xi32, #tpu.memory_space<hbm>>
    %dma_wait3A_254 = arith.constant 640 : i32
    %dma_wait3A_255 = tpu.memref_slice %arg6[%dma_wait3A_254] : memref<1024xi32, #tpu.memory_space<vmem>> -> memref<64xi32, #tpu.memory_space<vmem>>
    %dma_wait3A_256 = tpu.memref_slice %arg3[%dma_wait3A_249, %mul3A_2] : memref<16x2048xi32, #tpu.memory_space<hbm>> -> memref<1x64xi32, #tpu.memory_space<hbm>>
    %dma_wait3A_257 = tpu.memref_squeeze %dma_wait3A_256 : memref<1x64xi32, #tpu.memory_space<hbm>> -> memref<64xi32, #tpu.memory_space<hbm>>
    tpu.wait_dma2 semaphore(%arg11 : memref<!tpu.dma_semaphore, #tpu.memory_space<semaphore_mem>>) src(%dma_wait3A_257 : memref<64xi32, #tpu.memory_space<hbm>>) dst(%dma_wait3A_255 : memref<64xi32, #tpu.memory_space<vmem>>)
    %dma_wait3A_258 = arith.constant 11 : i32
    %dma_wait3A_259 = arith.constant 704 : i32
    %dma_wait3A_260 = tpu.memref_slice %arg6[%dma_wait3A_259] : memref<1024xi32, #tpu.memory_space<vmem>> -> memref<64xi32, #tpu.memory_space<vmem>>
    %dma_wait3A_261 = tpu.memref_slice %arg3[%dma_wait3A_258, %mul3A_2] : memref<16x2048xi32, #tpu.memory_space<hbm>> -> memref<1x64xi32, #tpu.memory_space<hbm>>
    %dma_wait3A_262 = tpu.memref_squeeze %dma_wait3A_261 : memref<1x64xi32, #tpu.memory_space<hbm>> -> memref<64xi32, #tpu.memory_space<hbm>>
    %dma_wait3A_263 = arith.constant 704 : i32
    %dma_wait3A_264 = tpu.memref_slice %arg6[%dma_wait3A_263] : memref<1024xi32, #tpu.memory_space<vmem>> -> memref<64xi32, #tpu.memory_space<vmem>>
    %dma_wait3A_265 = tpu.memref_slice %arg3[%dma_wait3A_258, %mul3A_2] : memref<16x2048xi32, #tpu.memory_space<hbm>> -> memref<1x64xi32, #tpu.memory_space<hbm>>
    %dma_wait3A_266 = tpu.memref_squeeze %dma_wait3A_265 : memref<1x64xi32, #tpu.memory_space<hbm>> -> memref<64xi32, #tpu.memory_space<hbm>>
    tpu.wait_dma2 semaphore(%arg11 : memref<!tpu.dma_semaphore, #tpu.memory_space<semaphore_mem>>) src(%dma_wait3A_266 : memref<64xi32, #tpu.memory_space<hbm>>) dst(%dma_wait3A_264 : memref<64xi32, #tpu.memory_space<vmem>>)
    %dma_wait3A_267 = arith.constant 12 : i32
    %dma_wait3A_268 = arith.constant 768 : i32
    %dma_wait3A_269 = tpu.memref_slice %arg6[%dma_wait3A_268] : memref<1024xi32, #tpu.memory_space<vmem>> -> memref<64xi32, #tpu.memory_space<vmem>>
    %dma_wait3A_270 = tpu.memref_slice %arg3[%dma_wait3A_267, %mul3A_2] : memref<16x2048xi32, #tpu.memory_space<hbm>> -> memref<1x64xi32, #tpu.memory_space<hbm>>
    %dma_wait3A_271 = tpu.memref_squeeze %dma_wait3A_270 : memref<1x64xi32, #tpu.memory_space<hbm>> -> memref<64xi32, #tpu.memory_space<hbm>>
    %dma_wait3A_272 = arith.constant 768 : i32
    %dma_wait3A_273 = tpu.memref_slice %arg6[%dma_wait3A_272] : memref<1024xi32, #tpu.memory_space<vmem>> -> memref<64xi32, #tpu.memory_space<vmem>>
    %dma_wait3A_274 = tpu.memref_slice %arg3[%dma_wait3A_267, %mul3A_2] : memref<16x2048xi32, #tpu.memory_space<hbm>> -> memref<1x64xi32, #tpu.memory_space<hbm>>
    %dma_wait3A_275 = tpu.memref_squeeze %dma_wait3A_274 : memref<1x64xi32, #tpu.memory_space<hbm>> -> memref<64xi32, #tpu.memory_space<hbm>>
    tpu.wait_dma2 semaphore(%arg11 : memref<!tpu.dma_semaphore, #tpu.memory_space<semaphore_mem>>) src(%dma_wait3A_275 : memref<64xi32, #tpu.memory_space<hbm>>) dst(%dma_wait3A_273 : memref<64xi32, #tpu.memory_space<vmem>>)
    %dma_wait3A_276 = arith.constant 13 : i32
    %dma_wait3A_277 = arith.constant 832 : i32
    %dma_wait3A_278 = tpu.memref_slice %arg6[%dma_wait3A_277] : memref<1024xi32, #tpu.memory_space<vmem>> -> memref<64xi32, #tpu.memory_space<vmem>>
    %dma_wait3A_279 = tpu.memref_slice %arg3[%dma_wait3A_276, %mul3A_2] : memref<16x2048xi32, #tpu.memory_space<hbm>> -> memref<1x64xi32, #tpu.memory_space<hbm>>
    %dma_wait3A_280 = tpu.memref_squeeze %dma_wait3A_279 : memref<1x64xi32, #tpu.memory_space<hbm>> -> memref<64xi32, #tpu.memory_space<hbm>>
    %dma_wait3A_281 = arith.constant 832 : i32
    %dma_wait3A_282 = tpu.memref_slice %arg6[%dma_wait3A_281] : memref<1024xi32, #tpu.memory_space<vmem>> -> memref<64xi32, #tpu.memory_space<vmem>>
    %dma_wait3A_283 = tpu.memref_slice %arg3[%dma_wait3A_276, %mul3A_2] : memref<16x2048xi32, #tpu.memory_space<hbm>> -> memref<1x64xi32, #tpu.memory_space<hbm>>
    %dma_wait3A_284 = tpu.memref_squeeze %dma_wait3A_283 : memref<1x64xi32, #tpu.memory_space<hbm>> -> memref<64xi32, #tpu.memory_space<hbm>>
    tpu.wait_dma2 semaphore(%arg11 : memref<!tpu.dma_semaphore, #tpu.memory_space<semaphore_mem>>) src(%dma_wait3A_284 : memref<64xi32, #tpu.memory_space<hbm>>) dst(%dma_wait3A_282 : memref<64xi32, #tpu.memory_space<vmem>>)
    %dma_wait3A_285 = arith.constant 14 : i32
    %dma_wait3A_286 = arith.constant 896 : i32
    %dma_wait3A_287 = tpu.memref_slice %arg6[%dma_wait3A_286] : memref<1024xi32, #tpu.memory_space<vmem>> -> memref<64xi32, #tpu.memory_space<vmem>>
    %dma_wait3A_288 = tpu.memref_slice %arg3[%dma_wait3A_285, %mul3A_2] : memref<16x2048xi32, #tpu.memory_space<hbm>> -> memref<1x64xi32, #tpu.memory_space<hbm>>
    %dma_wait3A_289 = tpu.memref_squeeze %dma_wait3A_288 : memref<1x64xi32, #tpu.memory_space<hbm>> -> memref<64xi32, #tpu.memory_space<hbm>>
    %dma_wait3A_290 = arith.constant 896 : i32
    %dma_wait3A_291 = tpu.memref_slice %arg6[%dma_wait3A_290] : memref<1024xi32, #tpu.memory_space<vmem>> -> memref<64xi32, #tpu.memory_space<vmem>>
    %dma_wait3A_292 = tpu.memref_slice %arg3[%dma_wait3A_285, %mul3A_2] : memref<16x2048xi32, #tpu.memory_space<hbm>> -> memref<1x64xi32, #tpu.memory_space<hbm>>
    %dma_wait3A_293 = tpu.memref_squeeze %dma_wait3A_292 : memref<1x64xi32, #tpu.memory_space<hbm>> -> memref<64xi32, #tpu.memory_space<hbm>>
    tpu.wait_dma2 semaphore(%arg11 : memref<!tpu.dma_semaphore, #tpu.memory_space<semaphore_mem>>) src(%dma_wait3A_293 : memref<64xi32, #tpu.memory_space<hbm>>) dst(%dma_wait3A_291 : memref<64xi32, #tpu.memory_space<vmem>>)
    %dma_wait3A_294 = arith.constant 15 : i32
    %dma_wait3A_295 = arith.constant 960 : i32
    %dma_wait3A_296 = tpu.memref_slice %arg6[%dma_wait3A_295] : memref<1024xi32, #tpu.memory_space<vmem>> -> memref<64xi32, #tpu.memory_space<vmem>>
    %dma_wait3A_297 = tpu.memref_slice %arg3[%dma_wait3A_294, %mul3A_2] : memref<16x2048xi32, #tpu.memory_space<hbm>> -> memref<1x64xi32, #tpu.memory_space<hbm>>
    %dma_wait3A_298 = tpu.memref_squeeze %dma_wait3A_297 : memref<1x64xi32, #tpu.memory_space<hbm>> -> memref<64xi32, #tpu.memory_space<hbm>>
    %dma_wait3A_299 = arith.constant 960 : i32
    %dma_wait3A_300 = tpu.memref_slice %arg6[%dma_wait3A_299] : memref<1024xi32, #tpu.memory_space<vmem>> -> memref<64xi32, #tpu.memory_space<vmem>>
    %dma_wait3A_301 = tpu.memref_slice %arg3[%dma_wait3A_294, %mul3A_2] : memref<16x2048xi32, #tpu.memory_space<hbm>> -> memref<1x64xi32, #tpu.memory_space<hbm>>
    %dma_wait3A_302 = tpu.memref_squeeze %dma_wait3A_301 : memref<1x64xi32, #tpu.memory_space<hbm>> -> memref<64xi32, #tpu.memory_space<hbm>>
    tpu.wait_dma2 semaphore(%arg11 : memref<!tpu.dma_semaphore, #tpu.memory_space<semaphore_mem>>) src(%dma_wait3A_302 : memref<64xi32, #tpu.memory_space<hbm>>) dst(%dma_wait3A_300 : memref<64xi32, #tpu.memory_space<vmem>>)
    %dma_wait3A_303 = tpu.memref_slice %arg4[%mul3A_147] : memref<262144xf32, #tpu.memory_space<hbm>> -> memref<8192xf32, #tpu.memory_space<hbm>>
    %dma_wait3A_304 = tpu.memref_slice %arg4[%mul3A_147] : memref<262144xf32, #tpu.memory_space<hbm>> -> memref<8192xf32, #tpu.memory_space<hbm>>
    tpu.wait_dma2 semaphore(%arg11 : memref<!tpu.dma_semaphore, #tpu.memory_space<semaphore_mem>>) src(%dma_wait3A_304 : memref<8192xf32, #tpu.memory_space<hbm>>) dst(%arg7 : memref<8192xf32, #tpu.memory_space<vmem>>)
    %dma_wait3A_305 = arith.constant 0 : i32
    %dma_wait3A_306 = tpu.memref_slice %arg6[%dma_wait3A_305] : memref<1024xi32, #tpu.memory_space<vmem>> -> memref<256xi32, #tpu.memory_space<vmem>>
    %dma_wait3A_307 = arith.constant 0 : i32
    %dma_wait3A_308 = arith.constant 0 : i32
    %dma_wait3A_309 = tpu.memref_slice %arg2[%dma_wait3A_307, %dma_wait3A_308] : memref<100000x128xf32, #tpu.memory_space<hbm>> -> memref<100000x128xf32, #tpu.memory_space<hbm>>
    tpu.wait_indirect_dma semaphore(%arg12 : memref<!tpu.dma_semaphore, #tpu.memory_space<semaphore_mem>>) src(%dma_wait3A_309 : memref<100000x128xf32, #tpu.memory_space<hbm>>) dst(%arg8 : memref<256x128xf32, #tpu.memory_space<vmem>>)
    %dma_start3A_310 = arith.constant 512 : i32
    %dma_start3A_311 = tpu.memref_slice %arg6[%dma_start3A_310] : memref<1024xi32, #tpu.memory_space<vmem>> -> memref<256xi32, #tpu.memory_space<vmem>>
    %dma_start3A_312 = arith.constant 0 : i32
    %dma_start3A_313 = arith.constant 0 : i32
    %dma_start3A_314 = tpu.memref_slice %arg2[%dma_start3A_312, %dma_start3A_313] : memref<100000x128xf32, #tpu.memory_space<hbm>> -> memref<100000x128xf32, #tpu.memory_space<hbm>>
    tpu.enqueue_indirect_dma source(%dma_start3A_314 : memref<100000x128xf32, #tpu.memory_space<hbm>>) target(%arg10 : memref<256x128xf32, #tpu.memory_space<vmem>>) offsets(%dma_start3A_311 : memref<256xi32, #tpu.memory_space<vmem>>) semaphore(%arg14 : memref<!tpu.dma_semaphore, #tpu.memory_space<semaphore_mem>>)
    %parallel_loop3A = arith.constant 0 : i32
    %parallel_loop3A_315 = arith.constant 64 : i32
    %parallel_loop3A_316 = arith.constant 1 : i32
    scf.for %parallel_loop3A_762 = %parallel_loop3A to %parallel_loop3A_315 step %parallel_loop3A_316  : i32 {
      %parallel_loop3A_763 = arith.constant 128 : i32
      %parallel_loop3A_764 = arith.muli %parallel_loop3A_762, %parallel_loop3A_763 : i32
      %parallel_loop3A_765 = arith.constant 0 : i32
      %parallel_loop3A_766 = arith.addi %parallel_loop3A_764, %parallel_loop3A_765 : i32
      %parallel_loop3A_767 = arith.index_cast %parallel_loop3A_766 : i32 to index
      %parallel_loop3A_768 = tpu.vector_load %arg7[%parallel_loop3A_767] {strides = array<i32>} : memref<8192xf32, #tpu.memory_space<vmem>>, vector<16xf32>,
      %parallel_loop3A_769 = vector.shape_cast %parallel_loop3A_768 : vector<16xf32> to vector<16xf32>
      %parallel_loop3A_770 = arith.constant 0 : i32
      %parallel_loop3A_771 = arith.addi %parallel_loop3A_770, %parallel_loop3A_762 : i32
      %parallel_loop3A_772 = arith.index_cast %parallel_loop3A_771 : i32 to index
      %parallel_loop3A_773 = arith.constant 0 : index
      %parallel_loop3A_774 = tpu.vector_load %arg8[%parallel_loop3A_772, %parallel_loop3A_773] {strides = array<i32>} : memref<256x128xf32, #tpu.memory_space<vmem>>, vector<1x16xf32>,
      %parallel_loop3A_775 = vector.shape_cast %parallel_loop3A_774 : vector<1x16xf32> to vector<16xf32>
      %parallel_loop3A_776 = arith.constant 11.3137083 : f32
      %parallel_loop3A_777 = vector.broadcast %parallel_loop3A_776 : f32 to vector<16xf32>
      %parallel_loop3A_778 = arith.mulf %parallel_loop3A_775, %parallel_loop3A_777 : vector<16xf32>
      %parallel_loop3A_779 = arith.addf %parallel_loop3A_778, %parallel_loop3A_769 : vector<16xf32>
      %parallel_loop3A_780 = arith.index_cast %parallel_loop3A_771 : i32 to index
      %parallel_loop3A_781 = arith.constant 0 : index
      %parallel_loop3A_782 = tpu.vector_load %arg8[%parallel_loop3A_780, %parallel_loop3A_781] {strides = array<i32>} : memref<256x128xf32, #tpu.memory_space<vmem>>, vector<1x16xf32>,
      %parallel_loop3A_783 = vector.shape_cast %parallel_loop3A_782 : vector<1x16xf32> to vector<16xf32>
      %parallel_loop3A_784 = vector.shape_cast %parallel_loop3A_779 : vector<16xf32> to vector<1x16xf32>
      tpu.vector_store %arg8[%parallel_loop3A_780, %parallel_loop3A_781], %parallel_loop3A_784 {strides = array<i32>} : memref<256x128xf32, #tpu.memory_space<vmem>>, vector<1x16xf32>,
      %parallel_loop3A_785 = arith.constant 64 : i32
      %parallel_loop3A_786 = arith.addi %parallel_loop3A_785, %parallel_loop3A_762 : i32
      %parallel_loop3A_787 = arith.index_cast %parallel_loop3A_786 : i32 to index
      %parallel_loop3A_788 = arith.constant 0 : index
      %parallel_loop3A_789 = tpu.vector_load %arg8[%parallel_loop3A_787, %parallel_loop3A_788] {strides = array<i32>} : memref<256x128xf32, #tpu.memory_space<vmem>>, vector<1x16xf32>,
      %parallel_loop3A_790 = vector.shape_cast %parallel_loop3A_789 : vector<1x16xf32> to vector<16xf32>
      %parallel_loop3A_791 = arith.constant 11.3137083 : f32
      %parallel_loop3A_792 = vector.broadcast %parallel_loop3A_791 : f32 to vector<16xf32>
      %parallel_loop3A_793 = arith.mulf %parallel_loop3A_790, %parallel_loop3A_792 : vector<16xf32>
      %parallel_loop3A_794 = arith.addf %parallel_loop3A_793, %parallel_loop3A_769 : vector<16xf32>
      %parallel_loop3A_795 = arith.index_cast %parallel_loop3A_786 : i32 to index
      %parallel_loop3A_796 = arith.constant 0 : index
      %parallel_loop3A_797 = tpu.vector_load %arg8[%parallel_loop3A_795, %parallel_loop3A_796] {strides = array<i32>} : memref<256x128xf32, #tpu.memory_space<vmem>>, vector<1x16xf32>,
      %parallel_loop3A_798 = vector.shape_cast %parallel_loop3A_797 : vector<1x16xf32> to vector<16xf32>
      %parallel_loop3A_799 = vector.shape_cast %parallel_loop3A_794 : vector<16xf32> to vector<1x16xf32>
      tpu.vector_store %arg8[%parallel_loop3A_795, %parallel_loop3A_796], %parallel_loop3A_799 {strides = array<i32>} : memref<256x128xf32, #tpu.memory_space<vmem>>, vector<1x16xf32>,
      %parallel_loop3A_800 = arith.constant 128 : i32
      %parallel_loop3A_801 = arith.addi %parallel_loop3A_800, %parallel_loop3A_762 : i32
      %parallel_loop3A_802 = arith.index_cast %parallel_loop3A_801 : i32 to index
      %parallel_loop3A_803 = arith.constant 0 : index
      %parallel_loop3A_804 = tpu.vector_load %arg8[%parallel_loop3A_802, %parallel_loop3A_803] {strides = array<i32>} : memref<256x128xf32, #tpu.memory_space<vmem>>, vector<1x16xf32>,
      %parallel_loop3A_805 = vector.shape_cast %parallel_loop3A_804 : vector<1x16xf32> to vector<16xf32>
      %parallel_loop3A_806 = arith.constant 11.3137083 : f32
      %parallel_loop3A_807 = vector.broadcast %parallel_loop3A_806 : f32 to vector<16xf32>
      %parallel_loop3A_808 = arith.mulf %parallel_loop3A_805, %parallel_loop3A_807 : vector<16xf32>
      %parallel_loop3A_809 = arith.addf %parallel_loop3A_808, %parallel_loop3A_769 : vector<16xf32>
      %parallel_loop3A_810 = arith.index_cast %parallel_loop3A_801 : i32 to index
      %parallel_loop3A_811 = arith.constant 0 : index
      %parallel_loop3A_812 = tpu.vector_load %arg8[%parallel_loop3A_810, %parallel_loop3A_811] {strides = array<i32>} : memref<256x128xf32, #tpu.memory_space<vmem>>, vector<1x16xf32>,
      %parallel_loop3A_813 = vector.shape_cast %parallel_loop3A_812 : vector<1x16xf32> to vector<16xf32>
      %parallel_loop3A_814 = vector.shape_cast %parallel_loop3A_809 : vector<16xf32> to vector<1x16xf32>
      tpu.vector_store %arg8[%parallel_loop3A_810, %parallel_loop3A_811], %parallel_loop3A_814 {strides = array<i32>} : memref<256x128xf32, #tpu.memory_space<vmem>>, vector<1x16xf32>,
      %parallel_loop3A_815 = arith.constant 192 : i32
      %parallel_loop3A_816 = arith.addi %parallel_loop3A_815, %parallel_loop3A_762 : i32
      %parallel_loop3A_817 = arith.index_cast %parallel_loop3A_816 : i32 to index
      %parallel_loop3A_818 = arith.constant 0 : index
      %parallel_loop3A_819 = tpu.vector_load %arg8[%parallel_loop3A_817, %parallel_loop3A_818] {strides = array<i32>} : memref<256x128xf32, #tpu.memory_space<vmem>>, vector<1x16xf32>,
      %parallel_loop3A_820 = vector.shape_cast %parallel_loop3A_819 : vector<1x16xf32> to vector<16xf32>
      %parallel_loop3A_821 = arith.constant 11.3137083 : f32
      %parallel_loop3A_822 = vector.broadcast %parallel_loop3A_821 : f32 to vector<16xf32>
      %parallel_loop3A_823 = arith.mulf %parallel_loop3A_820, %parallel_loop3A_822 : vector<16xf32>
      %parallel_loop3A_824 = arith.addf %parallel_loop3A_823, %parallel_loop3A_769 : vector<16xf32>
      %parallel_loop3A_825 = arith.index_cast %parallel_loop3A_816 : i32 to index
      %parallel_loop3A_826 = arith.constant 0 : index
      %parallel_loop3A_827 = tpu.vector_load %arg8[%parallel_loop3A_825, %parallel_loop3A_826] {strides = array<i32>} : memref<256x128xf32, #tpu.memory_space<vmem>>, vector<1x16xf32>,
      %parallel_loop3A_828 = vector.shape_cast %parallel_loop3A_827 : vector<1x16xf32> to vector<16xf32>
      %parallel_loop3A_829 = vector.shape_cast %parallel_loop3A_824 : vector<16xf32> to vector<1x16xf32>
      tpu.vector_store %arg8[%parallel_loop3A_825, %parallel_loop3A_826], %parallel_loop3A_829 {strides = array<i32>} : memref<256x128xf32, #tpu.memory_space<vmem>>, vector<1x16xf32>,
      %parallel_loop3A_830 = arith.constant 128 : i32
      %parallel_loop3A_831 = arith.muli %parallel_loop3A_762, %parallel_loop3A_830 : i32
      %parallel_loop3A_832 = arith.constant 16 : i32
      %parallel_loop3A_833 = arith.addi %parallel_loop3A_831, %parallel_loop3A_832 : i32
      %parallel_loop3A_834 = arith.index_cast %parallel_loop3A_833 : i32 to index
      %parallel_loop3A_835 = tpu.vector_load %arg7[%parallel_loop3A_834] {strides = array<i32>} : memref<8192xf32, #tpu.memory_space<vmem>>, vector<16xf32>,
      %parallel_loop3A_836 = vector.shape_cast %parallel_loop3A_835 : vector<16xf32> to vector<16xf32>
      %parallel_loop3A_837 = arith.constant 0 : i32
      %parallel_loop3A_838 = arith.addi %parallel_loop3A_837, %parallel_loop3A_762 : i32
      %parallel_loop3A_839 = arith.index_cast %parallel_loop3A_838 : i32 to index
      %parallel_loop3A_840 = arith.constant 16 : index
      %parallel_loop3A_841 = tpu.vector_load %arg8[%parallel_loop3A_839, %parallel_loop3A_840] {strides = array<i32>} : memref<256x128xf32, #tpu.memory_space<vmem>>, vector<1x16xf32>,
      %parallel_loop3A_842 = vector.shape_cast %parallel_loop3A_841 : vector<1x16xf32> to vector<16xf32>
      %parallel_loop3A_843 = arith.constant 11.3137083 : f32
      %parallel_loop3A_844 = vector.broadcast %parallel_loop3A_843 : f32 to vector<16xf32>
      %parallel_loop3A_845 = arith.mulf %parallel_loop3A_842, %parallel_loop3A_844 : vector<16xf32>
      %parallel_loop3A_846 = arith.addf %parallel_loop3A_845, %parallel_loop3A_836 : vector<16xf32>
      %parallel_loop3A_847 = arith.index_cast %parallel_loop3A_838 : i32 to index
      %parallel_loop3A_848 = arith.constant 16 : index
      %parallel_loop3A_849 = tpu.vector_load %arg8[%parallel_loop3A_847, %parallel_loop3A_848] {strides = array<i32>} : memref<256x128xf32, #tpu.memory_space<vmem>>, vector<1x16xf32>,
      %parallel_loop3A_850 = vector.shape_cast %parallel_loop3A_849 : vector<1x16xf32> to vector<16xf32>
      %parallel_loop3A_851 = vector.shape_cast %parallel_loop3A_846 : vector<16xf32> to vector<1x16xf32>
      tpu.vector_store %arg8[%parallel_loop3A_847, %parallel_loop3A_848], %parallel_loop3A_851 {strides = array<i32>} : memref<256x128xf32, #tpu.memory_space<vmem>>, vector<1x16xf32>,
      %parallel_loop3A_852 = arith.constant 64 : i32
      %parallel_loop3A_853 = arith.addi %parallel_loop3A_852, %parallel_loop3A_762 : i32
      %parallel_loop3A_854 = arith.index_cast %parallel_loop3A_853 : i32 to index
      %parallel_loop3A_855 = arith.constant 16 : index
      %parallel_loop3A_856 = tpu.vector_load %arg8[%parallel_loop3A_854, %parallel_loop3A_855] {strides = array<i32>} : memref<256x128xf32, #tpu.memory_space<vmem>>, vector<1x16xf32>,
      %parallel_loop3A_857 = vector.shape_cast %parallel_loop3A_856 : vector<1x16xf32> to vector<16xf32>
      %parallel_loop3A_858 = arith.constant 11.3137083 : f32
      %parallel_loop3A_859 = vector.broadcast %parallel_loop3A_858 : f32 to vector<16xf32>
      %parallel_loop3A_860 = arith.mulf %parallel_loop3A_857, %parallel_loop3A_859 : vector<16xf32>
      %parallel_loop3A_861 = arith.addf %parallel_loop3A_860, %parallel_loop3A_836 : vector<16xf32>
      %parallel_loop3A_862 = arith.index_cast %parallel_loop3A_853 : i32 to index
      %parallel_loop3A_863 = arith.constant 16 : index
      %parallel_loop3A_864 = tpu.vector_load %arg8[%parallel_loop3A_862, %parallel_loop3A_863] {strides = array<i32>} : memref<256x128xf32, #tpu.memory_space<vmem>>, vector<1x16xf32>,
      %parallel_loop3A_865 = vector.shape_cast %parallel_loop3A_864 : vector<1x16xf32> to vector<16xf32>
      %parallel_loop3A_866 = vector.shape_cast %parallel_loop3A_861 : vector<16xf32> to vector<1x16xf32>
      tpu.vector_store %arg8[%parallel_loop3A_862, %parallel_loop3A_863], %parallel_loop3A_866 {strides = array<i32>} : memref<256x128xf32, #tpu.memory_space<vmem>>, vector<1x16xf32>,
      %parallel_loop3A_867 = arith.constant 128 : i32
      %parallel_loop3A_868 = arith.addi %parallel_loop3A_867, %parallel_loop3A_762 : i32
      %parallel_loop3A_869 = arith.index_cast %parallel_loop3A_868 : i32 to index
      %parallel_loop3A_870 = arith.constant 16 : index
      %parallel_loop3A_871 = tpu.vector_load %arg8[%parallel_loop3A_869, %parallel_loop3A_870] {strides = array<i32>} : memref<256x128xf32, #tpu.memory_space<vmem>>, vector<1x16xf32>,
      %parallel_loop3A_872 = vector.shape_cast %parallel_loop3A_871 : vector<1x16xf32> to vector<16xf32>
      %parallel_loop3A_873 = arith.constant 11.3137083 : f32
      %parallel_loop3A_874 = vector.broadcast %parallel_loop3A_873 : f32 to vector<16xf32>
      %parallel_loop3A_875 = arith.mulf %parallel_loop3A_872, %parallel_loop3A_874 : vector<16xf32>
      %parallel_loop3A_876 = arith.addf %parallel_loop3A_875, %parallel_loop3A_836 : vector<16xf32>
      %parallel_loop3A_877 = arith.index_cast %parallel_loop3A_868 : i32 to index
      %parallel_loop3A_878 = arith.constant 16 : index
      %parallel_loop3A_879 = tpu.vector_load %arg8[%parallel_loop3A_877, %parallel_loop3A_878] {strides = array<i32>} : memref<256x128xf32, #tpu.memory_space<vmem>>, vector<1x16xf32>,
      %parallel_loop3A_880 = vector.shape_cast %parallel_loop3A_879 : vector<1x16xf32> to vector<16xf32>
      %parallel_loop3A_881 = vector.shape_cast %parallel_loop3A_876 : vector<16xf32> to vector<1x16xf32>
      tpu.vector_store %arg8[%parallel_loop3A_877, %parallel_loop3A_878], %parallel_loop3A_881 {strides = array<i32>} : memref<256x128xf32, #tpu.memory_space<vmem>>, vector<1x16xf32>,
      %parallel_loop3A_882 = arith.constant 192 : i32
      %parallel_loop3A_883 = arith.addi %parallel_loop3A_882, %parallel_loop3A_762 : i32
      %parallel_loop3A_884 = arith.index_cast %parallel_loop3A_883 : i32 to index
      %parallel_loop3A_885 = arith.constant 16 : index
      %parallel_loop3A_886 = tpu.vector_load %arg8[%parallel_loop3A_884, %parallel_loop3A_885] {strides = array<i32>} : memref<256x128xf32, #tpu.memory_space<vmem>>, vector<1x16xf32>,
      %parallel_loop3A_887 = vector.shape_cast %parallel_loop3A_886 : vector<1x16xf32> to vector<16xf32>
      %parallel_loop3A_888 = arith.constant 11.3137083 : f32
      %parallel_loop3A_889 = vector.broadcast %parallel_loop3A_888 : f32 to vector<16xf32>
      %parallel_loop3A_890 = arith.mulf %parallel_loop3A_887, %parallel_loop3A_889 : vector<16xf32>
      %parallel_loop3A_891 = arith.addf %parallel_loop3A_890, %parallel_loop3A_836 : vector<16xf32>
      %parallel_loop3A_892 = arith.index_cast %parallel_loop3A_883 : i32 to index
      %parallel_loop3A_893 = arith.constant 16 : index
      %parallel_loop3A_894 = tpu.vector_load %arg8[%parallel_loop3A_892, %parallel_loop3A_893] {strides = array<i32>} : memref<256x128xf32, #tpu.memory_space<vmem>>, vector<1x16xf32>,
      %parallel_loop3A_895 = vector.shape_cast %parallel_loop3A_894 : vector<1x16xf32> to vector<16xf32>
      %parallel_loop3A_896 = vector.shape_cast %parallel_loop3A_891 : vector<16xf32> to vector<1x16xf32>
      tpu.vector_store %arg8[%parallel_loop3A_892, %parallel_loop3A_893], %parallel_loop3A_896 {strides = array<i32>} : memref<256x128xf32, #tpu.memory_space<vmem>>, vector<1x16xf32>,
      %parallel_loop3A_897 = arith.constant 128 : i32
      %parallel_loop3A_898 = arith.muli %parallel_loop3A_762, %parallel_loop3A_897 : i32
      %parallel_loop3A_899 = arith.constant 32 : i32
      %parallel_loop3A_900 = arith.addi %parallel_loop3A_898, %parallel_loop3A_899 : i32
      %parallel_loop3A_901 = arith.index_cast %parallel_loop3A_900 : i32 to index
      %parallel_loop3A_902 = tpu.vector_load %arg7[%parallel_loop3A_901] {strides = array<i32>} : memref<8192xf32, #tpu.memory_space<vmem>>, vector<16xf32>,
      %parallel_loop3A_903 = vector.shape_cast %parallel_loop3A_902 : vector<16xf32> to vector<16xf32>
      %parallel_loop3A_904 = arith.constant 0 : i32
      %parallel_loop3A_905 = arith.addi %parallel_loop3A_904, %parallel_loop3A_762 : i32
      %parallel_loop3A_906 = arith.index_cast %parallel_loop3A_905 : i32 to index
      %parallel_loop3A_907 = arith.constant 32 : index
      %parallel_loop3A_908 = tpu.vector_load %arg8[%parallel_loop3A_906, %parallel_loop3A_907] {strides = array<i32>} : memref<256x128xf32, #tpu.memory_space<vmem>>, vector<1x16xf32>,
      %parallel_loop3A_909 = vector.shape_cast %parallel_loop3A_908 : vector<1x16xf32> to vector<16xf32>
      %parallel_loop3A_910 = arith.constant 11.3137083 : f32
      %parallel_loop3A_911 = vector.broadcast %parallel_loop3A_910 : f32 to vector<16xf32>
      %parallel_loop3A_912 = arith.mulf %parallel_loop3A_909, %parallel_loop3A_911 : vector<16xf32>
      %parallel_loop3A_913 = arith.addf %parallel_loop3A_912, %parallel_loop3A_903 : vector<16xf32>
      %parallel_loop3A_914 = arith.index_cast %parallel_loop3A_905 : i32 to index
      %parallel_loop3A_915 = arith.constant 32 : index
      %parallel_loop3A_916 = tpu.vector_load %arg8[%parallel_loop3A_914, %parallel_loop3A_915] {strides = array<i32>} : memref<256x128xf32, #tpu.memory_space<vmem>>, vector<1x16xf32>,
      %parallel_loop3A_917 = vector.shape_cast %parallel_loop3A_916 : vector<1x16xf32> to vector<16xf32>
      %parallel_loop3A_918 = vector.shape_cast %parallel_loop3A_913 : vector<16xf32> to vector<1x16xf32>
      tpu.vector_store %arg8[%parallel_loop3A_914, %parallel_loop3A_915], %parallel_loop3A_918 {strides = array<i32>} : memref<256x128xf32, #tpu.memory_space<vmem>>, vector<1x16xf32>,
      %parallel_loop3A_919 = arith.constant 64 : i32
      %parallel_loop3A_920 = arith.addi %parallel_loop3A_919, %parallel_loop3A_762 : i32
      %parallel_loop3A_921 = arith.index_cast %parallel_loop3A_920 : i32 to index
      %parallel_loop3A_922 = arith.constant 32 : index
      %parallel_loop3A_923 = tpu.vector_load %arg8[%parallel_loop3A_921, %parallel_loop3A_922] {strides = array<i32>} : memref<256x128xf32, #tpu.memory_space<vmem>>, vector<1x16xf32>,
      %parallel_loop3A_924 = vector.shape_cast %parallel_loop3A_923 : vector<1x16xf32> to vector<16xf32>
      %parallel_loop3A_925 = arith.constant 11.3137083 : f32
      %parallel_loop3A_926 = vector.broadcast %parallel_loop3A_925 : f32 to vector<16xf32>
      %parallel_loop3A_927 = arith.mulf %parallel_loop3A_924, %parallel_loop3A_926 : vector<16xf32>
      %parallel_loop3A_928 = arith.addf %parallel_loop3A_927, %parallel_loop3A_903 : vector<16xf32>
      %parallel_loop3A_929 = arith.index_cast %parallel_loop3A_920 : i32 to index
      %parallel_loop3A_930 = arith.constant 32 : index
      %parallel_loop3A_931 = tpu.vector_load %arg8[%parallel_loop3A_929, %parallel_loop3A_930] {strides = array<i32>} : memref<256x128xf32, #tpu.memory_space<vmem>>, vector<1x16xf32>,
      %parallel_loop3A_932 = vector.shape_cast %parallel_loop3A_931 : vector<1x16xf32> to vector<16xf32>
      %parallel_loop3A_933 = vector.shape_cast %parallel_loop3A_928 : vector<16xf32> to vector<1x16xf32>
      tpu.vector_store %arg8[%parallel_loop3A_929, %parallel_loop3A_930], %parallel_loop3A_933 {strides = array<i32>} : memref<256x128xf32, #tpu.memory_space<vmem>>, vector<1x16xf32>,
      %parallel_loop3A_934 = arith.constant 128 : i32
      %parallel_loop3A_935 = arith.addi %parallel_loop3A_934, %parallel_loop3A_762 : i32
      %parallel_loop3A_936 = arith.index_cast %parallel_loop3A_935 : i32 to index
      %parallel_loop3A_937 = arith.constant 32 : index
      %parallel_loop3A_938 = tpu.vector_load %arg8[%parallel_loop3A_936, %parallel_loop3A_937] {strides = array<i32>} : memref<256x128xf32, #tpu.memory_space<vmem>>, vector<1x16xf32>,
      %parallel_loop3A_939 = vector.shape_cast %parallel_loop3A_938 : vector<1x16xf32> to vector<16xf32>
      %parallel_loop3A_940 = arith.constant 11.3137083 : f32
      %parallel_loop3A_941 = vector.broadcast %parallel_loop3A_940 : f32 to vector<16xf32>
      %parallel_loop3A_942 = arith.mulf %parallel_loop3A_939, %parallel_loop3A_941 : vector<16xf32>
      %parallel_loop3A_943 = arith.addf %parallel_loop3A_942, %parallel_loop3A_903 : vector<16xf32>
      %parallel_loop3A_944 = arith.index_cast %parallel_loop3A_935 : i32 to index
      %parallel_loop3A_945 = arith.constant 32 : index
      %parallel_loop3A_946 = tpu.vector_load %arg8[%parallel_loop3A_944, %parallel_loop3A_945] {strides = array<i32>} : memref<256x128xf32, #tpu.memory_space<vmem>>, vector<1x16xf32>,
      %parallel_loop3A_947 = vector.shape_cast %parallel_loop3A_946 : vector<1x16xf32> to vector<16xf32>
      %parallel_loop3A_948 = vector.shape_cast %parallel_loop3A_943 : vector<16xf32> to vector<1x16xf32>
      tpu.vector_store %arg8[%parallel_loop3A_944, %parallel_loop3A_945], %parallel_loop3A_948 {strides = array<i32>} : memref<256x128xf32, #tpu.memory_space<vmem>>, vector<1x16xf32>,
      %parallel_loop3A_949 = arith.constant 192 : i32
      %parallel_loop3A_950 = arith.addi %parallel_loop3A_949, %parallel_loop3A_762 : i32
      %parallel_loop3A_951 = arith.index_cast %parallel_loop3A_950 : i32 to index
      %parallel_loop3A_952 = arith.constant 32 : index
      %parallel_loop3A_953 = tpu.vector_load %arg8[%parallel_loop3A_951, %parallel_loop3A_952] {strides = array<i32>} : memref<256x128xf32, #tpu.memory_space<vmem>>, vector<1x16xf32>,
      %parallel_loop3A_954 = vector.shape_cast %parallel_loop3A_953 : vector<1x16xf32> to vector<16xf32>
      %parallel_loop3A_955 = arith.constant 11.3137083 : f32
      %parallel_loop3A_956 = vector.broadcast %parallel_loop3A_955 : f32 to vector<16xf32>
      %parallel_loop3A_957 = arith.mulf %parallel_loop3A_954, %parallel_loop3A_956 : vector<16xf32>
      %parallel_loop3A_958 = arith.addf %parallel_loop3A_957, %parallel_loop3A_903 : vector<16xf32>
      %parallel_loop3A_959 = arith.index_cast %parallel_loop3A_950 : i32 to index
      %parallel_loop3A_960 = arith.constant 32 : index
      %parallel_loop3A_961 = tpu.vector_load %arg8[%parallel_loop3A_959, %parallel_loop3A_960] {strides = array<i32>} : memref<256x128xf32, #tpu.memory_space<vmem>>, vector<1x16xf32>,
      %parallel_loop3A_962 = vector.shape_cast %parallel_loop3A_961 : vector<1x16xf32> to vector<16xf32>
      %parallel_loop3A_963 = vector.shape_cast %parallel_loop3A_958 : vector<16xf32> to vector<1x16xf32>
      tpu.vector_store %arg8[%parallel_loop3A_959, %parallel_loop3A_960], %parallel_loop3A_963 {strides = array<i32>} : memref<256x128xf32, #tpu.memory_space<vmem>>, vector<1x16xf32>,
      %parallel_loop3A_964 = arith.constant 128 : i32
      %parallel_loop3A_965 = arith.muli %parallel_loop3A_762, %parallel_loop3A_964 : i32
      %parallel_loop3A_966 = arith.constant 48 : i32
      %parallel_loop3A_967 = arith.addi %parallel_loop3A_965, %parallel_loop3A_966 : i32
      %parallel_loop3A_968 = arith.index_cast %parallel_loop3A_967 : i32 to index
      %parallel_loop3A_969 = tpu.vector_load %arg7[%parallel_loop3A_968] {strides = array<i32>} : memref<8192xf32, #tpu.memory_space<vmem>>, vector<16xf32>,
      %parallel_loop3A_970 = vector.shape_cast %parallel_loop3A_969 : vector<16xf32> to vector<16xf32>
      %parallel_loop3A_971 = arith.constant 0 : i32
      %parallel_loop3A_972 = arith.addi %parallel_loop3A_971, %parallel_loop3A_762 : i32
      %parallel_loop3A_973 = arith.index_cast %parallel_loop3A_972 : i32 to index
      %parallel_loop3A_974 = arith.constant 48 : index
      %parallel_loop3A_975 = tpu.vector_load %arg8[%parallel_loop3A_973, %parallel_loop3A_974] {strides = array<i32>} : memref<256x128xf32, #tpu.memory_space<vmem>>, vector<1x16xf32>,
      %parallel_loop3A_976 = vector.shape_cast %parallel_loop3A_975 : vector<1x16xf32> to vector<16xf32>
      %parallel_loop3A_977 = arith.constant 11.3137083 : f32
      %parallel_loop3A_978 = vector.broadcast %parallel_loop3A_977 : f32 to vector<16xf32>
      %parallel_loop3A_979 = arith.mulf %parallel_loop3A_976, %parallel_loop3A_978 : vector<16xf32>
      %parallel_loop3A_980 = arith.addf %parallel_loop3A_979, %parallel_loop3A_970 : vector<16xf32>
      %parallel_loop3A_981 = arith.index_cast %parallel_loop3A_972 : i32 to index
      %parallel_loop3A_982 = arith.constant 48 : index
      %parallel_loop3A_983 = tpu.vector_load %arg8[%parallel_loop3A_981, %parallel_loop3A_982] {strides = array<i32>} : memref<256x128xf32, #tpu.memory_space<vmem>>, vector<1x16xf32>,
      %parallel_loop3A_984 = vector.shape_cast %parallel_loop3A_983 : vector<1x16xf32> to vector<16xf32>
      %parallel_loop3A_985 = vector.shape_cast %parallel_loop3A_980 : vector<16xf32> to vector<1x16xf32>
      tpu.vector_store %arg8[%parallel_loop3A_981, %parallel_loop3A_982], %parallel_loop3A_985 {strides = array<i32>} : memref<256x128xf32, #tpu.memory_space<vmem>>, vector<1x16xf32>,
      %parallel_loop3A_986 = arith.constant 64 : i32
      %parallel_loop3A_987 = arith.addi %parallel_loop3A_986, %parallel_loop3A_762 : i32
      %parallel_loop3A_988 = arith.index_cast %parallel_loop3A_987 : i32 to index
      %parallel_loop3A_989 = arith.constant 48 : index
      %parallel_loop3A_990 = tpu.vector_load %arg8[%parallel_loop3A_988, %parallel_loop3A_989] {strides = array<i32>} : memref<256x128xf32, #tpu.memory_space<vmem>>, vector<1x16xf32>,
      %parallel_loop3A_991 = vector.shape_cast %parallel_loop3A_990 : vector<1x16xf32> to vector<16xf32>
      %parallel_loop3A_992 = arith.constant 11.3137083 : f32
      %parallel_loop3A_993 = vector.broadcast %parallel_loop3A_992 : f32 to vector<16xf32>
      %parallel_loop3A_994 = arith.mulf %parallel_loop3A_991, %parallel_loop3A_993 : vector<16xf32>
      %parallel_loop3A_995 = arith.addf %parallel_loop3A_994, %parallel_loop3A_970 : vector<16xf32>
      %parallel_loop3A_996 = arith.index_cast %parallel_loop3A_987 : i32 to index
      %parallel_loop3A_997 = arith.constant 48 : index
      %parallel_loop3A_998 = tpu.vector_load %arg8[%parallel_loop3A_996, %parallel_loop3A_997] {strides = array<i32>} : memref<256x128xf32, #tpu.memory_space<vmem>>, vector<1x16xf32>,
      %parallel_loop3A_999 = vector.shape_cast %parallel_loop3A_998 : vector<1x16xf32> to vector<16xf32>
      %parallel_loop3A_1000 = vector.shape_cast %parallel_loop3A_995 : vector<16xf32> to vector<1x16xf32>
      tpu.vector_store %arg8[%parallel_loop3A_996, %parallel_loop3A_997], %parallel_loop3A_1000 {strides = array<i32>} : memref<256x128xf32, #tpu.memory_space<vmem>>, vector<1x16xf32>,
      %parallel_loop3A_1001 = arith.constant 128 : i32
      %parallel_loop3A_1002 = arith.addi %parallel_loop3A_1001, %parallel_loop3A_762 : i32
      %parallel_loop3A_1003 = arith.index_cast %parallel_loop3A_1002 : i32 to index
      %parallel_loop3A_1004 = arith.constant 48 : index
      %parallel_loop3A_1005 = tpu.vector_load %arg8[%parallel_loop3A_1003, %parallel_loop3A_1004] {strides = array<i32>} : memref<256x128xf32, #tpu.memory_space<vmem>>, vector<1x16xf32>,
      %parallel_loop3A_1006 = vector.shape_cast %parallel_loop3A_1005 : vector<1x16xf32> to vector<16xf32>
      %parallel_loop3A_1007 = arith.constant 11.3137083 : f32
      %parallel_loop3A_1008 = vector.broadcast %parallel_loop3A_1007 : f32 to vector<16xf32>
      %parallel_loop3A_1009 = arith.mulf %parallel_loop3A_1006, %parallel_loop3A_1008 : vector<16xf32>
      %parallel_loop3A_1010 = arith.addf %parallel_loop3A_1009, %parallel_loop3A_970 : vector<16xf32>
      %parallel_loop3A_1011 = arith.index_cast %parallel_loop3A_1002 : i32 to index
      %parallel_loop3A_1012 = arith.constant 48 : index
      %parallel_loop3A_1013 = tpu.vector_load %arg8[%parallel_loop3A_1011, %parallel_loop3A_1012] {strides = array<i32>} : memref<256x128xf32, #tpu.memory_space<vmem>>, vector<1x16xf32>,
      %parallel_loop3A_1014 = vector.shape_cast %parallel_loop3A_1013 : vector<1x16xf32> to vector<16xf32>
      %parallel_loop3A_1015 = vector.shape_cast %parallel_loop3A_1010 : vector<16xf32> to vector<1x16xf32>
      tpu.vector_store %arg8[%parallel_loop3A_1011, %parallel_loop3A_1012], %parallel_loop3A_1015 {strides = array<i32>} : memref<256x128xf32, #tpu.memory_space<vmem>>, vector<1x16xf32>,
      %parallel_loop3A_1016 = arith.constant 192 : i32
      %parallel_loop3A_1017 = arith.addi %parallel_loop3A_1016, %parallel_loop3A_762 : i32
      %parallel_loop3A_1018 = arith.index_cast %parallel_loop3A_1017 : i32 to index
      %parallel_loop3A_1019 = arith.constant 48 : index
      %parallel_loop3A_1020 = tpu.vector_load %arg8[%parallel_loop3A_1018, %parallel_loop3A_1019] {strides = array<i32>} : memref<256x128xf32, #tpu.memory_space<vmem>>, vector<1x16xf32>,
      %parallel_loop3A_1021 = vector.shape_cast %parallel_loop3A_1020 : vector<1x16xf32> to vector<16xf32>
      %parallel_loop3A_1022 = arith.constant 11.3137083 : f32
      %parallel_loop3A_1023 = vector.broadcast %parallel_loop3A_1022 : f32 to vector<16xf32>
      %parallel_loop3A_1024 = arith.mulf %parallel_loop3A_1021, %parallel_loop3A_1023 : vector<16xf32>
      %parallel_loop3A_1025 = arith.addf %parallel_loop3A_1024, %parallel_loop3A_970 : vector<16xf32>
      %parallel_loop3A_1026 = arith.index_cast %parallel_loop3A_1017 : i32 to index
      %parallel_loop3A_1027 = arith.constant 48 : index
      %parallel_loop3A_1028 = tpu.vector_load %arg8[%parallel_loop3A_1026, %parallel_loop3A_1027] {strides = array<i32>} : memref<256x128xf32, #tpu.memory_space<vmem>>, vector<1x16xf32>,
      %parallel_loop3A_1029 = vector.shape_cast %parallel_loop3A_1028 : vector<1x16xf32> to vector<16xf32>
      %parallel_loop3A_1030 = vector.shape_cast %parallel_loop3A_1025 : vector<16xf32> to vector<1x16xf32>
      tpu.vector_store %arg8[%parallel_loop3A_1026, %parallel_loop3A_1027], %parallel_loop3A_1030 {strides = array<i32>} : memref<256x128xf32, #tpu.memory_space<vmem>>, vector<1x16xf32>,
      %parallel_loop3A_1031 = arith.constant 128 : i32
      %parallel_loop3A_1032 = arith.muli %parallel_loop3A_762, %parallel_loop3A_1031 : i32
      %parallel_loop3A_1033 = arith.constant 64 : i32
      %parallel_loop3A_1034 = arith.addi %parallel_loop3A_1032, %parallel_loop3A_1033 : i32
      %parallel_loop3A_1035 = arith.index_cast %parallel_loop3A_1034 : i32 to index
      %parallel_loop3A_1036 = tpu.vector_load %arg7[%parallel_loop3A_1035] {strides = array<i32>} : memref<8192xf32, #tpu.memory_space<vmem>>, vector<16xf32>,
      %parallel_loop3A_1037 = vector.shape_cast %parallel_loop3A_1036 : vector<16xf32> to vector<16xf32>
      %parallel_loop3A_1038 = arith.constant 0 : i32
      %parallel_loop3A_1039 = arith.addi %parallel_loop3A_1038, %parallel_loop3A_762 : i32
      %parallel_loop3A_1040 = arith.index_cast %parallel_loop3A_1039 : i32 to index
      %parallel_loop3A_1041 = arith.constant 64 : index
      %parallel_loop3A_1042 = tpu.vector_load %arg8[%parallel_loop3A_1040, %parallel_loop3A_1041] {strides = array<i32>} : memref<256x128xf32, #tpu.memory_space<vmem>>, vector<1x16xf32>,
      %parallel_loop3A_1043 = vector.shape_cast %parallel_loop3A_1042 : vector<1x16xf32> to vector<16xf32>
      %parallel_loop3A_1044 = arith.constant 11.3137083 : f32
      %parallel_loop3A_1045 = vector.broadcast %parallel_loop3A_1044 : f32 to vector<16xf32>
      %parallel_loop3A_1046 = arith.mulf %parallel_loop3A_1043, %parallel_loop3A_1045 : vector<16xf32>
      %parallel_loop3A_1047 = arith.addf %parallel_loop3A_1046, %parallel_loop3A_1037 : vector<16xf32>
      %parallel_loop3A_1048 = arith.index_cast %parallel_loop3A_1039 : i32 to index
      %parallel_loop3A_1049 = arith.constant 64 : index
      %parallel_loop3A_1050 = tpu.vector_load %arg8[%parallel_loop3A_1048, %parallel_loop3A_1049] {strides = array<i32>} : memref<256x128xf32, #tpu.memory_space<vmem>>, vector<1x16xf32>,
      %parallel_loop3A_1051 = vector.shape_cast %parallel_loop3A_1050 : vector<1x16xf32> to vector<16xf32>
      %parallel_loop3A_1052 = vector.shape_cast %parallel_loop3A_1047 : vector<16xf32> to vector<1x16xf32>
      tpu.vector_store %arg8[%parallel_loop3A_1048, %parallel_loop3A_1049], %parallel_loop3A_1052 {strides = array<i32>} : memref<256x128xf32, #tpu.memory_space<vmem>>, vector<1x16xf32>,
      %parallel_loop3A_1053 = arith.constant 64 : i32
      %parallel_loop3A_1054 = arith.addi %parallel_loop3A_1053, %parallel_loop3A_762 : i32
      %parallel_loop3A_1055 = arith.index_cast %parallel_loop3A_1054 : i32 to index
      %parallel_loop3A_1056 = arith.constant 64 : index
      %parallel_loop3A_1057 = tpu.vector_load %arg8[%parallel_loop3A_1055, %parallel_loop3A_1056] {strides = array<i32>} : memref<256x128xf32, #tpu.memory_space<vmem>>, vector<1x16xf32>,
      %parallel_loop3A_1058 = vector.shape_cast %parallel_loop3A_1057 : vector<1x16xf32> to vector<16xf32>
      %parallel_loop3A_1059 = arith.constant 11.3137083 : f32
      %parallel_loop3A_1060 = vector.broadcast %parallel_loop3A_1059 : f32 to vector<16xf32>
      %parallel_loop3A_1061 = arith.mulf %parallel_loop3A_1058, %parallel_loop3A_1060 : vector<16xf32>
      %parallel_loop3A_1062 = arith.addf %parallel_loop3A_1061, %parallel_loop3A_1037 : vector<16xf32>
      %parallel_loop3A_1063 = arith.index_cast %parallel_loop3A_1054 : i32 to index
      %parallel_loop3A_1064 = arith.constant 64 : index
      %parallel_loop3A_1065 = tpu.vector_load %arg8[%parallel_loop3A_1063, %parallel_loop3A_1064] {strides = array<i32>} : memref<256x128xf32, #tpu.memory_space<vmem>>, vector<1x16xf32>,
      %parallel_loop3A_1066 = vector.shape_cast %parallel_loop3A_1065 : vector<1x16xf32> to vector<16xf32>
      %parallel_loop3A_1067 = vector.shape_cast %parallel_loop3A_1062 : vector<16xf32> to vector<1x16xf32>
      tpu.vector_store %arg8[%parallel_loop3A_1063, %parallel_loop3A_1064], %parallel_loop3A_1067 {strides = array<i32>} : memref<256x128xf32, #tpu.memory_space<vmem>>, vector<1x16xf32>,
      %parallel_loop3A_1068 = arith.constant 128 : i32
      %parallel_loop3A_1069 = arith.addi %parallel_loop3A_1068, %parallel_loop3A_762 : i32
      %parallel_loop3A_1070 = arith.index_cast %parallel_loop3A_1069 : i32 to index
      %parallel_loop3A_1071 = arith.constant 64 : index
      %parallel_loop3A_1072 = tpu.vector_load %arg8[%parallel_loop3A_1070, %parallel_loop3A_1071] {strides = array<i32>} : memref<256x128xf32, #tpu.memory_space<vmem>>, vector<1x16xf32>,
      %parallel_loop3A_1073 = vector.shape_cast %parallel_loop3A_1072 : vector<1x16xf32> to vector<16xf32>
      %parallel_loop3A_1074 = arith.constant 11.3137083 : f32
      %parallel_loop3A_1075 = vector.broadcast %parallel_loop3A_1074 : f32 to vector<16xf32>
      %parallel_loop3A_1076 = arith.mulf %parallel_loop3A_1073, %parallel_loop3A_1075 : vector<16xf32>
      %parallel_loop3A_1077 = arith.addf %parallel_loop3A_1076, %parallel_loop3A_1037 : vector<16xf32>
      %parallel_loop3A_1078 = arith.index_cast %parallel_loop3A_1069 : i32 to index
      %parallel_loop3A_1079 = arith.constant 64 : index
      %parallel_loop3A_1080 = tpu.vector_load %arg8[%parallel_loop3A_1078, %parallel_loop3A_1079] {strides = array<i32>} : memref<256x128xf32, #tpu.memory_space<vmem>>, vector<1x16xf32>,
      %parallel_loop3A_1081 = vector.shape_cast %parallel_loop3A_1080 : vector<1x16xf32> to vector<16xf32>
      %parallel_loop3A_1082 = vector.shape_cast %parallel_loop3A_1077 : vector<16xf32> to vector<1x16xf32>
      tpu.vector_store %arg8[%parallel_loop3A_1078, %parallel_loop3A_1079], %parallel_loop3A_1082 {strides = array<i32>} : memref<256x128xf32, #tpu.memory_space<vmem>>, vector<1x16xf32>,
      %parallel_loop3A_1083 = arith.constant 192 : i32
      %parallel_loop3A_1084 = arith.addi %parallel_loop3A_1083, %parallel_loop3A_762 : i32
      %parallel_loop3A_1085 = arith.index_cast %parallel_loop3A_1084 : i32 to index
      %parallel_loop3A_1086 = arith.constant 64 : index
      %parallel_loop3A_1087 = tpu.vector_load %arg8[%parallel_loop3A_1085, %parallel_loop3A_1086] {strides = array<i32>} : memref<256x128xf32, #tpu.memory_space<vmem>>, vector<1x16xf32>,
      %parallel_loop3A_1088 = vector.shape_cast %parallel_loop3A_1087 : vector<1x16xf32> to vector<16xf32>
      %parallel_loop3A_1089 = arith.constant 11.3137083 : f32
      %parallel_loop3A_1090 = vector.broadcast %parallel_loop3A_1089 : f32 to vector<16xf32>
      %parallel_loop3A_1091 = arith.mulf %parallel_loop3A_1088, %parallel_loop3A_1090 : vector<16xf32>
      %parallel_loop3A_1092 = arith.addf %parallel_loop3A_1091, %parallel_loop3A_1037 : vector<16xf32>
      %parallel_loop3A_1093 = arith.index_cast %parallel_loop3A_1084 : i32 to index
      %parallel_loop3A_1094 = arith.constant 64 : index
      %parallel_loop3A_1095 = tpu.vector_load %arg8[%parallel_loop3A_1093, %parallel_loop3A_1094] {strides = array<i32>} : memref<256x128xf32, #tpu.memory_space<vmem>>, vector<1x16xf32>,
      %parallel_loop3A_1096 = vector.shape_cast %parallel_loop3A_1095 : vector<1x16xf32> to vector<16xf32>
      %parallel_loop3A_1097 = vector.shape_cast %parallel_loop3A_1092 : vector<16xf32> to vector<1x16xf32>
      tpu.vector_store %arg8[%parallel_loop3A_1093, %parallel_loop3A_1094], %parallel_loop3A_1097 {strides = array<i32>} : memref<256x128xf32, #tpu.memory_space<vmem>>, vector<1x16xf32>,
      %parallel_loop3A_1098 = arith.constant 128 : i32
      %parallel_loop3A_1099 = arith.muli %parallel_loop3A_762, %parallel_loop3A_1098 : i32
      %parallel_loop3A_1100 = arith.constant 80 : i32
      %parallel_loop3A_1101 = arith.addi %parallel_loop3A_1099, %parallel_loop3A_1100 : i32
      %parallel_loop3A_1102 = arith.index_cast %parallel_loop3A_1101 : i32 to index
      %parallel_loop3A_1103 = tpu.vector_load %arg7[%parallel_loop3A_1102] {strides = array<i32>} : memref<8192xf32, #tpu.memory_space<vmem>>, vector<16xf32>,
      %parallel_loop3A_1104 = vector.shape_cast %parallel_loop3A_1103 : vector<16xf32> to vector<16xf32>
      %parallel_loop3A_1105 = arith.constant 0 : i32
      %parallel_loop3A_1106 = arith.addi %parallel_loop3A_1105, %parallel_loop3A_762 : i32
      %parallel_loop3A_1107 = arith.index_cast %parallel_loop3A_1106 : i32 to index
      %parallel_loop3A_1108 = arith.constant 80 : index
      %parallel_loop3A_1109 = tpu.vector_load %arg8[%parallel_loop3A_1107, %parallel_loop3A_1108] {strides = array<i32>} : memref<256x128xf32, #tpu.memory_space<vmem>>, vector<1x16xf32>,
      %parallel_loop3A_1110 = vector.shape_cast %parallel_loop3A_1109 : vector<1x16xf32> to vector<16xf32>
      %parallel_loop3A_1111 = arith.constant 11.3137083 : f32
      %parallel_loop3A_1112 = vector.broadcast %parallel_loop3A_1111 : f32 to vector<16xf32>
      %parallel_loop3A_1113 = arith.mulf %parallel_loop3A_1110, %parallel_loop3A_1112 : vector<16xf32>
      %parallel_loop3A_1114 = arith.addf %parallel_loop3A_1113, %parallel_loop3A_1104 : vector<16xf32>
      %parallel_loop3A_1115 = arith.index_cast %parallel_loop3A_1106 : i32 to index
      %parallel_loop3A_1116 = arith.constant 80 : index
      %parallel_loop3A_1117 = tpu.vector_load %arg8[%parallel_loop3A_1115, %parallel_loop3A_1116] {strides = array<i32>} : memref<256x128xf32, #tpu.memory_space<vmem>>, vector<1x16xf32>,
      %parallel_loop3A_1118 = vector.shape_cast %parallel_loop3A_1117 : vector<1x16xf32> to vector<16xf32>
      %parallel_loop3A_1119 = vector.shape_cast %parallel_loop3A_1114 : vector<16xf32> to vector<1x16xf32>
      tpu.vector_store %arg8[%parallel_loop3A_1115, %parallel_loop3A_1116], %parallel_loop3A_1119 {strides = array<i32>} : memref<256x128xf32, #tpu.memory_space<vmem>>, vector<1x16xf32>,
      %parallel_loop3A_1120 = arith.constant 64 : i32
      %parallel_loop3A_1121 = arith.addi %parallel_loop3A_1120, %parallel_loop3A_762 : i32
      %parallel_loop3A_1122 = arith.index_cast %parallel_loop3A_1121 : i32 to index
      %parallel_loop3A_1123 = arith.constant 80 : index
      %parallel_loop3A_1124 = tpu.vector_load %arg8[%parallel_loop3A_1122, %parallel_loop3A_1123] {strides = array<i32>} : memref<256x128xf32, #tpu.memory_space<vmem>>, vector<1x16xf32>,
      %parallel_loop3A_1125 = vector.shape_cast %parallel_loop3A_1124 : vector<1x16xf32> to vector<16xf32>
      %parallel_loop3A_1126 = arith.constant 11.3137083 : f32
      %parallel_loop3A_1127 = vector.broadcast %parallel_loop3A_1126 : f32 to vector<16xf32>
      %parallel_loop3A_1128 = arith.mulf %parallel_loop3A_1125, %parallel_loop3A_1127 : vector<16xf32>
      %parallel_loop3A_1129 = arith.addf %parallel_loop3A_1128, %parallel_loop3A_1104 : vector<16xf32>
      %parallel_loop3A_1130 = arith.index_cast %parallel_loop3A_1121 : i32 to index
      %parallel_loop3A_1131 = arith.constant 80 : index
      %parallel_loop3A_1132 = tpu.vector_load %arg8[%parallel_loop3A_1130, %parallel_loop3A_1131] {strides = array<i32>} : memref<256x128xf32, #tpu.memory_space<vmem>>, vector<1x16xf32>,
      %parallel_loop3A_1133 = vector.shape_cast %parallel_loop3A_1132 : vector<1x16xf32> to vector<16xf32>
      %parallel_loop3A_1134 = vector.shape_cast %parallel_loop3A_1129 : vector<16xf32> to vector<1x16xf32>
      tpu.vector_store %arg8[%parallel_loop3A_1130, %parallel_loop3A_1131], %parallel_loop3A_1134 {strides = array<i32>} : memref<256x128xf32, #tpu.memory_space<vmem>>, vector<1x16xf32>,
      %parallel_loop3A_1135 = arith.constant 128 : i32
      %parallel_loop3A_1136 = arith.addi %parallel_loop3A_1135, %parallel_loop3A_762 : i32
      %parallel_loop3A_1137 = arith.index_cast %parallel_loop3A_1136 : i32 to index
      %parallel_loop3A_1138 = arith.constant 80 : index
      %parallel_loop3A_1139 = tpu.vector_load %arg8[%parallel_loop3A_1137, %parallel_loop3A_1138] {strides = array<i32>} : memref<256x128xf32, #tpu.memory_space<vmem>>, vector<1x16xf32>,
      %parallel_loop3A_1140 = vector.shape_cast %parallel_loop3A_1139 : vector<1x16xf32> to vector<16xf32>
      %parallel_loop3A_1141 = arith.constant 11.3137083 : f32
      %parallel_loop3A_1142 = vector.broadcast %parallel_loop3A_1141 : f32 to vector<16xf32>
      %parallel_loop3A_1143 = arith.mulf %parallel_loop3A_1140, %parallel_loop3A_1142 : vector<16xf32>
      %parallel_loop3A_1144 = arith.addf %parallel_loop3A_1143, %parallel_loop3A_1104 : vector<16xf32>
      %parallel_loop3A_1145 = arith.index_cast %parallel_loop3A_1136 : i32 to index
      %parallel_loop3A_1146 = arith.constant 80 : index
      %parallel_loop3A_1147 = tpu.vector_load %arg8[%parallel_loop3A_1145, %parallel_loop3A_1146] {strides = array<i32>} : memref<256x128xf32, #tpu.memory_space<vmem>>, vector<1x16xf32>,
      %parallel_loop3A_1148 = vector.shape_cast %parallel_loop3A_1147 : vector<1x16xf32> to vector<16xf32>
      %parallel_loop3A_1149 = vector.shape_cast %parallel_loop3A_1144 : vector<16xf32> to vector<1x16xf32>
      tpu.vector_store %arg8[%parallel_loop3A_1145, %parallel_loop3A_1146], %parallel_loop3A_1149 {strides = array<i32>} : memref<256x128xf32, #tpu.memory_space<vmem>>, vector<1x16xf32>,
      %parallel_loop3A_1150 = arith.constant 192 : i32
      %parallel_loop3A_1151 = arith.addi %parallel_loop3A_1150, %parallel_loop3A_762 : i32
      %parallel_loop3A_1152 = arith.index_cast %parallel_loop3A_1151 : i32 to index
      %parallel_loop3A_1153 = arith.constant 80 : index
      %parallel_loop3A_1154 = tpu.vector_load %arg8[%parallel_loop3A_1152, %parallel_loop3A_1153] {strides = array<i32>} : memref<256x128xf32, #tpu.memory_space<vmem>>, vector<1x16xf32>,
      %parallel_loop3A_1155 = vector.shape_cast %parallel_loop3A_1154 : vector<1x16xf32> to vector<16xf32>
      %parallel_loop3A_1156 = arith.constant 11.3137083 : f32
      %parallel_loop3A_1157 = vector.broadcast %parallel_loop3A_1156 : f32 to vector<16xf32>
      %parallel_loop3A_1158 = arith.mulf %parallel_loop3A_1155, %parallel_loop3A_1157 : vector<16xf32>
      %parallel_loop3A_1159 = arith.addf %parallel_loop3A_1158, %parallel_loop3A_1104 : vector<16xf32>
      %parallel_loop3A_1160 = arith.index_cast %parallel_loop3A_1151 : i32 to index
      %parallel_loop3A_1161 = arith.constant 80 : index
      %parallel_loop3A_1162 = tpu.vector_load %arg8[%parallel_loop3A_1160, %parallel_loop3A_1161] {strides = array<i32>} : memref<256x128xf32, #tpu.memory_space<vmem>>, vector<1x16xf32>,
      %parallel_loop3A_1163 = vector.shape_cast %parallel_loop3A_1162 : vector<1x16xf32> to vector<16xf32>
      %parallel_loop3A_1164 = vector.shape_cast %parallel_loop3A_1159 : vector<16xf32> to vector<1x16xf32>
      tpu.vector_store %arg8[%parallel_loop3A_1160, %parallel_loop3A_1161], %parallel_loop3A_1164 {strides = array<i32>} : memref<256x128xf32, #tpu.memory_space<vmem>>, vector<1x16xf32>,
      %parallel_loop3A_1165 = arith.constant 128 : i32
      %parallel_loop3A_1166 = arith.muli %parallel_loop3A_762, %parallel_loop3A_1165 : i32
      %parallel_loop3A_1167 = arith.constant 96 : i32
      %parallel_loop3A_1168 = arith.addi %parallel_loop3A_1166, %parallel_loop3A_1167 : i32
      %parallel_loop3A_1169 = arith.index_cast %parallel_loop3A_1168 : i32 to index
      %parallel_loop3A_1170 = tpu.vector_load %arg7[%parallel_loop3A_1169] {strides = array<i32>} : memref<8192xf32, #tpu.memory_space<vmem>>, vector<16xf32>,
      %parallel_loop3A_1171 = vector.shape_cast %parallel_loop3A_1170 : vector<16xf32> to vector<16xf32>
      %parallel_loop3A_1172 = arith.constant 0 : i32
      %parallel_loop3A_1173 = arith.addi %parallel_loop3A_1172, %parallel_loop3A_762 : i32
      %parallel_loop3A_1174 = arith.index_cast %parallel_loop3A_1173 : i32 to index
      %parallel_loop3A_1175 = arith.constant 96 : index
      %parallel_loop3A_1176 = tpu.vector_load %arg8[%parallel_loop3A_1174, %parallel_loop3A_1175] {strides = array<i32>} : memref<256x128xf32, #tpu.memory_space<vmem>>, vector<1x16xf32>,
      %parallel_loop3A_1177 = vector.shape_cast %parallel_loop3A_1176 : vector<1x16xf32> to vector<16xf32>
      %parallel_loop3A_1178 = arith.constant 11.3137083 : f32
      %parallel_loop3A_1179 = vector.broadcast %parallel_loop3A_1178 : f32 to vector<16xf32>
      %parallel_loop3A_1180 = arith.mulf %parallel_loop3A_1177, %parallel_loop3A_1179 : vector<16xf32>
      %parallel_loop3A_1181 = arith.addf %parallel_loop3A_1180, %parallel_loop3A_1171 : vector<16xf32>
      %parallel_loop3A_1182 = arith.index_cast %parallel_loop3A_1173 : i32 to index
      %parallel_loop3A_1183 = arith.constant 96 : index
      %parallel_loop3A_1184 = tpu.vector_load %arg8[%parallel_loop3A_1182, %parallel_loop3A_1183] {strides = array<i32>} : memref<256x128xf32, #tpu.memory_space<vmem>>, vector<1x16xf32>,
      %parallel_loop3A_1185 = vector.shape_cast %parallel_loop3A_1184 : vector<1x16xf32> to vector<16xf32>
      %parallel_loop3A_1186 = vector.shape_cast %parallel_loop3A_1181 : vector<16xf32> to vector<1x16xf32>
      tpu.vector_store %arg8[%parallel_loop3A_1182, %parallel_loop3A_1183], %parallel_loop3A_1186 {strides = array<i32>} : memref<256x128xf32, #tpu.memory_space<vmem>>, vector<1x16xf32>,
      %parallel_loop3A_1187 = arith.constant 64 : i32
      %parallel_loop3A_1188 = arith.addi %parallel_loop3A_1187, %parallel_loop3A_762 : i32
      %parallel_loop3A_1189 = arith.index_cast %parallel_loop3A_1188 : i32 to index
      %parallel_loop3A_1190 = arith.constant 96 : index
      %parallel_loop3A_1191 = tpu.vector_load %arg8[%parallel_loop3A_1189, %parallel_loop3A_1190] {strides = array<i32>} : memref<256x128xf32, #tpu.memory_space<vmem>>, vector<1x16xf32>,
      %parallel_loop3A_1192 = vector.shape_cast %parallel_loop3A_1191 : vector<1x16xf32> to vector<16xf32>
      %parallel_loop3A_1193 = arith.constant 11.3137083 : f32
      %parallel_loop3A_1194 = vector.broadcast %parallel_loop3A_1193 : f32 to vector<16xf32>
      %parallel_loop3A_1195 = arith.mulf %parallel_loop3A_1192, %parallel_loop3A_1194 : vector<16xf32>
      %parallel_loop3A_1196 = arith.addf %parallel_loop3A_1195, %parallel_loop3A_1171 : vector<16xf32>
      %parallel_loop3A_1197 = arith.index_cast %parallel_loop3A_1188 : i32 to index
      %parallel_loop3A_1198 = arith.constant 96 : index
      %parallel_loop3A_1199 = tpu.vector_load %arg8[%parallel_loop3A_1197, %parallel_loop3A_1198] {strides = array<i32>} : memref<256x128xf32, #tpu.memory_space<vmem>>, vector<1x16xf32>,
      %parallel_loop3A_1200 = vector.shape_cast %parallel_loop3A_1199 : vector<1x16xf32> to vector<16xf32>
      %parallel_loop3A_1201 = vector.shape_cast %parallel_loop3A_1196 : vector<16xf32> to vector<1x16xf32>
      tpu.vector_store %arg8[%parallel_loop3A_1197, %parallel_loop3A_1198], %parallel_loop3A_1201 {strides = array<i32>} : memref<256x128xf32, #tpu.memory_space<vmem>>, vector<1x16xf32>,
      %parallel_loop3A_1202 = arith.constant 128 : i32
      %parallel_loop3A_1203 = arith.addi %parallel_loop3A_1202, %parallel_loop3A_762 : i32
      %parallel_loop3A_1204 = arith.index_cast %parallel_loop3A_1203 : i32 to index
      %parallel_loop3A_1205 = arith.constant 96 : index
      %parallel_loop3A_1206 = tpu.vector_load %arg8[%parallel_loop3A_1204, %parallel_loop3A_1205] {strides = array<i32>} : memref<256x128xf32, #tpu.memory_space<vmem>>, vector<1x16xf32>,
      %parallel_loop3A_1207 = vector.shape_cast %parallel_loop3A_1206 : vector<1x16xf32> to vector<16xf32>
      %parallel_loop3A_1208 = arith.constant 11.3137083 : f32
      %parallel_loop3A_1209 = vector.broadcast %parallel_loop3A_1208 : f32 to vector<16xf32>
      %parallel_loop3A_1210 = arith.mulf %parallel_loop3A_1207, %parallel_loop3A_1209 : vector<16xf32>
      %parallel_loop3A_1211 = arith.addf %parallel_loop3A_1210, %parallel_loop3A_1171 : vector<16xf32>
      %parallel_loop3A_1212 = arith.index_cast %parallel_loop3A_1203 : i32 to index
      %parallel_loop3A_1213 = arith.constant 96 : index
      %parallel_loop3A_1214 = tpu.vector_load %arg8[%parallel_loop3A_1212, %parallel_loop3A_1213] {strides = array<i32>} : memref<256x128xf32, #tpu.memory_space<vmem>>, vector<1x16xf32>,
      %parallel_loop3A_1215 = vector.shape_cast %parallel_loop3A_1214 : vector<1x16xf32> to vector<16xf32>
      %parallel_loop3A_1216 = vector.shape_cast %parallel_loop3A_1211 : vector<16xf32> to vector<1x16xf32>
      tpu.vector_store %arg8[%parallel_loop3A_1212, %parallel_loop3A_1213], %parallel_loop3A_1216 {strides = array<i32>} : memref<256x128xf32, #tpu.memory_space<vmem>>, vector<1x16xf32>,
      %parallel_loop3A_1217 = arith.constant 192 : i32
      %parallel_loop3A_1218 = arith.addi %parallel_loop3A_1217, %parallel_loop3A_762 : i32
      %parallel_loop3A_1219 = arith.index_cast %parallel_loop3A_1218 : i32 to index
      %parallel_loop3A_1220 = arith.constant 96 : index
      %parallel_loop3A_1221 = tpu.vector_load %arg8[%parallel_loop3A_1219, %parallel_loop3A_1220] {strides = array<i32>} : memref<256x128xf32, #tpu.memory_space<vmem>>, vector<1x16xf32>,
      %parallel_loop3A_1222 = vector.shape_cast %parallel_loop3A_1221 : vector<1x16xf32> to vector<16xf32>
      %parallel_loop3A_1223 = arith.constant 11.3137083 : f32
      %parallel_loop3A_1224 = vector.broadcast %parallel_loop3A_1223 : f32 to vector<16xf32>
      %parallel_loop3A_1225 = arith.mulf %parallel_loop3A_1222, %parallel_loop3A_1224 : vector<16xf32>
      %parallel_loop3A_1226 = arith.addf %parallel_loop3A_1225, %parallel_loop3A_1171 : vector<16xf32>
      %parallel_loop3A_1227 = arith.index_cast %parallel_loop3A_1218 : i32 to index
      %parallel_loop3A_1228 = arith.constant 96 : index
      %parallel_loop3A_1229 = tpu.vector_load %arg8[%parallel_loop3A_1227, %parallel_loop3A_1228] {strides = array<i32>} : memref<256x128xf32, #tpu.memory_space<vmem>>, vector<1x16xf32>,
      %parallel_loop3A_1230 = vector.shape_cast %parallel_loop3A_1229 : vector<1x16xf32> to vector<16xf32>
      %parallel_loop3A_1231 = vector.shape_cast %parallel_loop3A_1226 : vector<16xf32> to vector<1x16xf32>
      tpu.vector_store %arg8[%parallel_loop3A_1227, %parallel_loop3A_1228], %parallel_loop3A_1231 {strides = array<i32>} : memref<256x128xf32, #tpu.memory_space<vmem>>, vector<1x16xf32>,
      %parallel_loop3A_1232 = arith.constant 128 : i32
      %parallel_loop3A_1233 = arith.muli %parallel_loop3A_762, %parallel_loop3A_1232 : i32
      %parallel_loop3A_1234 = arith.constant 112 : i32
      %parallel_loop3A_1235 = arith.addi %parallel_loop3A_1233, %parallel_loop3A_1234 : i32
      %parallel_loop3A_1236 = arith.index_cast %parallel_loop3A_1235 : i32 to index
      %parallel_loop3A_1237 = tpu.vector_load %arg7[%parallel_loop3A_1236] {strides = array<i32>} : memref<8192xf32, #tpu.memory_space<vmem>>, vector<16xf32>,
      %parallel_loop3A_1238 = vector.shape_cast %parallel_loop3A_1237 : vector<16xf32> to vector<16xf32>
      %parallel_loop3A_1239 = arith.constant 0 : i32
      %parallel_loop3A_1240 = arith.addi %parallel_loop3A_1239, %parallel_loop3A_762 : i32
      %parallel_loop3A_1241 = arith.index_cast %parallel_loop3A_1240 : i32 to index
      %parallel_loop3A_1242 = arith.constant 112 : index
      %parallel_loop3A_1243 = tpu.vector_load %arg8[%parallel_loop3A_1241, %parallel_loop3A_1242] {strides = array<i32>} : memref<256x128xf32, #tpu.memory_space<vmem>>, vector<1x16xf32>,
      %parallel_loop3A_1244 = vector.shape_cast %parallel_loop3A_1243 : vector<1x16xf32> to vector<16xf32>
      %parallel_loop3A_1245 = arith.constant 11.3137083 : f32
      %parallel_loop3A_1246 = vector.broadcast %parallel_loop3A_1245 : f32 to vector<16xf32>
      %parallel_loop3A_1247 = arith.mulf %parallel_loop3A_1244, %parallel_loop3A_1246 : vector<16xf32>
      %parallel_loop3A_1248 = arith.addf %parallel_loop3A_1247, %parallel_loop3A_1238 : vector<16xf32>
      %parallel_loop3A_1249 = arith.index_cast %parallel_loop3A_1240 : i32 to index
      %parallel_loop3A_1250 = arith.constant 112 : index
      %parallel_loop3A_1251 = tpu.vector_load %arg8[%parallel_loop3A_1249, %parallel_loop3A_1250] {strides = array<i32>} : memref<256x128xf32, #tpu.memory_space<vmem>>, vector<1x16xf32>,
      %parallel_loop3A_1252 = vector.shape_cast %parallel_loop3A_1251 : vector<1x16xf32> to vector<16xf32>
      %parallel_loop3A_1253 = vector.shape_cast %parallel_loop3A_1248 : vector<16xf32> to vector<1x16xf32>
      tpu.vector_store %arg8[%parallel_loop3A_1249, %parallel_loop3A_1250], %parallel_loop3A_1253 {strides = array<i32>} : memref<256x128xf32, #tpu.memory_space<vmem>>, vector<1x16xf32>,
      %parallel_loop3A_1254 = arith.constant 64 : i32
      %parallel_loop3A_1255 = arith.addi %parallel_loop3A_1254, %parallel_loop3A_762 : i32
      %parallel_loop3A_1256 = arith.index_cast %parallel_loop3A_1255 : i32 to index
      %parallel_loop3A_1257 = arith.constant 112 : index
      %parallel_loop3A_1258 = tpu.vector_load %arg8[%parallel_loop3A_1256, %parallel_loop3A_1257] {strides = array<i32>} : memref<256x128xf32, #tpu.memory_space<vmem>>, vector<1x16xf32>,
      %parallel_loop3A_1259 = vector.shape_cast %parallel_loop3A_1258 : vector<1x16xf32> to vector<16xf32>
      %parallel_loop3A_1260 = arith.constant 11.3137083 : f32
      %parallel_loop3A_1261 = vector.broadcast %parallel_loop3A_1260 : f32 to vector<16xf32>
      %parallel_loop3A_1262 = arith.mulf %parallel_loop3A_1259, %parallel_loop3A_1261 : vector<16xf32>
      %parallel_loop3A_1263 = arith.addf %parallel_loop3A_1262, %parallel_loop3A_1238 : vector<16xf32>
      %parallel_loop3A_1264 = arith.index_cast %parallel_loop3A_1255 : i32 to index
      %parallel_loop3A_1265 = arith.constant 112 : index
      %parallel_loop3A_1266 = tpu.vector_load %arg8[%parallel_loop3A_1264, %parallel_loop3A_1265] {strides = array<i32>} : memref<256x128xf32, #tpu.memory_space<vmem>>, vector<1x16xf32>,
      %parallel_loop3A_1267 = vector.shape_cast %parallel_loop3A_1266 : vector<1x16xf32> to vector<16xf32>
      %parallel_loop3A_1268 = vector.shape_cast %parallel_loop3A_1263 : vector<16xf32> to vector<1x16xf32>
      tpu.vector_store %arg8[%parallel_loop3A_1264, %parallel_loop3A_1265], %parallel_loop3A_1268 {strides = array<i32>} : memref<256x128xf32, #tpu.memory_space<vmem>>, vector<1x16xf32>,
      %parallel_loop3A_1269 = arith.constant 128 : i32
      %parallel_loop3A_1270 = arith.addi %parallel_loop3A_1269, %parallel_loop3A_762 : i32
      %parallel_loop3A_1271 = arith.index_cast %parallel_loop3A_1270 : i32 to index
      %parallel_loop3A_1272 = arith.constant 112 : index
      %parallel_loop3A_1273 = tpu.vector_load %arg8[%parallel_loop3A_1271, %parallel_loop3A_1272] {strides = array<i32>} : memref<256x128xf32, #tpu.memory_space<vmem>>, vector<1x16xf32>,
      %parallel_loop3A_1274 = vector.shape_cast %parallel_loop3A_1273 : vector<1x16xf32> to vector<16xf32>
      %parallel_loop3A_1275 = arith.constant 11.3137083 : f32
      %parallel_loop3A_1276 = vector.broadcast %parallel_loop3A_1275 : f32 to vector<16xf32>
      %parallel_loop3A_1277 = arith.mulf %parallel_loop3A_1274, %parallel_loop3A_1276 : vector<16xf32>
      %parallel_loop3A_1278 = arith.addf %parallel_loop3A_1277, %parallel_loop3A_1238 : vector<16xf32>
      %parallel_loop3A_1279 = arith.index_cast %parallel_loop3A_1270 : i32 to index
      %parallel_loop3A_1280 = arith.constant 112 : index
      %parallel_loop3A_1281 = tpu.vector_load %arg8[%parallel_loop3A_1279, %parallel_loop3A_1280] {strides = array<i32>} : memref<256x128xf32, #tpu.memory_space<vmem>>, vector<1x16xf32>,
      %parallel_loop3A_1282 = vector.shape_cast %parallel_loop3A_1281 : vector<1x16xf32> to vector<16xf32>
      %parallel_loop3A_1283 = vector.shape_cast %parallel_loop3A_1278 : vector<16xf32> to vector<1x16xf32>
      tpu.vector_store %arg8[%parallel_loop3A_1279, %parallel_loop3A_1280], %parallel_loop3A_1283 {strides = array<i32>} : memref<256x128xf32, #tpu.memory_space<vmem>>, vector<1x16xf32>,
      %parallel_loop3A_1284 = arith.constant 192 : i32
      %parallel_loop3A_1285 = arith.addi %parallel_loop3A_1284, %parallel_loop3A_762 : i32
      %parallel_loop3A_1286 = arith.index_cast %parallel_loop3A_1285 : i32 to index
      %parallel_loop3A_1287 = arith.constant 112 : index
      %parallel_loop3A_1288 = tpu.vector_load %arg8[%parallel_loop3A_1286, %parallel_loop3A_1287] {strides = array<i32>} : memref<256x128xf32, #tpu.memory_space<vmem>>, vector<1x16xf32>,
      %parallel_loop3A_1289 = vector.shape_cast %parallel_loop3A_1288 : vector<1x16xf32> to vector<16xf32>
      %parallel_loop3A_1290 = arith.constant 11.3137083 : f32
      %parallel_loop3A_1291 = vector.broadcast %parallel_loop3A_1290 : f32 to vector<16xf32>
      %parallel_loop3A_1292 = arith.mulf %parallel_loop3A_1289, %parallel_loop3A_1291 : vector<16xf32>
      %parallel_loop3A_1293 = arith.addf %parallel_loop3A_1292, %parallel_loop3A_1238 : vector<16xf32>
      %parallel_loop3A_1294 = arith.index_cast %parallel_loop3A_1285 : i32 to index
      %parallel_loop3A_1295 = arith.constant 112 : index
      %parallel_loop3A_1296 = tpu.vector_load %arg8[%parallel_loop3A_1294, %parallel_loop3A_1295] {strides = array<i32>} : memref<256x128xf32, #tpu.memory_space<vmem>>, vector<1x16xf32>,
      %parallel_loop3A_1297 = vector.shape_cast %parallel_loop3A_1296 : vector<1x16xf32> to vector<16xf32>
      %parallel_loop3A_1298 = vector.shape_cast %parallel_loop3A_1293 : vector<16xf32> to vector<1x16xf32>
      tpu.vector_store %arg8[%parallel_loop3A_1294, %parallel_loop3A_1295], %parallel_loop3A_1298 {strides = array<i32>} : memref<256x128xf32, #tpu.memory_space<vmem>>, vector<1x16xf32>,
    } {sc.loop_unroll_factor = 1 : i64, sc.parallel_access}
    %dma_start3A_317 = arith.constant 0 : i32
    %dma_start3A_318 = arith.constant 0 : i32
    %dma_start3A_319 = arith.constant 0 : i32
    %dma_start3A_320 = tpu.memref_slice %arg8[%dma_start3A_318, %dma_start3A_319] : memref<256x128xf32, #tpu.memory_space<vmem>> -> memref<64x128xf32, #tpu.memory_space<vmem>>
    %dma_start3A_321 = arith.constant 0 : i32
    %dma_start3A_322 = tpu.memref_slice %arg5[%dma_start3A_317, %mul3A_2, %dma_start3A_321] : memref<16x2048x128xf32, #tpu.memory_space<hbm>> -> memref<1x64x128xf32, #tpu.memory_space<hbm>>
    %dma_start3A_323 = tpu.memref_squeeze %dma_start3A_322 : memref<1x64x128xf32, #tpu.memory_space<hbm>> -> memref<64x128xf32, #tpu.memory_space<hbm>>
    %dma_start3A_324 = arith.constant 0 : i32
    %dma_start3A_325 = tpu.memref_slice %arg5[%dma_start3A_317, %mul3A_2, %dma_start3A_324] : memref<16x2048x128xf32, #tpu.memory_space<hbm>> -> memref<1x64x128xf32, #tpu.memory_space<hbm>>
    %dma_start3A_326 = tpu.memref_squeeze %dma_start3A_325 : memref<1x64x128xf32, #tpu.memory_space<hbm>> -> memref<64x128xf32, #tpu.memory_space<hbm>>
    %dma_start3A_327 = arith.constant 0 : i32
    %dma_start3A_328 = arith.constant 0 : i32
    %dma_start3A_329 = tpu.memref_slice %arg8[%dma_start3A_327, %dma_start3A_328] : memref<256x128xf32, #tpu.memory_space<vmem>> -> memref<64x128xf32, #tpu.memory_space<vmem>>
    tpu.enqueue_dma source(%dma_start3A_329 : memref<64x128xf32, #tpu.memory_space<vmem>>) target(%dma_start3A_326 : memref<64x128xf32, #tpu.memory_space<hbm>>) target_semaphore(%arg15 : memref<!tpu.dma_semaphore, #tpu.memory_space<semaphore_mem>>)
    %dma_start3A_330 = arith.constant 1 : i32
    %dma_start3A_331 = arith.constant 64 : i32
    %dma_start3A_332 = arith.constant 0 : i32
    %dma_start3A_333 = tpu.memref_slice %arg8[%dma_start3A_331, %dma_start3A_332] : memref<256x128xf32, #tpu.memory_space<vmem>> -> memref<64x128xf32, #tpu.memory_space<vmem>>
    %dma_start3A_334 = arith.constant 0 : i32
    %dma_start3A_335 = tpu.memref_slice %arg5[%dma_start3A_330, %mul3A_2, %dma_start3A_334] : memref<16x2048x128xf32, #tpu.memory_space<hbm>> -> memref<1x64x128xf32, #tpu.memory_space<hbm>>
    %dma_start3A_336 = tpu.memref_squeeze %dma_start3A_335 : memref<1x64x128xf32, #tpu.memory_space<hbm>> -> memref<64x128xf32, #tpu.memory_space<hbm>>
    %dma_start3A_337 = arith.constant 0 : i32
    %dma_start3A_338 = tpu.memref_slice %arg5[%dma_start3A_330, %mul3A_2, %dma_start3A_337] : memref<16x2048x128xf32, #tpu.memory_space<hbm>> -> memref<1x64x128xf32, #tpu.memory_space<hbm>>
    %dma_start3A_339 = tpu.memref_squeeze %dma_start3A_338 : memref<1x64x128xf32, #tpu.memory_space<hbm>> -> memref<64x128xf32, #tpu.memory_space<hbm>>
    %dma_start3A_340 = arith.constant 64 : i32
    %dma_start3A_341 = arith.constant 0 : i32
    %dma_start3A_342 = tpu.memref_slice %arg8[%dma_start3A_340, %dma_start3A_341] : memref<256x128xf32, #tpu.memory_space<vmem>> -> memref<64x128xf32, #tpu.memory_space<vmem>>
    tpu.enqueue_dma source(%dma_start3A_342 : memref<64x128xf32, #tpu.memory_space<vmem>>) target(%dma_start3A_339 : memref<64x128xf32, #tpu.memory_space<hbm>>) target_semaphore(%arg15 : memref<!tpu.dma_semaphore, #tpu.memory_space<semaphore_mem>>)
    %dma_start3A_343 = arith.constant 2 : i32
    %dma_start3A_344 = arith.constant 128 : i32
    %dma_start3A_345 = arith.constant 0 : i32
    %dma_start3A_346 = tpu.memref_slice %arg8[%dma_start3A_344, %dma_start3A_345] : memref<256x128xf32, #tpu.memory_space<vmem>> -> memref<64x128xf32, #tpu.memory_space<vmem>>
    %dma_start3A_347 = arith.constant 0 : i32
    %dma_start3A_348 = tpu.memref_slice %arg5[%dma_start3A_343, %mul3A_2, %dma_start3A_347] : memref<16x2048x128xf32, #tpu.memory_space<hbm>> -> memref<1x64x128xf32, #tpu.memory_space<hbm>>
    %dma_start3A_349 = tpu.memref_squeeze %dma_start3A_348 : memref<1x64x128xf32, #tpu.memory_space<hbm>> -> memref<64x128xf32, #tpu.memory_space<hbm>>
    %dma_start3A_350 = arith.constant 0 : i32
    %dma_start3A_351 = tpu.memref_slice %arg5[%dma_start3A_343, %mul3A_2, %dma_start3A_350] : memref<16x2048x128xf32, #tpu.memory_space<hbm>> -> memref<1x64x128xf32, #tpu.memory_space<hbm>>
    %dma_start3A_352 = tpu.memref_squeeze %dma_start3A_351 : memref<1x64x128xf32, #tpu.memory_space<hbm>> -> memref<64x128xf32, #tpu.memory_space<hbm>>
    %dma_start3A_353 = arith.constant 128 : i32
    %dma_start3A_354 = arith.constant 0 : i32
    %dma_start3A_355 = tpu.memref_slice %arg8[%dma_start3A_353, %dma_start3A_354] : memref<256x128xf32, #tpu.memory_space<vmem>> -> memref<64x128xf32, #tpu.memory_space<vmem>>
    tpu.enqueue_dma source(%dma_start3A_355 : memref<64x128xf32, #tpu.memory_space<vmem>>) target(%dma_start3A_352 : memref<64x128xf32, #tpu.memory_space<hbm>>) target_semaphore(%arg15 : memref<!tpu.dma_semaphore, #tpu.memory_space<semaphore_mem>>)
    %dma_start3A_356 = arith.constant 3 : i32
    %dma_start3A_357 = arith.constant 192 : i32
    %dma_start3A_358 = arith.constant 0 : i32
    %dma_start3A_359 = tpu.memref_slice %arg8[%dma_start3A_357, %dma_start3A_358] : memref<256x128xf32, #tpu.memory_space<vmem>> -> memref<64x128xf32, #tpu.memory_space<vmem>>
    %dma_start3A_360 = arith.constant 0 : i32
    %dma_start3A_361 = tpu.memref_slice %arg5[%dma_start3A_356, %mul3A_2, %dma_start3A_360] : memref<16x2048x128xf32, #tpu.memory_space<hbm>> -> memref<1x64x128xf32, #tpu.memory_space<hbm>>
    %dma_start3A_362 = tpu.memref_squeeze %dma_start3A_361 : memref<1x64x128xf32, #tpu.memory_space<hbm>> -> memref<64x128xf32, #tpu.memory_space<hbm>>
    %dma_start3A_363 = arith.constant 0 : i32
    %dma_start3A_364 = tpu.memref_slice %arg5[%dma_start3A_356, %mul3A_2, %dma_start3A_363] : memref<16x2048x128xf32, #tpu.memory_space<hbm>> -> memref<1x64x128xf32, #tpu.memory_space<hbm>>
    %dma_start3A_365 = tpu.memref_squeeze %dma_start3A_364 : memref<1x64x128xf32, #tpu.memory_space<hbm>> -> memref<64x128xf32, #tpu.memory_space<hbm>>
    %dma_start3A_366 = arith.constant 192 : i32
    %dma_start3A_367 = arith.constant 0 : i32
    %dma_start3A_368 = tpu.memref_slice %arg8[%dma_start3A_366, %dma_start3A_367] : memref<256x128xf32, #tpu.memory_space<vmem>> -> memref<64x128xf32, #tpu.memory_space<vmem>>
    tpu.enqueue_dma source(%dma_start3A_368 : memref<64x128xf32, #tpu.memory_space<vmem>>) target(%dma_start3A_365 : memref<64x128xf32, #tpu.memory_space<hbm>>) target_semaphore(%arg15 : memref<!tpu.dma_semaphore, #tpu.memory_space<semaphore_mem>>)
    %dma_wait3A_369 = arith.constant 256 : i32
    %dma_wait3A_370 = tpu.memref_slice %arg6[%dma_wait3A_369] : memref<1024xi32, #tpu.memory_space<vmem>> -> memref<256xi32, #tpu.memory_space<vmem>>
    %dma_wait3A_371 = arith.constant 0 : i32
    %dma_wait3A_372 = arith.constant 0 : i32
    %dma_wait3A_373 = tpu.memref_slice %arg2[%dma_wait3A_371, %dma_wait3A_372] : memref<100000x128xf32, #tpu.memory_space<hbm>> -> memref<100000x128xf32, #tpu.memory_space<hbm>>
    tpu.wait_indirect_dma semaphore(%arg13 : memref<!tpu.dma_semaphore, #tpu.memory_space<semaphore_mem>>) src(%dma_wait3A_373 : memref<100000x128xf32, #tpu.memory_space<hbm>>) dst(%arg9 : memref<256x128xf32, #tpu.memory_space<vmem>>)
    %dma_wait3A_374 = arith.constant 0 : i32
    %dma_wait3A_375 = arith.constant 0 : i32
    %dma_wait3A_376 = arith.constant 0 : i32
    %dma_wait3A_377 = tpu.memref_slice %arg8[%dma_wait3A_375, %dma_wait3A_376] : memref<256x128xf32, #tpu.memory_space<vmem>> -> memref<64x128xf32, #tpu.memory_space<vmem>>
    %dma_wait3A_378 = arith.constant 0 : i32
    %dma_wait3A_379 = tpu.memref_slice %arg5[%dma_wait3A_374, %mul3A_2, %dma_wait3A_378] : memref<16x2048x128xf32, #tpu.memory_space<hbm>> -> memref<1x64x128xf32, #tpu.memory_space<hbm>>
    %dma_wait3A_380 = tpu.memref_squeeze %dma_wait3A_379 : memref<1x64x128xf32, #tpu.memory_space<hbm>> -> memref<64x128xf32, #tpu.memory_space<hbm>>
    %dma_wait3A_381 = arith.constant 0 : i32
    %dma_wait3A_382 = tpu.memref_slice %arg5[%dma_wait3A_374, %mul3A_2, %dma_wait3A_381] : memref<16x2048x128xf32, #tpu.memory_space<hbm>> -> memref<1x64x128xf32, #tpu.memory_space<hbm>>
    %dma_wait3A_383 = tpu.memref_squeeze %dma_wait3A_382 : memref<1x64x128xf32, #tpu.memory_space<hbm>> -> memref<64x128xf32, #tpu.memory_space<hbm>>
    %dma_wait3A_384 = arith.constant 0 : i32
    %dma_wait3A_385 = arith.constant 0 : i32
    %dma_wait3A_386 = tpu.memref_slice %arg8[%dma_wait3A_384, %dma_wait3A_385] : memref<256x128xf32, #tpu.memory_space<vmem>> -> memref<64x128xf32, #tpu.memory_space<vmem>>
    tpu.wait_dma2 semaphore(%arg15 : memref<!tpu.dma_semaphore, #tpu.memory_space<semaphore_mem>>) src(%dma_wait3A_386 : memref<64x128xf32, #tpu.memory_space<vmem>>) dst(%dma_wait3A_383 : memref<64x128xf32, #tpu.memory_space<hbm>>)
    %dma_wait3A_387 = arith.constant 1 : i32
    %dma_wait3A_388 = arith.constant 64 : i32
    %dma_wait3A_389 = arith.constant 0 : i32
    %dma_wait3A_390 = tpu.memref_slice %arg8[%dma_wait3A_388, %dma_wait3A_389] : memref<256x128xf32, #tpu.memory_space<vmem>> -> memref<64x128xf32, #tpu.memory_space<vmem>>
    %dma_wait3A_391 = arith.constant 0 : i32
    %dma_wait3A_392 = tpu.memref_slice %arg5[%dma_wait3A_387, %mul3A_2, %dma_wait3A_391] : memref<16x2048x128xf32, #tpu.memory_space<hbm>> -> memref<1x64x128xf32, #tpu.memory_space<hbm>>
    %dma_wait3A_393 = tpu.memref_squeeze %dma_wait3A_392 : memref<1x64x128xf32, #tpu.memory_space<hbm>> -> memref<64x128xf32, #tpu.memory_space<hbm>>
    %dma_wait3A_394 = arith.constant 0 : i32
    %dma_wait3A_395 = tpu.memref_slice %arg5[%dma_wait3A_387, %mul3A_2, %dma_wait3A_394] : memref<16x2048x128xf32, #tpu.memory_space<hbm>> -> memref<1x64x128xf32, #tpu.memory_space<hbm>>
    %dma_wait3A_396 = tpu.memref_squeeze %dma_wait3A_395 : memref<1x64x128xf32, #tpu.memory_space<hbm>> -> memref<64x128xf32, #tpu.memory_space<hbm>>
    %dma_wait3A_397 = arith.constant 64 : i32
    %dma_wait3A_398 = arith.constant 0 : i32
    %dma_wait3A_399 = tpu.memref_slice %arg8[%dma_wait3A_397, %dma_wait3A_398] : memref<256x128xf32, #tpu.memory_space<vmem>> -> memref<64x128xf32, #tpu.memory_space<vmem>>
    tpu.wait_dma2 semaphore(%arg15 : memref<!tpu.dma_semaphore, #tpu.memory_space<semaphore_mem>>) src(%dma_wait3A_399 : memref<64x128xf32, #tpu.memory_space<vmem>>) dst(%dma_wait3A_396 : memref<64x128xf32, #tpu.memory_space<hbm>>)
    %dma_wait3A_400 = arith.constant 2 : i32
    %dma_wait3A_401 = arith.constant 128 : i32
    %dma_wait3A_402 = arith.constant 0 : i32
    %dma_wait3A_403 = tpu.memref_slice %arg8[%dma_wait3A_401, %dma_wait3A_402] : memref<256x128xf32, #tpu.memory_space<vmem>> -> memref<64x128xf32, #tpu.memory_space<vmem>>
    %dma_wait3A_404 = arith.constant 0 : i32
    %dma_wait3A_405 = tpu.memref_slice %arg5[%dma_wait3A_400, %mul3A_2, %dma_wait3A_404] : memref<16x2048x128xf32, #tpu.memory_space<hbm>> -> memref<1x64x128xf32, #tpu.memory_space<hbm>>
    %dma_wait3A_406 = tpu.memref_squeeze %dma_wait3A_405 : memref<1x64x128xf32, #tpu.memory_space<hbm>> -> memref<64x128xf32, #tpu.memory_space<hbm>>
    %dma_wait3A_407 = arith.constant 0 : i32
    %dma_wait3A_408 = tpu.memref_slice %arg5[%dma_wait3A_400, %mul3A_2, %dma_wait3A_407] : memref<16x2048x128xf32, #tpu.memory_space<hbm>> -> memref<1x64x128xf32, #tpu.memory_space<hbm>>
    %dma_wait3A_409 = tpu.memref_squeeze %dma_wait3A_408 : memref<1x64x128xf32, #tpu.memory_space<hbm>> -> memref<64x128xf32, #tpu.memory_space<hbm>>
    %dma_wait3A_410 = arith.constant 128 : i32
    %dma_wait3A_411 = arith.constant 0 : i32
    %dma_wait3A_412 = tpu.memref_slice %arg8[%dma_wait3A_410, %dma_wait3A_411] : memref<256x128xf32, #tpu.memory_space<vmem>> -> memref<64x128xf32, #tpu.memory_space<vmem>>
    tpu.wait_dma2 semaphore(%arg15 : memref<!tpu.dma_semaphore, #tpu.memory_space<semaphore_mem>>) src(%dma_wait3A_412 : memref<64x128xf32, #tpu.memory_space<vmem>>) dst(%dma_wait3A_409 : memref<64x128xf32, #tpu.memory_space<hbm>>)
    %dma_wait3A_413 = arith.constant 3 : i32
    %dma_wait3A_414 = arith.constant 192 : i32
    %dma_wait3A_415 = arith.constant 0 : i32
    %dma_wait3A_416 = tpu.memref_slice %arg8[%dma_wait3A_414, %dma_wait3A_415] : memref<256x128xf32, #tpu.memory_space<vmem>> -> memref<64x128xf32, #tpu.memory_space<vmem>>
    %dma_wait3A_417 = arith.constant 0 : i32
    %dma_wait3A_418 = tpu.memref_slice %arg5[%dma_wait3A_413, %mul3A_2, %dma_wait3A_417] : memref<16x2048x128xf32, #tpu.memory_space<hbm>> -> memref<1x64x128xf32, #tpu.memory_space<hbm>>
    %dma_wait3A_419 = tpu.memref_squeeze %dma_wait3A_418 : memref<1x64x128xf32, #tpu.memory_space<hbm>> -> memref<64x128xf32, #tpu.memory_space<hbm>>
    %dma_wait3A_420 = arith.constant 0 : i32
    %dma_wait3A_421 = tpu.memref_slice %arg5[%dma_wait3A_413, %mul3A_2, %dma_wait3A_420] : memref<16x2048x128xf32, #tpu.memory_space<hbm>> -> memref<1x64x128xf32, #tpu.memory_space<hbm>>
    %dma_wait3A_422 = tpu.memref_squeeze %dma_wait3A_421 : memref<1x64x128xf32, #tpu.memory_space<hbm>> -> memref<64x128xf32, #tpu.memory_space<hbm>>
    %dma_wait3A_423 = arith.constant 192 : i32
    %dma_wait3A_424 = arith.constant 0 : i32
    %dma_wait3A_425 = tpu.memref_slice %arg8[%dma_wait3A_423, %dma_wait3A_424] : memref<256x128xf32, #tpu.memory_space<vmem>> -> memref<64x128xf32, #tpu.memory_space<vmem>>
    tpu.wait_dma2 semaphore(%arg15 : memref<!tpu.dma_semaphore, #tpu.memory_space<semaphore_mem>>) src(%dma_wait3A_425 : memref<64x128xf32, #tpu.memory_space<vmem>>) dst(%dma_wait3A_422 : memref<64x128xf32, #tpu.memory_space<hbm>>)
    %dma_start3A_426 = arith.constant 768 : i32
    %dma_start3A_427 = tpu.memref_slice %arg6[%dma_start3A_426] : memref<1024xi32, #tpu.memory_space<vmem>> -> memref<256xi32, #tpu.memory_space<vmem>>
    %dma_start3A_428 = arith.constant 0 : i32
    %dma_start3A_429 = arith.constant 0 : i32
    %dma_start3A_430 = tpu.memref_slice %arg2[%dma_start3A_428, %dma_start3A_429] : memref<100000x128xf32, #tpu.memory_space<hbm>> -> memref<100000x128xf32, #tpu.memory_space<hbm>>
    tpu.enqueue_indirect_dma source(%dma_start3A_430 : memref<100000x128xf32, #tpu.memory_space<hbm>>) target(%arg8 : memref<256x128xf32, #tpu.memory_space<vmem>>) offsets(%dma_start3A_427 : memref<256xi32, #tpu.memory_space<vmem>>) semaphore(%arg12 : memref<!tpu.dma_semaphore, #tpu.memory_space<semaphore_mem>>)
    %parallel_loop3A_431 = arith.constant 0 : i32
    %parallel_loop3A_432 = arith.constant 64 : i32
    %parallel_loop3A_433 = arith.constant 1 : i32
    scf.for %parallel_loop3A_762 = %parallel_loop3A_431 to %parallel_loop3A_432 step %parallel_loop3A_433  : i32 {
      %parallel_loop3A_763 = arith.constant 128 : i32
      %parallel_loop3A_764 = arith.muli %parallel_loop3A_762, %parallel_loop3A_763 : i32
      %parallel_loop3A_765 = arith.constant 0 : i32
      %parallel_loop3A_766 = arith.addi %parallel_loop3A_764, %parallel_loop3A_765 : i32
      %parallel_loop3A_767 = arith.index_cast %parallel_loop3A_766 : i32 to index
      %parallel_loop3A_768 = tpu.vector_load %arg7[%parallel_loop3A_767] {strides = array<i32>} : memref<8192xf32, #tpu.memory_space<vmem>>, vector<16xf32>,
      %parallel_loop3A_769 = vector.shape_cast %parallel_loop3A_768 : vector<16xf32> to vector<16xf32>
      %parallel_loop3A_770 = arith.constant 0 : i32
      %parallel_loop3A_771 = arith.addi %parallel_loop3A_770, %parallel_loop3A_762 : i32
      %parallel_loop3A_772 = arith.index_cast %parallel_loop3A_771 : i32 to index
      %parallel_loop3A_773 = arith.constant 0 : index
      %parallel_loop3A_774 = tpu.vector_load %arg9[%parallel_loop3A_772, %parallel_loop3A_773] {strides = array<i32>} : memref<256x128xf32, #tpu.memory_space<vmem>>, vector<1x16xf32>,
      %parallel_loop3A_775 = vector.shape_cast %parallel_loop3A_774 : vector<1x16xf32> to vector<16xf32>
      %parallel_loop3A_776 = arith.constant 11.3137083 : f32
      %parallel_loop3A_777 = vector.broadcast %parallel_loop3A_776 : f32 to vector<16xf32>
      %parallel_loop3A_778 = arith.mulf %parallel_loop3A_775, %parallel_loop3A_777 : vector<16xf32>
      %parallel_loop3A_779 = arith.addf %parallel_loop3A_778, %parallel_loop3A_769 : vector<16xf32>
      %parallel_loop3A_780 = arith.index_cast %parallel_loop3A_771 : i32 to index
      %parallel_loop3A_781 = arith.constant 0 : index
      %parallel_loop3A_782 = tpu.vector_load %arg9[%parallel_loop3A_780, %parallel_loop3A_781] {strides = array<i32>} : memref<256x128xf32, #tpu.memory_space<vmem>>, vector<1x16xf32>,
      %parallel_loop3A_783 = vector.shape_cast %parallel_loop3A_782 : vector<1x16xf32> to vector<16xf32>
      %parallel_loop3A_784 = vector.shape_cast %parallel_loop3A_779 : vector<16xf32> to vector<1x16xf32>
      tpu.vector_store %arg9[%parallel_loop3A_780, %parallel_loop3A_781], %parallel_loop3A_784 {strides = array<i32>} : memref<256x128xf32, #tpu.memory_space<vmem>>, vector<1x16xf32>,
      %parallel_loop3A_785 = arith.constant 64 : i32
      %parallel_loop3A_786 = arith.addi %parallel_loop3A_785, %parallel_loop3A_762 : i32
      %parallel_loop3A_787 = arith.index_cast %parallel_loop3A_786 : i32 to index
      %parallel_loop3A_788 = arith.constant 0 : index
      %parallel_loop3A_789 = tpu.vector_load %arg9[%parallel_loop3A_787, %parallel_loop3A_788] {strides = array<i32>} : memref<256x128xf32, #tpu.memory_space<vmem>>, vector<1x16xf32>,
      %parallel_loop3A_790 = vector.shape_cast %parallel_loop3A_789 : vector<1x16xf32> to vector<16xf32>
      %parallel_loop3A_791 = arith.constant 11.3137083 : f32
      %parallel_loop3A_792 = vector.broadcast %parallel_loop3A_791 : f32 to vector<16xf32>
      %parallel_loop3A_793 = arith.mulf %parallel_loop3A_790, %parallel_loop3A_792 : vector<16xf32>
      %parallel_loop3A_794 = arith.addf %parallel_loop3A_793, %parallel_loop3A_769 : vector<16xf32>
      %parallel_loop3A_795 = arith.index_cast %parallel_loop3A_786 : i32 to index
      %parallel_loop3A_796 = arith.constant 0 : index
      %parallel_loop3A_797 = tpu.vector_load %arg9[%parallel_loop3A_795, %parallel_loop3A_796] {strides = array<i32>} : memref<256x128xf32, #tpu.memory_space<vmem>>, vector<1x16xf32>,
      %parallel_loop3A_798 = vector.shape_cast %parallel_loop3A_797 : vector<1x16xf32> to vector<16xf32>
      %parallel_loop3A_799 = vector.shape_cast %parallel_loop3A_794 : vector<16xf32> to vector<1x16xf32>
      tpu.vector_store %arg9[%parallel_loop3A_795, %parallel_loop3A_796], %parallel_loop3A_799 {strides = array<i32>} : memref<256x128xf32, #tpu.memory_space<vmem>>, vector<1x16xf32>,
      %parallel_loop3A_800 = arith.constant 128 : i32
      %parallel_loop3A_801 = arith.addi %parallel_loop3A_800, %parallel_loop3A_762 : i32
      %parallel_loop3A_802 = arith.index_cast %parallel_loop3A_801 : i32 to index
      %parallel_loop3A_803 = arith.constant 0 : index
      %parallel_loop3A_804 = tpu.vector_load %arg9[%parallel_loop3A_802, %parallel_loop3A_803] {strides = array<i32>} : memref<256x128xf32, #tpu.memory_space<vmem>>, vector<1x16xf32>,
      %parallel_loop3A_805 = vector.shape_cast %parallel_loop3A_804 : vector<1x16xf32> to vector<16xf32>
      %parallel_loop3A_806 = arith.constant 11.3137083 : f32
      %parallel_loop3A_807 = vector.broadcast %parallel_loop3A_806 : f32 to vector<16xf32>
      %parallel_loop3A_808 = arith.mulf %parallel_loop3A_805, %parallel_loop3A_807 : vector<16xf32>
      %parallel_loop3A_809 = arith.addf %parallel_loop3A_808, %parallel_loop3A_769 : vector<16xf32>
      %parallel_loop3A_810 = arith.index_cast %parallel_loop3A_801 : i32 to index
      %parallel_loop3A_811 = arith.constant 0 : index
      %parallel_loop3A_812 = tpu.vector_load %arg9[%parallel_loop3A_810, %parallel_loop3A_811] {strides = array<i32>} : memref<256x128xf32, #tpu.memory_space<vmem>>, vector<1x16xf32>,
      %parallel_loop3A_813 = vector.shape_cast %parallel_loop3A_812 : vector<1x16xf32> to vector<16xf32>
      %parallel_loop3A_814 = vector.shape_cast %parallel_loop3A_809 : vector<16xf32> to vector<1x16xf32>
      tpu.vector_store %arg9[%parallel_loop3A_810, %parallel_loop3A_811], %parallel_loop3A_814 {strides = array<i32>} : memref<256x128xf32, #tpu.memory_space<vmem>>, vector<1x16xf32>,
      %parallel_loop3A_815 = arith.constant 192 : i32
      %parallel_loop3A_816 = arith.addi %parallel_loop3A_815, %parallel_loop3A_762 : i32
      %parallel_loop3A_817 = arith.index_cast %parallel_loop3A_816 : i32 to index
      %parallel_loop3A_818 = arith.constant 0 : index
      %parallel_loop3A_819 = tpu.vector_load %arg9[%parallel_loop3A_817, %parallel_loop3A_818] {strides = array<i32>} : memref<256x128xf32, #tpu.memory_space<vmem>>, vector<1x16xf32>,
      %parallel_loop3A_820 = vector.shape_cast %parallel_loop3A_819 : vector<1x16xf32> to vector<16xf32>
      %parallel_loop3A_821 = arith.constant 11.3137083 : f32
      %parallel_loop3A_822 = vector.broadcast %parallel_loop3A_821 : f32 to vector<16xf32>
      %parallel_loop3A_823 = arith.mulf %parallel_loop3A_820, %parallel_loop3A_822 : vector<16xf32>
      %parallel_loop3A_824 = arith.addf %parallel_loop3A_823, %parallel_loop3A_769 : vector<16xf32>
      %parallel_loop3A_825 = arith.index_cast %parallel_loop3A_816 : i32 to index
      %parallel_loop3A_826 = arith.constant 0 : index
      %parallel_loop3A_827 = tpu.vector_load %arg9[%parallel_loop3A_825, %parallel_loop3A_826] {strides = array<i32>} : memref<256x128xf32, #tpu.memory_space<vmem>>, vector<1x16xf32>,
      %parallel_loop3A_828 = vector.shape_cast %parallel_loop3A_827 : vector<1x16xf32> to vector<16xf32>
      %parallel_loop3A_829 = vector.shape_cast %parallel_loop3A_824 : vector<16xf32> to vector<1x16xf32>
      tpu.vector_store %arg9[%parallel_loop3A_825, %parallel_loop3A_826], %parallel_loop3A_829 {strides = array<i32>} : memref<256x128xf32, #tpu.memory_space<vmem>>, vector<1x16xf32>,
      %parallel_loop3A_830 = arith.constant 128 : i32
      %parallel_loop3A_831 = arith.muli %parallel_loop3A_762, %parallel_loop3A_830 : i32
      %parallel_loop3A_832 = arith.constant 16 : i32
      %parallel_loop3A_833 = arith.addi %parallel_loop3A_831, %parallel_loop3A_832 : i32
      %parallel_loop3A_834 = arith.index_cast %parallel_loop3A_833 : i32 to index
      %parallel_loop3A_835 = tpu.vector_load %arg7[%parallel_loop3A_834] {strides = array<i32>} : memref<8192xf32, #tpu.memory_space<vmem>>, vector<16xf32>,
      %parallel_loop3A_836 = vector.shape_cast %parallel_loop3A_835 : vector<16xf32> to vector<16xf32>
      %parallel_loop3A_837 = arith.constant 0 : i32
      %parallel_loop3A_838 = arith.addi %parallel_loop3A_837, %parallel_loop3A_762 : i32
      %parallel_loop3A_839 = arith.index_cast %parallel_loop3A_838 : i32 to index
      %parallel_loop3A_840 = arith.constant 16 : index
      %parallel_loop3A_841 = tpu.vector_load %arg9[%parallel_loop3A_839, %parallel_loop3A_840] {strides = array<i32>} : memref<256x128xf32, #tpu.memory_space<vmem>>, vector<1x16xf32>,
      %parallel_loop3A_842 = vector.shape_cast %parallel_loop3A_841 : vector<1x16xf32> to vector<16xf32>
      %parallel_loop3A_843 = arith.constant 11.3137083 : f32
      %parallel_loop3A_844 = vector.broadcast %parallel_loop3A_843 : f32 to vector<16xf32>
      %parallel_loop3A_845 = arith.mulf %parallel_loop3A_842, %parallel_loop3A_844 : vector<16xf32>
      %parallel_loop3A_846 = arith.addf %parallel_loop3A_845, %parallel_loop3A_836 : vector<16xf32>
      %parallel_loop3A_847 = arith.index_cast %parallel_loop3A_838 : i32 to index
      %parallel_loop3A_848 = arith.constant 16 : index
      %parallel_loop3A_849 = tpu.vector_load %arg9[%parallel_loop3A_847, %parallel_loop3A_848] {strides = array<i32>} : memref<256x128xf32, #tpu.memory_space<vmem>>, vector<1x16xf32>,
      %parallel_loop3A_850 = vector.shape_cast %parallel_loop3A_849 : vector<1x16xf32> to vector<16xf32>
      %parallel_loop3A_851 = vector.shape_cast %parallel_loop3A_846 : vector<16xf32> to vector<1x16xf32>
      tpu.vector_store %arg9[%parallel_loop3A_847, %parallel_loop3A_848], %parallel_loop3A_851 {strides = array<i32>} : memref<256x128xf32, #tpu.memory_space<vmem>>, vector<1x16xf32>,
      %parallel_loop3A_852 = arith.constant 64 : i32
      %parallel_loop3A_853 = arith.addi %parallel_loop3A_852, %parallel_loop3A_762 : i32
      %parallel_loop3A_854 = arith.index_cast %parallel_loop3A_853 : i32 to index
      %parallel_loop3A_855 = arith.constant 16 : index
      %parallel_loop3A_856 = tpu.vector_load %arg9[%parallel_loop3A_854, %parallel_loop3A_855] {strides = array<i32>} : memref<256x128xf32, #tpu.memory_space<vmem>>, vector<1x16xf32>,
      %parallel_loop3A_857 = vector.shape_cast %parallel_loop3A_856 : vector<1x16xf32> to vector<16xf32>
      %parallel_loop3A_858 = arith.constant 11.3137083 : f32
      %parallel_loop3A_859 = vector.broadcast %parallel_loop3A_858 : f32 to vector<16xf32>
      %parallel_loop3A_860 = arith.mulf %parallel_loop3A_857, %parallel_loop3A_859 : vector<16xf32>
      %parallel_loop3A_861 = arith.addf %parallel_loop3A_860, %parallel_loop3A_836 : vector<16xf32>
      %parallel_loop3A_862 = arith.index_cast %parallel_loop3A_853 : i32 to index
      %parallel_loop3A_863 = arith.constant 16 : index
      %parallel_loop3A_864 = tpu.vector_load %arg9[%parallel_loop3A_862, %parallel_loop3A_863] {strides = array<i32>} : memref<256x128xf32, #tpu.memory_space<vmem>>, vector<1x16xf32>,
      %parallel_loop3A_865 = vector.shape_cast %parallel_loop3A_864 : vector<1x16xf32> to vector<16xf32>
      %parallel_loop3A_866 = vector.shape_cast %parallel_loop3A_861 : vector<16xf32> to vector<1x16xf32>
      tpu.vector_store %arg9[%parallel_loop3A_862, %parallel_loop3A_863], %parallel_loop3A_866 {strides = array<i32>} : memref<256x128xf32, #tpu.memory_space<vmem>>, vector<1x16xf32>,
      %parallel_loop3A_867 = arith.constant 128 : i32
      %parallel_loop3A_868 = arith.addi %parallel_loop3A_867, %parallel_loop3A_762 : i32
      %parallel_loop3A_869 = arith.index_cast %parallel_loop3A_868 : i32 to index
      %parallel_loop3A_870 = arith.constant 16 : index
      %parallel_loop3A_871 = tpu.vector_load %arg9[%parallel_loop3A_869, %parallel_loop3A_870] {strides = array<i32>} : memref<256x128xf32, #tpu.memory_space<vmem>>, vector<1x16xf32>,
      %parallel_loop3A_872 = vector.shape_cast %parallel_loop3A_871 : vector<1x16xf32> to vector<16xf32>
      %parallel_loop3A_873 = arith.constant 11.3137083 : f32
      %parallel_loop3A_874 = vector.broadcast %parallel_loop3A_873 : f32 to vector<16xf32>
      %parallel_loop3A_875 = arith.mulf %parallel_loop3A_872, %parallel_loop3A_874 : vector<16xf32>
      %parallel_loop3A_876 = arith.addf %parallel_loop3A_875, %parallel_loop3A_836 : vector<16xf32>
      %parallel_loop3A_877 = arith.index_cast %parallel_loop3A_868 : i32 to index
      %parallel_loop3A_878 = arith.constant 16 : index
      %parallel_loop3A_879 = tpu.vector_load %arg9[%parallel_loop3A_877, %parallel_loop3A_878] {strides = array<i32>} : memref<256x128xf32, #tpu.memory_space<vmem>>, vector<1x16xf32>,
      %parallel_loop3A_880 = vector.shape_cast %parallel_loop3A_879 : vector<1x16xf32> to vector<16xf32>
      %parallel_loop3A_881 = vector.shape_cast %parallel_loop3A_876 : vector<16xf32> to vector<1x16xf32>
      tpu.vector_store %arg9[%parallel_loop3A_877, %parallel_loop3A_878], %parallel_loop3A_881 {strides = array<i32>} : memref<256x128xf32, #tpu.memory_space<vmem>>, vector<1x16xf32>,
      %parallel_loop3A_882 = arith.constant 192 : i32
      %parallel_loop3A_883 = arith.addi %parallel_loop3A_882, %parallel_loop3A_762 : i32
      %parallel_loop3A_884 = arith.index_cast %parallel_loop3A_883 : i32 to index
      %parallel_loop3A_885 = arith.constant 16 : index
      %parallel_loop3A_886 = tpu.vector_load %arg9[%parallel_loop3A_884, %parallel_loop3A_885] {strides = array<i32>} : memref<256x128xf32, #tpu.memory_space<vmem>>, vector<1x16xf32>,
      %parallel_loop3A_887 = vector.shape_cast %parallel_loop3A_886 : vector<1x16xf32> to vector<16xf32>
      %parallel_loop3A_888 = arith.constant 11.3137083 : f32
      %parallel_loop3A_889 = vector.broadcast %parallel_loop3A_888 : f32 to vector<16xf32>
      %parallel_loop3A_890 = arith.mulf %parallel_loop3A_887, %parallel_loop3A_889 : vector<16xf32>
      %parallel_loop3A_891 = arith.addf %parallel_loop3A_890, %parallel_loop3A_836 : vector<16xf32>
      %parallel_loop3A_892 = arith.index_cast %parallel_loop3A_883 : i32 to index
      %parallel_loop3A_893 = arith.constant 16 : index
      %parallel_loop3A_894 = tpu.vector_load %arg9[%parallel_loop3A_892, %parallel_loop3A_893] {strides = array<i32>} : memref<256x128xf32, #tpu.memory_space<vmem>>, vector<1x16xf32>,
      %parallel_loop3A_895 = vector.shape_cast %parallel_loop3A_894 : vector<1x16xf32> to vector<16xf32>
      %parallel_loop3A_896 = vector.shape_cast %parallel_loop3A_891 : vector<16xf32> to vector<1x16xf32>
      tpu.vector_store %arg9[%parallel_loop3A_892, %parallel_loop3A_893], %parallel_loop3A_896 {strides = array<i32>} : memref<256x128xf32, #tpu.memory_space<vmem>>, vector<1x16xf32>,
      %parallel_loop3A_897 = arith.constant 128 : i32
      %parallel_loop3A_898 = arith.muli %parallel_loop3A_762, %parallel_loop3A_897 : i32
      %parallel_loop3A_899 = arith.constant 32 : i32
      %parallel_loop3A_900 = arith.addi %parallel_loop3A_898, %parallel_loop3A_899 : i32
      %parallel_loop3A_901 = arith.index_cast %parallel_loop3A_900 : i32 to index
      %parallel_loop3A_902 = tpu.vector_load %arg7[%parallel_loop3A_901] {strides = array<i32>} : memref<8192xf32, #tpu.memory_space<vmem>>, vector<16xf32>,
      %parallel_loop3A_903 = vector.shape_cast %parallel_loop3A_902 : vector<16xf32> to vector<16xf32>
      %parallel_loop3A_904 = arith.constant 0 : i32
      %parallel_loop3A_905 = arith.addi %parallel_loop3A_904, %parallel_loop3A_762 : i32
      %parallel_loop3A_906 = arith.index_cast %parallel_loop3A_905 : i32 to index
      %parallel_loop3A_907 = arith.constant 32 : index
      %parallel_loop3A_908 = tpu.vector_load %arg9[%parallel_loop3A_906, %parallel_loop3A_907] {strides = array<i32>} : memref<256x128xf32, #tpu.memory_space<vmem>>, vector<1x16xf32>,
      %parallel_loop3A_909 = vector.shape_cast %parallel_loop3A_908 : vector<1x16xf32> to vector<16xf32>
      %parallel_loop3A_910 = arith.constant 11.3137083 : f32
      %parallel_loop3A_911 = vector.broadcast %parallel_loop3A_910 : f32 to vector<16xf32>
      %parallel_loop3A_912 = arith.mulf %parallel_loop3A_909, %parallel_loop3A_911 : vector<16xf32>
      %parallel_loop3A_913 = arith.addf %parallel_loop3A_912, %parallel_loop3A_903 : vector<16xf32>
      %parallel_loop3A_914 = arith.index_cast %parallel_loop3A_905 : i32 to index
      %parallel_loop3A_915 = arith.constant 32 : index
      %parallel_loop3A_916 = tpu.vector_load %arg9[%parallel_loop3A_914, %parallel_loop3A_915] {strides = array<i32>} : memref<256x128xf32, #tpu.memory_space<vmem>>, vector<1x16xf32>,
      %parallel_loop3A_917 = vector.shape_cast %parallel_loop3A_916 : vector<1x16xf32> to vector<16xf32>
      %parallel_loop3A_918 = vector.shape_cast %parallel_loop3A_913 : vector<16xf32> to vector<1x16xf32>
      tpu.vector_store %arg9[%parallel_loop3A_914, %parallel_loop3A_915], %parallel_loop3A_918 {strides = array<i32>} : memref<256x128xf32, #tpu.memory_space<vmem>>, vector<1x16xf32>,
      %parallel_loop3A_919 = arith.constant 64 : i32
      %parallel_loop3A_920 = arith.addi %parallel_loop3A_919, %parallel_loop3A_762 : i32
      %parallel_loop3A_921 = arith.index_cast %parallel_loop3A_920 : i32 to index
      %parallel_loop3A_922 = arith.constant 32 : index
      %parallel_loop3A_923 = tpu.vector_load %arg9[%parallel_loop3A_921, %parallel_loop3A_922] {strides = array<i32>} : memref<256x128xf32, #tpu.memory_space<vmem>>, vector<1x16xf32>,
      %parallel_loop3A_924 = vector.shape_cast %parallel_loop3A_923 : vector<1x16xf32> to vector<16xf32>
      %parallel_loop3A_925 = arith.constant 11.3137083 : f32
      %parallel_loop3A_926 = vector.broadcast %parallel_loop3A_925 : f32 to vector<16xf32>
      %parallel_loop3A_927 = arith.mulf %parallel_loop3A_924, %parallel_loop3A_926 : vector<16xf32>
      %parallel_loop3A_928 = arith.addf %parallel_loop3A_927, %parallel_loop3A_903 : vector<16xf32>
      %parallel_loop3A_929 = arith.index_cast %parallel_loop3A_920 : i32 to index
      %parallel_loop3A_930 = arith.constant 32 : index
      %parallel_loop3A_931 = tpu.vector_load %arg9[%parallel_loop3A_929, %parallel_loop3A_930] {strides = array<i32>} : memref<256x128xf32, #tpu.memory_space<vmem>>, vector<1x16xf32>,
      %parallel_loop3A_932 = vector.shape_cast %parallel_loop3A_931 : vector<1x16xf32> to vector<16xf32>
      %parallel_loop3A_933 = vector.shape_cast %parallel_loop3A_928 : vector<16xf32> to vector<1x16xf32>
      tpu.vector_store %arg9[%parallel_loop3A_929, %parallel_loop3A_930], %parallel_loop3A_933 {strides = array<i32>} : memref<256x128xf32, #tpu.memory_space<vmem>>, vector<1x16xf32>,
      %parallel_loop3A_934 = arith.constant 128 : i32
      %parallel_loop3A_935 = arith.addi %parallel_loop3A_934, %parallel_loop3A_762 : i32
      %parallel_loop3A_936 = arith.index_cast %parallel_loop3A_935 : i32 to index
      %parallel_loop3A_937 = arith.constant 32 : index
      %parallel_loop3A_938 = tpu.vector_load %arg9[%parallel_loop3A_936, %parallel_loop3A_937] {strides = array<i32>} : memref<256x128xf32, #tpu.memory_space<vmem>>, vector<1x16xf32>,
      %parallel_loop3A_939 = vector.shape_cast %parallel_loop3A_938 : vector<1x16xf32> to vector<16xf32>
      %parallel_loop3A_940 = arith.constant 11.3137083 : f32
      %parallel_loop3A_941 = vector.broadcast %parallel_loop3A_940 : f32 to vector<16xf32>
      %parallel_loop3A_942 = arith.mulf %parallel_loop3A_939, %parallel_loop3A_941 : vector<16xf32>
      %parallel_loop3A_943 = arith.addf %parallel_loop3A_942, %parallel_loop3A_903 : vector<16xf32>
      %parallel_loop3A_944 = arith.index_cast %parallel_loop3A_935 : i32 to index
      %parallel_loop3A_945 = arith.constant 32 : index
      %parallel_loop3A_946 = tpu.vector_load %arg9[%parallel_loop3A_944, %parallel_loop3A_945] {strides = array<i32>} : memref<256x128xf32, #tpu.memory_space<vmem>>, vector<1x16xf32>,
      %parallel_loop3A_947 = vector.shape_cast %parallel_loop3A_946 : vector<1x16xf32> to vector<16xf32>
      %parallel_loop3A_948 = vector.shape_cast %parallel_loop3A_943 : vector<16xf32> to vector<1x16xf32>
      tpu.vector_store %arg9[%parallel_loop3A_944, %parallel_loop3A_945], %parallel_loop3A_948 {strides = array<i32>} : memref<256x128xf32, #tpu.memory_space<vmem>>, vector<1x16xf32>,
      %parallel_loop3A_949 = arith.constant 192 : i32
      %parallel_loop3A_950 = arith.addi %parallel_loop3A_949, %parallel_loop3A_762 : i32
      %parallel_loop3A_951 = arith.index_cast %parallel_loop3A_950 : i32 to index
      %parallel_loop3A_952 = arith.constant 32 : index
      %parallel_loop3A_953 = tpu.vector_load %arg9[%parallel_loop3A_951, %parallel_loop3A_952] {strides = array<i32>} : memref<256x128xf32, #tpu.memory_space<vmem>>, vector<1x16xf32>,
      %parallel_loop3A_954 = vector.shape_cast %parallel_loop3A_953 : vector<1x16xf32> to vector<16xf32>
      %parallel_loop3A_955 = arith.constant 11.3137083 : f32
      %parallel_loop3A_956 = vector.broadcast %parallel_loop3A_955 : f32 to vector<16xf32>
      %parallel_loop3A_957 = arith.mulf %parallel_loop3A_954, %parallel_loop3A_956 : vector<16xf32>
      %parallel_loop3A_958 = arith.addf %parallel_loop3A_957, %parallel_loop3A_903 : vector<16xf32>
      %parallel_loop3A_959 = arith.index_cast %parallel_loop3A_950 : i32 to index
      %parallel_loop3A_960 = arith.constant 32 : index
      %parallel_loop3A_961 = tpu.vector_load %arg9[%parallel_loop3A_959, %parallel_loop3A_960] {strides = array<i32>} : memref<256x128xf32, #tpu.memory_space<vmem>>, vector<1x16xf32>,
      %parallel_loop3A_962 = vector.shape_cast %parallel_loop3A_961 : vector<1x16xf32> to vector<16xf32>
      %parallel_loop3A_963 = vector.shape_cast %parallel_loop3A_958 : vector<16xf32> to vector<1x16xf32>
      tpu.vector_store %arg9[%parallel_loop3A_959, %parallel_loop3A_960], %parallel_loop3A_963 {strides = array<i32>} : memref<256x128xf32, #tpu.memory_space<vmem>>, vector<1x16xf32>,
      %parallel_loop3A_964 = arith.constant 128 : i32
      %parallel_loop3A_965 = arith.muli %parallel_loop3A_762, %parallel_loop3A_964 : i32
      %parallel_loop3A_966 = arith.constant 48 : i32
      %parallel_loop3A_967 = arith.addi %parallel_loop3A_965, %parallel_loop3A_966 : i32
      %parallel_loop3A_968 = arith.index_cast %parallel_loop3A_967 : i32 to index
      %parallel_loop3A_969 = tpu.vector_load %arg7[%parallel_loop3A_968] {strides = array<i32>} : memref<8192xf32, #tpu.memory_space<vmem>>, vector<16xf32>,
      %parallel_loop3A_970 = vector.shape_cast %parallel_loop3A_969 : vector<16xf32> to vector<16xf32>
      %parallel_loop3A_971 = arith.constant 0 : i32
      %parallel_loop3A_972 = arith.addi %parallel_loop3A_971, %parallel_loop3A_762 : i32
      %parallel_loop3A_973 = arith.index_cast %parallel_loop3A_972 : i32 to index
      %parallel_loop3A_974 = arith.constant 48 : index
      %parallel_loop3A_975 = tpu.vector_load %arg9[%parallel_loop3A_973, %parallel_loop3A_974] {strides = array<i32>} : memref<256x128xf32, #tpu.memory_space<vmem>>, vector<1x16xf32>,
      %parallel_loop3A_976 = vector.shape_cast %parallel_loop3A_975 : vector<1x16xf32> to vector<16xf32>
      %parallel_loop3A_977 = arith.constant 11.3137083 : f32
      %parallel_loop3A_978 = vector.broadcast %parallel_loop3A_977 : f32 to vector<16xf32>
      %parallel_loop3A_979 = arith.mulf %parallel_loop3A_976, %parallel_loop3A_978 : vector<16xf32>
      %parallel_loop3A_980 = arith.addf %parallel_loop3A_979, %parallel_loop3A_970 : vector<16xf32>
      %parallel_loop3A_981 = arith.index_cast %parallel_loop3A_972 : i32 to index
      %parallel_loop3A_982 = arith.constant 48 : index
      %parallel_loop3A_983 = tpu.vector_load %arg9[%parallel_loop3A_981, %parallel_loop3A_982] {strides = array<i32>} : memref<256x128xf32, #tpu.memory_space<vmem>>, vector<1x16xf32>,
      %parallel_loop3A_984 = vector.shape_cast %parallel_loop3A_983 : vector<1x16xf32> to vector<16xf32>
      %parallel_loop3A_985 = vector.shape_cast %parallel_loop3A_980 : vector<16xf32> to vector<1x16xf32>
      tpu.vector_store %arg9[%parallel_loop3A_981, %parallel_loop3A_982], %parallel_loop3A_985 {strides = array<i32>} : memref<256x128xf32, #tpu.memory_space<vmem>>, vector<1x16xf32>,
      %parallel_loop3A_986 = arith.constant 64 : i32
      %parallel_loop3A_987 = arith.addi %parallel_loop3A_986, %parallel_loop3A_762 : i32
      %parallel_loop3A_988 = arith.index_cast %parallel_loop3A_987 : i32 to index
      %parallel_loop3A_989 = arith.constant 48 : index
      %parallel_loop3A_990 = tpu.vector_load %arg9[%parallel_loop3A_988, %parallel_loop3A_989] {strides = array<i32>} : memref<256x128xf32, #tpu.memory_space<vmem>>, vector<1x16xf32>,
      %parallel_loop3A_991 = vector.shape_cast %parallel_loop3A_990 : vector<1x16xf32> to vector<16xf32>
      %parallel_loop3A_992 = arith.constant 11.3137083 : f32
      %parallel_loop3A_993 = vector.broadcast %parallel_loop3A_992 : f32 to vector<16xf32>
      %parallel_loop3A_994 = arith.mulf %parallel_loop3A_991, %parallel_loop3A_993 : vector<16xf32>
      %parallel_loop3A_995 = arith.addf %parallel_loop3A_994, %parallel_loop3A_970 : vector<16xf32>
      %parallel_loop3A_996 = arith.index_cast %parallel_loop3A_987 : i32 to index
      %parallel_loop3A_997 = arith.constant 48 : index
      %parallel_loop3A_998 = tpu.vector_load %arg9[%parallel_loop3A_996, %parallel_loop3A_997] {strides = array<i32>} : memref<256x128xf32, #tpu.memory_space<vmem>>, vector<1x16xf32>,
      %parallel_loop3A_999 = vector.shape_cast %parallel_loop3A_998 : vector<1x16xf32> to vector<16xf32>
      %parallel_loop3A_1000 = vector.shape_cast %parallel_loop3A_995 : vector<16xf32> to vector<1x16xf32>
      tpu.vector_store %arg9[%parallel_loop3A_996, %parallel_loop3A_997], %parallel_loop3A_1000 {strides = array<i32>} : memref<256x128xf32, #tpu.memory_space<vmem>>, vector<1x16xf32>,
      %parallel_loop3A_1001 = arith.constant 128 : i32
      %parallel_loop3A_1002 = arith.addi %parallel_loop3A_1001, %parallel_loop3A_762 : i32
      %parallel_loop3A_1003 = arith.index_cast %parallel_loop3A_1002 : i32 to index
      %parallel_loop3A_1004 = arith.constant 48 : index
      %parallel_loop3A_1005 = tpu.vector_load %arg9[%parallel_loop3A_1003, %parallel_loop3A_1004] {strides = array<i32>} : memref<256x128xf32, #tpu.memory_space<vmem>>, vector<1x16xf32>,
      %parallel_loop3A_1006 = vector.shape_cast %parallel_loop3A_1005 : vector<1x16xf32> to vector<16xf32>
      %parallel_loop3A_1007 = arith.constant 11.3137083 : f32
      %parallel_loop3A_1008 = vector.broadcast %parallel_loop3A_1007 : f32 to vector<16xf32>
      %parallel_loop3A_1009 = arith.mulf %parallel_loop3A_1006, %parallel_loop3A_1008 : vector<16xf32>
      %parallel_loop3A_1010 = arith.addf %parallel_loop3A_1009, %parallel_loop3A_970 : vector<16xf32>
      %parallel_loop3A_1011 = arith.index_cast %parallel_loop3A_1002 : i32 to index
      %parallel_loop3A_1012 = arith.constant 48 : index
      %parallel_loop3A_1013 = tpu.vector_load %arg9[%parallel_loop3A_1011, %parallel_loop3A_1012] {strides = array<i32>} : memref<256x128xf32, #tpu.memory_space<vmem>>, vector<1x16xf32>,
      %parallel_loop3A_1014 = vector.shape_cast %parallel_loop3A_1013 : vector<1x16xf32> to vector<16xf32>
      %parallel_loop3A_1015 = vector.shape_cast %parallel_loop3A_1010 : vector<16xf32> to vector<1x16xf32>
      tpu.vector_store %arg9[%parallel_loop3A_1011, %parallel_loop3A_1012], %parallel_loop3A_1015 {strides = array<i32>} : memref<256x128xf32, #tpu.memory_space<vmem>>, vector<1x16xf32>,
      %parallel_loop3A_1016 = arith.constant 192 : i32
      %parallel_loop3A_1017 = arith.addi %parallel_loop3A_1016, %parallel_loop3A_762 : i32
      %parallel_loop3A_1018 = arith.index_cast %parallel_loop3A_1017 : i32 to index
      %parallel_loop3A_1019 = arith.constant 48 : index
      %parallel_loop3A_1020 = tpu.vector_load %arg9[%parallel_loop3A_1018, %parallel_loop3A_1019] {strides = array<i32>} : memref<256x128xf32, #tpu.memory_space<vmem>>, vector<1x16xf32>,
      %parallel_loop3A_1021 = vector.shape_cast %parallel_loop3A_1020 : vector<1x16xf32> to vector<16xf32>
      %parallel_loop3A_1022 = arith.constant 11.3137083 : f32
      %parallel_loop3A_1023 = vector.broadcast %parallel_loop3A_1022 : f32 to vector<16xf32>
      %parallel_loop3A_1024 = arith.mulf %parallel_loop3A_1021, %parallel_loop3A_1023 : vector<16xf32>
      %parallel_loop3A_1025 = arith.addf %parallel_loop3A_1024, %parallel_loop3A_970 : vector<16xf32>
      %parallel_loop3A_1026 = arith.index_cast %parallel_loop3A_1017 : i32 to index
      %parallel_loop3A_1027 = arith.constant 48 : index
      %parallel_loop3A_1028 = tpu.vector_load %arg9[%parallel_loop3A_1026, %parallel_loop3A_1027] {strides = array<i32>} : memref<256x128xf32, #tpu.memory_space<vmem>>, vector<1x16xf32>,
      %parallel_loop3A_1029 = vector.shape_cast %parallel_loop3A_1028 : vector<1x16xf32> to vector<16xf32>
      %parallel_loop3A_1030 = vector.shape_cast %parallel_loop3A_1025 : vector<16xf32> to vector<1x16xf32>
      tpu.vector_store %arg9[%parallel_loop3A_1026, %parallel_loop3A_1027], %parallel_loop3A_1030 {strides = array<i32>} : memref<256x128xf32, #tpu.memory_space<vmem>>, vector<1x16xf32>,
      %parallel_loop3A_1031 = arith.constant 128 : i32
      %parallel_loop3A_1032 = arith.muli %parallel_loop3A_762, %parallel_loop3A_1031 : i32
      %parallel_loop3A_1033 = arith.constant 64 : i32
      %parallel_loop3A_1034 = arith.addi %parallel_loop3A_1032, %parallel_loop3A_1033 : i32
      %parallel_loop3A_1035 = arith.index_cast %parallel_loop3A_1034 : i32 to index
      %parallel_loop3A_1036 = tpu.vector_load %arg7[%parallel_loop3A_1035] {strides = array<i32>} : memref<8192xf32, #tpu.memory_space<vmem>>, vector<16xf32>,
      %parallel_loop3A_1037 = vector.shape_cast %parallel_loop3A_1036 : vector<16xf32> to vector<16xf32>
      %parallel_loop3A_1038 = arith.constant 0 : i32
      %parallel_loop3A_1039 = arith.addi %parallel_loop3A_1038, %parallel_loop3A_762 : i32
      %parallel_loop3A_1040 = arith.index_cast %parallel_loop3A_1039 : i32 to index
      %parallel_loop3A_1041 = arith.constant 64 : index
      %parallel_loop3A_1042 = tpu.vector_load %arg9[%parallel_loop3A_1040, %parallel_loop3A_1041] {strides = array<i32>} : memref<256x128xf32, #tpu.memory_space<vmem>>, vector<1x16xf32>,
      %parallel_loop3A_1043 = vector.shape_cast %parallel_loop3A_1042 : vector<1x16xf32> to vector<16xf32>
      %parallel_loop3A_1044 = arith.constant 11.3137083 : f32
      %parallel_loop3A_1045 = vector.broadcast %parallel_loop3A_1044 : f32 to vector<16xf32>
      %parallel_loop3A_1046 = arith.mulf %parallel_loop3A_1043, %parallel_loop3A_1045 : vector<16xf32>
      %parallel_loop3A_1047 = arith.addf %parallel_loop3A_1046, %parallel_loop3A_1037 : vector<16xf32>
      %parallel_loop3A_1048 = arith.index_cast %parallel_loop3A_1039 : i32 to index
      %parallel_loop3A_1049 = arith.constant 64 : index
      %parallel_loop3A_1050 = tpu.vector_load %arg9[%parallel_loop3A_1048, %parallel_loop3A_1049] {strides = array<i32>} : memref<256x128xf32, #tpu.memory_space<vmem>>, vector<1x16xf32>,
      %parallel_loop3A_1051 = vector.shape_cast %parallel_loop3A_1050 : vector<1x16xf32> to vector<16xf32>
      %parallel_loop3A_1052 = vector.shape_cast %parallel_loop3A_1047 : vector<16xf32> to vector<1x16xf32>
      tpu.vector_store %arg9[%parallel_loop3A_1048, %parallel_loop3A_1049], %parallel_loop3A_1052 {strides = array<i32>} : memref<256x128xf32, #tpu.memory_space<vmem>>, vector<1x16xf32>,
      %parallel_loop3A_1053 = arith.constant 64 : i32
      %parallel_loop3A_1054 = arith.addi %parallel_loop3A_1053, %parallel_loop3A_762 : i32
      %parallel_loop3A_1055 = arith.index_cast %parallel_loop3A_1054 : i32 to index
      %parallel_loop3A_1056 = arith.constant 64 : index
      %parallel_loop3A_1057 = tpu.vector_load %arg9[%parallel_loop3A_1055, %parallel_loop3A_1056] {strides = array<i32>} : memref<256x128xf32, #tpu.memory_space<vmem>>, vector<1x16xf32>,
      %parallel_loop3A_1058 = vector.shape_cast %parallel_loop3A_1057 : vector<1x16xf32> to vector<16xf32>
      %parallel_loop3A_1059 = arith.constant 11.3137083 : f32
      %parallel_loop3A_1060 = vector.broadcast %parallel_loop3A_1059 : f32 to vector<16xf32>
      %parallel_loop3A_1061 = arith.mulf %parallel_loop3A_1058, %parallel_loop3A_1060 : vector<16xf32>
      %parallel_loop3A_1062 = arith.addf %parallel_loop3A_1061, %parallel_loop3A_1037 : vector<16xf32>
      %parallel_loop3A_1063 = arith.index_cast %parallel_loop3A_1054 : i32 to index
      %parallel_loop3A_1064 = arith.constant 64 : index
      %parallel_loop3A_1065 = tpu.vector_load %arg9[%parallel_loop3A_1063, %parallel_loop3A_1064] {strides = array<i32>} : memref<256x128xf32, #tpu.memory_space<vmem>>, vector<1x16xf32>,
      %parallel_loop3A_1066 = vector.shape_cast %parallel_loop3A_1065 : vector<1x16xf32> to vector<16xf32>
      %parallel_loop3A_1067 = vector.shape_cast %parallel_loop3A_1062 : vector<16xf32> to vector<1x16xf32>
      tpu.vector_store %arg9[%parallel_loop3A_1063, %parallel_loop3A_1064], %parallel_loop3A_1067 {strides = array<i32>} : memref<256x128xf32, #tpu.memory_space<vmem>>, vector<1x16xf32>,
      %parallel_loop3A_1068 = arith.constant 128 : i32
      %parallel_loop3A_1069 = arith.addi %parallel_loop3A_1068, %parallel_loop3A_762 : i32
      %parallel_loop3A_1070 = arith.index_cast %parallel_loop3A_1069 : i32 to index
      %parallel_loop3A_1071 = arith.constant 64 : index
      %parallel_loop3A_1072 = tpu.vector_load %arg9[%parallel_loop3A_1070, %parallel_loop3A_1071] {strides = array<i32>} : memref<256x128xf32, #tpu.memory_space<vmem>>, vector<1x16xf32>,
      %parallel_loop3A_1073 = vector.shape_cast %parallel_loop3A_1072 : vector<1x16xf32> to vector<16xf32>
      %parallel_loop3A_1074 = arith.constant 11.3137083 : f32
      %parallel_loop3A_1075 = vector.broadcast %parallel_loop3A_1074 : f32 to vector<16xf32>
      %parallel_loop3A_1076 = arith.mulf %parallel_loop3A_1073, %parallel_loop3A_1075 : vector<16xf32>
      %parallel_loop3A_1077 = arith.addf %parallel_loop3A_1076, %parallel_loop3A_1037 : vector<16xf32>
      %parallel_loop3A_1078 = arith.index_cast %parallel_loop3A_1069 : i32 to index
      %parallel_loop3A_1079 = arith.constant 64 : index
      %parallel_loop3A_1080 = tpu.vector_load %arg9[%parallel_loop3A_1078, %parallel_loop3A_1079] {strides = array<i32>} : memref<256x128xf32, #tpu.memory_space<vmem>>, vector<1x16xf32>,
      %parallel_loop3A_1081 = vector.shape_cast %parallel_loop3A_1080 : vector<1x16xf32> to vector<16xf32>
      %parallel_loop3A_1082 = vector.shape_cast %parallel_loop3A_1077 : vector<16xf32> to vector<1x16xf32>
      tpu.vector_store %arg9[%parallel_loop3A_1078, %parallel_loop3A_1079], %parallel_loop3A_1082 {strides = array<i32>} : memref<256x128xf32, #tpu.memory_space<vmem>>, vector<1x16xf32>,
      %parallel_loop3A_1083 = arith.constant 192 : i32
      %parallel_loop3A_1084 = arith.addi %parallel_loop3A_1083, %parallel_loop3A_762 : i32
      %parallel_loop3A_1085 = arith.index_cast %parallel_loop3A_1084 : i32 to index
      %parallel_loop3A_1086 = arith.constant 64 : index
      %parallel_loop3A_1087 = tpu.vector_load %arg9[%parallel_loop3A_1085, %parallel_loop3A_1086] {strides = array<i32>} : memref<256x128xf32, #tpu.memory_space<vmem>>, vector<1x16xf32>,
      %parallel_loop3A_1088 = vector.shape_cast %parallel_loop3A_1087 : vector<1x16xf32> to vector<16xf32>
      %parallel_loop3A_1089 = arith.constant 11.3137083 : f32
      %parallel_loop3A_1090 = vector.broadcast %parallel_loop3A_1089 : f32 to vector<16xf32>
      %parallel_loop3A_1091 = arith.mulf %parallel_loop3A_1088, %parallel_loop3A_1090 : vector<16xf32>
      %parallel_loop3A_1092 = arith.addf %parallel_loop3A_1091, %parallel_loop3A_1037 : vector<16xf32>
      %parallel_loop3A_1093 = arith.index_cast %parallel_loop3A_1084 : i32 to index
      %parallel_loop3A_1094 = arith.constant 64 : index
      %parallel_loop3A_1095 = tpu.vector_load %arg9[%parallel_loop3A_1093, %parallel_loop3A_1094] {strides = array<i32>} : memref<256x128xf32, #tpu.memory_space<vmem>>, vector<1x16xf32>,
      %parallel_loop3A_1096 = vector.shape_cast %parallel_loop3A_1095 : vector<1x16xf32> to vector<16xf32>
      %parallel_loop3A_1097 = vector.shape_cast %parallel_loop3A_1092 : vector<16xf32> to vector<1x16xf32>
      tpu.vector_store %arg9[%parallel_loop3A_1093, %parallel_loop3A_1094], %parallel_loop3A_1097 {strides = array<i32>} : memref<256x128xf32, #tpu.memory_space<vmem>>, vector<1x16xf32>,
      %parallel_loop3A_1098 = arith.constant 128 : i32
      %parallel_loop3A_1099 = arith.muli %parallel_loop3A_762, %parallel_loop3A_1098 : i32
      %parallel_loop3A_1100 = arith.constant 80 : i32
      %parallel_loop3A_1101 = arith.addi %parallel_loop3A_1099, %parallel_loop3A_1100 : i32
      %parallel_loop3A_1102 = arith.index_cast %parallel_loop3A_1101 : i32 to index
      %parallel_loop3A_1103 = tpu.vector_load %arg7[%parallel_loop3A_1102] {strides = array<i32>} : memref<8192xf32, #tpu.memory_space<vmem>>, vector<16xf32>,
      %parallel_loop3A_1104 = vector.shape_cast %parallel_loop3A_1103 : vector<16xf32> to vector<16xf32>
      %parallel_loop3A_1105 = arith.constant 0 : i32
      %parallel_loop3A_1106 = arith.addi %parallel_loop3A_1105, %parallel_loop3A_762 : i32
      %parallel_loop3A_1107 = arith.index_cast %parallel_loop3A_1106 : i32 to index
      %parallel_loop3A_1108 = arith.constant 80 : index
      %parallel_loop3A_1109 = tpu.vector_load %arg9[%parallel_loop3A_1107, %parallel_loop3A_1108] {strides = array<i32>} : memref<256x128xf32, #tpu.memory_space<vmem>>, vector<1x16xf32>,
      %parallel_loop3A_1110 = vector.shape_cast %parallel_loop3A_1109 : vector<1x16xf32> to vector<16xf32>
      %parallel_loop3A_1111 = arith.constant 11.3137083 : f32
      %parallel_loop3A_1112 = vector.broadcast %parallel_loop3A_1111 : f32 to vector<16xf32>
      %parallel_loop3A_1113 = arith.mulf %parallel_loop3A_1110, %parallel_loop3A_1112 : vector<16xf32>
      %parallel_loop3A_1114 = arith.addf %parallel_loop3A_1113, %parallel_loop3A_1104 : vector<16xf32>
      %parallel_loop3A_1115 = arith.index_cast %parallel_loop3A_1106 : i32 to index
      %parallel_loop3A_1116 = arith.constant 80 : index
      %parallel_loop3A_1117 = tpu.vector_load %arg9[%parallel_loop3A_1115, %parallel_loop3A_1116] {strides = array<i32>} : memref<256x128xf32, #tpu.memory_space<vmem>>, vector<1x16xf32>,
      %parallel_loop3A_1118 = vector.shape_cast %parallel_loop3A_1117 : vector<1x16xf32> to vector<16xf32>
      %parallel_loop3A_1119 = vector.shape_cast %parallel_loop3A_1114 : vector<16xf32> to vector<1x16xf32>
      tpu.vector_store %arg9[%parallel_loop3A_1115, %parallel_loop3A_1116], %parallel_loop3A_1119 {strides = array<i32>} : memref<256x128xf32, #tpu.memory_space<vmem>>, vector<1x16xf32>,
      %parallel_loop3A_1120 = arith.constant 64 : i32
      %parallel_loop3A_1121 = arith.addi %parallel_loop3A_1120, %parallel_loop3A_762 : i32
      %parallel_loop3A_1122 = arith.index_cast %parallel_loop3A_1121 : i32 to index
      %parallel_loop3A_1123 = arith.constant 80 : index
      %parallel_loop3A_1124 = tpu.vector_load %arg9[%parallel_loop3A_1122, %parallel_loop3A_1123] {strides = array<i32>} : memref<256x128xf32, #tpu.memory_space<vmem>>, vector<1x16xf32>,
      %parallel_loop3A_1125 = vector.shape_cast %parallel_loop3A_1124 : vector<1x16xf32> to vector<16xf32>
      %parallel_loop3A_1126 = arith.constant 11.3137083 : f32
      %parallel_loop3A_1127 = vector.broadcast %parallel_loop3A_1126 : f32 to vector<16xf32>
      %parallel_loop3A_1128 = arith.mulf %parallel_loop3A_1125, %parallel_loop3A_1127 : vector<16xf32>
      %parallel_loop3A_1129 = arith.addf %parallel_loop3A_1128, %parallel_loop3A_1104 : vector<16xf32>
      %parallel_loop3A_1130 = arith.index_cast %parallel_loop3A_1121 : i32 to index
      %parallel_loop3A_1131 = arith.constant 80 : index
      %parallel_loop3A_1132 = tpu.vector_load %arg9[%parallel_loop3A_1130, %parallel_loop3A_1131] {strides = array<i32>} : memref<256x128xf32, #tpu.memory_space<vmem>>, vector<1x16xf32>,
      %parallel_loop3A_1133 = vector.shape_cast %parallel_loop3A_1132 : vector<1x16xf32> to vector<16xf32>
      %parallel_loop3A_1134 = vector.shape_cast %parallel_loop3A_1129 : vector<16xf32> to vector<1x16xf32>
      tpu.vector_store %arg9[%parallel_loop3A_1130, %parallel_loop3A_1131], %parallel_loop3A_1134 {strides = array<i32>} : memref<256x128xf32, #tpu.memory_space<vmem>>, vector<1x16xf32>,
      %parallel_loop3A_1135 = arith.constant 128 : i32
      %parallel_loop3A_1136 = arith.addi %parallel_loop3A_1135, %parallel_loop3A_762 : i32
      %parallel_loop3A_1137 = arith.index_cast %parallel_loop3A_1136 : i32 to index
      %parallel_loop3A_1138 = arith.constant 80 : index
      %parallel_loop3A_1139 = tpu.vector_load %arg9[%parallel_loop3A_1137, %parallel_loop3A_1138] {strides = array<i32>} : memref<256x128xf32, #tpu.memory_space<vmem>>, vector<1x16xf32>,
      %parallel_loop3A_1140 = vector.shape_cast %parallel_loop3A_1139 : vector<1x16xf32> to vector<16xf32>
      %parallel_loop3A_1141 = arith.constant 11.3137083 : f32
      %parallel_loop3A_1142 = vector.broadcast %parallel_loop3A_1141 : f32 to vector<16xf32>
      %parallel_loop3A_1143 = arith.mulf %parallel_loop3A_1140, %parallel_loop3A_1142 : vector<16xf32>
      %parallel_loop3A_1144 = arith.addf %parallel_loop3A_1143, %parallel_loop3A_1104 : vector<16xf32>
      %parallel_loop3A_1145 = arith.index_cast %parallel_loop3A_1136 : i32 to index
      %parallel_loop3A_1146 = arith.constant 80 : index
      %parallel_loop3A_1147 = tpu.vector_load %arg9[%parallel_loop3A_1145, %parallel_loop3A_1146] {strides = array<i32>} : memref<256x128xf32, #tpu.memory_space<vmem>>, vector<1x16xf32>,
      %parallel_loop3A_1148 = vector.shape_cast %parallel_loop3A_1147 : vector<1x16xf32> to vector<16xf32>
      %parallel_loop3A_1149 = vector.shape_cast %parallel_loop3A_1144 : vector<16xf32> to vector<1x16xf32>
      tpu.vector_store %arg9[%parallel_loop3A_1145, %parallel_loop3A_1146], %parallel_loop3A_1149 {strides = array<i32>} : memref<256x128xf32, #tpu.memory_space<vmem>>, vector<1x16xf32>,
      %parallel_loop3A_1150 = arith.constant 192 : i32
      %parallel_loop3A_1151 = arith.addi %parallel_loop3A_1150, %parallel_loop3A_762 : i32
      %parallel_loop3A_1152 = arith.index_cast %parallel_loop3A_1151 : i32 to index
      %parallel_loop3A_1153 = arith.constant 80 : index
      %parallel_loop3A_1154 = tpu.vector_load %arg9[%parallel_loop3A_1152, %parallel_loop3A_1153] {strides = array<i32>} : memref<256x128xf32, #tpu.memory_space<vmem>>, vector<1x16xf32>,
      %parallel_loop3A_1155 = vector.shape_cast %parallel_loop3A_1154 : vector<1x16xf32> to vector<16xf32>
      %parallel_loop3A_1156 = arith.constant 11.3137083 : f32
      %parallel_loop3A_1157 = vector.broadcast %parallel_loop3A_1156 : f32 to vector<16xf32>
      %parallel_loop3A_1158 = arith.mulf %parallel_loop3A_1155, %parallel_loop3A_1157 : vector<16xf32>
      %parallel_loop3A_1159 = arith.addf %parallel_loop3A_1158, %parallel_loop3A_1104 : vector<16xf32>
      %parallel_loop3A_1160 = arith.index_cast %parallel_loop3A_1151 : i32 to index
      %parallel_loop3A_1161 = arith.constant 80 : index
      %parallel_loop3A_1162 = tpu.vector_load %arg9[%parallel_loop3A_1160, %parallel_loop3A_1161] {strides = array<i32>} : memref<256x128xf32, #tpu.memory_space<vmem>>, vector<1x16xf32>,
      %parallel_loop3A_1163 = vector.shape_cast %parallel_loop3A_1162 : vector<1x16xf32> to vector<16xf32>
      %parallel_loop3A_1164 = vector.shape_cast %parallel_loop3A_1159 : vector<16xf32> to vector<1x16xf32>
      tpu.vector_store %arg9[%parallel_loop3A_1160, %parallel_loop3A_1161], %parallel_loop3A_1164 {strides = array<i32>} : memref<256x128xf32, #tpu.memory_space<vmem>>, vector<1x16xf32>,
      %parallel_loop3A_1165 = arith.constant 128 : i32
      %parallel_loop3A_1166 = arith.muli %parallel_loop3A_762, %parallel_loop3A_1165 : i32
      %parallel_loop3A_1167 = arith.constant 96 : i32
      %parallel_loop3A_1168 = arith.addi %parallel_loop3A_1166, %parallel_loop3A_1167 : i32
      %parallel_loop3A_1169 = arith.index_cast %parallel_loop3A_1168 : i32 to index
      %parallel_loop3A_1170 = tpu.vector_load %arg7[%parallel_loop3A_1169] {strides = array<i32>} : memref<8192xf32, #tpu.memory_space<vmem>>, vector<16xf32>,
      %parallel_loop3A_1171 = vector.shape_cast %parallel_loop3A_1170 : vector<16xf32> to vector<16xf32>
      %parallel_loop3A_1172 = arith.constant 0 : i32
      %parallel_loop3A_1173 = arith.addi %parallel_loop3A_1172, %parallel_loop3A_762 : i32
      %parallel_loop3A_1174 = arith.index_cast %parallel_loop3A_1173 : i32 to index
      %parallel_loop3A_1175 = arith.constant 96 : index
      %parallel_loop3A_1176 = tpu.vector_load %arg9[%parallel_loop3A_1174, %parallel_loop3A_1175] {strides = array<i32>} : memref<256x128xf32, #tpu.memory_space<vmem>>, vector<1x16xf32>,
      %parallel_loop3A_1177 = vector.shape_cast %parallel_loop3A_1176 : vector<1x16xf32> to vector<16xf32>
      %parallel_loop3A_1178 = arith.constant 11.3137083 : f32
      %parallel_loop3A_1179 = vector.broadcast %parallel_loop3A_1178 : f32 to vector<16xf32>
      %parallel_loop3A_1180 = arith.mulf %parallel_loop3A_1177, %parallel_loop3A_1179 : vector<16xf32>
      %parallel_loop3A_1181 = arith.addf %parallel_loop3A_1180, %parallel_loop3A_1171 : vector<16xf32>
      %parallel_loop3A_1182 = arith.index_cast %parallel_loop3A_1173 : i32 to index
      %parallel_loop3A_1183 = arith.constant 96 : index
      %parallel_loop3A_1184 = tpu.vector_load %arg9[%parallel_loop3A_1182, %parallel_loop3A_1183] {strides = array<i32>} : memref<256x128xf32, #tpu.memory_space<vmem>>, vector<1x16xf32>,
      %parallel_loop3A_1185 = vector.shape_cast %parallel_loop3A_1184 : vector<1x16xf32> to vector<16xf32>
      %parallel_loop3A_1186 = vector.shape_cast %parallel_loop3A_1181 : vector<16xf32> to vector<1x16xf32>
      tpu.vector_store %arg9[%parallel_loop3A_1182, %parallel_loop3A_1183], %parallel_loop3A_1186 {strides = array<i32>} : memref<256x128xf32, #tpu.memory_space<vmem>>, vector<1x16xf32>,
      %parallel_loop3A_1187 = arith.constant 64 : i32
      %parallel_loop3A_1188 = arith.addi %parallel_loop3A_1187, %parallel_loop3A_762 : i32
      %parallel_loop3A_1189 = arith.index_cast %parallel_loop3A_1188 : i32 to index
      %parallel_loop3A_1190 = arith.constant 96 : index
      %parallel_loop3A_1191 = tpu.vector_load %arg9[%parallel_loop3A_1189, %parallel_loop3A_1190] {strides = array<i32>} : memref<256x128xf32, #tpu.memory_space<vmem>>, vector<1x16xf32>,
      %parallel_loop3A_1192 = vector.shape_cast %parallel_loop3A_1191 : vector<1x16xf32> to vector<16xf32>
      %parallel_loop3A_1193 = arith.constant 11.3137083 : f32
      %parallel_loop3A_1194 = vector.broadcast %parallel_loop3A_1193 : f32 to vector<16xf32>
      %parallel_loop3A_1195 = arith.mulf %parallel_loop3A_1192, %parallel_loop3A_1194 : vector<16xf32>
      %parallel_loop3A_1196 = arith.addf %parallel_loop3A_1195, %parallel_loop3A_1171 : vector<16xf32>
      %parallel_loop3A_1197 = arith.index_cast %parallel_loop3A_1188 : i32 to index
      %parallel_loop3A_1198 = arith.constant 96 : index
      %parallel_loop3A_1199 = tpu.vector_load %arg9[%parallel_loop3A_1197, %parallel_loop3A_1198] {strides = array<i32>} : memref<256x128xf32, #tpu.memory_space<vmem>>, vector<1x16xf32>,
      %parallel_loop3A_1200 = vector.shape_cast %parallel_loop3A_1199 : vector<1x16xf32> to vector<16xf32>
      %parallel_loop3A_1201 = vector.shape_cast %parallel_loop3A_1196 : vector<16xf32> to vector<1x16xf32>
      tpu.vector_store %arg9[%parallel_loop3A_1197, %parallel_loop3A_1198], %parallel_loop3A_1201 {strides = array<i32>} : memref<256x128xf32, #tpu.memory_space<vmem>>, vector<1x16xf32>,
      %parallel_loop3A_1202 = arith.constant 128 : i32
      %parallel_loop3A_1203 = arith.addi %parallel_loop3A_1202, %parallel_loop3A_762 : i32
      %parallel_loop3A_1204 = arith.index_cast %parallel_loop3A_1203 : i32 to index
      %parallel_loop3A_1205 = arith.constant 96 : index
      %parallel_loop3A_1206 = tpu.vector_load %arg9[%parallel_loop3A_1204, %parallel_loop3A_1205] {strides = array<i32>} : memref<256x128xf32, #tpu.memory_space<vmem>>, vector<1x16xf32>,
      %parallel_loop3A_1207 = vector.shape_cast %parallel_loop3A_1206 : vector<1x16xf32> to vector<16xf32>
      %parallel_loop3A_1208 = arith.constant 11.3137083 : f32
      %parallel_loop3A_1209 = vector.broadcast %parallel_loop3A_1208 : f32 to vector<16xf32>
      %parallel_loop3A_1210 = arith.mulf %parallel_loop3A_1207, %parallel_loop3A_1209 : vector<16xf32>
      %parallel_loop3A_1211 = arith.addf %parallel_loop3A_1210, %parallel_loop3A_1171 : vector<16xf32>
      %parallel_loop3A_1212 = arith.index_cast %parallel_loop3A_1203 : i32 to index
      %parallel_loop3A_1213 = arith.constant 96 : index
      %parallel_loop3A_1214 = tpu.vector_load %arg9[%parallel_loop3A_1212, %parallel_loop3A_1213] {strides = array<i32>} : memref<256x128xf32, #tpu.memory_space<vmem>>, vector<1x16xf32>,
      %parallel_loop3A_1215 = vector.shape_cast %parallel_loop3A_1214 : vector<1x16xf32> to vector<16xf32>
      %parallel_loop3A_1216 = vector.shape_cast %parallel_loop3A_1211 : vector<16xf32> to vector<1x16xf32>
      tpu.vector_store %arg9[%parallel_loop3A_1212, %parallel_loop3A_1213], %parallel_loop3A_1216 {strides = array<i32>} : memref<256x128xf32, #tpu.memory_space<vmem>>, vector<1x16xf32>,
      %parallel_loop3A_1217 = arith.constant 192 : i32
      %parallel_loop3A_1218 = arith.addi %parallel_loop3A_1217, %parallel_loop3A_762 : i32
      %parallel_loop3A_1219 = arith.index_cast %parallel_loop3A_1218 : i32 to index
      %parallel_loop3A_1220 = arith.constant 96 : index
      %parallel_loop3A_1221 = tpu.vector_load %arg9[%parallel_loop3A_1219, %parallel_loop3A_1220] {strides = array<i32>} : memref<256x128xf32, #tpu.memory_space<vmem>>, vector<1x16xf32>,
      %parallel_loop3A_1222 = vector.shape_cast %parallel_loop3A_1221 : vector<1x16xf32> to vector<16xf32>
      %parallel_loop3A_1223 = arith.constant 11.3137083 : f32
      %parallel_loop3A_1224 = vector.broadcast %parallel_loop3A_1223 : f32 to vector<16xf32>
      %parallel_loop3A_1225 = arith.mulf %parallel_loop3A_1222, %parallel_loop3A_1224 : vector<16xf32>
      %parallel_loop3A_1226 = arith.addf %parallel_loop3A_1225, %parallel_loop3A_1171 : vector<16xf32>
      %parallel_loop3A_1227 = arith.index_cast %parallel_loop3A_1218 : i32 to index
      %parallel_loop3A_1228 = arith.constant 96 : index
      %parallel_loop3A_1229 = tpu.vector_load %arg9[%parallel_loop3A_1227, %parallel_loop3A_1228] {strides = array<i32>} : memref<256x128xf32, #tpu.memory_space<vmem>>, vector<1x16xf32>,
      %parallel_loop3A_1230 = vector.shape_cast %parallel_loop3A_1229 : vector<1x16xf32> to vector<16xf32>
      %parallel_loop3A_1231 = vector.shape_cast %parallel_loop3A_1226 : vector<16xf32> to vector<1x16xf32>
      tpu.vector_store %arg9[%parallel_loop3A_1227, %parallel_loop3A_1228], %parallel_loop3A_1231 {strides = array<i32>} : memref<256x128xf32, #tpu.memory_space<vmem>>, vector<1x16xf32>,
      %parallel_loop3A_1232 = arith.constant 128 : i32
      %parallel_loop3A_1233 = arith.muli %parallel_loop3A_762, %parallel_loop3A_1232 : i32
      %parallel_loop3A_1234 = arith.constant 112 : i32
      %parallel_loop3A_1235 = arith.addi %parallel_loop3A_1233, %parallel_loop3A_1234 : i32
      %parallel_loop3A_1236 = arith.index_cast %parallel_loop3A_1235 : i32 to index
      %parallel_loop3A_1237 = tpu.vector_load %arg7[%parallel_loop3A_1236] {strides = array<i32>} : memref<8192xf32, #tpu.memory_space<vmem>>, vector<16xf32>,
      %parallel_loop3A_1238 = vector.shape_cast %parallel_loop3A_1237 : vector<16xf32> to vector<16xf32>
      %parallel_loop3A_1239 = arith.constant 0 : i32
      %parallel_loop3A_1240 = arith.addi %parallel_loop3A_1239, %parallel_loop3A_762 : i32
      %parallel_loop3A_1241 = arith.index_cast %parallel_loop3A_1240 : i32 to index
      %parallel_loop3A_1242 = arith.constant 112 : index
      %parallel_loop3A_1243 = tpu.vector_load %arg9[%parallel_loop3A_1241, %parallel_loop3A_1242] {strides = array<i32>} : memref<256x128xf32, #tpu.memory_space<vmem>>, vector<1x16xf32>,
      %parallel_loop3A_1244 = vector.shape_cast %parallel_loop3A_1243 : vector<1x16xf32> to vector<16xf32>
      %parallel_loop3A_1245 = arith.constant 11.3137083 : f32
      %parallel_loop3A_1246 = vector.broadcast %parallel_loop3A_1245 : f32 to vector<16xf32>
      %parallel_loop3A_1247 = arith.mulf %parallel_loop3A_1244, %parallel_loop3A_1246 : vector<16xf32>
      %parallel_loop3A_1248 = arith.addf %parallel_loop3A_1247, %parallel_loop3A_1238 : vector<16xf32>
      %parallel_loop3A_1249 = arith.index_cast %parallel_loop3A_1240 : i32 to index
      %parallel_loop3A_1250 = arith.constant 112 : index
      %parallel_loop3A_1251 = tpu.vector_load %arg9[%parallel_loop3A_1249, %parallel_loop3A_1250] {strides = array<i32>} : memref<256x128xf32, #tpu.memory_space<vmem>>, vector<1x16xf32>,
      %parallel_loop3A_1252 = vector.shape_cast %parallel_loop3A_1251 : vector<1x16xf32> to vector<16xf32>
      %parallel_loop3A_1253 = vector.shape_cast %parallel_loop3A_1248 : vector<16xf32> to vector<1x16xf32>
      tpu.vector_store %arg9[%parallel_loop3A_1249, %parallel_loop3A_1250], %parallel_loop3A_1253 {strides = array<i32>} : memref<256x128xf32, #tpu.memory_space<vmem>>, vector<1x16xf32>,
      %parallel_loop3A_1254 = arith.constant 64 : i32
      %parallel_loop3A_1255 = arith.addi %parallel_loop3A_1254, %parallel_loop3A_762 : i32
      %parallel_loop3A_1256 = arith.index_cast %parallel_loop3A_1255 : i32 to index
      %parallel_loop3A_1257 = arith.constant 112 : index
      %parallel_loop3A_1258 = tpu.vector_load %arg9[%parallel_loop3A_1256, %parallel_loop3A_1257] {strides = array<i32>} : memref<256x128xf32, #tpu.memory_space<vmem>>, vector<1x16xf32>,
      %parallel_loop3A_1259 = vector.shape_cast %parallel_loop3A_1258 : vector<1x16xf32> to vector<16xf32>
      %parallel_loop3A_1260 = arith.constant 11.3137083 : f32
      %parallel_loop3A_1261 = vector.broadcast %parallel_loop3A_1260 : f32 to vector<16xf32>
      %parallel_loop3A_1262 = arith.mulf %parallel_loop3A_1259, %parallel_loop3A_1261 : vector<16xf32>
      %parallel_loop3A_1263 = arith.addf %parallel_loop3A_1262, %parallel_loop3A_1238 : vector<16xf32>
      %parallel_loop3A_1264 = arith.index_cast %parallel_loop3A_1255 : i32 to index
      %parallel_loop3A_1265 = arith.constant 112 : index
      %parallel_loop3A_1266 = tpu.vector_load %arg9[%parallel_loop3A_1264, %parallel_loop3A_1265] {strides = array<i32>} : memref<256x128xf32, #tpu.memory_space<vmem>>, vector<1x16xf32>,
      %parallel_loop3A_1267 = vector.shape_cast %parallel_loop3A_1266 : vector<1x16xf32> to vector<16xf32>
      %parallel_loop3A_1268 = vector.shape_cast %parallel_loop3A_1263 : vector<16xf32> to vector<1x16xf32>
      tpu.vector_store %arg9[%parallel_loop3A_1264, %parallel_loop3A_1265], %parallel_loop3A_1268 {strides = array<i32>} : memref<256x128xf32, #tpu.memory_space<vmem>>, vector<1x16xf32>,
      %parallel_loop3A_1269 = arith.constant 128 : i32
      %parallel_loop3A_1270 = arith.addi %parallel_loop3A_1269, %parallel_loop3A_762 : i32
      %parallel_loop3A_1271 = arith.index_cast %parallel_loop3A_1270 : i32 to index
      %parallel_loop3A_1272 = arith.constant 112 : index
      %parallel_loop3A_1273 = tpu.vector_load %arg9[%parallel_loop3A_1271, %parallel_loop3A_1272] {strides = array<i32>} : memref<256x128xf32, #tpu.memory_space<vmem>>, vector<1x16xf32>,
      %parallel_loop3A_1274 = vector.shape_cast %parallel_loop3A_1273 : vector<1x16xf32> to vector<16xf32>
      %parallel_loop3A_1275 = arith.constant 11.3137083 : f32
      %parallel_loop3A_1276 = vector.broadcast %parallel_loop3A_1275 : f32 to vector<16xf32>
      %parallel_loop3A_1277 = arith.mulf %parallel_loop3A_1274, %parallel_loop3A_1276 : vector<16xf32>
      %parallel_loop3A_1278 = arith.addf %parallel_loop3A_1277, %parallel_loop3A_1238 : vector<16xf32>
      %parallel_loop3A_1279 = arith.index_cast %parallel_loop3A_1270 : i32 to index
      %parallel_loop3A_1280 = arith.constant 112 : index
      %parallel_loop3A_1281 = tpu.vector_load %arg9[%parallel_loop3A_1279, %parallel_loop3A_1280] {strides = array<i32>} : memref<256x128xf32, #tpu.memory_space<vmem>>, vector<1x16xf32>,
      %parallel_loop3A_1282 = vector.shape_cast %parallel_loop3A_1281 : vector<1x16xf32> to vector<16xf32>
      %parallel_loop3A_1283 = vector.shape_cast %parallel_loop3A_1278 : vector<16xf32> to vector<1x16xf32>
      tpu.vector_store %arg9[%parallel_loop3A_1279, %parallel_loop3A_1280], %parallel_loop3A_1283 {strides = array<i32>} : memref<256x128xf32, #tpu.memory_space<vmem>>, vector<1x16xf32>,
      %parallel_loop3A_1284 = arith.constant 192 : i32
      %parallel_loop3A_1285 = arith.addi %parallel_loop3A_1284, %parallel_loop3A_762 : i32
      %parallel_loop3A_1286 = arith.index_cast %parallel_loop3A_1285 : i32 to index
      %parallel_loop3A_1287 = arith.constant 112 : index
      %parallel_loop3A_1288 = tpu.vector_load %arg9[%parallel_loop3A_1286, %parallel_loop3A_1287] {strides = array<i32>} : memref<256x128xf32, #tpu.memory_space<vmem>>, vector<1x16xf32>,
      %parallel_loop3A_1289 = vector.shape_cast %parallel_loop3A_1288 : vector<1x16xf32> to vector<16xf32>
      %parallel_loop3A_1290 = arith.constant 11.3137083 : f32
      %parallel_loop3A_1291 = vector.broadcast %parallel_loop3A_1290 : f32 to vector<16xf32>
      %parallel_loop3A_1292 = arith.mulf %parallel_loop3A_1289, %parallel_loop3A_1291 : vector<16xf32>
      %parallel_loop3A_1293 = arith.addf %parallel_loop3A_1292, %parallel_loop3A_1238 : vector<16xf32>
      %parallel_loop3A_1294 = arith.index_cast %parallel_loop3A_1285 : i32 to index
      %parallel_loop3A_1295 = arith.constant 112 : index
      %parallel_loop3A_1296 = tpu.vector_load %arg9[%parallel_loop3A_1294, %parallel_loop3A_1295] {strides = array<i32>} : memref<256x128xf32, #tpu.memory_space<vmem>>, vector<1x16xf32>,
      %parallel_loop3A_1297 = vector.shape_cast %parallel_loop3A_1296 : vector<1x16xf32> to vector<16xf32>
      %parallel_loop3A_1298 = vector.shape_cast %parallel_loop3A_1293 : vector<16xf32> to vector<1x16xf32>
      tpu.vector_store %arg9[%parallel_loop3A_1294, %parallel_loop3A_1295], %parallel_loop3A_1298 {strides = array<i32>} : memref<256x128xf32, #tpu.memory_space<vmem>>, vector<1x16xf32>,
    } {sc.loop_unroll_factor = 1 : i64, sc.parallel_access}
    %dma_start3A_434 = arith.constant 4 : i32
    %dma_start3A_435 = arith.constant 0 : i32
    %dma_start3A_436 = arith.constant 0 : i32
    %dma_start3A_437 = tpu.memref_slice %arg9[%dma_start3A_435, %dma_start3A_436] : memref<256x128xf32, #tpu.memory_space<vmem>> -> memref<64x128xf32, #tpu.memory_space<vmem>>
    %dma_start3A_438 = arith.constant 0 : i32
    %dma_start3A_439 = tpu.memref_slice %arg5[%dma_start3A_434, %mul3A_2, %dma_start3A_438] : memref<16x2048x128xf32, #tpu.memory_space<hbm>> -> memref<1x64x128xf32, #tpu.memory_space<hbm>>
    %dma_start3A_440 = tpu.memref_squeeze %dma_start3A_439 : memref<1x64x128xf32, #tpu.memory_space<hbm>> -> memref<64x128xf32, #tpu.memory_space<hbm>>
    %dma_start3A_441 = arith.constant 0 : i32
    %dma_start3A_442 = tpu.memref_slice %arg5[%dma_start3A_434, %mul3A_2, %dma_start3A_441] : memref<16x2048x128xf32, #tpu.memory_space<hbm>> -> memref<1x64x128xf32, #tpu.memory_space<hbm>>
    %dma_start3A_443 = tpu.memref_squeeze %dma_start3A_442 : memref<1x64x128xf32, #tpu.memory_space<hbm>> -> memref<64x128xf32, #tpu.memory_space<hbm>>
    %dma_start3A_444 = arith.constant 0 : i32
    %dma_start3A_445 = arith.constant 0 : i32
    %dma_start3A_446 = tpu.memref_slice %arg9[%dma_start3A_444, %dma_start3A_445] : memref<256x128xf32, #tpu.memory_space<vmem>> -> memref<64x128xf32, #tpu.memory_space<vmem>>
    tpu.enqueue_dma source(%dma_start3A_446 : memref<64x128xf32, #tpu.memory_space<vmem>>) target(%dma_start3A_443 : memref<64x128xf32, #tpu.memory_space<hbm>>) target_semaphore(%arg16 : memref<!tpu.dma_semaphore, #tpu.memory_space<semaphore_mem>>)
    %dma_start3A_447 = arith.constant 5 : i32
    %dma_start3A_448 = arith.constant 64 : i32
    %dma_start3A_449 = arith.constant 0 : i32
    %dma_start3A_450 = tpu.memref_slice %arg9[%dma_start3A_448, %dma_start3A_449] : memref<256x128xf32, #tpu.memory_space<vmem>> -> memref<64x128xf32, #tpu.memory_space<vmem>>
    %dma_start3A_451 = arith.constant 0 : i32
    %dma_start3A_452 = tpu.memref_slice %arg5[%dma_start3A_447, %mul3A_2, %dma_start3A_451] : memref<16x2048x128xf32, #tpu.memory_space<hbm>> -> memref<1x64x128xf32, #tpu.memory_space<hbm>>
    %dma_start3A_453 = tpu.memref_squeeze %dma_start3A_452 : memref<1x64x128xf32, #tpu.memory_space<hbm>> -> memref<64x128xf32, #tpu.memory_space<hbm>>
    %dma_start3A_454 = arith.constant 0 : i32
    %dma_start3A_455 = tpu.memref_slice %arg5[%dma_start3A_447, %mul3A_2, %dma_start3A_454] : memref<16x2048x128xf32, #tpu.memory_space<hbm>> -> memref<1x64x128xf32, #tpu.memory_space<hbm>>
    %dma_start3A_456 = tpu.memref_squeeze %dma_start3A_455 : memref<1x64x128xf32, #tpu.memory_space<hbm>> -> memref<64x128xf32, #tpu.memory_space<hbm>>
    %dma_start3A_457 = arith.constant 64 : i32
    %dma_start3A_458 = arith.constant 0 : i32
    %dma_start3A_459 = tpu.memref_slice %arg9[%dma_start3A_457, %dma_start3A_458] : memref<256x128xf32, #tpu.memory_space<vmem>> -> memref<64x128xf32, #tpu.memory_space<vmem>>
    tpu.enqueue_dma source(%dma_start3A_459 : memref<64x128xf32, #tpu.memory_space<vmem>>) target(%dma_start3A_456 : memref<64x128xf32, #tpu.memory_space<hbm>>) target_semaphore(%arg16 : memref<!tpu.dma_semaphore, #tpu.memory_space<semaphore_mem>>)
    %dma_start3A_460 = arith.constant 6 : i32
    %dma_start3A_461 = arith.constant 128 : i32
    %dma_start3A_462 = arith.constant 0 : i32
    %dma_start3A_463 = tpu.memref_slice %arg9[%dma_start3A_461, %dma_start3A_462] : memref<256x128xf32, #tpu.memory_space<vmem>> -> memref<64x128xf32, #tpu.memory_space<vmem>>
    %dma_start3A_464 = arith.constant 0 : i32
    %dma_start3A_465 = tpu.memref_slice %arg5[%dma_start3A_460, %mul3A_2, %dma_start3A_464] : memref<16x2048x128xf32, #tpu.memory_space<hbm>> -> memref<1x64x128xf32, #tpu.memory_space<hbm>>
    %dma_start3A_466 = tpu.memref_squeeze %dma_start3A_465 : memref<1x64x128xf32, #tpu.memory_space<hbm>> -> memref<64x128xf32, #tpu.memory_space<hbm>>
    %dma_start3A_467 = arith.constant 0 : i32
    %dma_start3A_468 = tpu.memref_slice %arg5[%dma_start3A_460, %mul3A_2, %dma_start3A_467] : memref<16x2048x128xf32, #tpu.memory_space<hbm>> -> memref<1x64x128xf32, #tpu.memory_space<hbm>>
    %dma_start3A_469 = tpu.memref_squeeze %dma_start3A_468 : memref<1x64x128xf32, #tpu.memory_space<hbm>> -> memref<64x128xf32, #tpu.memory_space<hbm>>
    %dma_start3A_470 = arith.constant 128 : i32
    %dma_start3A_471 = arith.constant 0 : i32
    %dma_start3A_472 = tpu.memref_slice %arg9[%dma_start3A_470, %dma_start3A_471] : memref<256x128xf32, #tpu.memory_space<vmem>> -> memref<64x128xf32, #tpu.memory_space<vmem>>
    tpu.enqueue_dma source(%dma_start3A_472 : memref<64x128xf32, #tpu.memory_space<vmem>>) target(%dma_start3A_469 : memref<64x128xf32, #tpu.memory_space<hbm>>) target_semaphore(%arg16 : memref<!tpu.dma_semaphore, #tpu.memory_space<semaphore_mem>>)
    %dma_start3A_473 = arith.constant 7 : i32
    %dma_start3A_474 = arith.constant 192 : i32
    %dma_start3A_475 = arith.constant 0 : i32
    %dma_start3A_476 = tpu.memref_slice %arg9[%dma_start3A_474, %dma_start3A_475] : memref<256x128xf32, #tpu.memory_space<vmem>> -> memref<64x128xf32, #tpu.memory_space<vmem>>
    %dma_start3A_477 = arith.constant 0 : i32
    %dma_start3A_478 = tpu.memref_slice %arg5[%dma_start3A_473, %mul3A_2, %dma_start3A_477] : memref<16x2048x128xf32, #tpu.memory_space<hbm>> -> memref<1x64x128xf32, #tpu.memory_space<hbm>>
    %dma_start3A_479 = tpu.memref_squeeze %dma_start3A_478 : memref<1x64x128xf32, #tpu.memory_space<hbm>> -> memref<64x128xf32, #tpu.memory_space<hbm>>
    %dma_start3A_480 = arith.constant 0 : i32
    %dma_start3A_481 = tpu.memref_slice %arg5[%dma_start3A_473, %mul3A_2, %dma_start3A_480] : memref<16x2048x128xf32, #tpu.memory_space<hbm>> -> memref<1x64x128xf32, #tpu.memory_space<hbm>>
    %dma_start3A_482 = tpu.memref_squeeze %dma_start3A_481 : memref<1x64x128xf32, #tpu.memory_space<hbm>> -> memref<64x128xf32, #tpu.memory_space<hbm>>
    %dma_start3A_483 = arith.constant 192 : i32
    %dma_start3A_484 = arith.constant 0 : i32
    %dma_start3A_485 = tpu.memref_slice %arg9[%dma_start3A_483, %dma_start3A_484] : memref<256x128xf32, #tpu.memory_space<vmem>> -> memref<64x128xf32, #tpu.memory_space<vmem>>
    tpu.enqueue_dma source(%dma_start3A_485 : memref<64x128xf32, #tpu.memory_space<vmem>>) target(%dma_start3A_482 : memref<64x128xf32, #tpu.memory_space<hbm>>) target_semaphore(%arg16 : memref<!tpu.dma_semaphore, #tpu.memory_space<semaphore_mem>>)
    %dma_wait3A_486 = arith.constant 512 : i32
    %dma_wait3A_487 = tpu.memref_slice %arg6[%dma_wait3A_486] : memref<1024xi32, #tpu.memory_space<vmem>> -> memref<256xi32, #tpu.memory_space<vmem>>
    %dma_wait3A_488 = arith.constant 0 : i32
    %dma_wait3A_489 = arith.constant 0 : i32
    %dma_wait3A_490 = tpu.memref_slice %arg2[%dma_wait3A_488, %dma_wait3A_489] : memref<100000x128xf32, #tpu.memory_space<hbm>> -> memref<100000x128xf32, #tpu.memory_space<hbm>>
    tpu.wait_indirect_dma semaphore(%arg14 : memref<!tpu.dma_semaphore, #tpu.memory_space<semaphore_mem>>) src(%dma_wait3A_490 : memref<100000x128xf32, #tpu.memory_space<hbm>>) dst(%arg10 : memref<256x128xf32, #tpu.memory_space<vmem>>)
    %parallel_loop3A_491 = arith.constant 0 : i32
    %parallel_loop3A_492 = arith.constant 64 : i32
    %parallel_loop3A_493 = arith.constant 1 : i32
    scf.for %parallel_loop3A_762 = %parallel_loop3A_491 to %parallel_loop3A_492 step %parallel_loop3A_493  : i32 {
      %parallel_loop3A_763 = arith.constant 128 : i32
      %parallel_loop3A_764 = arith.muli %parallel_loop3A_762, %parallel_loop3A_763 : i32
      %parallel_loop3A_765 = arith.constant 0 : i32
      %parallel_loop3A_766 = arith.addi %parallel_loop3A_764, %parallel_loop3A_765 : i32
      %parallel_loop3A_767 = arith.index_cast %parallel_loop3A_766 : i32 to index
      %parallel_loop3A_768 = tpu.vector_load %arg7[%parallel_loop3A_767] {strides = array<i32>} : memref<8192xf32, #tpu.memory_space<vmem>>, vector<16xf32>,
      %parallel_loop3A_769 = vector.shape_cast %parallel_loop3A_768 : vector<16xf32> to vector<16xf32>
      %parallel_loop3A_770 = arith.constant 0 : i32
      %parallel_loop3A_771 = arith.addi %parallel_loop3A_770, %parallel_loop3A_762 : i32
      %parallel_loop3A_772 = arith.index_cast %parallel_loop3A_771 : i32 to index
      %parallel_loop3A_773 = arith.constant 0 : index
      %parallel_loop3A_774 = tpu.vector_load %arg10[%parallel_loop3A_772, %parallel_loop3A_773] {strides = array<i32>} : memref<256x128xf32, #tpu.memory_space<vmem>>, vector<1x16xf32>,
      %parallel_loop3A_775 = vector.shape_cast %parallel_loop3A_774 : vector<1x16xf32> to vector<16xf32>
      %parallel_loop3A_776 = arith.constant 11.3137083 : f32
      %parallel_loop3A_777 = vector.broadcast %parallel_loop3A_776 : f32 to vector<16xf32>
      %parallel_loop3A_778 = arith.mulf %parallel_loop3A_775, %parallel_loop3A_777 : vector<16xf32>
      %parallel_loop3A_779 = arith.addf %parallel_loop3A_778, %parallel_loop3A_769 : vector<16xf32>
      %parallel_loop3A_780 = arith.index_cast %parallel_loop3A_771 : i32 to index
      %parallel_loop3A_781 = arith.constant 0 : index
      %parallel_loop3A_782 = tpu.vector_load %arg10[%parallel_loop3A_780, %parallel_loop3A_781] {strides = array<i32>} : memref<256x128xf32, #tpu.memory_space<vmem>>, vector<1x16xf32>,
      %parallel_loop3A_783 = vector.shape_cast %parallel_loop3A_782 : vector<1x16xf32> to vector<16xf32>
      %parallel_loop3A_784 = vector.shape_cast %parallel_loop3A_779 : vector<16xf32> to vector<1x16xf32>
      tpu.vector_store %arg10[%parallel_loop3A_780, %parallel_loop3A_781], %parallel_loop3A_784 {strides = array<i32>} : memref<256x128xf32, #tpu.memory_space<vmem>>, vector<1x16xf32>,
      %parallel_loop3A_785 = arith.constant 64 : i32
      %parallel_loop3A_786 = arith.addi %parallel_loop3A_785, %parallel_loop3A_762 : i32
      %parallel_loop3A_787 = arith.index_cast %parallel_loop3A_786 : i32 to index
      %parallel_loop3A_788 = arith.constant 0 : index
      %parallel_loop3A_789 = tpu.vector_load %arg10[%parallel_loop3A_787, %parallel_loop3A_788] {strides = array<i32>} : memref<256x128xf32, #tpu.memory_space<vmem>>, vector<1x16xf32>,
      %parallel_loop3A_790 = vector.shape_cast %parallel_loop3A_789 : vector<1x16xf32> to vector<16xf32>
      %parallel_loop3A_791 = arith.constant 11.3137083 : f32
      %parallel_loop3A_792 = vector.broadcast %parallel_loop3A_791 : f32 to vector<16xf32>
      %parallel_loop3A_793 = arith.mulf %parallel_loop3A_790, %parallel_loop3A_792 : vector<16xf32>
      %parallel_loop3A_794 = arith.addf %parallel_loop3A_793, %parallel_loop3A_769 : vector<16xf32>
      %parallel_loop3A_795 = arith.index_cast %parallel_loop3A_786 : i32 to index
      %parallel_loop3A_796 = arith.constant 0 : index
      %parallel_loop3A_797 = tpu.vector_load %arg10[%parallel_loop3A_795, %parallel_loop3A_796] {strides = array<i32>} : memref<256x128xf32, #tpu.memory_space<vmem>>, vector<1x16xf32>,
      %parallel_loop3A_798 = vector.shape_cast %parallel_loop3A_797 : vector<1x16xf32> to vector<16xf32>
      %parallel_loop3A_799 = vector.shape_cast %parallel_loop3A_794 : vector<16xf32> to vector<1x16xf32>
      tpu.vector_store %arg10[%parallel_loop3A_795, %parallel_loop3A_796], %parallel_loop3A_799 {strides = array<i32>} : memref<256x128xf32, #tpu.memory_space<vmem>>, vector<1x16xf32>,
      %parallel_loop3A_800 = arith.constant 128 : i32
      %parallel_loop3A_801 = arith.addi %parallel_loop3A_800, %parallel_loop3A_762 : i32
      %parallel_loop3A_802 = arith.index_cast %parallel_loop3A_801 : i32 to index
      %parallel_loop3A_803 = arith.constant 0 : index
      %parallel_loop3A_804 = tpu.vector_load %arg10[%parallel_loop3A_802, %parallel_loop3A_803] {strides = array<i32>} : memref<256x128xf32, #tpu.memory_space<vmem>>, vector<1x16xf32>,
      %parallel_loop3A_805 = vector.shape_cast %parallel_loop3A_804 : vector<1x16xf32> to vector<16xf32>
      %parallel_loop3A_806 = arith.constant 11.3137083 : f32
      %parallel_loop3A_807 = vector.broadcast %parallel_loop3A_806 : f32 to vector<16xf32>
      %parallel_loop3A_808 = arith.mulf %parallel_loop3A_805, %parallel_loop3A_807 : vector<16xf32>
      %parallel_loop3A_809 = arith.addf %parallel_loop3A_808, %parallel_loop3A_769 : vector<16xf32>
      %parallel_loop3A_810 = arith.index_cast %parallel_loop3A_801 : i32 to index
      %parallel_loop3A_811 = arith.constant 0 : index
      %parallel_loop3A_812 = tpu.vector_load %arg10[%parallel_loop3A_810, %parallel_loop3A_811] {strides = array<i32>} : memref<256x128xf32, #tpu.memory_space<vmem>>, vector<1x16xf32>,
      %parallel_loop3A_813 = vector.shape_cast %parallel_loop3A_812 : vector<1x16xf32> to vector<16xf32>
      %parallel_loop3A_814 = vector.shape_cast %parallel_loop3A_809 : vector<16xf32> to vector<1x16xf32>
      tpu.vector_store %arg10[%parallel_loop3A_810, %parallel_loop3A_811], %parallel_loop3A_814 {strides = array<i32>} : memref<256x128xf32, #tpu.memory_space<vmem>>, vector<1x16xf32>,
      %parallel_loop3A_815 = arith.constant 192 : i32
      %parallel_loop3A_816 = arith.addi %parallel_loop3A_815, %parallel_loop3A_762 : i32
      %parallel_loop3A_817 = arith.index_cast %parallel_loop3A_816 : i32 to index
      %parallel_loop3A_818 = arith.constant 0 : index
      %parallel_loop3A_819 = tpu.vector_load %arg10[%parallel_loop3A_817, %parallel_loop3A_818] {strides = array<i32>} : memref<256x128xf32, #tpu.memory_space<vmem>>, vector<1x16xf32>,
      %parallel_loop3A_820 = vector.shape_cast %parallel_loop3A_819 : vector<1x16xf32> to vector<16xf32>
      %parallel_loop3A_821 = arith.constant 11.3137083 : f32
      %parallel_loop3A_822 = vector.broadcast %parallel_loop3A_821 : f32 to vector<16xf32>
      %parallel_loop3A_823 = arith.mulf %parallel_loop3A_820, %parallel_loop3A_822 : vector<16xf32>
      %parallel_loop3A_824 = arith.addf %parallel_loop3A_823, %parallel_loop3A_769 : vector<16xf32>
      %parallel_loop3A_825 = arith.index_cast %parallel_loop3A_816 : i32 to index
      %parallel_loop3A_826 = arith.constant 0 : index
      %parallel_loop3A_827 = tpu.vector_load %arg10[%parallel_loop3A_825, %parallel_loop3A_826] {strides = array<i32>} : memref<256x128xf32, #tpu.memory_space<vmem>>, vector<1x16xf32>,
      %parallel_loop3A_828 = vector.shape_cast %parallel_loop3A_827 : vector<1x16xf32> to vector<16xf32>
      %parallel_loop3A_829 = vector.shape_cast %parallel_loop3A_824 : vector<16xf32> to vector<1x16xf32>
      tpu.vector_store %arg10[%parallel_loop3A_825, %parallel_loop3A_826], %parallel_loop3A_829 {strides = array<i32>} : memref<256x128xf32, #tpu.memory_space<vmem>>, vector<1x16xf32>,
      %parallel_loop3A_830 = arith.constant 128 : i32
      %parallel_loop3A_831 = arith.muli %parallel_loop3A_762, %parallel_loop3A_830 : i32
      %parallel_loop3A_832 = arith.constant 16 : i32
      %parallel_loop3A_833 = arith.addi %parallel_loop3A_831, %parallel_loop3A_832 : i32
      %parallel_loop3A_834 = arith.index_cast %parallel_loop3A_833 : i32 to index
      %parallel_loop3A_835 = tpu.vector_load %arg7[%parallel_loop3A_834] {strides = array<i32>} : memref<8192xf32, #tpu.memory_space<vmem>>, vector<16xf32>,
      %parallel_loop3A_836 = vector.shape_cast %parallel_loop3A_835 : vector<16xf32> to vector<16xf32>
      %parallel_loop3A_837 = arith.constant 0 : i32
      %parallel_loop3A_838 = arith.addi %parallel_loop3A_837, %parallel_loop3A_762 : i32
      %parallel_loop3A_839 = arith.index_cast %parallel_loop3A_838 : i32 to index
      %parallel_loop3A_840 = arith.constant 16 : index
      %parallel_loop3A_841 = tpu.vector_load %arg10[%parallel_loop3A_839, %parallel_loop3A_840] {strides = array<i32>} : memref<256x128xf32, #tpu.memory_space<vmem>>, vector<1x16xf32>,
      %parallel_loop3A_842 = vector.shape_cast %parallel_loop3A_841 : vector<1x16xf32> to vector<16xf32>
      %parallel_loop3A_843 = arith.constant 11.3137083 : f32
      %parallel_loop3A_844 = vector.broadcast %parallel_loop3A_843 : f32 to vector<16xf32>
      %parallel_loop3A_845 = arith.mulf %parallel_loop3A_842, %parallel_loop3A_844 : vector<16xf32>
      %parallel_loop3A_846 = arith.addf %parallel_loop3A_845, %parallel_loop3A_836 : vector<16xf32>
      %parallel_loop3A_847 = arith.index_cast %parallel_loop3A_838 : i32 to index
      %parallel_loop3A_848 = arith.constant 16 : index
      %parallel_loop3A_849 = tpu.vector_load %arg10[%parallel_loop3A_847, %parallel_loop3A_848] {strides = array<i32>} : memref<256x128xf32, #tpu.memory_space<vmem>>, vector<1x16xf32>,
      %parallel_loop3A_850 = vector.shape_cast %parallel_loop3A_849 : vector<1x16xf32> to vector<16xf32>
      %parallel_loop3A_851 = vector.shape_cast %parallel_loop3A_846 : vector<16xf32> to vector<1x16xf32>
      tpu.vector_store %arg10[%parallel_loop3A_847, %parallel_loop3A_848], %parallel_loop3A_851 {strides = array<i32>} : memref<256x128xf32, #tpu.memory_space<vmem>>, vector<1x16xf32>,
      %parallel_loop3A_852 = arith.constant 64 : i32
      %parallel_loop3A_853 = arith.addi %parallel_loop3A_852, %parallel_loop3A_762 : i32
      %parallel_loop3A_854 = arith.index_cast %parallel_loop3A_853 : i32 to index
      %parallel_loop3A_855 = arith.constant 16 : index
      %parallel_loop3A_856 = tpu.vector_load %arg10[%parallel_loop3A_854, %parallel_loop3A_855] {strides = array<i32>} : memref<256x128xf32, #tpu.memory_space<vmem>>, vector<1x16xf32>,
      %parallel_loop3A_857 = vector.shape_cast %parallel_loop3A_856 : vector<1x16xf32> to vector<16xf32>
      %parallel_loop3A_858 = arith.constant 11.3137083 : f32
      %parallel_loop3A_859 = vector.broadcast %parallel_loop3A_858 : f32 to vector<16xf32>
      %parallel_loop3A_860 = arith.mulf %parallel_loop3A_857, %parallel_loop3A_859 : vector<16xf32>
      %parallel_loop3A_861 = arith.addf %parallel_loop3A_860, %parallel_loop3A_836 : vector<16xf32>
      %parallel_loop3A_862 = arith.index_cast %parallel_loop3A_853 : i32 to index
      %parallel_loop3A_863 = arith.constant 16 : index
      %parallel_loop3A_864 = tpu.vector_load %arg10[%parallel_loop3A_862, %parallel_loop3A_863] {strides = array<i32>} : memref<256x128xf32, #tpu.memory_space<vmem>>, vector<1x16xf32>,
      %parallel_loop3A_865 = vector.shape_cast %parallel_loop3A_864 : vector<1x16xf32> to vector<16xf32>
      %parallel_loop3A_866 = vector.shape_cast %parallel_loop3A_861 : vector<16xf32> to vector<1x16xf32>
      tpu.vector_store %arg10[%parallel_loop3A_862, %parallel_loop3A_863], %parallel_loop3A_866 {strides = array<i32>} : memref<256x128xf32, #tpu.memory_space<vmem>>, vector<1x16xf32>,
      %parallel_loop3A_867 = arith.constant 128 : i32
      %parallel_loop3A_868 = arith.addi %parallel_loop3A_867, %parallel_loop3A_762 : i32
      %parallel_loop3A_869 = arith.index_cast %parallel_loop3A_868 : i32 to index
      %parallel_loop3A_870 = arith.constant 16 : index
      %parallel_loop3A_871 = tpu.vector_load %arg10[%parallel_loop3A_869, %parallel_loop3A_870] {strides = array<i32>} : memref<256x128xf32, #tpu.memory_space<vmem>>, vector<1x16xf32>,
      %parallel_loop3A_872 = vector.shape_cast %parallel_loop3A_871 : vector<1x16xf32> to vector<16xf32>
      %parallel_loop3A_873 = arith.constant 11.3137083 : f32
      %parallel_loop3A_874 = vector.broadcast %parallel_loop3A_873 : f32 to vector<16xf32>
      %parallel_loop3A_875 = arith.mulf %parallel_loop3A_872, %parallel_loop3A_874 : vector<16xf32>
      %parallel_loop3A_876 = arith.addf %parallel_loop3A_875, %parallel_loop3A_836 : vector<16xf32>
      %parallel_loop3A_877 = arith.index_cast %parallel_loop3A_868 : i32 to index
      %parallel_loop3A_878 = arith.constant 16 : index
      %parallel_loop3A_879 = tpu.vector_load %arg10[%parallel_loop3A_877, %parallel_loop3A_878] {strides = array<i32>} : memref<256x128xf32, #tpu.memory_space<vmem>>, vector<1x16xf32>,
      %parallel_loop3A_880 = vector.shape_cast %parallel_loop3A_879 : vector<1x16xf32> to vector<16xf32>
      %parallel_loop3A_881 = vector.shape_cast %parallel_loop3A_876 : vector<16xf32> to vector<1x16xf32>
      tpu.vector_store %arg10[%parallel_loop3A_877, %parallel_loop3A_878], %parallel_loop3A_881 {strides = array<i32>} : memref<256x128xf32, #tpu.memory_space<vmem>>, vector<1x16xf32>,
      %parallel_loop3A_882 = arith.constant 192 : i32
      %parallel_loop3A_883 = arith.addi %parallel_loop3A_882, %parallel_loop3A_762 : i32
      %parallel_loop3A_884 = arith.index_cast %parallel_loop3A_883 : i32 to index
      %parallel_loop3A_885 = arith.constant 16 : index
      %parallel_loop3A_886 = tpu.vector_load %arg10[%parallel_loop3A_884, %parallel_loop3A_885] {strides = array<i32>} : memref<256x128xf32, #tpu.memory_space<vmem>>, vector<1x16xf32>,
      %parallel_loop3A_887 = vector.shape_cast %parallel_loop3A_886 : vector<1x16xf32> to vector<16xf32>
      %parallel_loop3A_888 = arith.constant 11.3137083 : f32
      %parallel_loop3A_889 = vector.broadcast %parallel_loop3A_888 : f32 to vector<16xf32>
      %parallel_loop3A_890 = arith.mulf %parallel_loop3A_887, %parallel_loop3A_889 : vector<16xf32>
      %parallel_loop3A_891 = arith.addf %parallel_loop3A_890, %parallel_loop3A_836 : vector<16xf32>
      %parallel_loop3A_892 = arith.index_cast %parallel_loop3A_883 : i32 to index
      %parallel_loop3A_893 = arith.constant 16 : index
      %parallel_loop3A_894 = tpu.vector_load %arg10[%parallel_loop3A_892, %parallel_loop3A_893] {strides = array<i32>} : memref<256x128xf32, #tpu.memory_space<vmem>>, vector<1x16xf32>,
      %parallel_loop3A_895 = vector.shape_cast %parallel_loop3A_894 : vector<1x16xf32> to vector<16xf32>
      %parallel_loop3A_896 = vector.shape_cast %parallel_loop3A_891 : vector<16xf32> to vector<1x16xf32>
      tpu.vector_store %arg10[%parallel_loop3A_892, %parallel_loop3A_893], %parallel_loop3A_896 {strides = array<i32>} : memref<256x128xf32, #tpu.memory_space<vmem>>, vector<1x16xf32>,
      %parallel_loop3A_897 = arith.constant 128 : i32
      %parallel_loop3A_898 = arith.muli %parallel_loop3A_762, %parallel_loop3A_897 : i32
      %parallel_loop3A_899 = arith.constant 32 : i32
      %parallel_loop3A_900 = arith.addi %parallel_loop3A_898, %parallel_loop3A_899 : i32
      %parallel_loop3A_901 = arith.index_cast %parallel_loop3A_900 : i32 to index
      %parallel_loop3A_902 = tpu.vector_load %arg7[%parallel_loop3A_901] {strides = array<i32>} : memref<8192xf32, #tpu.memory_space<vmem>>, vector<16xf32>,
      %parallel_loop3A_903 = vector.shape_cast %parallel_loop3A_902 : vector<16xf32> to vector<16xf32>
      %parallel_loop3A_904 = arith.constant 0 : i32
      %parallel_loop3A_905 = arith.addi %parallel_loop3A_904, %parallel_loop3A_762 : i32
      %parallel_loop3A_906 = arith.index_cast %parallel_loop3A_905 : i32 to index
      %parallel_loop3A_907 = arith.constant 32 : index
      %parallel_loop3A_908 = tpu.vector_load %arg10[%parallel_loop3A_906, %parallel_loop3A_907] {strides = array<i32>} : memref<256x128xf32, #tpu.memory_space<vmem>>, vector<1x16xf32>,
      %parallel_loop3A_909 = vector.shape_cast %parallel_loop3A_908 : vector<1x16xf32> to vector<16xf32>
      %parallel_loop3A_910 = arith.constant 11.3137083 : f32
      %parallel_loop3A_911 = vector.broadcast %parallel_loop3A_910 : f32 to vector<16xf32>
      %parallel_loop3A_912 = arith.mulf %parallel_loop3A_909, %parallel_loop3A_911 : vector<16xf32>
      %parallel_loop3A_913 = arith.addf %parallel_loop3A_912, %parallel_loop3A_903 : vector<16xf32>
      %parallel_loop3A_914 = arith.index_cast %parallel_loop3A_905 : i32 to index
      %parallel_loop3A_915 = arith.constant 32 : index
      %parallel_loop3A_916 = tpu.vector_load %arg10[%parallel_loop3A_914, %parallel_loop3A_915] {strides = array<i32>} : memref<256x128xf32, #tpu.memory_space<vmem>>, vector<1x16xf32>,
      %parallel_loop3A_917 = vector.shape_cast %parallel_loop3A_916 : vector<1x16xf32> to vector<16xf32>
      %parallel_loop3A_918 = vector.shape_cast %parallel_loop3A_913 : vector<16xf32> to vector<1x16xf32>
      tpu.vector_store %arg10[%parallel_loop3A_914, %parallel_loop3A_915], %parallel_loop3A_918 {strides = array<i32>} : memref<256x128xf32, #tpu.memory_space<vmem>>, vector<1x16xf32>,
      %parallel_loop3A_919 = arith.constant 64 : i32
      %parallel_loop3A_920 = arith.addi %parallel_loop3A_919, %parallel_loop3A_762 : i32
      %parallel_loop3A_921 = arith.index_cast %parallel_loop3A_920 : i32 to index
      %parallel_loop3A_922 = arith.constant 32 : index
      %parallel_loop3A_923 = tpu.vector_load %arg10[%parallel_loop3A_921, %parallel_loop3A_922] {strides = array<i32>} : memref<256x128xf32, #tpu.memory_space<vmem>>, vector<1x16xf32>,
      %parallel_loop3A_924 = vector.shape_cast %parallel_loop3A_923 : vector<1x16xf32> to vector<16xf32>
      %parallel_loop3A_925 = arith.constant 11.3137083 : f32
      %parallel_loop3A_926 = vector.broadcast %parallel_loop3A_925 : f32 to vector<16xf32>
      %parallel_loop3A_927 = arith.mulf %parallel_loop3A_924, %parallel_loop3A_926 : vector<16xf32>
      %parallel_loop3A_928 = arith.addf %parallel_loop3A_927, %parallel_loop3A_903 : vector<16xf32>
      %parallel_loop3A_929 = arith.index_cast %parallel_loop3A_920 : i32 to index
      %parallel_loop3A_930 = arith.constant 32 : index
      %parallel_loop3A_931 = tpu.vector_load %arg10[%parallel_loop3A_929, %parallel_loop3A_930] {strides = array<i32>} : memref<256x128xf32, #tpu.memory_space<vmem>>, vector<1x16xf32>,
      %parallel_loop3A_932 = vector.shape_cast %parallel_loop3A_931 : vector<1x16xf32> to vector<16xf32>
      %parallel_loop3A_933 = vector.shape_cast %parallel_loop3A_928 : vector<16xf32> to vector<1x16xf32>
      tpu.vector_store %arg10[%parallel_loop3A_929, %parallel_loop3A_930], %parallel_loop3A_933 {strides = array<i32>} : memref<256x128xf32, #tpu.memory_space<vmem>>, vector<1x16xf32>,
      %parallel_loop3A_934 = arith.constant 128 : i32
      %parallel_loop3A_935 = arith.addi %parallel_loop3A_934, %parallel_loop3A_762 : i32
      %parallel_loop3A_936 = arith.index_cast %parallel_loop3A_935 : i32 to index
      %parallel_loop3A_937 = arith.constant 32 : index
      %parallel_loop3A_938 = tpu.vector_load %arg10[%parallel_loop3A_936, %parallel_loop3A_937] {strides = array<i32>} : memref<256x128xf32, #tpu.memory_space<vmem>>, vector<1x16xf32>,
      %parallel_loop3A_939 = vector.shape_cast %parallel_loop3A_938 : vector<1x16xf32> to vector<16xf32>
      %parallel_loop3A_940 = arith.constant 11.3137083 : f32
      %parallel_loop3A_941 = vector.broadcast %parallel_loop3A_940 : f32 to vector<16xf32>
      %parallel_loop3A_942 = arith.mulf %parallel_loop3A_939, %parallel_loop3A_941 : vector<16xf32>
      %parallel_loop3A_943 = arith.addf %parallel_loop3A_942, %parallel_loop3A_903 : vector<16xf32>
      %parallel_loop3A_944 = arith.index_cast %parallel_loop3A_935 : i32 to index
      %parallel_loop3A_945 = arith.constant 32 : index
      %parallel_loop3A_946 = tpu.vector_load %arg10[%parallel_loop3A_944, %parallel_loop3A_945] {strides = array<i32>} : memref<256x128xf32, #tpu.memory_space<vmem>>, vector<1x16xf32>,
      %parallel_loop3A_947 = vector.shape_cast %parallel_loop3A_946 : vector<1x16xf32> to vector<16xf32>
      %parallel_loop3A_948 = vector.shape_cast %parallel_loop3A_943 : vector<16xf32> to vector<1x16xf32>
      tpu.vector_store %arg10[%parallel_loop3A_944, %parallel_loop3A_945], %parallel_loop3A_948 {strides = array<i32>} : memref<256x128xf32, #tpu.memory_space<vmem>>, vector<1x16xf32>,
      %parallel_loop3A_949 = arith.constant 192 : i32
      %parallel_loop3A_950 = arith.addi %parallel_loop3A_949, %parallel_loop3A_762 : i32
      %parallel_loop3A_951 = arith.index_cast %parallel_loop3A_950 : i32 to index
      %parallel_loop3A_952 = arith.constant 32 : index
      %parallel_loop3A_953 = tpu.vector_load %arg10[%parallel_loop3A_951, %parallel_loop3A_952] {strides = array<i32>} : memref<256x128xf32, #tpu.memory_space<vmem>>, vector<1x16xf32>,
      %parallel_loop3A_954 = vector.shape_cast %parallel_loop3A_953 : vector<1x16xf32> to vector<16xf32>
      %parallel_loop3A_955 = arith.constant 11.3137083 : f32
      %parallel_loop3A_956 = vector.broadcast %parallel_loop3A_955 : f32 to vector<16xf32>
      %parallel_loop3A_957 = arith.mulf %parallel_loop3A_954, %parallel_loop3A_956 : vector<16xf32>
      %parallel_loop3A_958 = arith.addf %parallel_loop3A_957, %parallel_loop3A_903 : vector<16xf32>
      %parallel_loop3A_959 = arith.index_cast %parallel_loop3A_950 : i32 to index
      %parallel_loop3A_960 = arith.constant 32 : index
      %parallel_loop3A_961 = tpu.vector_load %arg10[%parallel_loop3A_959, %parallel_loop3A_960] {strides = array<i32>} : memref<256x128xf32, #tpu.memory_space<vmem>>, vector<1x16xf32>,
      %parallel_loop3A_962 = vector.shape_cast %parallel_loop3A_961 : vector<1x16xf32> to vector<16xf32>
      %parallel_loop3A_963 = vector.shape_cast %parallel_loop3A_958 : vector<16xf32> to vector<1x16xf32>
      tpu.vector_store %arg10[%parallel_loop3A_959, %parallel_loop3A_960], %parallel_loop3A_963 {strides = array<i32>} : memref<256x128xf32, #tpu.memory_space<vmem>>, vector<1x16xf32>,
      %parallel_loop3A_964 = arith.constant 128 : i32
      %parallel_loop3A_965 = arith.muli %parallel_loop3A_762, %parallel_loop3A_964 : i32
      %parallel_loop3A_966 = arith.constant 48 : i32
      %parallel_loop3A_967 = arith.addi %parallel_loop3A_965, %parallel_loop3A_966 : i32
      %parallel_loop3A_968 = arith.index_cast %parallel_loop3A_967 : i32 to index
      %parallel_loop3A_969 = tpu.vector_load %arg7[%parallel_loop3A_968] {strides = array<i32>} : memref<8192xf32, #tpu.memory_space<vmem>>, vector<16xf32>,
      %parallel_loop3A_970 = vector.shape_cast %parallel_loop3A_969 : vector<16xf32> to vector<16xf32>
      %parallel_loop3A_971 = arith.constant 0 : i32
      %parallel_loop3A_972 = arith.addi %parallel_loop3A_971, %parallel_loop3A_762 : i32
      %parallel_loop3A_973 = arith.index_cast %parallel_loop3A_972 : i32 to index
      %parallel_loop3A_974 = arith.constant 48 : index
      %parallel_loop3A_975 = tpu.vector_load %arg10[%parallel_loop3A_973, %parallel_loop3A_974] {strides = array<i32>} : memref<256x128xf32, #tpu.memory_space<vmem>>, vector<1x16xf32>,
      %parallel_loop3A_976 = vector.shape_cast %parallel_loop3A_975 : vector<1x16xf32> to vector<16xf32>
      %parallel_loop3A_977 = arith.constant 11.3137083 : f32
      %parallel_loop3A_978 = vector.broadcast %parallel_loop3A_977 : f32 to vector<16xf32>
      %parallel_loop3A_979 = arith.mulf %parallel_loop3A_976, %parallel_loop3A_978 : vector<16xf32>
      %parallel_loop3A_980 = arith.addf %parallel_loop3A_979, %parallel_loop3A_970 : vector<16xf32>
      %parallel_loop3A_981 = arith.index_cast %parallel_loop3A_972 : i32 to index
      %parallel_loop3A_982 = arith.constant 48 : index
      %parallel_loop3A_983 = tpu.vector_load %arg10[%parallel_loop3A_981, %parallel_loop3A_982] {strides = array<i32>} : memref<256x128xf32, #tpu.memory_space<vmem>>, vector<1x16xf32>,
      %parallel_loop3A_984 = vector.shape_cast %parallel_loop3A_983 : vector<1x16xf32> to vector<16xf32>
      %parallel_loop3A_985 = vector.shape_cast %parallel_loop3A_980 : vector<16xf32> to vector<1x16xf32>
      tpu.vector_store %arg10[%parallel_loop3A_981, %parallel_loop3A_982], %parallel_loop3A_985 {strides = array<i32>} : memref<256x128xf32, #tpu.memory_space<vmem>>, vector<1x16xf32>,
      %parallel_loop3A_986 = arith.constant 64 : i32
      %parallel_loop3A_987 = arith.addi %parallel_loop3A_986, %parallel_loop3A_762 : i32
      %parallel_loop3A_988 = arith.index_cast %parallel_loop3A_987 : i32 to index
      %parallel_loop3A_989 = arith.constant 48 : index
      %parallel_loop3A_990 = tpu.vector_load %arg10[%parallel_loop3A_988, %parallel_loop3A_989] {strides = array<i32>} : memref<256x128xf32, #tpu.memory_space<vmem>>, vector<1x16xf32>,
      %parallel_loop3A_991 = vector.shape_cast %parallel_loop3A_990 : vector<1x16xf32> to vector<16xf32>
      %parallel_loop3A_992 = arith.constant 11.3137083 : f32
      %parallel_loop3A_993 = vector.broadcast %parallel_loop3A_992 : f32 to vector<16xf32>
      %parallel_loop3A_994 = arith.mulf %parallel_loop3A_991, %parallel_loop3A_993 : vector<16xf32>
      %parallel_loop3A_995 = arith.addf %parallel_loop3A_994, %parallel_loop3A_970 : vector<16xf32>
      %parallel_loop3A_996 = arith.index_cast %parallel_loop3A_987 : i32 to index
      %parallel_loop3A_997 = arith.constant 48 : index
      %parallel_loop3A_998 = tpu.vector_load %arg10[%parallel_loop3A_996, %parallel_loop3A_997] {strides = array<i32>} : memref<256x128xf32, #tpu.memory_space<vmem>>, vector<1x16xf32>,
      %parallel_loop3A_999 = vector.shape_cast %parallel_loop3A_998 : vector<1x16xf32> to vector<16xf32>
      %parallel_loop3A_1000 = vector.shape_cast %parallel_loop3A_995 : vector<16xf32> to vector<1x16xf32>
      tpu.vector_store %arg10[%parallel_loop3A_996, %parallel_loop3A_997], %parallel_loop3A_1000 {strides = array<i32>} : memref<256x128xf32, #tpu.memory_space<vmem>>, vector<1x16xf32>,
      %parallel_loop3A_1001 = arith.constant 128 : i32
      %parallel_loop3A_1002 = arith.addi %parallel_loop3A_1001, %parallel_loop3A_762 : i32
      %parallel_loop3A_1003 = arith.index_cast %parallel_loop3A_1002 : i32 to index
      %parallel_loop3A_1004 = arith.constant 48 : index
      %parallel_loop3A_1005 = tpu.vector_load %arg10[%parallel_loop3A_1003, %parallel_loop3A_1004] {strides = array<i32>} : memref<256x128xf32, #tpu.memory_space<vmem>>, vector<1x16xf32>,
      %parallel_loop3A_1006 = vector.shape_cast %parallel_loop3A_1005 : vector<1x16xf32> to vector<16xf32>
      %parallel_loop3A_1007 = arith.constant 11.3137083 : f32
      %parallel_loop3A_1008 = vector.broadcast %parallel_loop3A_1007 : f32 to vector<16xf32>
      %parallel_loop3A_1009 = arith.mulf %parallel_loop3A_1006, %parallel_loop3A_1008 : vector<16xf32>
      %parallel_loop3A_1010 = arith.addf %parallel_loop3A_1009, %parallel_loop3A_970 : vector<16xf32>
      %parallel_loop3A_1011 = arith.index_cast %parallel_loop3A_1002 : i32 to index
      %parallel_loop3A_1012 = arith.constant 48 : index
      %parallel_loop3A_1013 = tpu.vector_load %arg10[%parallel_loop3A_1011, %parallel_loop3A_1012] {strides = array<i32>} : memref<256x128xf32, #tpu.memory_space<vmem>>, vector<1x16xf32>,
      %parallel_loop3A_1014 = vector.shape_cast %parallel_loop3A_1013 : vector<1x16xf32> to vector<16xf32>
      %parallel_loop3A_1015 = vector.shape_cast %parallel_loop3A_1010 : vector<16xf32> to vector<1x16xf32>
      tpu.vector_store %arg10[%parallel_loop3A_1011, %parallel_loop3A_1012], %parallel_loop3A_1015 {strides = array<i32>} : memref<256x128xf32, #tpu.memory_space<vmem>>, vector<1x16xf32>,
      %parallel_loop3A_1016 = arith.constant 192 : i32
      %parallel_loop3A_1017 = arith.addi %parallel_loop3A_1016, %parallel_loop3A_762 : i32
      %parallel_loop3A_1018 = arith.index_cast %parallel_loop3A_1017 : i32 to index
      %parallel_loop3A_1019 = arith.constant 48 : index
      %parallel_loop3A_1020 = tpu.vector_load %arg10[%parallel_loop3A_1018, %parallel_loop3A_1019] {strides = array<i32>} : memref<256x128xf32, #tpu.memory_space<vmem>>, vector<1x16xf32>,
      %parallel_loop3A_1021 = vector.shape_cast %parallel_loop3A_1020 : vector<1x16xf32> to vector<16xf32>
      %parallel_loop3A_1022 = arith.constant 11.3137083 : f32
      %parallel_loop3A_1023 = vector.broadcast %parallel_loop3A_1022 : f32 to vector<16xf32>
      %parallel_loop3A_1024 = arith.mulf %parallel_loop3A_1021, %parallel_loop3A_1023 : vector<16xf32>
      %parallel_loop3A_1025 = arith.addf %parallel_loop3A_1024, %parallel_loop3A_970 : vector<16xf32>
      %parallel_loop3A_1026 = arith.index_cast %parallel_loop3A_1017 : i32 to index
      %parallel_loop3A_1027 = arith.constant 48 : index
      %parallel_loop3A_1028 = tpu.vector_load %arg10[%parallel_loop3A_1026, %parallel_loop3A_1027] {strides = array<i32>} : memref<256x128xf32, #tpu.memory_space<vmem>>, vector<1x16xf32>,
      %parallel_loop3A_1029 = vector.shape_cast %parallel_loop3A_1028 : vector<1x16xf32> to vector<16xf32>
      %parallel_loop3A_1030 = vector.shape_cast %parallel_loop3A_1025 : vector<16xf32> to vector<1x16xf32>
      tpu.vector_store %arg10[%parallel_loop3A_1026, %parallel_loop3A_1027], %parallel_loop3A_1030 {strides = array<i32>} : memref<256x128xf32, #tpu.memory_space<vmem>>, vector<1x16xf32>,
      %parallel_loop3A_1031 = arith.constant 128 : i32
      %parallel_loop3A_1032 = arith.muli %parallel_loop3A_762, %parallel_loop3A_1031 : i32
      %parallel_loop3A_1033 = arith.constant 64 : i32
      %parallel_loop3A_1034 = arith.addi %parallel_loop3A_1032, %parallel_loop3A_1033 : i32
      %parallel_loop3A_1035 = arith.index_cast %parallel_loop3A_1034 : i32 to index
      %parallel_loop3A_1036 = tpu.vector_load %arg7[%parallel_loop3A_1035] {strides = array<i32>} : memref<8192xf32, #tpu.memory_space<vmem>>, vector<16xf32>,
      %parallel_loop3A_1037 = vector.shape_cast %parallel_loop3A_1036 : vector<16xf32> to vector<16xf32>
      %parallel_loop3A_1038 = arith.constant 0 : i32
      %parallel_loop3A_1039 = arith.addi %parallel_loop3A_1038, %parallel_loop3A_762 : i32
      %parallel_loop3A_1040 = arith.index_cast %parallel_loop3A_1039 : i32 to index
      %parallel_loop3A_1041 = arith.constant 64 : index
      %parallel_loop3A_1042 = tpu.vector_load %arg10[%parallel_loop3A_1040, %parallel_loop3A_1041] {strides = array<i32>} : memref<256x128xf32, #tpu.memory_space<vmem>>, vector<1x16xf32>,
      %parallel_loop3A_1043 = vector.shape_cast %parallel_loop3A_1042 : vector<1x16xf32> to vector<16xf32>
      %parallel_loop3A_1044 = arith.constant 11.3137083 : f32
      %parallel_loop3A_1045 = vector.broadcast %parallel_loop3A_1044 : f32 to vector<16xf32>
      %parallel_loop3A_1046 = arith.mulf %parallel_loop3A_1043, %parallel_loop3A_1045 : vector<16xf32>
      %parallel_loop3A_1047 = arith.addf %parallel_loop3A_1046, %parallel_loop3A_1037 : vector<16xf32>
      %parallel_loop3A_1048 = arith.index_cast %parallel_loop3A_1039 : i32 to index
      %parallel_loop3A_1049 = arith.constant 64 : index
      %parallel_loop3A_1050 = tpu.vector_load %arg10[%parallel_loop3A_1048, %parallel_loop3A_1049] {strides = array<i32>} : memref<256x128xf32, #tpu.memory_space<vmem>>, vector<1x16xf32>,
      %parallel_loop3A_1051 = vector.shape_cast %parallel_loop3A_1050 : vector<1x16xf32> to vector<16xf32>
      %parallel_loop3A_1052 = vector.shape_cast %parallel_loop3A_1047 : vector<16xf32> to vector<1x16xf32>
      tpu.vector_store %arg10[%parallel_loop3A_1048, %parallel_loop3A_1049], %parallel_loop3A_1052 {strides = array<i32>} : memref<256x128xf32, #tpu.memory_space<vmem>>, vector<1x16xf32>,
      %parallel_loop3A_1053 = arith.constant 64 : i32
      %parallel_loop3A_1054 = arith.addi %parallel_loop3A_1053, %parallel_loop3A_762 : i32
      %parallel_loop3A_1055 = arith.index_cast %parallel_loop3A_1054 : i32 to index
      %parallel_loop3A_1056 = arith.constant 64 : index
      %parallel_loop3A_1057 = tpu.vector_load %arg10[%parallel_loop3A_1055, %parallel_loop3A_1056] {strides = array<i32>} : memref<256x128xf32, #tpu.memory_space<vmem>>, vector<1x16xf32>,
      %parallel_loop3A_1058 = vector.shape_cast %parallel_loop3A_1057 : vector<1x16xf32> to vector<16xf32>
      %parallel_loop3A_1059 = arith.constant 11.3137083 : f32
      %parallel_loop3A_1060 = vector.broadcast %parallel_loop3A_1059 : f32 to vector<16xf32>
      %parallel_loop3A_1061 = arith.mulf %parallel_loop3A_1058, %parallel_loop3A_1060 : vector<16xf32>
      %parallel_loop3A_1062 = arith.addf %parallel_loop3A_1061, %parallel_loop3A_1037 : vector<16xf32>
      %parallel_loop3A_1063 = arith.index_cast %parallel_loop3A_1054 : i32 to index
      %parallel_loop3A_1064 = arith.constant 64 : index
      %parallel_loop3A_1065 = tpu.vector_load %arg10[%parallel_loop3A_1063, %parallel_loop3A_1064] {strides = array<i32>} : memref<256x128xf32, #tpu.memory_space<vmem>>, vector<1x16xf32>,
      %parallel_loop3A_1066 = vector.shape_cast %parallel_loop3A_1065 : vector<1x16xf32> to vector<16xf32>
      %parallel_loop3A_1067 = vector.shape_cast %parallel_loop3A_1062 : vector<16xf32> to vector<1x16xf32>
      tpu.vector_store %arg10[%parallel_loop3A_1063, %parallel_loop3A_1064], %parallel_loop3A_1067 {strides = array<i32>} : memref<256x128xf32, #tpu.memory_space<vmem>>, vector<1x16xf32>,
      %parallel_loop3A_1068 = arith.constant 128 : i32
      %parallel_loop3A_1069 = arith.addi %parallel_loop3A_1068, %parallel_loop3A_762 : i32
      %parallel_loop3A_1070 = arith.index_cast %parallel_loop3A_1069 : i32 to index
      %parallel_loop3A_1071 = arith.constant 64 : index
      %parallel_loop3A_1072 = tpu.vector_load %arg10[%parallel_loop3A_1070, %parallel_loop3A_1071] {strides = array<i32>} : memref<256x128xf32, #tpu.memory_space<vmem>>, vector<1x16xf32>,
      %parallel_loop3A_1073 = vector.shape_cast %parallel_loop3A_1072 : vector<1x16xf32> to vector<16xf32>
      %parallel_loop3A_1074 = arith.constant 11.3137083 : f32
      %parallel_loop3A_1075 = vector.broadcast %parallel_loop3A_1074 : f32 to vector<16xf32>
      %parallel_loop3A_1076 = arith.mulf %parallel_loop3A_1073, %parallel_loop3A_1075 : vector<16xf32>
      %parallel_loop3A_1077 = arith.addf %parallel_loop3A_1076, %parallel_loop3A_1037 : vector<16xf32>
      %parallel_loop3A_1078 = arith.index_cast %parallel_loop3A_1069 : i32 to index
      %parallel_loop3A_1079 = arith.constant 64 : index
      %parallel_loop3A_1080 = tpu.vector_load %arg10[%parallel_loop3A_1078, %parallel_loop3A_1079] {strides = array<i32>} : memref<256x128xf32, #tpu.memory_space<vmem>>, vector<1x16xf32>,
      %parallel_loop3A_1081 = vector.shape_cast %parallel_loop3A_1080 : vector<1x16xf32> to vector<16xf32>
      %parallel_loop3A_1082 = vector.shape_cast %parallel_loop3A_1077 : vector<16xf32> to vector<1x16xf32>
      tpu.vector_store %arg10[%parallel_loop3A_1078, %parallel_loop3A_1079], %parallel_loop3A_1082 {strides = array<i32>} : memref<256x128xf32, #tpu.memory_space<vmem>>, vector<1x16xf32>,
      %parallel_loop3A_1083 = arith.constant 192 : i32
      %parallel_loop3A_1084 = arith.addi %parallel_loop3A_1083, %parallel_loop3A_762 : i32
      %parallel_loop3A_1085 = arith.index_cast %parallel_loop3A_1084 : i32 to index
      %parallel_loop3A_1086 = arith.constant 64 : index
      %parallel_loop3A_1087 = tpu.vector_load %arg10[%parallel_loop3A_1085, %parallel_loop3A_1086] {strides = array<i32>} : memref<256x128xf32, #tpu.memory_space<vmem>>, vector<1x16xf32>,
      %parallel_loop3A_1088 = vector.shape_cast %parallel_loop3A_1087 : vector<1x16xf32> to vector<16xf32>
      %parallel_loop3A_1089 = arith.constant 11.3137083 : f32
      %parallel_loop3A_1090 = vector.broadcast %parallel_loop3A_1089 : f32 to vector<16xf32>
      %parallel_loop3A_1091 = arith.mulf %parallel_loop3A_1088, %parallel_loop3A_1090 : vector<16xf32>
      %parallel_loop3A_1092 = arith.addf %parallel_loop3A_1091, %parallel_loop3A_1037 : vector<16xf32>
      %parallel_loop3A_1093 = arith.index_cast %parallel_loop3A_1084 : i32 to index
      %parallel_loop3A_1094 = arith.constant 64 : index
      %parallel_loop3A_1095 = tpu.vector_load %arg10[%parallel_loop3A_1093, %parallel_loop3A_1094] {strides = array<i32>} : memref<256x128xf32, #tpu.memory_space<vmem>>, vector<1x16xf32>,
      %parallel_loop3A_1096 = vector.shape_cast %parallel_loop3A_1095 : vector<1x16xf32> to vector<16xf32>
      %parallel_loop3A_1097 = vector.shape_cast %parallel_loop3A_1092 : vector<16xf32> to vector<1x16xf32>
      tpu.vector_store %arg10[%parallel_loop3A_1093, %parallel_loop3A_1094], %parallel_loop3A_1097 {strides = array<i32>} : memref<256x128xf32, #tpu.memory_space<vmem>>, vector<1x16xf32>,
      %parallel_loop3A_1098 = arith.constant 128 : i32
      %parallel_loop3A_1099 = arith.muli %parallel_loop3A_762, %parallel_loop3A_1098 : i32
      %parallel_loop3A_1100 = arith.constant 80 : i32
      %parallel_loop3A_1101 = arith.addi %parallel_loop3A_1099, %parallel_loop3A_1100 : i32
      %parallel_loop3A_1102 = arith.index_cast %parallel_loop3A_1101 : i32 to index
      %parallel_loop3A_1103 = tpu.vector_load %arg7[%parallel_loop3A_1102] {strides = array<i32>} : memref<8192xf32, #tpu.memory_space<vmem>>, vector<16xf32>,
      %parallel_loop3A_1104 = vector.shape_cast %parallel_loop3A_1103 : vector<16xf32> to vector<16xf32>
      %parallel_loop3A_1105 = arith.constant 0 : i32
      %parallel_loop3A_1106 = arith.addi %parallel_loop3A_1105, %parallel_loop3A_762 : i32
      %parallel_loop3A_1107 = arith.index_cast %parallel_loop3A_1106 : i32 to index
      %parallel_loop3A_1108 = arith.constant 80 : index
      %parallel_loop3A_1109 = tpu.vector_load %arg10[%parallel_loop3A_1107, %parallel_loop3A_1108] {strides = array<i32>} : memref<256x128xf32, #tpu.memory_space<vmem>>, vector<1x16xf32>,
      %parallel_loop3A_1110 = vector.shape_cast %parallel_loop3A_1109 : vector<1x16xf32> to vector<16xf32>
      %parallel_loop3A_1111 = arith.constant 11.3137083 : f32
      %parallel_loop3A_1112 = vector.broadcast %parallel_loop3A_1111 : f32 to vector<16xf32>
      %parallel_loop3A_1113 = arith.mulf %parallel_loop3A_1110, %parallel_loop3A_1112 : vector<16xf32>
      %parallel_loop3A_1114 = arith.addf %parallel_loop3A_1113, %parallel_loop3A_1104 : vector<16xf32>
      %parallel_loop3A_1115 = arith.index_cast %parallel_loop3A_1106 : i32 to index
      %parallel_loop3A_1116 = arith.constant 80 : index
      %parallel_loop3A_1117 = tpu.vector_load %arg10[%parallel_loop3A_1115, %parallel_loop3A_1116] {strides = array<i32>} : memref<256x128xf32, #tpu.memory_space<vmem>>, vector<1x16xf32>,
      %parallel_loop3A_1118 = vector.shape_cast %parallel_loop3A_1117 : vector<1x16xf32> to vector<16xf32>
      %parallel_loop3A_1119 = vector.shape_cast %parallel_loop3A_1114 : vector<16xf32> to vector<1x16xf32>
      tpu.vector_store %arg10[%parallel_loop3A_1115, %parallel_loop3A_1116], %parallel_loop3A_1119 {strides = array<i32>} : memref<256x128xf32, #tpu.memory_space<vmem>>, vector<1x16xf32>,
      %parallel_loop3A_1120 = arith.constant 64 : i32
      %parallel_loop3A_1121 = arith.addi %parallel_loop3A_1120, %parallel_loop3A_762 : i32
      %parallel_loop3A_1122 = arith.index_cast %parallel_loop3A_1121 : i32 to index
      %parallel_loop3A_1123 = arith.constant 80 : index
      %parallel_loop3A_1124 = tpu.vector_load %arg10[%parallel_loop3A_1122, %parallel_loop3A_1123] {strides = array<i32>} : memref<256x128xf32, #tpu.memory_space<vmem>>, vector<1x16xf32>,
      %parallel_loop3A_1125 = vector.shape_cast %parallel_loop3A_1124 : vector<1x16xf32> to vector<16xf32>
      %parallel_loop3A_1126 = arith.constant 11.3137083 : f32
      %parallel_loop3A_1127 = vector.broadcast %parallel_loop3A_1126 : f32 to vector<16xf32>
      %parallel_loop3A_1128 = arith.mulf %parallel_loop3A_1125, %parallel_loop3A_1127 : vector<16xf32>
      %parallel_loop3A_1129 = arith.addf %parallel_loop3A_1128, %parallel_loop3A_1104 : vector<16xf32>
      %parallel_loop3A_1130 = arith.index_cast %parallel_loop3A_1121 : i32 to index
      %parallel_loop3A_1131 = arith.constant 80 : index
      %parallel_loop3A_1132 = tpu.vector_load %arg10[%parallel_loop3A_1130, %parallel_loop3A_1131] {strides = array<i32>} : memref<256x128xf32, #tpu.memory_space<vmem>>, vector<1x16xf32>,
      %parallel_loop3A_1133 = vector.shape_cast %parallel_loop3A_1132 : vector<1x16xf32> to vector<16xf32>
      %parallel_loop3A_1134 = vector.shape_cast %parallel_loop3A_1129 : vector<16xf32> to vector<1x16xf32>
      tpu.vector_store %arg10[%parallel_loop3A_1130, %parallel_loop3A_1131], %parallel_loop3A_1134 {strides = array<i32>} : memref<256x128xf32, #tpu.memory_space<vmem>>, vector<1x16xf32>,
      %parallel_loop3A_1135 = arith.constant 128 : i32
      %parallel_loop3A_1136 = arith.addi %parallel_loop3A_1135, %parallel_loop3A_762 : i32
      %parallel_loop3A_1137 = arith.index_cast %parallel_loop3A_1136 : i32 to index
      %parallel_loop3A_1138 = arith.constant 80 : index
      %parallel_loop3A_1139 = tpu.vector_load %arg10[%parallel_loop3A_1137, %parallel_loop3A_1138] {strides = array<i32>} : memref<256x128xf32, #tpu.memory_space<vmem>>, vector<1x16xf32>,
      %parallel_loop3A_1140 = vector.shape_cast %parallel_loop3A_1139 : vector<1x16xf32> to vector<16xf32>
      %parallel_loop3A_1141 = arith.constant 11.3137083 : f32
      %parallel_loop3A_1142 = vector.broadcast %parallel_loop3A_1141 : f32 to vector<16xf32>
      %parallel_loop3A_1143 = arith.mulf %parallel_loop3A_1140, %parallel_loop3A_1142 : vector<16xf32>
      %parallel_loop3A_1144 = arith.addf %parallel_loop3A_1143, %parallel_loop3A_1104 : vector<16xf32>
      %parallel_loop3A_1145 = arith.index_cast %parallel_loop3A_1136 : i32 to index
      %parallel_loop3A_1146 = arith.constant 80 : index
      %parallel_loop3A_1147 = tpu.vector_load %arg10[%parallel_loop3A_1145, %parallel_loop3A_1146] {strides = array<i32>} : memref<256x128xf32, #tpu.memory_space<vmem>>, vector<1x16xf32>,
      %parallel_loop3A_1148 = vector.shape_cast %parallel_loop3A_1147 : vector<1x16xf32> to vector<16xf32>
      %parallel_loop3A_1149 = vector.shape_cast %parallel_loop3A_1144 : vector<16xf32> to vector<1x16xf32>
      tpu.vector_store %arg10[%parallel_loop3A_1145, %parallel_loop3A_1146], %parallel_loop3A_1149 {strides = array<i32>} : memref<256x128xf32, #tpu.memory_space<vmem>>, vector<1x16xf32>,
      %parallel_loop3A_1150 = arith.constant 192 : i32
      %parallel_loop3A_1151 = arith.addi %parallel_loop3A_1150, %parallel_loop3A_762 : i32
      %parallel_loop3A_1152 = arith.index_cast %parallel_loop3A_1151 : i32 to index
      %parallel_loop3A_1153 = arith.constant 80 : index
      %parallel_loop3A_1154 = tpu.vector_load %arg10[%parallel_loop3A_1152, %parallel_loop3A_1153] {strides = array<i32>} : memref<256x128xf32, #tpu.memory_space<vmem>>, vector<1x16xf32>,
      %parallel_loop3A_1155 = vector.shape_cast %parallel_loop3A_1154 : vector<1x16xf32> to vector<16xf32>
      %parallel_loop3A_1156 = arith.constant 11.3137083 : f32
      %parallel_loop3A_1157 = vector.broadcast %parallel_loop3A_1156 : f32 to vector<16xf32>
      %parallel_loop3A_1158 = arith.mulf %parallel_loop3A_1155, %parallel_loop3A_1157 : vector<16xf32>
      %parallel_loop3A_1159 = arith.addf %parallel_loop3A_1158, %parallel_loop3A_1104 : vector<16xf32>
      %parallel_loop3A_1160 = arith.index_cast %parallel_loop3A_1151 : i32 to index
      %parallel_loop3A_1161 = arith.constant 80 : index
      %parallel_loop3A_1162 = tpu.vector_load %arg10[%parallel_loop3A_1160, %parallel_loop3A_1161] {strides = array<i32>} : memref<256x128xf32, #tpu.memory_space<vmem>>, vector<1x16xf32>,
      %parallel_loop3A_1163 = vector.shape_cast %parallel_loop3A_1162 : vector<1x16xf32> to vector<16xf32>
      %parallel_loop3A_1164 = vector.shape_cast %parallel_loop3A_1159 : vector<16xf32> to vector<1x16xf32>
      tpu.vector_store %arg10[%parallel_loop3A_1160, %parallel_loop3A_1161], %parallel_loop3A_1164 {strides = array<i32>} : memref<256x128xf32, #tpu.memory_space<vmem>>, vector<1x16xf32>,
      %parallel_loop3A_1165 = arith.constant 128 : i32
      %parallel_loop3A_1166 = arith.muli %parallel_loop3A_762, %parallel_loop3A_1165 : i32
      %parallel_loop3A_1167 = arith.constant 96 : i32
      %parallel_loop3A_1168 = arith.addi %parallel_loop3A_1166, %parallel_loop3A_1167 : i32
      %parallel_loop3A_1169 = arith.index_cast %parallel_loop3A_1168 : i32 to index
      %parallel_loop3A_1170 = tpu.vector_load %arg7[%parallel_loop3A_1169] {strides = array<i32>} : memref<8192xf32, #tpu.memory_space<vmem>>, vector<16xf32>,
      %parallel_loop3A_1171 = vector.shape_cast %parallel_loop3A_1170 : vector<16xf32> to vector<16xf32>
      %parallel_loop3A_1172 = arith.constant 0 : i32
      %parallel_loop3A_1173 = arith.addi %parallel_loop3A_1172, %parallel_loop3A_762 : i32
      %parallel_loop3A_1174 = arith.index_cast %parallel_loop3A_1173 : i32 to index
      %parallel_loop3A_1175 = arith.constant 96 : index
      %parallel_loop3A_1176 = tpu.vector_load %arg10[%parallel_loop3A_1174, %parallel_loop3A_1175] {strides = array<i32>} : memref<256x128xf32, #tpu.memory_space<vmem>>, vector<1x16xf32>,
      %parallel_loop3A_1177 = vector.shape_cast %parallel_loop3A_1176 : vector<1x16xf32> to vector<16xf32>
      %parallel_loop3A_1178 = arith.constant 11.3137083 : f32
      %parallel_loop3A_1179 = vector.broadcast %parallel_loop3A_1178 : f32 to vector<16xf32>
      %parallel_loop3A_1180 = arith.mulf %parallel_loop3A_1177, %parallel_loop3A_1179 : vector<16xf32>
      %parallel_loop3A_1181 = arith.addf %parallel_loop3A_1180, %parallel_loop3A_1171 : vector<16xf32>
      %parallel_loop3A_1182 = arith.index_cast %parallel_loop3A_1173 : i32 to index
      %parallel_loop3A_1183 = arith.constant 96 : index
      %parallel_loop3A_1184 = tpu.vector_load %arg10[%parallel_loop3A_1182, %parallel_loop3A_1183] {strides = array<i32>} : memref<256x128xf32, #tpu.memory_space<vmem>>, vector<1x16xf32>,
      %parallel_loop3A_1185 = vector.shape_cast %parallel_loop3A_1184 : vector<1x16xf32> to vector<16xf32>
      %parallel_loop3A_1186 = vector.shape_cast %parallel_loop3A_1181 : vector<16xf32> to vector<1x16xf32>
      tpu.vector_store %arg10[%parallel_loop3A_1182, %parallel_loop3A_1183], %parallel_loop3A_1186 {strides = array<i32>} : memref<256x128xf32, #tpu.memory_space<vmem>>, vector<1x16xf32>,
      %parallel_loop3A_1187 = arith.constant 64 : i32
      %parallel_loop3A_1188 = arith.addi %parallel_loop3A_1187, %parallel_loop3A_762 : i32
      %parallel_loop3A_1189 = arith.index_cast %parallel_loop3A_1188 : i32 to index
      %parallel_loop3A_1190 = arith.constant 96 : index
      %parallel_loop3A_1191 = tpu.vector_load %arg10[%parallel_loop3A_1189, %parallel_loop3A_1190] {strides = array<i32>} : memref<256x128xf32, #tpu.memory_space<vmem>>, vector<1x16xf32>,
      %parallel_loop3A_1192 = vector.shape_cast %parallel_loop3A_1191 : vector<1x16xf32> to vector<16xf32>
      %parallel_loop3A_1193 = arith.constant 11.3137083 : f32
      %parallel_loop3A_1194 = vector.broadcast %parallel_loop3A_1193 : f32 to vector<16xf32>
      %parallel_loop3A_1195 = arith.mulf %parallel_loop3A_1192, %parallel_loop3A_1194 : vector<16xf32>
      %parallel_loop3A_1196 = arith.addf %parallel_loop3A_1195, %parallel_loop3A_1171 : vector<16xf32>
      %parallel_loop3A_1197 = arith.index_cast %parallel_loop3A_1188 : i32 to index
      %parallel_loop3A_1198 = arith.constant 96 : index
      %parallel_loop3A_1199 = tpu.vector_load %arg10[%parallel_loop3A_1197, %parallel_loop3A_1198] {strides = array<i32>} : memref<256x128xf32, #tpu.memory_space<vmem>>, vector<1x16xf32>,
      %parallel_loop3A_1200 = vector.shape_cast %parallel_loop3A_1199 : vector<1x16xf32> to vector<16xf32>
      %parallel_loop3A_1201 = vector.shape_cast %parallel_loop3A_1196 : vector<16xf32> to vector<1x16xf32>
      tpu.vector_store %arg10[%parallel_loop3A_1197, %parallel_loop3A_1198], %parallel_loop3A_1201 {strides = array<i32>} : memref<256x128xf32, #tpu.memory_space<vmem>>, vector<1x16xf32>,
      %parallel_loop3A_1202 = arith.constant 128 : i32
      %parallel_loop3A_1203 = arith.addi %parallel_loop3A_1202, %parallel_loop3A_762 : i32
      %parallel_loop3A_1204 = arith.index_cast %parallel_loop3A_1203 : i32 to index
      %parallel_loop3A_1205 = arith.constant 96 : index
      %parallel_loop3A_1206 = tpu.vector_load %arg10[%parallel_loop3A_1204, %parallel_loop3A_1205] {strides = array<i32>} : memref<256x128xf32, #tpu.memory_space<vmem>>, vector<1x16xf32>,
      %parallel_loop3A_1207 = vector.shape_cast %parallel_loop3A_1206 : vector<1x16xf32> to vector<16xf32>
      %parallel_loop3A_1208 = arith.constant 11.3137083 : f32
      %parallel_loop3A_1209 = vector.broadcast %parallel_loop3A_1208 : f32 to vector<16xf32>
      %parallel_loop3A_1210 = arith.mulf %parallel_loop3A_1207, %parallel_loop3A_1209 : vector<16xf32>
      %parallel_loop3A_1211 = arith.addf %parallel_loop3A_1210, %parallel_loop3A_1171 : vector<16xf32>
      %parallel_loop3A_1212 = arith.index_cast %parallel_loop3A_1203 : i32 to index
      %parallel_loop3A_1213 = arith.constant 96 : index
      %parallel_loop3A_1214 = tpu.vector_load %arg10[%parallel_loop3A_1212, %parallel_loop3A_1213] {strides = array<i32>} : memref<256x128xf32, #tpu.memory_space<vmem>>, vector<1x16xf32>,
      %parallel_loop3A_1215 = vector.shape_cast %parallel_loop3A_1214 : vector<1x16xf32> to vector<16xf32>
      %parallel_loop3A_1216 = vector.shape_cast %parallel_loop3A_1211 : vector<16xf32> to vector<1x16xf32>
      tpu.vector_store %arg10[%parallel_loop3A_1212, %parallel_loop3A_1213], %parallel_loop3A_1216 {strides = array<i32>} : memref<256x128xf32, #tpu.memory_space<vmem>>, vector<1x16xf32>,
      %parallel_loop3A_1217 = arith.constant 192 : i32
      %parallel_loop3A_1218 = arith.addi %parallel_loop3A_1217, %parallel_loop3A_762 : i32
      %parallel_loop3A_1219 = arith.index_cast %parallel_loop3A_1218 : i32 to index
      %parallel_loop3A_1220 = arith.constant 96 : index
      %parallel_loop3A_1221 = tpu.vector_load %arg10[%parallel_loop3A_1219, %parallel_loop3A_1220] {strides = array<i32>} : memref<256x128xf32, #tpu.memory_space<vmem>>, vector<1x16xf32>,
      %parallel_loop3A_1222 = vector.shape_cast %parallel_loop3A_1221 : vector<1x16xf32> to vector<16xf32>
      %parallel_loop3A_1223 = arith.constant 11.3137083 : f32
      %parallel_loop3A_1224 = vector.broadcast %parallel_loop3A_1223 : f32 to vector<16xf32>
      %parallel_loop3A_1225 = arith.mulf %parallel_loop3A_1222, %parallel_loop3A_1224 : vector<16xf32>
      %parallel_loop3A_1226 = arith.addf %parallel_loop3A_1225, %parallel_loop3A_1171 : vector<16xf32>
      %parallel_loop3A_1227 = arith.index_cast %parallel_loop3A_1218 : i32 to index
      %parallel_loop3A_1228 = arith.constant 96 : index
      %parallel_loop3A_1229 = tpu.vector_load %arg10[%parallel_loop3A_1227, %parallel_loop3A_1228] {strides = array<i32>} : memref<256x128xf32, #tpu.memory_space<vmem>>, vector<1x16xf32>,
      %parallel_loop3A_1230 = vector.shape_cast %parallel_loop3A_1229 : vector<1x16xf32> to vector<16xf32>
      %parallel_loop3A_1231 = vector.shape_cast %parallel_loop3A_1226 : vector<16xf32> to vector<1x16xf32>
      tpu.vector_store %arg10[%parallel_loop3A_1227, %parallel_loop3A_1228], %parallel_loop3A_1231 {strides = array<i32>} : memref<256x128xf32, #tpu.memory_space<vmem>>, vector<1x16xf32>,
      %parallel_loop3A_1232 = arith.constant 128 : i32
      %parallel_loop3A_1233 = arith.muli %parallel_loop3A_762, %parallel_loop3A_1232 : i32
      %parallel_loop3A_1234 = arith.constant 112 : i32
      %parallel_loop3A_1235 = arith.addi %parallel_loop3A_1233, %parallel_loop3A_1234 : i32
      %parallel_loop3A_1236 = arith.index_cast %parallel_loop3A_1235 : i32 to index
      %parallel_loop3A_1237 = tpu.vector_load %arg7[%parallel_loop3A_1236] {strides = array<i32>} : memref<8192xf32, #tpu.memory_space<vmem>>, vector<16xf32>,
      %parallel_loop3A_1238 = vector.shape_cast %parallel_loop3A_1237 : vector<16xf32> to vector<16xf32>
      %parallel_loop3A_1239 = arith.constant 0 : i32
      %parallel_loop3A_1240 = arith.addi %parallel_loop3A_1239, %parallel_loop3A_762 : i32
      %parallel_loop3A_1241 = arith.index_cast %parallel_loop3A_1240 : i32 to index
      %parallel_loop3A_1242 = arith.constant 112 : index
      %parallel_loop3A_1243 = tpu.vector_load %arg10[%parallel_loop3A_1241, %parallel_loop3A_1242] {strides = array<i32>} : memref<256x128xf32, #tpu.memory_space<vmem>>, vector<1x16xf32>,
      %parallel_loop3A_1244 = vector.shape_cast %parallel_loop3A_1243 : vector<1x16xf32> to vector<16xf32>
      %parallel_loop3A_1245 = arith.constant 11.3137083 : f32
      %parallel_loop3A_1246 = vector.broadcast %parallel_loop3A_1245 : f32 to vector<16xf32>
      %parallel_loop3A_1247 = arith.mulf %parallel_loop3A_1244, %parallel_loop3A_1246 : vector<16xf32>
      %parallel_loop3A_1248 = arith.addf %parallel_loop3A_1247, %parallel_loop3A_1238 : vector<16xf32>
      %parallel_loop3A_1249 = arith.index_cast %parallel_loop3A_1240 : i32 to index
      %parallel_loop3A_1250 = arith.constant 112 : index
      %parallel_loop3A_1251 = tpu.vector_load %arg10[%parallel_loop3A_1249, %parallel_loop3A_1250] {strides = array<i32>} : memref<256x128xf32, #tpu.memory_space<vmem>>, vector<1x16xf32>,
      %parallel_loop3A_1252 = vector.shape_cast %parallel_loop3A_1251 : vector<1x16xf32> to vector<16xf32>
      %parallel_loop3A_1253 = vector.shape_cast %parallel_loop3A_1248 : vector<16xf32> to vector<1x16xf32>
      tpu.vector_store %arg10[%parallel_loop3A_1249, %parallel_loop3A_1250], %parallel_loop3A_1253 {strides = array<i32>} : memref<256x128xf32, #tpu.memory_space<vmem>>, vector<1x16xf32>,
      %parallel_loop3A_1254 = arith.constant 64 : i32
      %parallel_loop3A_1255 = arith.addi %parallel_loop3A_1254, %parallel_loop3A_762 : i32
      %parallel_loop3A_1256 = arith.index_cast %parallel_loop3A_1255 : i32 to index
      %parallel_loop3A_1257 = arith.constant 112 : index
      %parallel_loop3A_1258 = tpu.vector_load %arg10[%parallel_loop3A_1256, %parallel_loop3A_1257] {strides = array<i32>} : memref<256x128xf32, #tpu.memory_space<vmem>>, vector<1x16xf32>,
      %parallel_loop3A_1259 = vector.shape_cast %parallel_loop3A_1258 : vector<1x16xf32> to vector<16xf32>
      %parallel_loop3A_1260 = arith.constant 11.3137083 : f32
      %parallel_loop3A_1261 = vector.broadcast %parallel_loop3A_1260 : f32 to vector<16xf32>
      %parallel_loop3A_1262 = arith.mulf %parallel_loop3A_1259, %parallel_loop3A_1261 : vector<16xf32>
      %parallel_loop3A_1263 = arith.addf %parallel_loop3A_1262, %parallel_loop3A_1238 : vector<16xf32>
      %parallel_loop3A_1264 = arith.index_cast %parallel_loop3A_1255 : i32 to index
      %parallel_loop3A_1265 = arith.constant 112 : index
      %parallel_loop3A_1266 = tpu.vector_load %arg10[%parallel_loop3A_1264, %parallel_loop3A_1265] {strides = array<i32>} : memref<256x128xf32, #tpu.memory_space<vmem>>, vector<1x16xf32>,
      %parallel_loop3A_1267 = vector.shape_cast %parallel_loop3A_1266 : vector<1x16xf32> to vector<16xf32>
      %parallel_loop3A_1268 = vector.shape_cast %parallel_loop3A_1263 : vector<16xf32> to vector<1x16xf32>
      tpu.vector_store %arg10[%parallel_loop3A_1264, %parallel_loop3A_1265], %parallel_loop3A_1268 {strides = array<i32>} : memref<256x128xf32, #tpu.memory_space<vmem>>, vector<1x16xf32>,
      %parallel_loop3A_1269 = arith.constant 128 : i32
      %parallel_loop3A_1270 = arith.addi %parallel_loop3A_1269, %parallel_loop3A_762 : i32
      %parallel_loop3A_1271 = arith.index_cast %parallel_loop3A_1270 : i32 to index
      %parallel_loop3A_1272 = arith.constant 112 : index
      %parallel_loop3A_1273 = tpu.vector_load %arg10[%parallel_loop3A_1271, %parallel_loop3A_1272] {strides = array<i32>} : memref<256x128xf32, #tpu.memory_space<vmem>>, vector<1x16xf32>,
      %parallel_loop3A_1274 = vector.shape_cast %parallel_loop3A_1273 : vector<1x16xf32> to vector<16xf32>
      %parallel_loop3A_1275 = arith.constant 11.3137083 : f32
      %parallel_loop3A_1276 = vector.broadcast %parallel_loop3A_1275 : f32 to vector<16xf32>
      %parallel_loop3A_1277 = arith.mulf %parallel_loop3A_1274, %parallel_loop3A_1276 : vector<16xf32>
      %parallel_loop3A_1278 = arith.addf %parallel_loop3A_1277, %parallel_loop3A_1238 : vector<16xf32>
      %parallel_loop3A_1279 = arith.index_cast %parallel_loop3A_1270 : i32 to index
      %parallel_loop3A_1280 = arith.constant 112 : index
      %parallel_loop3A_1281 = tpu.vector_load %arg10[%parallel_loop3A_1279, %parallel_loop3A_1280] {strides = array<i32>} : memref<256x128xf32, #tpu.memory_space<vmem>>, vector<1x16xf32>,
      %parallel_loop3A_1282 = vector.shape_cast %parallel_loop3A_1281 : vector<1x16xf32> to vector<16xf32>
      %parallel_loop3A_1283 = vector.shape_cast %parallel_loop3A_1278 : vector<16xf32> to vector<1x16xf32>
      tpu.vector_store %arg10[%parallel_loop3A_1279, %parallel_loop3A_1280], %parallel_loop3A_1283 {strides = array<i32>} : memref<256x128xf32, #tpu.memory_space<vmem>>, vector<1x16xf32>,
      %parallel_loop3A_1284 = arith.constant 192 : i32
      %parallel_loop3A_1285 = arith.addi %parallel_loop3A_1284, %parallel_loop3A_762 : i32
      %parallel_loop3A_1286 = arith.index_cast %parallel_loop3A_1285 : i32 to index
      %parallel_loop3A_1287 = arith.constant 112 : index
      %parallel_loop3A_1288 = tpu.vector_load %arg10[%parallel_loop3A_1286, %parallel_loop3A_1287] {strides = array<i32>} : memref<256x128xf32, #tpu.memory_space<vmem>>, vector<1x16xf32>,
      %parallel_loop3A_1289 = vector.shape_cast %parallel_loop3A_1288 : vector<1x16xf32> to vector<16xf32>
      %parallel_loop3A_1290 = arith.constant 11.3137083 : f32
      %parallel_loop3A_1291 = vector.broadcast %parallel_loop3A_1290 : f32 to vector<16xf32>
      %parallel_loop3A_1292 = arith.mulf %parallel_loop3A_1289, %parallel_loop3A_1291 : vector<16xf32>
      %parallel_loop3A_1293 = arith.addf %parallel_loop3A_1292, %parallel_loop3A_1238 : vector<16xf32>
      %parallel_loop3A_1294 = arith.index_cast %parallel_loop3A_1285 : i32 to index
      %parallel_loop3A_1295 = arith.constant 112 : index
      %parallel_loop3A_1296 = tpu.vector_load %arg10[%parallel_loop3A_1294, %parallel_loop3A_1295] {strides = array<i32>} : memref<256x128xf32, #tpu.memory_space<vmem>>, vector<1x16xf32>,
      %parallel_loop3A_1297 = vector.shape_cast %parallel_loop3A_1296 : vector<1x16xf32> to vector<16xf32>
      %parallel_loop3A_1298 = vector.shape_cast %parallel_loop3A_1293 : vector<16xf32> to vector<1x16xf32>
      tpu.vector_store %arg10[%parallel_loop3A_1294, %parallel_loop3A_1295], %parallel_loop3A_1298 {strides = array<i32>} : memref<256x128xf32, #tpu.memory_space<vmem>>, vector<1x16xf32>,
    } {sc.loop_unroll_factor = 1 : i64, sc.parallel_access}
    %dma_start3A_494 = arith.constant 8 : i32
    %dma_start3A_495 = arith.constant 0 : i32
    %dma_start3A_496 = arith.constant 0 : i32
    %dma_start3A_497 = tpu.memref_slice %arg10[%dma_start3A_495, %dma_start3A_496] : memref<256x128xf32, #tpu.memory_space<vmem>> -> memref<64x128xf32, #tpu.memory_space<vmem>>
    %dma_start3A_498 = arith.constant 0 : i32
    %dma_start3A_499 = tpu.memref_slice %arg5[%dma_start3A_494, %mul3A_2, %dma_start3A_498] : memref<16x2048x128xf32, #tpu.memory_space<hbm>> -> memref<1x64x128xf32, #tpu.memory_space<hbm>>
    %dma_start3A_500 = tpu.memref_squeeze %dma_start3A_499 : memref<1x64x128xf32, #tpu.memory_space<hbm>> -> memref<64x128xf32, #tpu.memory_space<hbm>>
    %dma_start3A_501 = arith.constant 0 : i32
    %dma_start3A_502 = tpu.memref_slice %arg5[%dma_start3A_494, %mul3A_2, %dma_start3A_501] : memref<16x2048x128xf32, #tpu.memory_space<hbm>> -> memref<1x64x128xf32, #tpu.memory_space<hbm>>
    %dma_start3A_503 = tpu.memref_squeeze %dma_start3A_502 : memref<1x64x128xf32, #tpu.memory_space<hbm>> -> memref<64x128xf32, #tpu.memory_space<hbm>>
    %dma_start3A_504 = arith.constant 0 : i32
    %dma_start3A_505 = arith.constant 0 : i32
    %dma_start3A_506 = tpu.memref_slice %arg10[%dma_start3A_504, %dma_start3A_505] : memref<256x128xf32, #tpu.memory_space<vmem>> -> memref<64x128xf32, #tpu.memory_space<vmem>>
    tpu.enqueue_dma source(%dma_start3A_506 : memref<64x128xf32, #tpu.memory_space<vmem>>) target(%dma_start3A_503 : memref<64x128xf32, #tpu.memory_space<hbm>>) target_semaphore(%arg17 : memref<!tpu.dma_semaphore, #tpu.memory_space<semaphore_mem>>)
    %dma_start3A_507 = arith.constant 9 : i32
    %dma_start3A_508 = arith.constant 64 : i32
    %dma_start3A_509 = arith.constant 0 : i32
    %dma_start3A_510 = tpu.memref_slice %arg10[%dma_start3A_508, %dma_start3A_509] : memref<256x128xf32, #tpu.memory_space<vmem>> -> memref<64x128xf32, #tpu.memory_space<vmem>>
    %dma_start3A_511 = arith.constant 0 : i32
    %dma_start3A_512 = tpu.memref_slice %arg5[%dma_start3A_507, %mul3A_2, %dma_start3A_511] : memref<16x2048x128xf32, #tpu.memory_space<hbm>> -> memref<1x64x128xf32, #tpu.memory_space<hbm>>
    %dma_start3A_513 = tpu.memref_squeeze %dma_start3A_512 : memref<1x64x128xf32, #tpu.memory_space<hbm>> -> memref<64x128xf32, #tpu.memory_space<hbm>>
    %dma_start3A_514 = arith.constant 0 : i32
    %dma_start3A_515 = tpu.memref_slice %arg5[%dma_start3A_507, %mul3A_2, %dma_start3A_514] : memref<16x2048x128xf32, #tpu.memory_space<hbm>> -> memref<1x64x128xf32, #tpu.memory_space<hbm>>
    %dma_start3A_516 = tpu.memref_squeeze %dma_start3A_515 : memref<1x64x128xf32, #tpu.memory_space<hbm>> -> memref<64x128xf32, #tpu.memory_space<hbm>>
    %dma_start3A_517 = arith.constant 64 : i32
    %dma_start3A_518 = arith.constant 0 : i32
    %dma_start3A_519 = tpu.memref_slice %arg10[%dma_start3A_517, %dma_start3A_518] : memref<256x128xf32, #tpu.memory_space<vmem>> -> memref<64x128xf32, #tpu.memory_space<vmem>>
    tpu.enqueue_dma source(%dma_start3A_519 : memref<64x128xf32, #tpu.memory_space<vmem>>) target(%dma_start3A_516 : memref<64x128xf32, #tpu.memory_space<hbm>>) target_semaphore(%arg17 : memref<!tpu.dma_semaphore, #tpu.memory_space<semaphore_mem>>)
    %dma_start3A_520 = arith.constant 10 : i32
    %dma_start3A_521 = arith.constant 128 : i32
    %dma_start3A_522 = arith.constant 0 : i32
    %dma_start3A_523 = tpu.memref_slice %arg10[%dma_start3A_521, %dma_start3A_522] : memref<256x128xf32, #tpu.memory_space<vmem>> -> memref<64x128xf32, #tpu.memory_space<vmem>>
    %dma_start3A_524 = arith.constant 0 : i32
    %dma_start3A_525 = tpu.memref_slice %arg5[%dma_start3A_520, %mul3A_2, %dma_start3A_524] : memref<16x2048x128xf32, #tpu.memory_space<hbm>> -> memref<1x64x128xf32, #tpu.memory_space<hbm>>
    %dma_start3A_526 = tpu.memref_squeeze %dma_start3A_525 : memref<1x64x128xf32, #tpu.memory_space<hbm>> -> memref<64x128xf32, #tpu.memory_space<hbm>>
    %dma_start3A_527 = arith.constant 0 : i32
    %dma_start3A_528 = tpu.memref_slice %arg5[%dma_start3A_520, %mul3A_2, %dma_start3A_527] : memref<16x2048x128xf32, #tpu.memory_space<hbm>> -> memref<1x64x128xf32, #tpu.memory_space<hbm>>
    %dma_start3A_529 = tpu.memref_squeeze %dma_start3A_528 : memref<1x64x128xf32, #tpu.memory_space<hbm>> -> memref<64x128xf32, #tpu.memory_space<hbm>>
    %dma_start3A_530 = arith.constant 128 : i32
    %dma_start3A_531 = arith.constant 0 : i32
    %dma_start3A_532 = tpu.memref_slice %arg10[%dma_start3A_530, %dma_start3A_531] : memref<256x128xf32, #tpu.memory_space<vmem>> -> memref<64x128xf32, #tpu.memory_space<vmem>>
    tpu.enqueue_dma source(%dma_start3A_532 : memref<64x128xf32, #tpu.memory_space<vmem>>) target(%dma_start3A_529 : memref<64x128xf32, #tpu.memory_space<hbm>>) target_semaphore(%arg17 : memref<!tpu.dma_semaphore, #tpu.memory_space<semaphore_mem>>)
    %dma_start3A_533 = arith.constant 11 : i32
    %dma_start3A_534 = arith.constant 192 : i32
    %dma_start3A_535 = arith.constant 0 : i32
    %dma_start3A_536 = tpu.memref_slice %arg10[%dma_start3A_534, %dma_start3A_535] : memref<256x128xf32, #tpu.memory_space<vmem>> -> memref<64x128xf32, #tpu.memory_space<vmem>>
    %dma_start3A_537 = arith.constant 0 : i32
    %dma_start3A_538 = tpu.memref_slice %arg5[%dma_start3A_533, %mul3A_2, %dma_start3A_537] : memref<16x2048x128xf32, #tpu.memory_space<hbm>> -> memref<1x64x128xf32, #tpu.memory_space<hbm>>
    %dma_start3A_539 = tpu.memref_squeeze %dma_start3A_538 : memref<1x64x128xf32, #tpu.memory_space<hbm>> -> memref<64x128xf32, #tpu.memory_space<hbm>>
    %dma_start3A_540 = arith.constant 0 : i32
    %dma_start3A_541 = tpu.memref_slice %arg5[%dma_start3A_533, %mul3A_2, %dma_start3A_540] : memref<16x2048x128xf32, #tpu.memory_space<hbm>> -> memref<1x64x128xf32, #tpu.memory_space<hbm>>
    %dma_start3A_542 = tpu.memref_squeeze %dma_start3A_541 : memref<1x64x128xf32, #tpu.memory_space<hbm>> -> memref<64x128xf32, #tpu.memory_space<hbm>>
    %dma_start3A_543 = arith.constant 192 : i32
    %dma_start3A_544 = arith.constant 0 : i32
    %dma_start3A_545 = tpu.memref_slice %arg10[%dma_start3A_543, %dma_start3A_544] : memref<256x128xf32, #tpu.memory_space<vmem>> -> memref<64x128xf32, #tpu.memory_space<vmem>>
    tpu.enqueue_dma source(%dma_start3A_545 : memref<64x128xf32, #tpu.memory_space<vmem>>) target(%dma_start3A_542 : memref<64x128xf32, #tpu.memory_space<hbm>>) target_semaphore(%arg17 : memref<!tpu.dma_semaphore, #tpu.memory_space<semaphore_mem>>)
    %dma_wait3A_546 = arith.constant 768 : i32
    %dma_wait3A_547 = tpu.memref_slice %arg6[%dma_wait3A_546] : memref<1024xi32, #tpu.memory_space<vmem>> -> memref<256xi32, #tpu.memory_space<vmem>>
    %dma_wait3A_548 = arith.constant 0 : i32
    %dma_wait3A_549 = arith.constant 0 : i32
    %dma_wait3A_550 = tpu.memref_slice %arg2[%dma_wait3A_548, %dma_wait3A_549] : memref<100000x128xf32, #tpu.memory_space<hbm>> -> memref<100000x128xf32, #tpu.memory_space<hbm>>
    tpu.wait_indirect_dma semaphore(%arg12 : memref<!tpu.dma_semaphore, #tpu.memory_space<semaphore_mem>>) src(%dma_wait3A_550 : memref<100000x128xf32, #tpu.memory_space<hbm>>) dst(%arg8 : memref<256x128xf32, #tpu.memory_space<vmem>>)
    %parallel_loop3A_551 = arith.constant 0 : i32
    %parallel_loop3A_552 = arith.constant 64 : i32
    %parallel_loop3A_553 = arith.constant 1 : i32
    scf.for %parallel_loop3A_762 = %parallel_loop3A_551 to %parallel_loop3A_552 step %parallel_loop3A_553  : i32 {
      %parallel_loop3A_763 = arith.constant 128 : i32
      %parallel_loop3A_764 = arith.muli %parallel_loop3A_762, %parallel_loop3A_763 : i32
      %parallel_loop3A_765 = arith.constant 0 : i32
      %parallel_loop3A_766 = arith.addi %parallel_loop3A_764, %parallel_loop3A_765 : i32
      %parallel_loop3A_767 = arith.index_cast %parallel_loop3A_766 : i32 to index
      %parallel_loop3A_768 = tpu.vector_load %arg7[%parallel_loop3A_767] {strides = array<i32>} : memref<8192xf32, #tpu.memory_space<vmem>>, vector<16xf32>,
      %parallel_loop3A_769 = vector.shape_cast %parallel_loop3A_768 : vector<16xf32> to vector<16xf32>
      %parallel_loop3A_770 = arith.constant 0 : i32
      %parallel_loop3A_771 = arith.addi %parallel_loop3A_770, %parallel_loop3A_762 : i32
      %parallel_loop3A_772 = arith.index_cast %parallel_loop3A_771 : i32 to index
      %parallel_loop3A_773 = arith.constant 0 : index
      %parallel_loop3A_774 = tpu.vector_load %arg8[%parallel_loop3A_772, %parallel_loop3A_773] {strides = array<i32>} : memref<256x128xf32, #tpu.memory_space<vmem>>, vector<1x16xf32>,
      %parallel_loop3A_775 = vector.shape_cast %parallel_loop3A_774 : vector<1x16xf32> to vector<16xf32>
      %parallel_loop3A_776 = arith.constant 11.3137083 : f32
      %parallel_loop3A_777 = vector.broadcast %parallel_loop3A_776 : f32 to vector<16xf32>
      %parallel_loop3A_778 = arith.mulf %parallel_loop3A_775, %parallel_loop3A_777 : vector<16xf32>
      %parallel_loop3A_779 = arith.addf %parallel_loop3A_778, %parallel_loop3A_769 : vector<16xf32>
      %parallel_loop3A_780 = arith.index_cast %parallel_loop3A_771 : i32 to index
      %parallel_loop3A_781 = arith.constant 0 : index
      %parallel_loop3A_782 = tpu.vector_load %arg8[%parallel_loop3A_780, %parallel_loop3A_781] {strides = array<i32>} : memref<256x128xf32, #tpu.memory_space<vmem>>, vector<1x16xf32>,
      %parallel_loop3A_783 = vector.shape_cast %parallel_loop3A_782 : vector<1x16xf32> to vector<16xf32>
      %parallel_loop3A_784 = vector.shape_cast %parallel_loop3A_779 : vector<16xf32> to vector<1x16xf32>
      tpu.vector_store %arg8[%parallel_loop3A_780, %parallel_loop3A_781], %parallel_loop3A_784 {strides = array<i32>} : memref<256x128xf32, #tpu.memory_space<vmem>>, vector<1x16xf32>,
      %parallel_loop3A_785 = arith.constant 64 : i32
      %parallel_loop3A_786 = arith.addi %parallel_loop3A_785, %parallel_loop3A_762 : i32
      %parallel_loop3A_787 = arith.index_cast %parallel_loop3A_786 : i32 to index
      %parallel_loop3A_788 = arith.constant 0 : index
      %parallel_loop3A_789 = tpu.vector_load %arg8[%parallel_loop3A_787, %parallel_loop3A_788] {strides = array<i32>} : memref<256x128xf32, #tpu.memory_space<vmem>>, vector<1x16xf32>,
      %parallel_loop3A_790 = vector.shape_cast %parallel_loop3A_789 : vector<1x16xf32> to vector<16xf32>
      %parallel_loop3A_791 = arith.constant 11.3137083 : f32
      %parallel_loop3A_792 = vector.broadcast %parallel_loop3A_791 : f32 to vector<16xf32>
      %parallel_loop3A_793 = arith.mulf %parallel_loop3A_790, %parallel_loop3A_792 : vector<16xf32>
      %parallel_loop3A_794 = arith.addf %parallel_loop3A_793, %parallel_loop3A_769 : vector<16xf32>
      %parallel_loop3A_795 = arith.index_cast %parallel_loop3A_786 : i32 to index
      %parallel_loop3A_796 = arith.constant 0 : index
      %parallel_loop3A_797 = tpu.vector_load %arg8[%parallel_loop3A_795, %parallel_loop3A_796] {strides = array<i32>} : memref<256x128xf32, #tpu.memory_space<vmem>>, vector<1x16xf32>,
      %parallel_loop3A_798 = vector.shape_cast %parallel_loop3A_797 : vector<1x16xf32> to vector<16xf32>
      %parallel_loop3A_799 = vector.shape_cast %parallel_loop3A_794 : vector<16xf32> to vector<1x16xf32>
      tpu.vector_store %arg8[%parallel_loop3A_795, %parallel_loop3A_796], %parallel_loop3A_799 {strides = array<i32>} : memref<256x128xf32, #tpu.memory_space<vmem>>, vector<1x16xf32>,
      %parallel_loop3A_800 = arith.constant 128 : i32
      %parallel_loop3A_801 = arith.addi %parallel_loop3A_800, %parallel_loop3A_762 : i32
      %parallel_loop3A_802 = arith.index_cast %parallel_loop3A_801 : i32 to index
      %parallel_loop3A_803 = arith.constant 0 : index
      %parallel_loop3A_804 = tpu.vector_load %arg8[%parallel_loop3A_802, %parallel_loop3A_803] {strides = array<i32>} : memref<256x128xf32, #tpu.memory_space<vmem>>, vector<1x16xf32>,
      %parallel_loop3A_805 = vector.shape_cast %parallel_loop3A_804 : vector<1x16xf32> to vector<16xf32>
      %parallel_loop3A_806 = arith.constant 11.3137083 : f32
      %parallel_loop3A_807 = vector.broadcast %parallel_loop3A_806 : f32 to vector<16xf32>
      %parallel_loop3A_808 = arith.mulf %parallel_loop3A_805, %parallel_loop3A_807 : vector<16xf32>
      %parallel_loop3A_809 = arith.addf %parallel_loop3A_808, %parallel_loop3A_769 : vector<16xf32>
      %parallel_loop3A_810 = arith.index_cast %parallel_loop3A_801 : i32 to index
      %parallel_loop3A_811 = arith.constant 0 : index
      %parallel_loop3A_812 = tpu.vector_load %arg8[%parallel_loop3A_810, %parallel_loop3A_811] {strides = array<i32>} : memref<256x128xf32, #tpu.memory_space<vmem>>, vector<1x16xf32>,
      %parallel_loop3A_813 = vector.shape_cast %parallel_loop3A_812 : vector<1x16xf32> to vector<16xf32>
      %parallel_loop3A_814 = vector.shape_cast %parallel_loop3A_809 : vector<16xf32> to vector<1x16xf32>
      tpu.vector_store %arg8[%parallel_loop3A_810, %parallel_loop3A_811], %parallel_loop3A_814 {strides = array<i32>} : memref<256x128xf32, #tpu.memory_space<vmem>>, vector<1x16xf32>,
      %parallel_loop3A_815 = arith.constant 192 : i32
      %parallel_loop3A_816 = arith.addi %parallel_loop3A_815, %parallel_loop3A_762 : i32
      %parallel_loop3A_817 = arith.index_cast %parallel_loop3A_816 : i32 to index
      %parallel_loop3A_818 = arith.constant 0 : index
      %parallel_loop3A_819 = tpu.vector_load %arg8[%parallel_loop3A_817, %parallel_loop3A_818] {strides = array<i32>} : memref<256x128xf32, #tpu.memory_space<vmem>>, vector<1x16xf32>,
      %parallel_loop3A_820 = vector.shape_cast %parallel_loop3A_819 : vector<1x16xf32> to vector<16xf32>
      %parallel_loop3A_821 = arith.constant 11.3137083 : f32
      %parallel_loop3A_822 = vector.broadcast %parallel_loop3A_821 : f32 to vector<16xf32>
      %parallel_loop3A_823 = arith.mulf %parallel_loop3A_820, %parallel_loop3A_822 : vector<16xf32>
      %parallel_loop3A_824 = arith.addf %parallel_loop3A_823, %parallel_loop3A_769 : vector<16xf32>
      %parallel_loop3A_825 = arith.index_cast %parallel_loop3A_816 : i32 to index
      %parallel_loop3A_826 = arith.constant 0 : index
      %parallel_loop3A_827 = tpu.vector_load %arg8[%parallel_loop3A_825, %parallel_loop3A_826] {strides = array<i32>} : memref<256x128xf32, #tpu.memory_space<vmem>>, vector<1x16xf32>,
      %parallel_loop3A_828 = vector.shape_cast %parallel_loop3A_827 : vector<1x16xf32> to vector<16xf32>
      %parallel_loop3A_829 = vector.shape_cast %parallel_loop3A_824 : vector<16xf32> to vector<1x16xf32>
      tpu.vector_store %arg8[%parallel_loop3A_825, %parallel_loop3A_826], %parallel_loop3A_829 {strides = array<i32>} : memref<256x128xf32, #tpu.memory_space<vmem>>, vector<1x16xf32>,
      %parallel_loop3A_830 = arith.constant 128 : i32
      %parallel_loop3A_831 = arith.muli %parallel_loop3A_762, %parallel_loop3A_830 : i32
      %parallel_loop3A_832 = arith.constant 16 : i32
      %parallel_loop3A_833 = arith.addi %parallel_loop3A_831, %parallel_loop3A_832 : i32
      %parallel_loop3A_834 = arith.index_cast %parallel_loop3A_833 : i32 to index
      %parallel_loop3A_835 = tpu.vector_load %arg7[%parallel_loop3A_834] {strides = array<i32>} : memref<8192xf32, #tpu.memory_space<vmem>>, vector<16xf32>,
      %parallel_loop3A_836 = vector.shape_cast %parallel_loop3A_835 : vector<16xf32> to vector<16xf32>
      %parallel_loop3A_837 = arith.constant 0 : i32
      %parallel_loop3A_838 = arith.addi %parallel_loop3A_837, %parallel_loop3A_762 : i32
      %parallel_loop3A_839 = arith.index_cast %parallel_loop3A_838 : i32 to index
      %parallel_loop3A_840 = arith.constant 16 : index
      %parallel_loop3A_841 = tpu.vector_load %arg8[%parallel_loop3A_839, %parallel_loop3A_840] {strides = array<i32>} : memref<256x128xf32, #tpu.memory_space<vmem>>, vector<1x16xf32>,
      %parallel_loop3A_842 = vector.shape_cast %parallel_loop3A_841 : vector<1x16xf32> to vector<16xf32>
      %parallel_loop3A_843 = arith.constant 11.3137083 : f32
      %parallel_loop3A_844 = vector.broadcast %parallel_loop3A_843 : f32 to vector<16xf32>
      %parallel_loop3A_845 = arith.mulf %parallel_loop3A_842, %parallel_loop3A_844 : vector<16xf32>
      %parallel_loop3A_846 = arith.addf %parallel_loop3A_845, %parallel_loop3A_836 : vector<16xf32>
      %parallel_loop3A_847 = arith.index_cast %parallel_loop3A_838 : i32 to index
      %parallel_loop3A_848 = arith.constant 16 : index
      %parallel_loop3A_849 = tpu.vector_load %arg8[%parallel_loop3A_847, %parallel_loop3A_848] {strides = array<i32>} : memref<256x128xf32, #tpu.memory_space<vmem>>, vector<1x16xf32>,
      %parallel_loop3A_850 = vector.shape_cast %parallel_loop3A_849 : vector<1x16xf32> to vector<16xf32>
      %parallel_loop3A_851 = vector.shape_cast %parallel_loop3A_846 : vector<16xf32> to vector<1x16xf32>
      tpu.vector_store %arg8[%parallel_loop3A_847, %parallel_loop3A_848], %parallel_loop3A_851 {strides = array<i32>} : memref<256x128xf32, #tpu.memory_space<vmem>>, vector<1x16xf32>,
      %parallel_loop3A_852 = arith.constant 64 : i32
      %parallel_loop3A_853 = arith.addi %parallel_loop3A_852, %parallel_loop3A_762 : i32
      %parallel_loop3A_854 = arith.index_cast %parallel_loop3A_853 : i32 to index
      %parallel_loop3A_855 = arith.constant 16 : index
      %parallel_loop3A_856 = tpu.vector_load %arg8[%parallel_loop3A_854, %parallel_loop3A_855] {strides = array<i32>} : memref<256x128xf32, #tpu.memory_space<vmem>>, vector<1x16xf32>,
      %parallel_loop3A_857 = vector.shape_cast %parallel_loop3A_856 : vector<1x16xf32> to vector<16xf32>
      %parallel_loop3A_858 = arith.constant 11.3137083 : f32
      %parallel_loop3A_859 = vector.broadcast %parallel_loop3A_858 : f32 to vector<16xf32>
      %parallel_loop3A_860 = arith.mulf %parallel_loop3A_857, %parallel_loop3A_859 : vector<16xf32>
      %parallel_loop3A_861 = arith.addf %parallel_loop3A_860, %parallel_loop3A_836 : vector<16xf32>
      %parallel_loop3A_862 = arith.index_cast %parallel_loop3A_853 : i32 to index
      %parallel_loop3A_863 = arith.constant 16 : index
      %parallel_loop3A_864 = tpu.vector_load %arg8[%parallel_loop3A_862, %parallel_loop3A_863] {strides = array<i32>} : memref<256x128xf32, #tpu.memory_space<vmem>>, vector<1x16xf32>,
      %parallel_loop3A_865 = vector.shape_cast %parallel_loop3A_864 : vector<1x16xf32> to vector<16xf32>
      %parallel_loop3A_866 = vector.shape_cast %parallel_loop3A_861 : vector<16xf32> to vector<1x16xf32>
      tpu.vector_store %arg8[%parallel_loop3A_862, %parallel_loop3A_863], %parallel_loop3A_866 {strides = array<i32>} : memref<256x128xf32, #tpu.memory_space<vmem>>, vector<1x16xf32>,
      %parallel_loop3A_867 = arith.constant 128 : i32
      %parallel_loop3A_868 = arith.addi %parallel_loop3A_867, %parallel_loop3A_762 : i32
      %parallel_loop3A_869 = arith.index_cast %parallel_loop3A_868 : i32 to index
      %parallel_loop3A_870 = arith.constant 16 : index
      %parallel_loop3A_871 = tpu.vector_load %arg8[%parallel_loop3A_869, %parallel_loop3A_870] {strides = array<i32>} : memref<256x128xf32, #tpu.memory_space<vmem>>, vector<1x16xf32>,
      %parallel_loop3A_872 = vector.shape_cast %parallel_loop3A_871 : vector<1x16xf32> to vector<16xf32>
      %parallel_loop3A_873 = arith.constant 11.3137083 : f32
      %parallel_loop3A_874 = vector.broadcast %parallel_loop3A_873 : f32 to vector<16xf32>
      %parallel_loop3A_875 = arith.mulf %parallel_loop3A_872, %parallel_loop3A_874 : vector<16xf32>
      %parallel_loop3A_876 = arith.addf %parallel_loop3A_875, %parallel_loop3A_836 : vector<16xf32>
      %parallel_loop3A_877 = arith.index_cast %parallel_loop3A_868 : i32 to index
      %parallel_loop3A_878 = arith.constant 16 : index
      %parallel_loop3A_879 = tpu.vector_load %arg8[%parallel_loop3A_877, %parallel_loop3A_878] {strides = array<i32>} : memref<256x128xf32, #tpu.memory_space<vmem>>, vector<1x16xf32>,
      %parallel_loop3A_880 = vector.shape_cast %parallel_loop3A_879 : vector<1x16xf32> to vector<16xf32>
      %parallel_loop3A_881 = vector.shape_cast %parallel_loop3A_876 : vector<16xf32> to vector<1x16xf32>
      tpu.vector_store %arg8[%parallel_loop3A_877, %parallel_loop3A_878], %parallel_loop3A_881 {strides = array<i32>} : memref<256x128xf32, #tpu.memory_space<vmem>>, vector<1x16xf32>,
      %parallel_loop3A_882 = arith.constant 192 : i32
      %parallel_loop3A_883 = arith.addi %parallel_loop3A_882, %parallel_loop3A_762 : i32
      %parallel_loop3A_884 = arith.index_cast %parallel_loop3A_883 : i32 to index
      %parallel_loop3A_885 = arith.constant 16 : index
      %parallel_loop3A_886 = tpu.vector_load %arg8[%parallel_loop3A_884, %parallel_loop3A_885] {strides = array<i32>} : memref<256x128xf32, #tpu.memory_space<vmem>>, vector<1x16xf32>,
      %parallel_loop3A_887 = vector.shape_cast %parallel_loop3A_886 : vector<1x16xf32> to vector<16xf32>
      %parallel_loop3A_888 = arith.constant 11.3137083 : f32
      %parallel_loop3A_889 = vector.broadcast %parallel_loop3A_888 : f32 to vector<16xf32>
      %parallel_loop3A_890 = arith.mulf %parallel_loop3A_887, %parallel_loop3A_889 : vector<16xf32>
      %parallel_loop3A_891 = arith.addf %parallel_loop3A_890, %parallel_loop3A_836 : vector<16xf32>
      %parallel_loop3A_892 = arith.index_cast %parallel_loop3A_883 : i32 to index
      %parallel_loop3A_893 = arith.constant 16 : index
      %parallel_loop3A_894 = tpu.vector_load %arg8[%parallel_loop3A_892, %parallel_loop3A_893] {strides = array<i32>} : memref<256x128xf32, #tpu.memory_space<vmem>>, vector<1x16xf32>,
      %parallel_loop3A_895 = vector.shape_cast %parallel_loop3A_894 : vector<1x16xf32> to vector<16xf32>
      %parallel_loop3A_896 = vector.shape_cast %parallel_loop3A_891 : vector<16xf32> to vector<1x16xf32>
      tpu.vector_store %arg8[%parallel_loop3A_892, %parallel_loop3A_893], %parallel_loop3A_896 {strides = array<i32>} : memref<256x128xf32, #tpu.memory_space<vmem>>, vector<1x16xf32>,
      %parallel_loop3A_897 = arith.constant 128 : i32
      %parallel_loop3A_898 = arith.muli %parallel_loop3A_762, %parallel_loop3A_897 : i32
      %parallel_loop3A_899 = arith.constant 32 : i32
      %parallel_loop3A_900 = arith.addi %parallel_loop3A_898, %parallel_loop3A_899 : i32
      %parallel_loop3A_901 = arith.index_cast %parallel_loop3A_900 : i32 to index
      %parallel_loop3A_902 = tpu.vector_load %arg7[%parallel_loop3A_901] {strides = array<i32>} : memref<8192xf32, #tpu.memory_space<vmem>>, vector<16xf32>,
      %parallel_loop3A_903 = vector.shape_cast %parallel_loop3A_902 : vector<16xf32> to vector<16xf32>
      %parallel_loop3A_904 = arith.constant 0 : i32
      %parallel_loop3A_905 = arith.addi %parallel_loop3A_904, %parallel_loop3A_762 : i32
      %parallel_loop3A_906 = arith.index_cast %parallel_loop3A_905 : i32 to index
      %parallel_loop3A_907 = arith.constant 32 : index
      %parallel_loop3A_908 = tpu.vector_load %arg8[%parallel_loop3A_906, %parallel_loop3A_907] {strides = array<i32>} : memref<256x128xf32, #tpu.memory_space<vmem>>, vector<1x16xf32>,
      %parallel_loop3A_909 = vector.shape_cast %parallel_loop3A_908 : vector<1x16xf32> to vector<16xf32>
      %parallel_loop3A_910 = arith.constant 11.3137083 : f32
      %parallel_loop3A_911 = vector.broadcast %parallel_loop3A_910 : f32 to vector<16xf32>
      %parallel_loop3A_912 = arith.mulf %parallel_loop3A_909, %parallel_loop3A_911 : vector<16xf32>
      %parallel_loop3A_913 = arith.addf %parallel_loop3A_912, %parallel_loop3A_903 : vector<16xf32>
      %parallel_loop3A_914 = arith.index_cast %parallel_loop3A_905 : i32 to index
      %parallel_loop3A_915 = arith.constant 32 : index
      %parallel_loop3A_916 = tpu.vector_load %arg8[%parallel_loop3A_914, %parallel_loop3A_915] {strides = array<i32>} : memref<256x128xf32, #tpu.memory_space<vmem>>, vector<1x16xf32>,
      %parallel_loop3A_917 = vector.shape_cast %parallel_loop3A_916 : vector<1x16xf32> to vector<16xf32>
      %parallel_loop3A_918 = vector.shape_cast %parallel_loop3A_913 : vector<16xf32> to vector<1x16xf32>
      tpu.vector_store %arg8[%parallel_loop3A_914, %parallel_loop3A_915], %parallel_loop3A_918 {strides = array<i32>} : memref<256x128xf32, #tpu.memory_space<vmem>>, vector<1x16xf32>,
      %parallel_loop3A_919 = arith.constant 64 : i32
      %parallel_loop3A_920 = arith.addi %parallel_loop3A_919, %parallel_loop3A_762 : i32
      %parallel_loop3A_921 = arith.index_cast %parallel_loop3A_920 : i32 to index
      %parallel_loop3A_922 = arith.constant 32 : index
      %parallel_loop3A_923 = tpu.vector_load %arg8[%parallel_loop3A_921, %parallel_loop3A_922] {strides = array<i32>} : memref<256x128xf32, #tpu.memory_space<vmem>>, vector<1x16xf32>,
      %parallel_loop3A_924 = vector.shape_cast %parallel_loop3A_923 : vector<1x16xf32> to vector<16xf32>
      %parallel_loop3A_925 = arith.constant 11.3137083 : f32
      %parallel_loop3A_926 = vector.broadcast %parallel_loop3A_925 : f32 to vector<16xf32>
      %parallel_loop3A_927 = arith.mulf %parallel_loop3A_924, %parallel_loop3A_926 : vector<16xf32>
      %parallel_loop3A_928 = arith.addf %parallel_loop3A_927, %parallel_loop3A_903 : vector<16xf32>
      %parallel_loop3A_929 = arith.index_cast %parallel_loop3A_920 : i32 to index
      %parallel_loop3A_930 = arith.constant 32 : index
      %parallel_loop3A_931 = tpu.vector_load %arg8[%parallel_loop3A_929, %parallel_loop3A_930] {strides = array<i32>} : memref<256x128xf32, #tpu.memory_space<vmem>>, vector<1x16xf32>,
      %parallel_loop3A_932 = vector.shape_cast %parallel_loop3A_931 : vector<1x16xf32> to vector<16xf32>
      %parallel_loop3A_933 = vector.shape_cast %parallel_loop3A_928 : vector<16xf32> to vector<1x16xf32>
      tpu.vector_store %arg8[%parallel_loop3A_929, %parallel_loop3A_930], %parallel_loop3A_933 {strides = array<i32>} : memref<256x128xf32, #tpu.memory_space<vmem>>, vector<1x16xf32>,
      %parallel_loop3A_934 = arith.constant 128 : i32
      %parallel_loop3A_935 = arith.addi %parallel_loop3A_934, %parallel_loop3A_762 : i32
      %parallel_loop3A_936 = arith.index_cast %parallel_loop3A_935 : i32 to index
      %parallel_loop3A_937 = arith.constant 32 : index
      %parallel_loop3A_938 = tpu.vector_load %arg8[%parallel_loop3A_936, %parallel_loop3A_937] {strides = array<i32>} : memref<256x128xf32, #tpu.memory_space<vmem>>, vector<1x16xf32>,
      %parallel_loop3A_939 = vector.shape_cast %parallel_loop3A_938 : vector<1x16xf32> to vector<16xf32>
      %parallel_loop3A_940 = arith.constant 11.3137083 : f32
      %parallel_loop3A_941 = vector.broadcast %parallel_loop3A_940 : f32 to vector<16xf32>
      %parallel_loop3A_942 = arith.mulf %parallel_loop3A_939, %parallel_loop3A_941 : vector<16xf32>
      %parallel_loop3A_943 = arith.addf %parallel_loop3A_942, %parallel_loop3A_903 : vector<16xf32>
      %parallel_loop3A_944 = arith.index_cast %parallel_loop3A_935 : i32 to index
      %parallel_loop3A_945 = arith.constant 32 : index
      %parallel_loop3A_946 = tpu.vector_load %arg8[%parallel_loop3A_944, %parallel_loop3A_945] {strides = array<i32>} : memref<256x128xf32, #tpu.memory_space<vmem>>, vector<1x16xf32>,
      %parallel_loop3A_947 = vector.shape_cast %parallel_loop3A_946 : vector<1x16xf32> to vector<16xf32>
      %parallel_loop3A_948 = vector.shape_cast %parallel_loop3A_943 : vector<16xf32> to vector<1x16xf32>
      tpu.vector_store %arg8[%parallel_loop3A_944, %parallel_loop3A_945], %parallel_loop3A_948 {strides = array<i32>} : memref<256x128xf32, #tpu.memory_space<vmem>>, vector<1x16xf32>,
      %parallel_loop3A_949 = arith.constant 192 : i32
      %parallel_loop3A_950 = arith.addi %parallel_loop3A_949, %parallel_loop3A_762 : i32
      %parallel_loop3A_951 = arith.index_cast %parallel_loop3A_950 : i32 to index
      %parallel_loop3A_952 = arith.constant 32 : index
      %parallel_loop3A_953 = tpu.vector_load %arg8[%parallel_loop3A_951, %parallel_loop3A_952] {strides = array<i32>} : memref<256x128xf32, #tpu.memory_space<vmem>>, vector<1x16xf32>,
      %parallel_loop3A_954 = vector.shape_cast %parallel_loop3A_953 : vector<1x16xf32> to vector<16xf32>
      %parallel_loop3A_955 = arith.constant 11.3137083 : f32
      %parallel_loop3A_956 = vector.broadcast %parallel_loop3A_955 : f32 to vector<16xf32>
      %parallel_loop3A_957 = arith.mulf %parallel_loop3A_954, %parallel_loop3A_956 : vector<16xf32>
      %parallel_loop3A_958 = arith.addf %parallel_loop3A_957, %parallel_loop3A_903 : vector<16xf32>
      %parallel_loop3A_959 = arith.index_cast %parallel_loop3A_950 : i32 to index
      %parallel_loop3A_960 = arith.constant 32 : index
      %parallel_loop3A_961 = tpu.vector_load %arg8[%parallel_loop3A_959, %parallel_loop3A_960] {strides = array<i32>} : memref<256x128xf32, #tpu.memory_space<vmem>>, vector<1x16xf32>,
      %parallel_loop3A_962 = vector.shape_cast %parallel_loop3A_961 : vector<1x16xf32> to vector<16xf32>
      %parallel_loop3A_963 = vector.shape_cast %parallel_loop3A_958 : vector<16xf32> to vector<1x16xf32>
      tpu.vector_store %arg8[%parallel_loop3A_959, %parallel_loop3A_960], %parallel_loop3A_963 {strides = array<i32>} : memref<256x128xf32, #tpu.memory_space<vmem>>, vector<1x16xf32>,
      %parallel_loop3A_964 = arith.constant 128 : i32
      %parallel_loop3A_965 = arith.muli %parallel_loop3A_762, %parallel_loop3A_964 : i32
      %parallel_loop3A_966 = arith.constant 48 : i32
      %parallel_loop3A_967 = arith.addi %parallel_loop3A_965, %parallel_loop3A_966 : i32
      %parallel_loop3A_968 = arith.index_cast %parallel_loop3A_967 : i32 to index
      %parallel_loop3A_969 = tpu.vector_load %arg7[%parallel_loop3A_968] {strides = array<i32>} : memref<8192xf32, #tpu.memory_space<vmem>>, vector<16xf32>,
      %parallel_loop3A_970 = vector.shape_cast %parallel_loop3A_969 : vector<16xf32> to vector<16xf32>
      %parallel_loop3A_971 = arith.constant 0 : i32
      %parallel_loop3A_972 = arith.addi %parallel_loop3A_971, %parallel_loop3A_762 : i32
      %parallel_loop3A_973 = arith.index_cast %parallel_loop3A_972 : i32 to index
      %parallel_loop3A_974 = arith.constant 48 : index
      %parallel_loop3A_975 = tpu.vector_load %arg8[%parallel_loop3A_973, %parallel_loop3A_974] {strides = array<i32>} : memref<256x128xf32, #tpu.memory_space<vmem>>, vector<1x16xf32>,
      %parallel_loop3A_976 = vector.shape_cast %parallel_loop3A_975 : vector<1x16xf32> to vector<16xf32>
      %parallel_loop3A_977 = arith.constant 11.3137083 : f32
      %parallel_loop3A_978 = vector.broadcast %parallel_loop3A_977 : f32 to vector<16xf32>
      %parallel_loop3A_979 = arith.mulf %parallel_loop3A_976, %parallel_loop3A_978 : vector<16xf32>
      %parallel_loop3A_980 = arith.addf %parallel_loop3A_979, %parallel_loop3A_970 : vector<16xf32>
      %parallel_loop3A_981 = arith.index_cast %parallel_loop3A_972 : i32 to index
      %parallel_loop3A_982 = arith.constant 48 : index
      %parallel_loop3A_983 = tpu.vector_load %arg8[%parallel_loop3A_981, %parallel_loop3A_982] {strides = array<i32>} : memref<256x128xf32, #tpu.memory_space<vmem>>, vector<1x16xf32>,
      %parallel_loop3A_984 = vector.shape_cast %parallel_loop3A_983 : vector<1x16xf32> to vector<16xf32>
      %parallel_loop3A_985 = vector.shape_cast %parallel_loop3A_980 : vector<16xf32> to vector<1x16xf32>
      tpu.vector_store %arg8[%parallel_loop3A_981, %parallel_loop3A_982], %parallel_loop3A_985 {strides = array<i32>} : memref<256x128xf32, #tpu.memory_space<vmem>>, vector<1x16xf32>,
      %parallel_loop3A_986 = arith.constant 64 : i32
      %parallel_loop3A_987 = arith.addi %parallel_loop3A_986, %parallel_loop3A_762 : i32
      %parallel_loop3A_988 = arith.index_cast %parallel_loop3A_987 : i32 to index
      %parallel_loop3A_989 = arith.constant 48 : index
      %parallel_loop3A_990 = tpu.vector_load %arg8[%parallel_loop3A_988, %parallel_loop3A_989] {strides = array<i32>} : memref<256x128xf32, #tpu.memory_space<vmem>>, vector<1x16xf32>,
      %parallel_loop3A_991 = vector.shape_cast %parallel_loop3A_990 : vector<1x16xf32> to vector<16xf32>
      %parallel_loop3A_992 = arith.constant 11.3137083 : f32
      %parallel_loop3A_993 = vector.broadcast %parallel_loop3A_992 : f32 to vector<16xf32>
      %parallel_loop3A_994 = arith.mulf %parallel_loop3A_991, %parallel_loop3A_993 : vector<16xf32>
      %parallel_loop3A_995 = arith.addf %parallel_loop3A_994, %parallel_loop3A_970 : vector<16xf32>
      %parallel_loop3A_996 = arith.index_cast %parallel_loop3A_987 : i32 to index
      %parallel_loop3A_997 = arith.constant 48 : index
      %parallel_loop3A_998 = tpu.vector_load %arg8[%parallel_loop3A_996, %parallel_loop3A_997] {strides = array<i32>} : memref<256x128xf32, #tpu.memory_space<vmem>>, vector<1x16xf32>,
      %parallel_loop3A_999 = vector.shape_cast %parallel_loop3A_998 : vector<1x16xf32> to vector<16xf32>
      %parallel_loop3A_1000 = vector.shape_cast %parallel_loop3A_995 : vector<16xf32> to vector<1x16xf32>
      tpu.vector_store %arg8[%parallel_loop3A_996, %parallel_loop3A_997], %parallel_loop3A_1000 {strides = array<i32>} : memref<256x128xf32, #tpu.memory_space<vmem>>, vector<1x16xf32>,
      %parallel_loop3A_1001 = arith.constant 128 : i32
      %parallel_loop3A_1002 = arith.addi %parallel_loop3A_1001, %parallel_loop3A_762 : i32
      %parallel_loop3A_1003 = arith.index_cast %parallel_loop3A_1002 : i32 to index
      %parallel_loop3A_1004 = arith.constant 48 : index
      %parallel_loop3A_1005 = tpu.vector_load %arg8[%parallel_loop3A_1003, %parallel_loop3A_1004] {strides = array<i32>} : memref<256x128xf32, #tpu.memory_space<vmem>>, vector<1x16xf32>,
      %parallel_loop3A_1006 = vector.shape_cast %parallel_loop3A_1005 : vector<1x16xf32> to vector<16xf32>
      %parallel_loop3A_1007 = arith.constant 11.3137083 : f32
      %parallel_loop3A_1008 = vector.broadcast %parallel_loop3A_1007 : f32 to vector<16xf32>
      %parallel_loop3A_1009 = arith.mulf %parallel_loop3A_1006, %parallel_loop3A_1008 : vector<16xf32>
      %parallel_loop3A_1010 = arith.addf %parallel_loop3A_1009, %parallel_loop3A_970 : vector<16xf32>
      %parallel_loop3A_1011 = arith.index_cast %parallel_loop3A_1002 : i32 to index
      %parallel_loop3A_1012 = arith.constant 48 : index
      %parallel_loop3A_1013 = tpu.vector_load %arg8[%parallel_loop3A_1011, %parallel_loop3A_1012] {strides = array<i32>} : memref<256x128xf32, #tpu.memory_space<vmem>>, vector<1x16xf32>,
      %parallel_loop3A_1014 = vector.shape_cast %parallel_loop3A_1013 : vector<1x16xf32> to vector<16xf32>
      %parallel_loop3A_1015 = vector.shape_cast %parallel_loop3A_1010 : vector<16xf32> to vector<1x16xf32>
      tpu.vector_store %arg8[%parallel_loop3A_1011, %parallel_loop3A_1012], %parallel_loop3A_1015 {strides = array<i32>} : memref<256x128xf32, #tpu.memory_space<vmem>>, vector<1x16xf32>,
      %parallel_loop3A_1016 = arith.constant 192 : i32
      %parallel_loop3A_1017 = arith.addi %parallel_loop3A_1016, %parallel_loop3A_762 : i32
      %parallel_loop3A_1018 = arith.index_cast %parallel_loop3A_1017 : i32 to index
      %parallel_loop3A_1019 = arith.constant 48 : index
      %parallel_loop3A_1020 = tpu.vector_load %arg8[%parallel_loop3A_1018, %parallel_loop3A_1019] {strides = array<i32>} : memref<256x128xf32, #tpu.memory_space<vmem>>, vector<1x16xf32>,
      %parallel_loop3A_1021 = vector.shape_cast %parallel_loop3A_1020 : vector<1x16xf32> to vector<16xf32>
      %parallel_loop3A_1022 = arith.constant 11.3137083 : f32
      %parallel_loop3A_1023 = vector.broadcast %parallel_loop3A_1022 : f32 to vector<16xf32>
      %parallel_loop3A_1024 = arith.mulf %parallel_loop3A_1021, %parallel_loop3A_1023 : vector<16xf32>
      %parallel_loop3A_1025 = arith.addf %parallel_loop3A_1024, %parallel_loop3A_970 : vector<16xf32>
      %parallel_loop3A_1026 = arith.index_cast %parallel_loop3A_1017 : i32 to index
      %parallel_loop3A_1027 = arith.constant 48 : index
      %parallel_loop3A_1028 = tpu.vector_load %arg8[%parallel_loop3A_1026, %parallel_loop3A_1027] {strides = array<i32>} : memref<256x128xf32, #tpu.memory_space<vmem>>, vector<1x16xf32>,
      %parallel_loop3A_1029 = vector.shape_cast %parallel_loop3A_1028 : vector<1x16xf32> to vector<16xf32>
      %parallel_loop3A_1030 = vector.shape_cast %parallel_loop3A_1025 : vector<16xf32> to vector<1x16xf32>
      tpu.vector_store %arg8[%parallel_loop3A_1026, %parallel_loop3A_1027], %parallel_loop3A_1030 {strides = array<i32>} : memref<256x128xf32, #tpu.memory_space<vmem>>, vector<1x16xf32>,
      %parallel_loop3A_1031 = arith.constant 128 : i32
      %parallel_loop3A_1032 = arith.muli %parallel_loop3A_762, %parallel_loop3A_1031 : i32
      %parallel_loop3A_1033 = arith.constant 64 : i32
      %parallel_loop3A_1034 = arith.addi %parallel_loop3A_1032, %parallel_loop3A_1033 : i32
      %parallel_loop3A_1035 = arith.index_cast %parallel_loop3A_1034 : i32 to index
      %parallel_loop3A_1036 = tpu.vector_load %arg7[%parallel_loop3A_1035] {strides = array<i32>} : memref<8192xf32, #tpu.memory_space<vmem>>, vector<16xf32>,
      %parallel_loop3A_1037 = vector.shape_cast %parallel_loop3A_1036 : vector<16xf32> to vector<16xf32>
      %parallel_loop3A_1038 = arith.constant 0 : i32
      %parallel_loop3A_1039 = arith.addi %parallel_loop3A_1038, %parallel_loop3A_762 : i32
      %parallel_loop3A_1040 = arith.index_cast %parallel_loop3A_1039 : i32 to index
      %parallel_loop3A_1041 = arith.constant 64 : index
      %parallel_loop3A_1042 = tpu.vector_load %arg8[%parallel_loop3A_1040, %parallel_loop3A_1041] {strides = array<i32>} : memref<256x128xf32, #tpu.memory_space<vmem>>, vector<1x16xf32>,
      %parallel_loop3A_1043 = vector.shape_cast %parallel_loop3A_1042 : vector<1x16xf32> to vector<16xf32>
      %parallel_loop3A_1044 = arith.constant 11.3137083 : f32
      %parallel_loop3A_1045 = vector.broadcast %parallel_loop3A_1044 : f32 to vector<16xf32>
      %parallel_loop3A_1046 = arith.mulf %parallel_loop3A_1043, %parallel_loop3A_1045 : vector<16xf32>
      %parallel_loop3A_1047 = arith.addf %parallel_loop3A_1046, %parallel_loop3A_1037 : vector<16xf32>
      %parallel_loop3A_1048 = arith.index_cast %parallel_loop3A_1039 : i32 to index
      %parallel_loop3A_1049 = arith.constant 64 : index
      %parallel_loop3A_1050 = tpu.vector_load %arg8[%parallel_loop3A_1048, %parallel_loop3A_1049] {strides = array<i32>} : memref<256x128xf32, #tpu.memory_space<vmem>>, vector<1x16xf32>,
      %parallel_loop3A_1051 = vector.shape_cast %parallel_loop3A_1050 : vector<1x16xf32> to vector<16xf32>
      %parallel_loop3A_1052 = vector.shape_cast %parallel_loop3A_1047 : vector<16xf32> to vector<1x16xf32>
      tpu.vector_store %arg8[%parallel_loop3A_1048, %parallel_loop3A_1049], %parallel_loop3A_1052 {strides = array<i32>} : memref<256x128xf32, #tpu.memory_space<vmem>>, vector<1x16xf32>,
      %parallel_loop3A_1053 = arith.constant 64 : i32
      %parallel_loop3A_1054 = arith.addi %parallel_loop3A_1053, %parallel_loop3A_762 : i32
      %parallel_loop3A_1055 = arith.index_cast %parallel_loop3A_1054 : i32 to index
      %parallel_loop3A_1056 = arith.constant 64 : index
      %parallel_loop3A_1057 = tpu.vector_load %arg8[%parallel_loop3A_1055, %parallel_loop3A_1056] {strides = array<i32>} : memref<256x128xf32, #tpu.memory_space<vmem>>, vector<1x16xf32>,
      %parallel_loop3A_1058 = vector.shape_cast %parallel_loop3A_1057 : vector<1x16xf32> to vector<16xf32>
      %parallel_loop3A_1059 = arith.constant 11.3137083 : f32
      %parallel_loop3A_1060 = vector.broadcast %parallel_loop3A_1059 : f32 to vector<16xf32>
      %parallel_loop3A_1061 = arith.mulf %parallel_loop3A_1058, %parallel_loop3A_1060 : vector<16xf32>
      %parallel_loop3A_1062 = arith.addf %parallel_loop3A_1061, %parallel_loop3A_1037 : vector<16xf32>
      %parallel_loop3A_1063 = arith.index_cast %parallel_loop3A_1054 : i32 to index
      %parallel_loop3A_1064 = arith.constant 64 : index
      %parallel_loop3A_1065 = tpu.vector_load %arg8[%parallel_loop3A_1063, %parallel_loop3A_1064] {strides = array<i32>} : memref<256x128xf32, #tpu.memory_space<vmem>>, vector<1x16xf32>,
      %parallel_loop3A_1066 = vector.shape_cast %parallel_loop3A_1065 : vector<1x16xf32> to vector<16xf32>
      %parallel_loop3A_1067 = vector.shape_cast %parallel_loop3A_1062 : vector<16xf32> to vector<1x16xf32>
      tpu.vector_store %arg8[%parallel_loop3A_1063, %parallel_loop3A_1064], %parallel_loop3A_1067 {strides = array<i32>} : memref<256x128xf32, #tpu.memory_space<vmem>>, vector<1x16xf32>,
      %parallel_loop3A_1068 = arith.constant 128 : i32
      %parallel_loop3A_1069 = arith.addi %parallel_loop3A_1068, %parallel_loop3A_762 : i32
      %parallel_loop3A_1070 = arith.index_cast %parallel_loop3A_1069 : i32 to index
      %parallel_loop3A_1071 = arith.constant 64 : index
      %parallel_loop3A_1072 = tpu.vector_load %arg8[%parallel_loop3A_1070, %parallel_loop3A_1071] {strides = array<i32>} : memref<256x128xf32, #tpu.memory_space<vmem>>, vector<1x16xf32>,
      %parallel_loop3A_1073 = vector.shape_cast %parallel_loop3A_1072 : vector<1x16xf32> to vector<16xf32>
      %parallel_loop3A_1074 = arith.constant 11.3137083 : f32
      %parallel_loop3A_1075 = vector.broadcast %parallel_loop3A_1074 : f32 to vector<16xf32>
      %parallel_loop3A_1076 = arith.mulf %parallel_loop3A_1073, %parallel_loop3A_1075 : vector<16xf32>
      %parallel_loop3A_1077 = arith.addf %parallel_loop3A_1076, %parallel_loop3A_1037 : vector<16xf32>
      %parallel_loop3A_1078 = arith.index_cast %parallel_loop3A_1069 : i32 to index
      %parallel_loop3A_1079 = arith.constant 64 : index
      %parallel_loop3A_1080 = tpu.vector_load %arg8[%parallel_loop3A_1078, %parallel_loop3A_1079] {strides = array<i32>} : memref<256x128xf32, #tpu.memory_space<vmem>>, vector<1x16xf32>,
      %parallel_loop3A_1081 = vector.shape_cast %parallel_loop3A_1080 : vector<1x16xf32> to vector<16xf32>
      %parallel_loop3A_1082 = vector.shape_cast %parallel_loop3A_1077 : vector<16xf32> to vector<1x16xf32>
      tpu.vector_store %arg8[%parallel_loop3A_1078, %parallel_loop3A_1079], %parallel_loop3A_1082 {strides = array<i32>} : memref<256x128xf32, #tpu.memory_space<vmem>>, vector<1x16xf32>,
      %parallel_loop3A_1083 = arith.constant 192 : i32
      %parallel_loop3A_1084 = arith.addi %parallel_loop3A_1083, %parallel_loop3A_762 : i32
      %parallel_loop3A_1085 = arith.index_cast %parallel_loop3A_1084 : i32 to index
      %parallel_loop3A_1086 = arith.constant 64 : index
      %parallel_loop3A_1087 = tpu.vector_load %arg8[%parallel_loop3A_1085, %parallel_loop3A_1086] {strides = array<i32>} : memref<256x128xf32, #tpu.memory_space<vmem>>, vector<1x16xf32>,
      %parallel_loop3A_1088 = vector.shape_cast %parallel_loop3A_1087 : vector<1x16xf32> to vector<16xf32>
      %parallel_loop3A_1089 = arith.constant 11.3137083 : f32
      %parallel_loop3A_1090 = vector.broadcast %parallel_loop3A_1089 : f32 to vector<16xf32>
      %parallel_loop3A_1091 = arith.mulf %parallel_loop3A_1088, %parallel_loop3A_1090 : vector<16xf32>
      %parallel_loop3A_1092 = arith.addf %parallel_loop3A_1091, %parallel_loop3A_1037 : vector<16xf32>
      %parallel_loop3A_1093 = arith.index_cast %parallel_loop3A_1084 : i32 to index
      %parallel_loop3A_1094 = arith.constant 64 : index
      %parallel_loop3A_1095 = tpu.vector_load %arg8[%parallel_loop3A_1093, %parallel_loop3A_1094] {strides = array<i32>} : memref<256x128xf32, #tpu.memory_space<vmem>>, vector<1x16xf32>,
      %parallel_loop3A_1096 = vector.shape_cast %parallel_loop3A_1095 : vector<1x16xf32> to vector<16xf32>
      %parallel_loop3A_1097 = vector.shape_cast %parallel_loop3A_1092 : vector<16xf32> to vector<1x16xf32>
      tpu.vector_store %arg8[%parallel_loop3A_1093, %parallel_loop3A_1094], %parallel_loop3A_1097 {strides = array<i32>} : memref<256x128xf32, #tpu.memory_space<vmem>>, vector<1x16xf32>,
      %parallel_loop3A_1098 = arith.constant 128 : i32
      %parallel_loop3A_1099 = arith.muli %parallel_loop3A_762, %parallel_loop3A_1098 : i32
      %parallel_loop3A_1100 = arith.constant 80 : i32
      %parallel_loop3A_1101 = arith.addi %parallel_loop3A_1099, %parallel_loop3A_1100 : i32
      %parallel_loop3A_1102 = arith.index_cast %parallel_loop3A_1101 : i32 to index
      %parallel_loop3A_1103 = tpu.vector_load %arg7[%parallel_loop3A_1102] {strides = array<i32>} : memref<8192xf32, #tpu.memory_space<vmem>>, vector<16xf32>,
      %parallel_loop3A_1104 = vector.shape_cast %parallel_loop3A_1103 : vector<16xf32> to vector<16xf32>
      %parallel_loop3A_1105 = arith.constant 0 : i32
      %parallel_loop3A_1106 = arith.addi %parallel_loop3A_1105, %parallel_loop3A_762 : i32
      %parallel_loop3A_1107 = arith.index_cast %parallel_loop3A_1106 : i32 to index
      %parallel_loop3A_1108 = arith.constant 80 : index
      %parallel_loop3A_1109 = tpu.vector_load %arg8[%parallel_loop3A_1107, %parallel_loop3A_1108] {strides = array<i32>} : memref<256x128xf32, #tpu.memory_space<vmem>>, vector<1x16xf32>,
      %parallel_loop3A_1110 = vector.shape_cast %parallel_loop3A_1109 : vector<1x16xf32> to vector<16xf32>
      %parallel_loop3A_1111 = arith.constant 11.3137083 : f32
      %parallel_loop3A_1112 = vector.broadcast %parallel_loop3A_1111 : f32 to vector<16xf32>
      %parallel_loop3A_1113 = arith.mulf %parallel_loop3A_1110, %parallel_loop3A_1112 : vector<16xf32>
      %parallel_loop3A_1114 = arith.addf %parallel_loop3A_1113, %parallel_loop3A_1104 : vector<16xf32>
      %parallel_loop3A_1115 = arith.index_cast %parallel_loop3A_1106 : i32 to index
      %parallel_loop3A_1116 = arith.constant 80 : index
      %parallel_loop3A_1117 = tpu.vector_load %arg8[%parallel_loop3A_1115, %parallel_loop3A_1116] {strides = array<i32>} : memref<256x128xf32, #tpu.memory_space<vmem>>, vector<1x16xf32>,
      %parallel_loop3A_1118 = vector.shape_cast %parallel_loop3A_1117 : vector<1x16xf32> to vector<16xf32>
      %parallel_loop3A_1119 = vector.shape_cast %parallel_loop3A_1114 : vector<16xf32> to vector<1x16xf32>
      tpu.vector_store %arg8[%parallel_loop3A_1115, %parallel_loop3A_1116], %parallel_loop3A_1119 {strides = array<i32>} : memref<256x128xf32, #tpu.memory_space<vmem>>, vector<1x16xf32>,
      %parallel_loop3A_1120 = arith.constant 64 : i32
      %parallel_loop3A_1121 = arith.addi %parallel_loop3A_1120, %parallel_loop3A_762 : i32
      %parallel_loop3A_1122 = arith.index_cast %parallel_loop3A_1121 : i32 to index
      %parallel_loop3A_1123 = arith.constant 80 : index
      %parallel_loop3A_1124 = tpu.vector_load %arg8[%parallel_loop3A_1122, %parallel_loop3A_1123] {strides = array<i32>} : memref<256x128xf32, #tpu.memory_space<vmem>>, vector<1x16xf32>,
      %parallel_loop3A_1125 = vector.shape_cast %parallel_loop3A_1124 : vector<1x16xf32> to vector<16xf32>
      %parallel_loop3A_1126 = arith.constant 11.3137083 : f32
      %parallel_loop3A_1127 = vector.broadcast %parallel_loop3A_1126 : f32 to vector<16xf32>
      %parallel_loop3A_1128 = arith.mulf %parallel_loop3A_1125, %parallel_loop3A_1127 : vector<16xf32>
      %parallel_loop3A_1129 = arith.addf %parallel_loop3A_1128, %parallel_loop3A_1104 : vector<16xf32>
      %parallel_loop3A_1130 = arith.index_cast %parallel_loop3A_1121 : i32 to index
      %parallel_loop3A_1131 = arith.constant 80 : index
      %parallel_loop3A_1132 = tpu.vector_load %arg8[%parallel_loop3A_1130, %parallel_loop3A_1131] {strides = array<i32>} : memref<256x128xf32, #tpu.memory_space<vmem>>, vector<1x16xf32>,
      %parallel_loop3A_1133 = vector.shape_cast %parallel_loop3A_1132 : vector<1x16xf32> to vector<16xf32>
      %parallel_loop3A_1134 = vector.shape_cast %parallel_loop3A_1129 : vector<16xf32> to vector<1x16xf32>
      tpu.vector_store %arg8[%parallel_loop3A_1130, %parallel_loop3A_1131], %parallel_loop3A_1134 {strides = array<i32>} : memref<256x128xf32, #tpu.memory_space<vmem>>, vector<1x16xf32>,
      %parallel_loop3A_1135 = arith.constant 128 : i32
      %parallel_loop3A_1136 = arith.addi %parallel_loop3A_1135, %parallel_loop3A_762 : i32
      %parallel_loop3A_1137 = arith.index_cast %parallel_loop3A_1136 : i32 to index
      %parallel_loop3A_1138 = arith.constant 80 : index
      %parallel_loop3A_1139 = tpu.vector_load %arg8[%parallel_loop3A_1137, %parallel_loop3A_1138] {strides = array<i32>} : memref<256x128xf32, #tpu.memory_space<vmem>>, vector<1x16xf32>,
      %parallel_loop3A_1140 = vector.shape_cast %parallel_loop3A_1139 : vector<1x16xf32> to vector<16xf32>
      %parallel_loop3A_1141 = arith.constant 11.3137083 : f32
      %parallel_loop3A_1142 = vector.broadcast %parallel_loop3A_1141 : f32 to vector<16xf32>
      %parallel_loop3A_1143 = arith.mulf %parallel_loop3A_1140, %parallel_loop3A_1142 : vector<16xf32>
      %parallel_loop3A_1144 = arith.addf %parallel_loop3A_1143, %parallel_loop3A_1104 : vector<16xf32>
      %parallel_loop3A_1145 = arith.index_cast %parallel_loop3A_1136 : i32 to index
      %parallel_loop3A_1146 = arith.constant 80 : index
      %parallel_loop3A_1147 = tpu.vector_load %arg8[%parallel_loop3A_1145, %parallel_loop3A_1146] {strides = array<i32>} : memref<256x128xf32, #tpu.memory_space<vmem>>, vector<1x16xf32>,
      %parallel_loop3A_1148 = vector.shape_cast %parallel_loop3A_1147 : vector<1x16xf32> to vector<16xf32>
      %parallel_loop3A_1149 = vector.shape_cast %parallel_loop3A_1144 : vector<16xf32> to vector<1x16xf32>
      tpu.vector_store %arg8[%parallel_loop3A_1145, %parallel_loop3A_1146], %parallel_loop3A_1149 {strides = array<i32>} : memref<256x128xf32, #tpu.memory_space<vmem>>, vector<1x16xf32>,
      %parallel_loop3A_1150 = arith.constant 192 : i32
      %parallel_loop3A_1151 = arith.addi %parallel_loop3A_1150, %parallel_loop3A_762 : i32
      %parallel_loop3A_1152 = arith.index_cast %parallel_loop3A_1151 : i32 to index
      %parallel_loop3A_1153 = arith.constant 80 : index
      %parallel_loop3A_1154 = tpu.vector_load %arg8[%parallel_loop3A_1152, %parallel_loop3A_1153] {strides = array<i32>} : memref<256x128xf32, #tpu.memory_space<vmem>>, vector<1x16xf32>,
      %parallel_loop3A_1155 = vector.shape_cast %parallel_loop3A_1154 : vector<1x16xf32> to vector<16xf32>
      %parallel_loop3A_1156 = arith.constant 11.3137083 : f32
      %parallel_loop3A_1157 = vector.broadcast %parallel_loop3A_1156 : f32 to vector<16xf32>
      %parallel_loop3A_1158 = arith.mulf %parallel_loop3A_1155, %parallel_loop3A_1157 : vector<16xf32>
      %parallel_loop3A_1159 = arith.addf %parallel_loop3A_1158, %parallel_loop3A_1104 : vector<16xf32>
      %parallel_loop3A_1160 = arith.index_cast %parallel_loop3A_1151 : i32 to index
      %parallel_loop3A_1161 = arith.constant 80 : index
      %parallel_loop3A_1162 = tpu.vector_load %arg8[%parallel_loop3A_1160, %parallel_loop3A_1161] {strides = array<i32>} : memref<256x128xf32, #tpu.memory_space<vmem>>, vector<1x16xf32>,
      %parallel_loop3A_1163 = vector.shape_cast %parallel_loop3A_1162 : vector<1x16xf32> to vector<16xf32>
      %parallel_loop3A_1164 = vector.shape_cast %parallel_loop3A_1159 : vector<16xf32> to vector<1x16xf32>
      tpu.vector_store %arg8[%parallel_loop3A_1160, %parallel_loop3A_1161], %parallel_loop3A_1164 {strides = array<i32>} : memref<256x128xf32, #tpu.memory_space<vmem>>, vector<1x16xf32>,
      %parallel_loop3A_1165 = arith.constant 128 : i32
      %parallel_loop3A_1166 = arith.muli %parallel_loop3A_762, %parallel_loop3A_1165 : i32
      %parallel_loop3A_1167 = arith.constant 96 : i32
      %parallel_loop3A_1168 = arith.addi %parallel_loop3A_1166, %parallel_loop3A_1167 : i32
      %parallel_loop3A_1169 = arith.index_cast %parallel_loop3A_1168 : i32 to index
      %parallel_loop3A_1170 = tpu.vector_load %arg7[%parallel_loop3A_1169] {strides = array<i32>} : memref<8192xf32, #tpu.memory_space<vmem>>, vector<16xf32>,
      %parallel_loop3A_1171 = vector.shape_cast %parallel_loop3A_1170 : vector<16xf32> to vector<16xf32>
      %parallel_loop3A_1172 = arith.constant 0 : i32
      %parallel_loop3A_1173 = arith.addi %parallel_loop3A_1172, %parallel_loop3A_762 : i32
      %parallel_loop3A_1174 = arith.index_cast %parallel_loop3A_1173 : i32 to index
      %parallel_loop3A_1175 = arith.constant 96 : index
      %parallel_loop3A_1176 = tpu.vector_load %arg8[%parallel_loop3A_1174, %parallel_loop3A_1175] {strides = array<i32>} : memref<256x128xf32, #tpu.memory_space<vmem>>, vector<1x16xf32>,
      %parallel_loop3A_1177 = vector.shape_cast %parallel_loop3A_1176 : vector<1x16xf32> to vector<16xf32>
      %parallel_loop3A_1178 = arith.constant 11.3137083 : f32
      %parallel_loop3A_1179 = vector.broadcast %parallel_loop3A_1178 : f32 to vector<16xf32>
      %parallel_loop3A_1180 = arith.mulf %parallel_loop3A_1177, %parallel_loop3A_1179 : vector<16xf32>
      %parallel_loop3A_1181 = arith.addf %parallel_loop3A_1180, %parallel_loop3A_1171 : vector<16xf32>
      %parallel_loop3A_1182 = arith.index_cast %parallel_loop3A_1173 : i32 to index
      %parallel_loop3A_1183 = arith.constant 96 : index
      %parallel_loop3A_1184 = tpu.vector_load %arg8[%parallel_loop3A_1182, %parallel_loop3A_1183] {strides = array<i32>} : memref<256x128xf32, #tpu.memory_space<vmem>>, vector<1x16xf32>,
      %parallel_loop3A_1185 = vector.shape_cast %parallel_loop3A_1184 : vector<1x16xf32> to vector<16xf32>
      %parallel_loop3A_1186 = vector.shape_cast %parallel_loop3A_1181 : vector<16xf32> to vector<1x16xf32>
      tpu.vector_store %arg8[%parallel_loop3A_1182, %parallel_loop3A_1183], %parallel_loop3A_1186 {strides = array<i32>} : memref<256x128xf32, #tpu.memory_space<vmem>>, vector<1x16xf32>,
      %parallel_loop3A_1187 = arith.constant 64 : i32
      %parallel_loop3A_1188 = arith.addi %parallel_loop3A_1187, %parallel_loop3A_762 : i32
      %parallel_loop3A_1189 = arith.index_cast %parallel_loop3A_1188 : i32 to index
      %parallel_loop3A_1190 = arith.constant 96 : index
      %parallel_loop3A_1191 = tpu.vector_load %arg8[%parallel_loop3A_1189, %parallel_loop3A_1190] {strides = array<i32>} : memref<256x128xf32, #tpu.memory_space<vmem>>, vector<1x16xf32>,
      %parallel_loop3A_1192 = vector.shape_cast %parallel_loop3A_1191 : vector<1x16xf32> to vector<16xf32>
      %parallel_loop3A_1193 = arith.constant 11.3137083 : f32
      %parallel_loop3A_1194 = vector.broadcast %parallel_loop3A_1193 : f32 to vector<16xf32>
      %parallel_loop3A_1195 = arith.mulf %parallel_loop3A_1192, %parallel_loop3A_1194 : vector<16xf32>
      %parallel_loop3A_1196 = arith.addf %parallel_loop3A_1195, %parallel_loop3A_1171 : vector<16xf32>
      %parallel_loop3A_1197 = arith.index_cast %parallel_loop3A_1188 : i32 to index
      %parallel_loop3A_1198 = arith.constant 96 : index
      %parallel_loop3A_1199 = tpu.vector_load %arg8[%parallel_loop3A_1197, %parallel_loop3A_1198] {strides = array<i32>} : memref<256x128xf32, #tpu.memory_space<vmem>>, vector<1x16xf32>,
      %parallel_loop3A_1200 = vector.shape_cast %parallel_loop3A_1199 : vector<1x16xf32> to vector<16xf32>
      %parallel_loop3A_1201 = vector.shape_cast %parallel_loop3A_1196 : vector<16xf32> to vector<1x16xf32>
      tpu.vector_store %arg8[%parallel_loop3A_1197, %parallel_loop3A_1198], %parallel_loop3A_1201 {strides = array<i32>} : memref<256x128xf32, #tpu.memory_space<vmem>>, vector<1x16xf32>,
      %parallel_loop3A_1202 = arith.constant 128 : i32
      %parallel_loop3A_1203 = arith.addi %parallel_loop3A_1202, %parallel_loop3A_762 : i32
      %parallel_loop3A_1204 = arith.index_cast %parallel_loop3A_1203 : i32 to index
      %parallel_loop3A_1205 = arith.constant 96 : index
      %parallel_loop3A_1206 = tpu.vector_load %arg8[%parallel_loop3A_1204, %parallel_loop3A_1205] {strides = array<i32>} : memref<256x128xf32, #tpu.memory_space<vmem>>, vector<1x16xf32>,
      %parallel_loop3A_1207 = vector.shape_cast %parallel_loop3A_1206 : vector<1x16xf32> to vector<16xf32>
      %parallel_loop3A_1208 = arith.constant 11.3137083 : f32
      %parallel_loop3A_1209 = vector.broadcast %parallel_loop3A_1208 : f32 to vector<16xf32>
      %parallel_loop3A_1210 = arith.mulf %parallel_loop3A_1207, %parallel_loop3A_1209 : vector<16xf32>
      %parallel_loop3A_1211 = arith.addf %parallel_loop3A_1210, %parallel_loop3A_1171 : vector<16xf32>
      %parallel_loop3A_1212 = arith.index_cast %parallel_loop3A_1203 : i32 to index
      %parallel_loop3A_1213 = arith.constant 96 : index
      %parallel_loop3A_1214 = tpu.vector_load %arg8[%parallel_loop3A_1212, %parallel_loop3A_1213] {strides = array<i32>} : memref<256x128xf32, #tpu.memory_space<vmem>>, vector<1x16xf32>,
      %parallel_loop3A_1215 = vector.shape_cast %parallel_loop3A_1214 : vector<1x16xf32> to vector<16xf32>
      %parallel_loop3A_1216 = vector.shape_cast %parallel_loop3A_1211 : vector<16xf32> to vector<1x16xf32>
      tpu.vector_store %arg8[%parallel_loop3A_1212, %parallel_loop3A_1213], %parallel_loop3A_1216 {strides = array<i32>} : memref<256x128xf32, #tpu.memory_space<vmem>>, vector<1x16xf32>,
      %parallel_loop3A_1217 = arith.constant 192 : i32
      %parallel_loop3A_1218 = arith.addi %parallel_loop3A_1217, %parallel_loop3A_762 : i32
      %parallel_loop3A_1219 = arith.index_cast %parallel_loop3A_1218 : i32 to index
      %parallel_loop3A_1220 = arith.constant 96 : index
      %parallel_loop3A_1221 = tpu.vector_load %arg8[%parallel_loop3A_1219, %parallel_loop3A_1220] {strides = array<i32>} : memref<256x128xf32, #tpu.memory_space<vmem>>, vector<1x16xf32>,
      %parallel_loop3A_1222 = vector.shape_cast %parallel_loop3A_1221 : vector<1x16xf32> to vector<16xf32>
      %parallel_loop3A_1223 = arith.constant 11.3137083 : f32
      %parallel_loop3A_1224 = vector.broadcast %parallel_loop3A_1223 : f32 to vector<16xf32>
      %parallel_loop3A_1225 = arith.mulf %parallel_loop3A_1222, %parallel_loop3A_1224 : vector<16xf32>
      %parallel_loop3A_1226 = arith.addf %parallel_loop3A_1225, %parallel_loop3A_1171 : vector<16xf32>
      %parallel_loop3A_1227 = arith.index_cast %parallel_loop3A_1218 : i32 to index
      %parallel_loop3A_1228 = arith.constant 96 : index
      %parallel_loop3A_1229 = tpu.vector_load %arg8[%parallel_loop3A_1227, %parallel_loop3A_1228] {strides = array<i32>} : memref<256x128xf32, #tpu.memory_space<vmem>>, vector<1x16xf32>,
      %parallel_loop3A_1230 = vector.shape_cast %parallel_loop3A_1229 : vector<1x16xf32> to vector<16xf32>
      %parallel_loop3A_1231 = vector.shape_cast %parallel_loop3A_1226 : vector<16xf32> to vector<1x16xf32>
      tpu.vector_store %arg8[%parallel_loop3A_1227, %parallel_loop3A_1228], %parallel_loop3A_1231 {strides = array<i32>} : memref<256x128xf32, #tpu.memory_space<vmem>>, vector<1x16xf32>,
      %parallel_loop3A_1232 = arith.constant 128 : i32
      %parallel_loop3A_1233 = arith.muli %parallel_loop3A_762, %parallel_loop3A_1232 : i32
      %parallel_loop3A_1234 = arith.constant 112 : i32
      %parallel_loop3A_1235 = arith.addi %parallel_loop3A_1233, %parallel_loop3A_1234 : i32
      %parallel_loop3A_1236 = arith.index_cast %parallel_loop3A_1235 : i32 to index
      %parallel_loop3A_1237 = tpu.vector_load %arg7[%parallel_loop3A_1236] {strides = array<i32>} : memref<8192xf32, #tpu.memory_space<vmem>>, vector<16xf32>,
      %parallel_loop3A_1238 = vector.shape_cast %parallel_loop3A_1237 : vector<16xf32> to vector<16xf32>
      %parallel_loop3A_1239 = arith.constant 0 : i32
      %parallel_loop3A_1240 = arith.addi %parallel_loop3A_1239, %parallel_loop3A_762 : i32
      %parallel_loop3A_1241 = arith.index_cast %parallel_loop3A_1240 : i32 to index
      %parallel_loop3A_1242 = arith.constant 112 : index
      %parallel_loop3A_1243 = tpu.vector_load %arg8[%parallel_loop3A_1241, %parallel_loop3A_1242] {strides = array<i32>} : memref<256x128xf32, #tpu.memory_space<vmem>>, vector<1x16xf32>,
      %parallel_loop3A_1244 = vector.shape_cast %parallel_loop3A_1243 : vector<1x16xf32> to vector<16xf32>
      %parallel_loop3A_1245 = arith.constant 11.3137083 : f32
      %parallel_loop3A_1246 = vector.broadcast %parallel_loop3A_1245 : f32 to vector<16xf32>
      %parallel_loop3A_1247 = arith.mulf %parallel_loop3A_1244, %parallel_loop3A_1246 : vector<16xf32>
      %parallel_loop3A_1248 = arith.addf %parallel_loop3A_1247, %parallel_loop3A_1238 : vector<16xf32>
      %parallel_loop3A_1249 = arith.index_cast %parallel_loop3A_1240 : i32 to index
      %parallel_loop3A_1250 = arith.constant 112 : index
      %parallel_loop3A_1251 = tpu.vector_load %arg8[%parallel_loop3A_1249, %parallel_loop3A_1250] {strides = array<i32>} : memref<256x128xf32, #tpu.memory_space<vmem>>, vector<1x16xf32>,
      %parallel_loop3A_1252 = vector.shape_cast %parallel_loop3A_1251 : vector<1x16xf32> to vector<16xf32>
      %parallel_loop3A_1253 = vector.shape_cast %parallel_loop3A_1248 : vector<16xf32> to vector<1x16xf32>
      tpu.vector_store %arg8[%parallel_loop3A_1249, %parallel_loop3A_1250], %parallel_loop3A_1253 {strides = array<i32>} : memref<256x128xf32, #tpu.memory_space<vmem>>, vector<1x16xf32>,
      %parallel_loop3A_1254 = arith.constant 64 : i32
      %parallel_loop3A_1255 = arith.addi %parallel_loop3A_1254, %parallel_loop3A_762 : i32
      %parallel_loop3A_1256 = arith.index_cast %parallel_loop3A_1255 : i32 to index
      %parallel_loop3A_1257 = arith.constant 112 : index
      %parallel_loop3A_1258 = tpu.vector_load %arg8[%parallel_loop3A_1256, %parallel_loop3A_1257] {strides = array<i32>} : memref<256x128xf32, #tpu.memory_space<vmem>>, vector<1x16xf32>,
      %parallel_loop3A_1259 = vector.shape_cast %parallel_loop3A_1258 : vector<1x16xf32> to vector<16xf32>
      %parallel_loop3A_1260 = arith.constant 11.3137083 : f32
      %parallel_loop3A_1261 = vector.broadcast %parallel_loop3A_1260 : f32 to vector<16xf32>
      %parallel_loop3A_1262 = arith.mulf %parallel_loop3A_1259, %parallel_loop3A_1261 : vector<16xf32>
      %parallel_loop3A_1263 = arith.addf %parallel_loop3A_1262, %parallel_loop3A_1238 : vector<16xf32>
      %parallel_loop3A_1264 = arith.index_cast %parallel_loop3A_1255 : i32 to index
      %parallel_loop3A_1265 = arith.constant 112 : index
      %parallel_loop3A_1266 = tpu.vector_load %arg8[%parallel_loop3A_1264, %parallel_loop3A_1265] {strides = array<i32>} : memref<256x128xf32, #tpu.memory_space<vmem>>, vector<1x16xf32>,
      %parallel_loop3A_1267 = vector.shape_cast %parallel_loop3A_1266 : vector<1x16xf32> to vector<16xf32>
      %parallel_loop3A_1268 = vector.shape_cast %parallel_loop3A_1263 : vector<16xf32> to vector<1x16xf32>
      tpu.vector_store %arg8[%parallel_loop3A_1264, %parallel_loop3A_1265], %parallel_loop3A_1268 {strides = array<i32>} : memref<256x128xf32, #tpu.memory_space<vmem>>, vector<1x16xf32>,
      %parallel_loop3A_1269 = arith.constant 128 : i32
      %parallel_loop3A_1270 = arith.addi %parallel_loop3A_1269, %parallel_loop3A_762 : i32
      %parallel_loop3A_1271 = arith.index_cast %parallel_loop3A_1270 : i32 to index
      %parallel_loop3A_1272 = arith.constant 112 : index
      %parallel_loop3A_1273 = tpu.vector_load %arg8[%parallel_loop3A_1271, %parallel_loop3A_1272] {strides = array<i32>} : memref<256x128xf32, #tpu.memory_space<vmem>>, vector<1x16xf32>,
      %parallel_loop3A_1274 = vector.shape_cast %parallel_loop3A_1273 : vector<1x16xf32> to vector<16xf32>
      %parallel_loop3A_1275 = arith.constant 11.3137083 : f32
      %parallel_loop3A_1276 = vector.broadcast %parallel_loop3A_1275 : f32 to vector<16xf32>
      %parallel_loop3A_1277 = arith.mulf %parallel_loop3A_1274, %parallel_loop3A_1276 : vector<16xf32>
      %parallel_loop3A_1278 = arith.addf %parallel_loop3A_1277, %parallel_loop3A_1238 : vector<16xf32>
      %parallel_loop3A_1279 = arith.index_cast %parallel_loop3A_1270 : i32 to index
      %parallel_loop3A_1280 = arith.constant 112 : index
      %parallel_loop3A_1281 = tpu.vector_load %arg8[%parallel_loop3A_1279, %parallel_loop3A_1280] {strides = array<i32>} : memref<256x128xf32, #tpu.memory_space<vmem>>, vector<1x16xf32>,
      %parallel_loop3A_1282 = vector.shape_cast %parallel_loop3A_1281 : vector<1x16xf32> to vector<16xf32>
      %parallel_loop3A_1283 = vector.shape_cast %parallel_loop3A_1278 : vector<16xf32> to vector<1x16xf32>
      tpu.vector_store %arg8[%parallel_loop3A_1279, %parallel_loop3A_1280], %parallel_loop3A_1283 {strides = array<i32>} : memref<256x128xf32, #tpu.memory_space<vmem>>, vector<1x16xf32>,
      %parallel_loop3A_1284 = arith.constant 192 : i32
      %parallel_loop3A_1285 = arith.addi %parallel_loop3A_1284, %parallel_loop3A_762 : i32
      %parallel_loop3A_1286 = arith.index_cast %parallel_loop3A_1285 : i32 to index
      %parallel_loop3A_1287 = arith.constant 112 : index
      %parallel_loop3A_1288 = tpu.vector_load %arg8[%parallel_loop3A_1286, %parallel_loop3A_1287] {strides = array<i32>} : memref<256x128xf32, #tpu.memory_space<vmem>>, vector<1x16xf32>,
      %parallel_loop3A_1289 = vector.shape_cast %parallel_loop3A_1288 : vector<1x16xf32> to vector<16xf32>
      %parallel_loop3A_1290 = arith.constant 11.3137083 : f32
      %parallel_loop3A_1291 = vector.broadcast %parallel_loop3A_1290 : f32 to vector<16xf32>
      %parallel_loop3A_1292 = arith.mulf %parallel_loop3A_1289, %parallel_loop3A_1291 : vector<16xf32>
      %parallel_loop3A_1293 = arith.addf %parallel_loop3A_1292, %parallel_loop3A_1238 : vector<16xf32>
      %parallel_loop3A_1294 = arith.index_cast %parallel_loop3A_1285 : i32 to index
      %parallel_loop3A_1295 = arith.constant 112 : index
      %parallel_loop3A_1296 = tpu.vector_load %arg8[%parallel_loop3A_1294, %parallel_loop3A_1295] {strides = array<i32>} : memref<256x128xf32, #tpu.memory_space<vmem>>, vector<1x16xf32>,
      %parallel_loop3A_1297 = vector.shape_cast %parallel_loop3A_1296 : vector<1x16xf32> to vector<16xf32>
      %parallel_loop3A_1298 = vector.shape_cast %parallel_loop3A_1293 : vector<16xf32> to vector<1x16xf32>
      tpu.vector_store %arg8[%parallel_loop3A_1294, %parallel_loop3A_1295], %parallel_loop3A_1298 {strides = array<i32>} : memref<256x128xf32, #tpu.memory_space<vmem>>, vector<1x16xf32>,
    } {sc.loop_unroll_factor = 1 : i64, sc.parallel_access}
    %dma_start3A_554 = arith.constant 12 : i32
    %dma_start3A_555 = arith.constant 0 : i32
    %dma_start3A_556 = arith.constant 0 : i32
    %dma_start3A_557 = tpu.memref_slice %arg8[%dma_start3A_555, %dma_start3A_556] : memref<256x128xf32, #tpu.memory_space<vmem>> -> memref<64x128xf32, #tpu.memory_space<vmem>>
    %dma_start3A_558 = arith.constant 0 : i32
    %dma_start3A_559 = tpu.memref_slice %arg5[%dma_start3A_554, %mul3A_2, %dma_start3A_558] : memref<16x2048x128xf32, #tpu.memory_space<hbm>> -> memref<1x64x128xf32, #tpu.memory_space<hbm>>
    %dma_start3A_560 = tpu.memref_squeeze %dma_start3A_559 : memref<1x64x128xf32, #tpu.memory_space<hbm>> -> memref<64x128xf32, #tpu.memory_space<hbm>>
    %dma_start3A_561 = arith.constant 0 : i32
    %dma_start3A_562 = tpu.memref_slice %arg5[%dma_start3A_554, %mul3A_2, %dma_start3A_561] : memref<16x2048x128xf32, #tpu.memory_space<hbm>> -> memref<1x64x128xf32, #tpu.memory_space<hbm>>
    %dma_start3A_563 = tpu.memref_squeeze %dma_start3A_562 : memref<1x64x128xf32, #tpu.memory_space<hbm>> -> memref<64x128xf32, #tpu.memory_space<hbm>>
    %dma_start3A_564 = arith.constant 0 : i32
    %dma_start3A_565 = arith.constant 0 : i32
    %dma_start3A_566 = tpu.memref_slice %arg8[%dma_start3A_564, %dma_start3A_565] : memref<256x128xf32, #tpu.memory_space<vmem>> -> memref<64x128xf32, #tpu.memory_space<vmem>>
    tpu.enqueue_dma source(%dma_start3A_566 : memref<64x128xf32, #tpu.memory_space<vmem>>) target(%dma_start3A_563 : memref<64x128xf32, #tpu.memory_space<hbm>>) target_semaphore(%arg15 : memref<!tpu.dma_semaphore, #tpu.memory_space<semaphore_mem>>)
    %dma_start3A_567 = arith.constant 13 : i32
    %dma_start3A_568 = arith.constant 64 : i32
    %dma_start3A_569 = arith.constant 0 : i32
    %dma_start3A_570 = tpu.memref_slice %arg8[%dma_start3A_568, %dma_start3A_569] : memref<256x128xf32, #tpu.memory_space<vmem>> -> memref<64x128xf32, #tpu.memory_space<vmem>>
    %dma_start3A_571 = arith.constant 0 : i32
    %dma_start3A_572 = tpu.memref_slice %arg5[%dma_start3A_567, %mul3A_2, %dma_start3A_571] : memref<16x2048x128xf32, #tpu.memory_space<hbm>> -> memref<1x64x128xf32, #tpu.memory_space<hbm>>
    %dma_start3A_573 = tpu.memref_squeeze %dma_start3A_572 : memref<1x64x128xf32, #tpu.memory_space<hbm>> -> memref<64x128xf32, #tpu.memory_space<hbm>>
    %dma_start3A_574 = arith.constant 0 : i32
    %dma_start3A_575 = tpu.memref_slice %arg5[%dma_start3A_567, %mul3A_2, %dma_start3A_574] : memref<16x2048x128xf32, #tpu.memory_space<hbm>> -> memref<1x64x128xf32, #tpu.memory_space<hbm>>
    %dma_start3A_576 = tpu.memref_squeeze %dma_start3A_575 : memref<1x64x128xf32, #tpu.memory_space<hbm>> -> memref<64x128xf32, #tpu.memory_space<hbm>>
    %dma_start3A_577 = arith.constant 64 : i32
    %dma_start3A_578 = arith.constant 0 : i32
    %dma_start3A_579 = tpu.memref_slice %arg8[%dma_start3A_577, %dma_start3A_578] : memref<256x128xf32, #tpu.memory_space<vmem>> -> memref<64x128xf32, #tpu.memory_space<vmem>>
    tpu.enqueue_dma source(%dma_start3A_579 : memref<64x128xf32, #tpu.memory_space<vmem>>) target(%dma_start3A_576 : memref<64x128xf32, #tpu.memory_space<hbm>>) target_semaphore(%arg15 : memref<!tpu.dma_semaphore, #tpu.memory_space<semaphore_mem>>)
    %dma_start3A_580 = arith.constant 14 : i32
    %dma_start3A_581 = arith.constant 128 : i32
    %dma_start3A_582 = arith.constant 0 : i32
    %dma_start3A_583 = tpu.memref_slice %arg8[%dma_start3A_581, %dma_start3A_582] : memref<256x128xf32, #tpu.memory_space<vmem>> -> memref<64x128xf32, #tpu.memory_space<vmem>>
    %dma_start3A_584 = arith.constant 0 : i32
    %dma_start3A_585 = tpu.memref_slice %arg5[%dma_start3A_580, %mul3A_2, %dma_start3A_584] : memref<16x2048x128xf32, #tpu.memory_space<hbm>> -> memref<1x64x128xf32, #tpu.memory_space<hbm>>
    %dma_start3A_586 = tpu.memref_squeeze %dma_start3A_585 : memref<1x64x128xf32, #tpu.memory_space<hbm>> -> memref<64x128xf32, #tpu.memory_space<hbm>>
    %dma_start3A_587 = arith.constant 0 : i32
    %dma_start3A_588 = tpu.memref_slice %arg5[%dma_start3A_580, %mul3A_2, %dma_start3A_587] : memref<16x2048x128xf32, #tpu.memory_space<hbm>> -> memref<1x64x128xf32, #tpu.memory_space<hbm>>
    %dma_start3A_589 = tpu.memref_squeeze %dma_start3A_588 : memref<1x64x128xf32, #tpu.memory_space<hbm>> -> memref<64x128xf32, #tpu.memory_space<hbm>>
    %dma_start3A_590 = arith.constant 128 : i32
    %dma_start3A_591 = arith.constant 0 : i32
    %dma_start3A_592 = tpu.memref_slice %arg8[%dma_start3A_590, %dma_start3A_591] : memref<256x128xf32, #tpu.memory_space<vmem>> -> memref<64x128xf32, #tpu.memory_space<vmem>>
    tpu.enqueue_dma source(%dma_start3A_592 : memref<64x128xf32, #tpu.memory_space<vmem>>) target(%dma_start3A_589 : memref<64x128xf32, #tpu.memory_space<hbm>>) target_semaphore(%arg15 : memref<!tpu.dma_semaphore, #tpu.memory_space<semaphore_mem>>)
    %dma_start3A_593 = arith.constant 15 : i32
    %dma_start3A_594 = arith.constant 192 : i32
    %dma_start3A_595 = arith.constant 0 : i32
    %dma_start3A_596 = tpu.memref_slice %arg8[%dma_start3A_594, %dma_start3A_595] : memref<256x128xf32, #tpu.memory_space<vmem>> -> memref<64x128xf32, #tpu.memory_space<vmem>>
    %dma_start3A_597 = arith.constant 0 : i32
    %dma_start3A_598 = tpu.memref_slice %arg5[%dma_start3A_593, %mul3A_2, %dma_start3A_597] : memref<16x2048x128xf32, #tpu.memory_space<hbm>> -> memref<1x64x128xf32, #tpu.memory_space<hbm>>
    %dma_start3A_599 = tpu.memref_squeeze %dma_start3A_598 : memref<1x64x128xf32, #tpu.memory_space<hbm>> -> memref<64x128xf32, #tpu.memory_space<hbm>>
    %dma_start3A_600 = arith.constant 0 : i32
    %dma_start3A_601 = tpu.memref_slice %arg5[%dma_start3A_593, %mul3A_2, %dma_start3A_600] : memref<16x2048x128xf32, #tpu.memory_space<hbm>> -> memref<1x64x128xf32, #tpu.memory_space<hbm>>
    %dma_start3A_602 = tpu.memref_squeeze %dma_start3A_601 : memref<1x64x128xf32, #tpu.memory_space<hbm>> -> memref<64x128xf32, #tpu.memory_space<hbm>>
    %dma_start3A_603 = arith.constant 192 : i32
    %dma_start3A_604 = arith.constant 0 : i32
    %dma_start3A_605 = tpu.memref_slice %arg8[%dma_start3A_603, %dma_start3A_604] : memref<256x128xf32, #tpu.memory_space<vmem>> -> memref<64x128xf32, #tpu.memory_space<vmem>>
    tpu.enqueue_dma source(%dma_start3A_605 : memref<64x128xf32, #tpu.memory_space<vmem>>) target(%dma_start3A_602 : memref<64x128xf32, #tpu.memory_space<hbm>>) target_semaphore(%arg15 : memref<!tpu.dma_semaphore, #tpu.memory_space<semaphore_mem>>)
    %dma_wait3A_606 = arith.constant 4 : i32
    %dma_wait3A_607 = arith.constant 0 : i32
    %dma_wait3A_608 = arith.constant 0 : i32
    %dma_wait3A_609 = tpu.memref_slice %arg9[%dma_wait3A_607, %dma_wait3A_608] : memref<256x128xf32, #tpu.memory_space<vmem>> -> memref<64x128xf32, #tpu.memory_space<vmem>>
    %dma_wait3A_610 = arith.constant 0 : i32
    %dma_wait3A_611 = tpu.memref_slice %arg5[%dma_wait3A_606, %mul3A_2, %dma_wait3A_610] : memref<16x2048x128xf32, #tpu.memory_space<hbm>> -> memref<1x64x128xf32, #tpu.memory_space<hbm>>
    %dma_wait3A_612 = tpu.memref_squeeze %dma_wait3A_611 : memref<1x64x128xf32, #tpu.memory_space<hbm>> -> memref<64x128xf32, #tpu.memory_space<hbm>>
    %dma_wait3A_613 = arith.constant 0 : i32
    %dma_wait3A_614 = tpu.memref_slice %arg5[%dma_wait3A_606, %mul3A_2, %dma_wait3A_613] : memref<16x2048x128xf32, #tpu.memory_space<hbm>> -> memref<1x64x128xf32, #tpu.memory_space<hbm>>
    %dma_wait3A_615 = tpu.memref_squeeze %dma_wait3A_614 : memref<1x64x128xf32, #tpu.memory_space<hbm>> -> memref<64x128xf32, #tpu.memory_space<hbm>>
    %dma_wait3A_616 = arith.constant 0 : i32
    %dma_wait3A_617 = arith.constant 0 : i32
    %dma_wait3A_618 = tpu.memref_slice %arg9[%dma_wait3A_616, %dma_wait3A_617] : memref<256x128xf32, #tpu.memory_space<vmem>> -> memref<64x128xf32, #tpu.memory_space<vmem>>
    tpu.wait_dma2 semaphore(%arg16 : memref<!tpu.dma_semaphore, #tpu.memory_space<semaphore_mem>>) src(%dma_wait3A_618 : memref<64x128xf32, #tpu.memory_space<vmem>>) dst(%dma_wait3A_615 : memref<64x128xf32, #tpu.memory_space<hbm>>)
    %dma_wait3A_619 = arith.constant 5 : i32
    %dma_wait3A_620 = arith.constant 64 : i32
    %dma_wait3A_621 = arith.constant 0 : i32
    %dma_wait3A_622 = tpu.memref_slice %arg9[%dma_wait3A_620, %dma_wait3A_621] : memref<256x128xf32, #tpu.memory_space<vmem>> -> memref<64x128xf32, #tpu.memory_space<vmem>>
    %dma_wait3A_623 = arith.constant 0 : i32
    %dma_wait3A_624 = tpu.memref_slice %arg5[%dma_wait3A_619, %mul3A_2, %dma_wait3A_623] : memref<16x2048x128xf32, #tpu.memory_space<hbm>> -> memref<1x64x128xf32, #tpu.memory_space<hbm>>
    %dma_wait3A_625 = tpu.memref_squeeze %dma_wait3A_624 : memref<1x64x128xf32, #tpu.memory_space<hbm>> -> memref<64x128xf32, #tpu.memory_space<hbm>>
    %dma_wait3A_626 = arith.constant 0 : i32
    %dma_wait3A_627 = tpu.memref_slice %arg5[%dma_wait3A_619, %mul3A_2, %dma_wait3A_626] : memref<16x2048x128xf32, #tpu.memory_space<hbm>> -> memref<1x64x128xf32, #tpu.memory_space<hbm>>
    %dma_wait3A_628 = tpu.memref_squeeze %dma_wait3A_627 : memref<1x64x128xf32, #tpu.memory_space<hbm>> -> memref<64x128xf32, #tpu.memory_space<hbm>>
    %dma_wait3A_629 = arith.constant 64 : i32
    %dma_wait3A_630 = arith.constant 0 : i32
    %dma_wait3A_631 = tpu.memref_slice %arg9[%dma_wait3A_629, %dma_wait3A_630] : memref<256x128xf32, #tpu.memory_space<vmem>> -> memref<64x128xf32, #tpu.memory_space<vmem>>
    tpu.wait_dma2 semaphore(%arg16 : memref<!tpu.dma_semaphore, #tpu.memory_space<semaphore_mem>>) src(%dma_wait3A_631 : memref<64x128xf32, #tpu.memory_space<vmem>>) dst(%dma_wait3A_628 : memref<64x128xf32, #tpu.memory_space<hbm>>)
    %dma_wait3A_632 = arith.constant 6 : i32
    %dma_wait3A_633 = arith.constant 128 : i32
    %dma_wait3A_634 = arith.constant 0 : i32
    %dma_wait3A_635 = tpu.memref_slice %arg9[%dma_wait3A_633, %dma_wait3A_634] : memref<256x128xf32, #tpu.memory_space<vmem>> -> memref<64x128xf32, #tpu.memory_space<vmem>>
    %dma_wait3A_636 = arith.constant 0 : i32
    %dma_wait3A_637 = tpu.memref_slice %arg5[%dma_wait3A_632, %mul3A_2, %dma_wait3A_636] : memref<16x2048x128xf32, #tpu.memory_space<hbm>> -> memref<1x64x128xf32, #tpu.memory_space<hbm>>
    %dma_wait3A_638 = tpu.memref_squeeze %dma_wait3A_637 : memref<1x64x128xf32, #tpu.memory_space<hbm>> -> memref<64x128xf32, #tpu.memory_space<hbm>>
    %dma_wait3A_639 = arith.constant 0 : i32
    %dma_wait3A_640 = tpu.memref_slice %arg5[%dma_wait3A_632, %mul3A_2, %dma_wait3A_639] : memref<16x2048x128xf32, #tpu.memory_space<hbm>> -> memref<1x64x128xf32, #tpu.memory_space<hbm>>
    %dma_wait3A_641 = tpu.memref_squeeze %dma_wait3A_640 : memref<1x64x128xf32, #tpu.memory_space<hbm>> -> memref<64x128xf32, #tpu.memory_space<hbm>>
    %dma_wait3A_642 = arith.constant 128 : i32
    %dma_wait3A_643 = arith.constant 0 : i32
    %dma_wait3A_644 = tpu.memref_slice %arg9[%dma_wait3A_642, %dma_wait3A_643] : memref<256x128xf32, #tpu.memory_space<vmem>> -> memref<64x128xf32, #tpu.memory_space<vmem>>
    tpu.wait_dma2 semaphore(%arg16 : memref<!tpu.dma_semaphore, #tpu.memory_space<semaphore_mem>>) src(%dma_wait3A_644 : memref<64x128xf32, #tpu.memory_space<vmem>>) dst(%dma_wait3A_641 : memref<64x128xf32, #tpu.memory_space<hbm>>)
    %dma_wait3A_645 = arith.constant 7 : i32
    %dma_wait3A_646 = arith.constant 192 : i32
    %dma_wait3A_647 = arith.constant 0 : i32
    %dma_wait3A_648 = tpu.memref_slice %arg9[%dma_wait3A_646, %dma_wait3A_647] : memref<256x128xf32, #tpu.memory_space<vmem>> -> memref<64x128xf32, #tpu.memory_space<vmem>>
    %dma_wait3A_649 = arith.constant 0 : i32
    %dma_wait3A_650 = tpu.memref_slice %arg5[%dma_wait3A_645, %mul3A_2, %dma_wait3A_649] : memref<16x2048x128xf32, #tpu.memory_space<hbm>> -> memref<1x64x128xf32, #tpu.memory_space<hbm>>
    %dma_wait3A_651 = tpu.memref_squeeze %dma_wait3A_650 : memref<1x64x128xf32, #tpu.memory_space<hbm>> -> memref<64x128xf32, #tpu.memory_space<hbm>>
    %dma_wait3A_652 = arith.constant 0 : i32
    %dma_wait3A_653 = tpu.memref_slice %arg5[%dma_wait3A_645, %mul3A_2, %dma_wait3A_652] : memref<16x2048x128xf32, #tpu.memory_space<hbm>> -> memref<1x64x128xf32, #tpu.memory_space<hbm>>
    %dma_wait3A_654 = tpu.memref_squeeze %dma_wait3A_653 : memref<1x64x128xf32, #tpu.memory_space<hbm>> -> memref<64x128xf32, #tpu.memory_space<hbm>>
    %dma_wait3A_655 = arith.constant 192 : i32
    %dma_wait3A_656 = arith.constant 0 : i32
    %dma_wait3A_657 = tpu.memref_slice %arg9[%dma_wait3A_655, %dma_wait3A_656] : memref<256x128xf32, #tpu.memory_space<vmem>> -> memref<64x128xf32, #tpu.memory_space<vmem>>
    tpu.wait_dma2 semaphore(%arg16 : memref<!tpu.dma_semaphore, #tpu.memory_space<semaphore_mem>>) src(%dma_wait3A_657 : memref<64x128xf32, #tpu.memory_space<vmem>>) dst(%dma_wait3A_654 : memref<64x128xf32, #tpu.memory_space<hbm>>)
    %dma_wait3A_658 = arith.constant 8 : i32
    %dma_wait3A_659 = arith.constant 0 : i32
    %dma_wait3A_660 = arith.constant 0 : i32
    %dma_wait3A_661 = tpu.memref_slice %arg10[%dma_wait3A_659, %dma_wait3A_660] : memref<256x128xf32, #tpu.memory_space<vmem>> -> memref<64x128xf32, #tpu.memory_space<vmem>>
    %dma_wait3A_662 = arith.constant 0 : i32
    %dma_wait3A_663 = tpu.memref_slice %arg5[%dma_wait3A_658, %mul3A_2, %dma_wait3A_662] : memref<16x2048x128xf32, #tpu.memory_space<hbm>> -> memref<1x64x128xf32, #tpu.memory_space<hbm>>
    %dma_wait3A_664 = tpu.memref_squeeze %dma_wait3A_663 : memref<1x64x128xf32, #tpu.memory_space<hbm>> -> memref<64x128xf32, #tpu.memory_space<hbm>>
    %dma_wait3A_665 = arith.constant 0 : i32
    %dma_wait3A_666 = tpu.memref_slice %arg5[%dma_wait3A_658, %mul3A_2, %dma_wait3A_665] : memref<16x2048x128xf32, #tpu.memory_space<hbm>> -> memref<1x64x128xf32, #tpu.memory_space<hbm>>
    %dma_wait3A_667 = tpu.memref_squeeze %dma_wait3A_666 : memref<1x64x128xf32, #tpu.memory_space<hbm>> -> memref<64x128xf32, #tpu.memory_space<hbm>>
    %dma_wait3A_668 = arith.constant 0 : i32
    %dma_wait3A_669 = arith.constant 0 : i32
    %dma_wait3A_670 = tpu.memref_slice %arg10[%dma_wait3A_668, %dma_wait3A_669] : memref<256x128xf32, #tpu.memory_space<vmem>> -> memref<64x128xf32, #tpu.memory_space<vmem>>
    tpu.wait_dma2 semaphore(%arg17 : memref<!tpu.dma_semaphore, #tpu.memory_space<semaphore_mem>>) src(%dma_wait3A_670 : memref<64x128xf32, #tpu.memory_space<vmem>>) dst(%dma_wait3A_667 : memref<64x128xf32, #tpu.memory_space<hbm>>)
    %dma_wait3A_671 = arith.constant 9 : i32
    %dma_wait3A_672 = arith.constant 64 : i32
    %dma_wait3A_673 = arith.constant 0 : i32
    %dma_wait3A_674 = tpu.memref_slice %arg10[%dma_wait3A_672, %dma_wait3A_673] : memref<256x128xf32, #tpu.memory_space<vmem>> -> memref<64x128xf32, #tpu.memory_space<vmem>>
    %dma_wait3A_675 = arith.constant 0 : i32
    %dma_wait3A_676 = tpu.memref_slice %arg5[%dma_wait3A_671, %mul3A_2, %dma_wait3A_675] : memref<16x2048x128xf32, #tpu.memory_space<hbm>> -> memref<1x64x128xf32, #tpu.memory_space<hbm>>
    %dma_wait3A_677 = tpu.memref_squeeze %dma_wait3A_676 : memref<1x64x128xf32, #tpu.memory_space<hbm>> -> memref<64x128xf32, #tpu.memory_space<hbm>>
    %dma_wait3A_678 = arith.constant 0 : i32
    %dma_wait3A_679 = tpu.memref_slice %arg5[%dma_wait3A_671, %mul3A_2, %dma_wait3A_678] : memref<16x2048x128xf32, #tpu.memory_space<hbm>> -> memref<1x64x128xf32, #tpu.memory_space<hbm>>
    %dma_wait3A_680 = tpu.memref_squeeze %dma_wait3A_679 : memref<1x64x128xf32, #tpu.memory_space<hbm>> -> memref<64x128xf32, #tpu.memory_space<hbm>>
    %dma_wait3A_681 = arith.constant 64 : i32
    %dma_wait3A_682 = arith.constant 0 : i32
    %dma_wait3A_683 = tpu.memref_slice %arg10[%dma_wait3A_681, %dma_wait3A_682] : memref<256x128xf32, #tpu.memory_space<vmem>> -> memref<64x128xf32, #tpu.memory_space<vmem>>
    tpu.wait_dma2 semaphore(%arg17 : memref<!tpu.dma_semaphore, #tpu.memory_space<semaphore_mem>>) src(%dma_wait3A_683 : memref<64x128xf32, #tpu.memory_space<vmem>>) dst(%dma_wait3A_680 : memref<64x128xf32, #tpu.memory_space<hbm>>)
    %dma_wait3A_684 = arith.constant 10 : i32
    %dma_wait3A_685 = arith.constant 128 : i32
    %dma_wait3A_686 = arith.constant 0 : i32
    %dma_wait3A_687 = tpu.memref_slice %arg10[%dma_wait3A_685, %dma_wait3A_686] : memref<256x128xf32, #tpu.memory_space<vmem>> -> memref<64x128xf32, #tpu.memory_space<vmem>>
    %dma_wait3A_688 = arith.constant 0 : i32
    %dma_wait3A_689 = tpu.memref_slice %arg5[%dma_wait3A_684, %mul3A_2, %dma_wait3A_688] : memref<16x2048x128xf32, #tpu.memory_space<hbm>> -> memref<1x64x128xf32, #tpu.memory_space<hbm>>
    %dma_wait3A_690 = tpu.memref_squeeze %dma_wait3A_689 : memref<1x64x128xf32, #tpu.memory_space<hbm>> -> memref<64x128xf32, #tpu.memory_space<hbm>>
    %dma_wait3A_691 = arith.constant 0 : i32
    %dma_wait3A_692 = tpu.memref_slice %arg5[%dma_wait3A_684, %mul3A_2, %dma_wait3A_691] : memref<16x2048x128xf32, #tpu.memory_space<hbm>> -> memref<1x64x128xf32, #tpu.memory_space<hbm>>
    %dma_wait3A_693 = tpu.memref_squeeze %dma_wait3A_692 : memref<1x64x128xf32, #tpu.memory_space<hbm>> -> memref<64x128xf32, #tpu.memory_space<hbm>>
    %dma_wait3A_694 = arith.constant 128 : i32
    %dma_wait3A_695 = arith.constant 0 : i32
    %dma_wait3A_696 = tpu.memref_slice %arg10[%dma_wait3A_694, %dma_wait3A_695] : memref<256x128xf32, #tpu.memory_space<vmem>> -> memref<64x128xf32, #tpu.memory_space<vmem>>
    tpu.wait_dma2 semaphore(%arg17 : memref<!tpu.dma_semaphore, #tpu.memory_space<semaphore_mem>>) src(%dma_wait3A_696 : memref<64x128xf32, #tpu.memory_space<vmem>>) dst(%dma_wait3A_693 : memref<64x128xf32, #tpu.memory_space<hbm>>)
    %dma_wait3A_697 = arith.constant 11 : i32
    %dma_wait3A_698 = arith.constant 192 : i32
    %dma_wait3A_699 = arith.constant 0 : i32
    %dma_wait3A_700 = tpu.memref_slice %arg10[%dma_wait3A_698, %dma_wait3A_699] : memref<256x128xf32, #tpu.memory_space<vmem>> -> memref<64x128xf32, #tpu.memory_space<vmem>>
    %dma_wait3A_701 = arith.constant 0 : i32
    %dma_wait3A_702 = tpu.memref_slice %arg5[%dma_wait3A_697, %mul3A_2, %dma_wait3A_701] : memref<16x2048x128xf32, #tpu.memory_space<hbm>> -> memref<1x64x128xf32, #tpu.memory_space<hbm>>
    %dma_wait3A_703 = tpu.memref_squeeze %dma_wait3A_702 : memref<1x64x128xf32, #tpu.memory_space<hbm>> -> memref<64x128xf32, #tpu.memory_space<hbm>>
    %dma_wait3A_704 = arith.constant 0 : i32
    %dma_wait3A_705 = tpu.memref_slice %arg5[%dma_wait3A_697, %mul3A_2, %dma_wait3A_704] : memref<16x2048x128xf32, #tpu.memory_space<hbm>> -> memref<1x64x128xf32, #tpu.memory_space<hbm>>
    %dma_wait3A_706 = tpu.memref_squeeze %dma_wait3A_705 : memref<1x64x128xf32, #tpu.memory_space<hbm>> -> memref<64x128xf32, #tpu.memory_space<hbm>>
    %dma_wait3A_707 = arith.constant 192 : i32
    %dma_wait3A_708 = arith.constant 0 : i32
    %dma_wait3A_709 = tpu.memref_slice %arg10[%dma_wait3A_707, %dma_wait3A_708] : memref<256x128xf32, #tpu.memory_space<vmem>> -> memref<64x128xf32, #tpu.memory_space<vmem>>
    tpu.wait_dma2 semaphore(%arg17 : memref<!tpu.dma_semaphore, #tpu.memory_space<semaphore_mem>>) src(%dma_wait3A_709 : memref<64x128xf32, #tpu.memory_space<vmem>>) dst(%dma_wait3A_706 : memref<64x128xf32, #tpu.memory_space<hbm>>)
    %dma_wait3A_710 = arith.constant 12 : i32
    %dma_wait3A_711 = arith.constant 0 : i32
    %dma_wait3A_712 = arith.constant 0 : i32
    %dma_wait3A_713 = tpu.memref_slice %arg8[%dma_wait3A_711, %dma_wait3A_712] : memref<256x128xf32, #tpu.memory_space<vmem>> -> memref<64x128xf32, #tpu.memory_space<vmem>>
    %dma_wait3A_714 = arith.constant 0 : i32
    %dma_wait3A_715 = tpu.memref_slice %arg5[%dma_wait3A_710, %mul3A_2, %dma_wait3A_714] : memref<16x2048x128xf32, #tpu.memory_space<hbm>> -> memref<1x64x128xf32, #tpu.memory_space<hbm>>
    %dma_wait3A_716 = tpu.memref_squeeze %dma_wait3A_715 : memref<1x64x128xf32, #tpu.memory_space<hbm>> -> memref<64x128xf32, #tpu.memory_space<hbm>>
    %dma_wait3A_717 = arith.constant 0 : i32
    %dma_wait3A_718 = tpu.memref_slice %arg5[%dma_wait3A_710, %mul3A_2, %dma_wait3A_717] : memref<16x2048x128xf32, #tpu.memory_space<hbm>> -> memref<1x64x128xf32, #tpu.memory_space<hbm>>
    %dma_wait3A_719 = tpu.memref_squeeze %dma_wait3A_718 : memref<1x64x128xf32, #tpu.memory_space<hbm>> -> memref<64x128xf32, #tpu.memory_space<hbm>>
    %dma_wait3A_720 = arith.constant 0 : i32
    %dma_wait3A_721 = arith.constant 0 : i32
    %dma_wait3A_722 = tpu.memref_slice %arg8[%dma_wait3A_720, %dma_wait3A_721] : memref<256x128xf32, #tpu.memory_space<vmem>> -> memref<64x128xf32, #tpu.memory_space<vmem>>
    tpu.wait_dma2 semaphore(%arg15 : memref<!tpu.dma_semaphore, #tpu.memory_space<semaphore_mem>>) src(%dma_wait3A_722 : memref<64x128xf32, #tpu.memory_space<vmem>>) dst(%dma_wait3A_719 : memref<64x128xf32, #tpu.memory_space<hbm>>)
    %dma_wait3A_723 = arith.constant 13 : i32
    %dma_wait3A_724 = arith.constant 64 : i32
    %dma_wait3A_725 = arith.constant 0 : i32
    %dma_wait3A_726 = tpu.memref_slice %arg8[%dma_wait3A_724, %dma_wait3A_725] : memref<256x128xf32, #tpu.memory_space<vmem>> -> memref<64x128xf32, #tpu.memory_space<vmem>>
    %dma_wait3A_727 = arith.constant 0 : i32
    %dma_wait3A_728 = tpu.memref_slice %arg5[%dma_wait3A_723, %mul3A_2, %dma_wait3A_727] : memref<16x2048x128xf32, #tpu.memory_space<hbm>> -> memref<1x64x128xf32, #tpu.memory_space<hbm>>
    %dma_wait3A_729 = tpu.memref_squeeze %dma_wait3A_728 : memref<1x64x128xf32, #tpu.memory_space<hbm>> -> memref<64x128xf32, #tpu.memory_space<hbm>>
    %dma_wait3A_730 = arith.constant 0 : i32
    %dma_wait3A_731 = tpu.memref_slice %arg5[%dma_wait3A_723, %mul3A_2, %dma_wait3A_730] : memref<16x2048x128xf32, #tpu.memory_space<hbm>> -> memref<1x64x128xf32, #tpu.memory_space<hbm>>
    %dma_wait3A_732 = tpu.memref_squeeze %dma_wait3A_731 : memref<1x64x128xf32, #tpu.memory_space<hbm>> -> memref<64x128xf32, #tpu.memory_space<hbm>>
    %dma_wait3A_733 = arith.constant 64 : i32
    %dma_wait3A_734 = arith.constant 0 : i32
    %dma_wait3A_735 = tpu.memref_slice %arg8[%dma_wait3A_733, %dma_wait3A_734] : memref<256x128xf32, #tpu.memory_space<vmem>> -> memref<64x128xf32, #tpu.memory_space<vmem>>
    tpu.wait_dma2 semaphore(%arg15 : memref<!tpu.dma_semaphore, #tpu.memory_space<semaphore_mem>>) src(%dma_wait3A_735 : memref<64x128xf32, #tpu.memory_space<vmem>>) dst(%dma_wait3A_732 : memref<64x128xf32, #tpu.memory_space<hbm>>)
    %dma_wait3A_736 = arith.constant 14 : i32
    %dma_wait3A_737 = arith.constant 128 : i32
    %dma_wait3A_738 = arith.constant 0 : i32
    %dma_wait3A_739 = tpu.memref_slice %arg8[%dma_wait3A_737, %dma_wait3A_738] : memref<256x128xf32, #tpu.memory_space<vmem>> -> memref<64x128xf32, #tpu.memory_space<vmem>>
    %dma_wait3A_740 = arith.constant 0 : i32
    %dma_wait3A_741 = tpu.memref_slice %arg5[%dma_wait3A_736, %mul3A_2, %dma_wait3A_740] : memref<16x2048x128xf32, #tpu.memory_space<hbm>> -> memref<1x64x128xf32, #tpu.memory_space<hbm>>
    %dma_wait3A_742 = tpu.memref_squeeze %dma_wait3A_741 : memref<1x64x128xf32, #tpu.memory_space<hbm>> -> memref<64x128xf32, #tpu.memory_space<hbm>>
    %dma_wait3A_743 = arith.constant 0 : i32
    %dma_wait3A_744 = tpu.memref_slice %arg5[%dma_wait3A_736, %mul3A_2, %dma_wait3A_743] : memref<16x2048x128xf32, #tpu.memory_space<hbm>> -> memref<1x64x128xf32, #tpu.memory_space<hbm>>
    %dma_wait3A_745 = tpu.memref_squeeze %dma_wait3A_744 : memref<1x64x128xf32, #tpu.memory_space<hbm>> -> memref<64x128xf32, #tpu.memory_space<hbm>>
    %dma_wait3A_746 = arith.constant 128 : i32
    %dma_wait3A_747 = arith.constant 0 : i32
    %dma_wait3A_748 = tpu.memref_slice %arg8[%dma_wait3A_746, %dma_wait3A_747] : memref<256x128xf32, #tpu.memory_space<vmem>> -> memref<64x128xf32, #tpu.memory_space<vmem>>
    tpu.wait_dma2 semaphore(%arg15 : memref<!tpu.dma_semaphore, #tpu.memory_space<semaphore_mem>>) src(%dma_wait3A_748 : memref<64x128xf32, #tpu.memory_space<vmem>>) dst(%dma_wait3A_745 : memref<64x128xf32, #tpu.memory_space<hbm>>)
    %dma_wait3A_749 = arith.constant 15 : i32
    %dma_wait3A_750 = arith.constant 192 : i32
    %dma_wait3A_751 = arith.constant 0 : i32
    %dma_wait3A_752 = tpu.memref_slice %arg8[%dma_wait3A_750, %dma_wait3A_751] : memref<256x128xf32, #tpu.memory_space<vmem>> -> memref<64x128xf32, #tpu.memory_space<vmem>>
    %dma_wait3A_753 = arith.constant 0 : i32
    %dma_wait3A_754 = tpu.memref_slice %arg5[%dma_wait3A_749, %mul3A_2, %dma_wait3A_753] : memref<16x2048x128xf32, #tpu.memory_space<hbm>> -> memref<1x64x128xf32, #tpu.memory_space<hbm>>
    %dma_wait3A_755 = tpu.memref_squeeze %dma_wait3A_754 : memref<1x64x128xf32, #tpu.memory_space<hbm>> -> memref<64x128xf32, #tpu.memory_space<hbm>>
    %dma_wait3A_756 = arith.constant 0 : i32
    %dma_wait3A_757 = tpu.memref_slice %arg5[%dma_wait3A_749, %mul3A_2, %dma_wait3A_756] : memref<16x2048x128xf32, #tpu.memory_space<hbm>> -> memref<1x64x128xf32, #tpu.memory_space<hbm>>
    %dma_wait3A_758 = tpu.memref_squeeze %dma_wait3A_757 : memref<1x64x128xf32, #tpu.memory_space<hbm>> -> memref<64x128xf32, #tpu.memory_space<hbm>>
    %dma_wait3A_759 = arith.constant 192 : i32
    %dma_wait3A_760 = arith.constant 0 : i32
    %dma_wait3A_761 = tpu.memref_slice %arg8[%dma_wait3A_759, %dma_wait3A_760] : memref<256x128xf32, #tpu.memory_space<vmem>> -> memref<64x128xf32, #tpu.memory_space<vmem>>
    tpu.wait_dma2 semaphore(%arg15 : memref<!tpu.dma_semaphore, #tpu.memory_space<semaphore_mem>>) src(%dma_wait3A_761 : memref<64x128xf32, #tpu.memory_space<vmem>>) dst(%dma_wait3A_758 : memref<64x128xf32, #tpu.memory_space<hbm>>)
    return
  }
}

</mosaic_0001>

<sc_bundles>
// kernel: _embed.3.cloned.1.call-start
scs
__scs_entry_jumppad:
0x0: {  	(pc) =	sbr.rel $0x88, $3  }
0x1: {  	(tag) =	ssettag $0x0;
	lr =	simm.s32 $0x1  }
0x2: {  	[smem:$0x3F9F] =	sst lr;
	_ =	strace $0xD0000000  }
0x3: {  	_ = 	snop  }
0x4: {  	_ = 	snop  }
0x5: {  	_ = 	snop  }
0x6: {  	_ = 	snop  }
0x7: {  	_ = 	snop  }
__scs_overlays_trampoline_lowered:
0x8: {  	[smem:$0x3FAE] =	sst s0  }
0x9: {  	[smem:$0x3FAF] =	sst s1  }
0xa: {  	[smem:$0x3FB0] =	sst s2  }
0xb: {  	[smem:$0x3FB1] =	sst s3  }
0xc: {  	[smem:$0x3FB2] =	sst s4  }
0xd: {  	[smem:$0x3FB3] =	sst s5  }
0xe: {  	[smem:$0x3FB4] =	sst s6  }
0xf: {  	[smem:$0x3FB5] =	sst s7  }
0x10: {  	[smem:$0x3FB6] =	sst s8  }
0x11: {  	[smem:$0x3FB7] =	sst s9;
	s0 =	simm.s32 @!p0 $0x0  }
0x12: {  	s1 =	sld [smem:$0x3F9D];
	s0 =	simm.s32 @p0 $0x1  }
0x13: {  	[smem:$0x3FB8] =	sst s0;
	s0 =	simm.s32 @!p1 $0x0  }
0x14: {  	s2 =	sld [smem:$0x3F9C];
	s0 =	simm.s32 @p1 $0x1  }
0x15: {  	[smem:$0x3FB9] =	sst s0;
	s0 =	simm.s32 @!p2 $0x0  }
0x16: {  	s3 =	sld [smem:$0x3FDB];
	s0 =	simm.s32 @p2 $0x1  }
0x17: {  	s4 =	simm.s32 $0x1BF5;
	[smem:$0x3FBB] =	sst s0  }
0x18: {  	s0 =	sld [smem:$0x3F9E];
	_ =	swait.ge [sflag:s4], $0x0  }
0x19: {  	s7 =	sld [smem:$0x3F9F]  }
0x1a: {  	s8 =	sadd.s32 $0xFFFFE003, lr  }
0x1b: {  	s9 =	sadd.s32 $0xFFFFFEF7, lr;
	s5 =	simm.s32 $0xFFFFFFFF;
	p2 =	slt.u32 s8, $0xFFFFF086  }
0x1c: {  	p1 =	slt.u32 s9, $0xF7A;
	s5 =	simm.s32 @!p2 $0x0  }
0x1d: {  	s5 =	simm.s32 @p1 $0x1;
	p0 =	seq.s32 s7, s2  }
0x1e: {  	s7 =	smul.u32 @!p0 $0xF7A, s2;
	p2 =	seq.s32 @!p0 s5, $0x0  }
0x1f: {  	s9 =	smul.u32 $0xF7A, s1;
	s8 =	simm.s32 @!p0 $0x1BF5;
	p2 =	por !p2, p0  }
0x20: {  	[sflag:s8] =	ssyncset.s32 @!p0 $0xFFFFF086;
	s6 =	sadd.s32 @!p0 s3, s7;
	s7 =	simm.s32 @!p0 $0x108  }
0x21: {  	s3 =	sadd.s32 s3, s9;
	s6 =	sadd.s32 @!p0 $0x88, s6;
	s7 =	simm.s32 @p2 $0x1082  }
0x22: {  	[simem:s7], [sflag:s8] =	dma.local @!p0 [hbm:s6], $0xF7A  }
0x23: {  	s9 =	sor.u32 $0xD0000000, s2;
	s6 =	simm.s32 $0x108;
	_ =	swait.ge @!p0 [sflag:s8], $0x0  }
0x24: {  	s3 =	sadd.s32 $0x88, s3;
	s6 =	simm.s32 @!p1 $0x1082;
	[sflag:s4] =	ssyncset.s32 $0xFFFFF086  }
0x25: {  	[simem:s6], [sflag:s4] =	dma.local [hbm:s3], $0xF7A  }
0x26: {  	[smem:$0x3F9F] =	sst s1;
	(tag) =	ssettag s2;
	_ =	strace s9  }
0x27: {  	s1 =	sld [smem:$0x3FAF]  }
0x28: {  	s2 =	sld [smem:$0x3FB0]  }
0x29: {  	s4 =	sld [smem:$0x3FB2]  }
0x2a: {  	p0 =	seq.s32 s5, $0x0;
	s5 =	sld [smem:$0x3FB3]  }
0x2b: {  	s6 =	sld [smem:$0x3FB4]  }
0x2c: {  	s7 =	sld [smem:$0x3FB5]  }
0x2d: {  	s3 =	simm.s32 $0x108;
	s8 =	sld [smem:$0x3FB6]  }
0x2e: {  	s3 =	simm.s32 @!p0 $0x1082;
	s9 =	sld [smem:$0x3FB7]  }
0x2f: {  	lr =	sadd.s32 s0, s3;
	s0 =	sld [smem:$0x3FAE]  }
0x30: {  	s3 =	sld [smem:$0x3FB1]  }
0x31: {  	[smem:$0x3FBA] =	sst s10  }
0x32: {  	s10 =	sld [smem:$0x3FB8];
	_ =	sdelay $0x3  }
0x33: {  	p0 =	seq.s32 s10, $0x1;
	s10 =	sld [smem:$0x3FBA];
	_ =	sdelay $0x3  }
0x34: {  	[smem:$0x3FBA] =	sst s10  }
0x35: {  	s10 =	sld [smem:$0x3FB9];
	_ =	sdelay $0x3  }
0x36: {  	p1 =	seq.s32 s10, $0x1;
	s10 =	sld [smem:$0x3FBA];
	_ =	sdelay $0x3  }
0x37: {  	[smem:$0x3FBA] =	sst s10  }
0x38: {  	s10 =	sld [smem:$0x3FBB]  }
0x39: {  	_ = 	snop;
	(pc) =	sbr.ind lr, $3  }
0x3a: {  	_ = 	snop  }
0x3b: {  	_ = 	snop  }
0x3c: {  	p2 =	seq.s32 s10, $0x1;
	s10 =	sld [smem:$0x3FBA]  }
0x3d: {  	_ =	shalt  }
0x3e: {  	_ =	shalt  }
0x3f: {  	_ =	shalt  }
0x40: {  	_ =	shalt  }
0x41: {  	_ =	shalt  }
0x42: {  	_ =	shalt  }
0x43: {  	_ =	shalt  }
0x44: {  	_ =	shalt  }
0x45: {  	_ =	shalt  }
0x46: {  	_ =	shalt  }
0x47: {  	_ =	shalt  }
0x48: {  	_ =	shalt  }
0x49: {  	_ =	shalt  }
0x4a: {  	_ =	shalt  }
0x4b: {  	_ =	shalt  }
0x4c: {  	_ =	shalt  }
0x4d: {  	_ =	shalt  }
0x4e: {  	_ =	shalt  }
0x4f: {  	_ =	shalt  }
0x50: {  	_ =	shalt  }
0x51: {  	_ =	shalt  }
0x52: {  	_ =	shalt  }
0x53: {  	_ =	shalt  }
0x54: {  	_ =	shalt  }
0x55: {  	_ =	shalt  }
0x56: {  	_ =	shalt  }
0x57: {  	_ =	shalt  }
0x58: {  	_ =	shalt  }
0x59: {  	_ =	shalt  }
0x5a: {  	_ =	shalt  }
0x5b: {  	_ =	shalt  }
0x5c: {  	_ =	shalt  }
0x5d: {  	_ =	shalt  }
0x5e: {  	_ =	shalt  }
0x5f: {  	_ =	shalt  }
0x60: {  	_ =	shalt  }
0x61: {  	_ =	shalt  }
0x62: {  	_ =	shalt  }
0x63: {  	_ =	shalt  }
0x64: {  	_ =	shalt  }
0x65: {  	_ =	shalt  }
0x66: {  	_ =	shalt  }
0x67: {  	_ =	shalt  }
0x68: {  	_ =	shalt  }
0x69: {  	_ =	shalt  }
0x6a: {  	_ =	shalt  }
0x6b: {  	_ =	shalt  }
0x6c: {  	_ =	shalt  }
0x6d: {  	_ =	shalt  }
0x6e: {  	_ =	shalt  }
0x6f: {  	_ =	shalt  }
0x70: {  	_ =	shalt  }
0x71: {  	_ =	shalt  }
0x72: {  	_ =	shalt  }
0x73: {  	_ =	shalt  }
0x74: {  	_ =	shalt  }
0x75: {  	_ =	shalt  }
0x76: {  	_ =	shalt  }
0x77: {  	_ =	shalt  }
0x78: {  	_ =	shalt  }
0x79: {  	_ =	shalt  }
0x7a: {  	_ =	shalt  }
0x7b: {  	_ =	shalt  }
0x7c: {  	_ =	shalt  }
0x7d: {  	_ =	shalt  }
0x7e: {  	_ =	shalt  }
0x7f: {  	_ =	shalt  }
0x80: {  	_ =	shalt  }
0x81: {  	_ =	shalt  }
0x82: {  	_ =	shalt  }
0x83: {  	_ =	shalt  }
0x84: {  	_ =	shalt  }
0x85: {  	_ =	shalt  }
0x86: {  	_ =	shalt  }
0x87: {  	_ =	shalt  }
.Lfunc_end0:
.L_simem_size_0:
called_computation_lowered:
.L_overlay_start_0:
0x88: {  	s2 =	sld [smem:$0x3FD9]  }
0x89: {  	s3 =	sld [smem:$0x3FFE];
	_ =	sdelay $0x1  }
0x8a: {  	s1 =	srdreg.scid  }
0x8b: {  	s0 =	sand.u32 $0x1, s1  }
0x8c: {  	s17 =	sshll.u32 s0, $0xA;
	s2 =	sadd.s32 s3, s2  }
0x8d: {  	s2 =	sadd.s32 s2, s17  }
0x8e: {  	[smem:$0x3FC6] =	sst s2  }
0x8f: {  	_ = 	snop  }
0x90: {  	s2 =	sld [smem:$0x3FC9]  }
0x91: {  	s18 =	sld [smem:$0x3FC8]  }
0x92: {  	s4 =	sld [smem:$0x3FD0];
	(tm) =	ssettm $0x1  }
0x93: {  	s5 =	sld [smem:$0x3FFB];
	_ =	sdelay $0x3  }
0x94: {  	_ =	strace s5  }
0x95: {  	s5 =	sld [smem:$0x3FFC];
	_ =	sdelay $0x3  }
0x96: {  	_ =	strace s5  }
0x97: {  	s5 =	sld [smem:$0x3FFD];
	_ =	sdelay $0x3  }
0x98: {  	_ =	strace s5  }
0x99: {  	_ =	strace $0x8FFFFFFF  }
0x9a: {  	s19 =	sld [smem:$0x3FDB];
	_ =	sdelay $0x1  }
0x9b: {  	s6 =	simm.s32 $_scs_section_size  }
0x9c: {  	s7 =	simm.s32 $_size__tile_overlayer_lowered;
	s8 =	simm.s32 $_tile_overlayer_lowered  }
0x9d: {  	s22 =	simm.s32 $0x1BFF;
	s21 =	sshll.u32 s8, $0x1;
	s5 =	sadd.s32 s6, s19  }
0x9e: {  	s9 =	simm.s32 $0x0;
	s20 =	sshll.u32 s7, $0x1;
	s7 =	sadd.s32 s21, s5  }
0x9f: {  	[timem:s9], [sflag:s22] =	dma.local [hbm:s7], s20  }
0xa0: {  	_ =	swait.ge [sflag:s22], s20  }
0xa1: {  	s6 =	ssub.s32 $0x0, s20;
	[sflag:s22] =	ssyncset.done $0x0  }
0xa2: {  	[sflag:s22] =	ssyncadd.s32 s6;
	_ =	sdelay $0x1  }
0xa3: {  	s23 =	simm.s32 $0x1B8B  }
0xa4: {  	_ =	swait.ge [sflag:s23], $0x1  }
0xa5: {  	[sflag:s23] =	ssyncset.done $0x0  }
0xa6: {  	s25 =	simm.s32 $0x1B8E;
	s24 =	sld [smem:$0x3FFE];
	[sflag:s23] =	ssyncadd.s32 $0xFFFFFFFF  }
0xa7: {  	s26 =	simm.s32 $execute0_lowered;
	[smem:$0x3FD2] =	sst s25  }
0xa8: {  	s7 =	sshll.u32 s26, $0x1;
	_ =	strace $0x80000046;
	[dreg:$0x1] =	wrdreg $0xFFFFFFFF  }
0xa9: {  	s28 =	simm.s32 $_size_execute0_lowered;
	s5 =	sadd.s32 s5, s7;
	[dreg:$0x0] =	wrdreg $0x0  }
0xaa: {  	s7 =	sshll.u32 s28, $0x1;
	[dreg:$0x2] =	wrdreg s5  }
0xab: {  	[dreg:$0x3] =	wrdreg s7  }
0xac: {  	[dreg:$0x4] =	wrdreg $0xC0  }
0xad: {  	_ =	task [dreg:s9], $0x5FFFF  }
0xae: {  	[dreg:$0x1] =	wrdreg $0xFFFFFFFF  }
0xaf: {  	[dreg:$0x0] =	wrdreg $0x60  }
0xb0: {  	[dreg:$0x2] =	wrdreg s18  }
0xb1: {  	[dreg:$0x3] =	wrdreg s2  }
0xb2: {  	[dreg:$0x4] =	wrdreg s24  }
0xb3: {  	[dreg:$0x5] =	wrdreg s4  }
0xb4: {  	[dreg:$0x6] =	wrdreg $0x9  }
0xb5: {  	_ =	task.clear_ibuf [dreg:s9], $0x7FFFF;
	_ =	strace $0x90000046  }
0xb6: {  	s29 =	simm.s32 $0x9;
	_ =	strace $0x80000048  }
0xb7: {  	_ =	swait.ge [sflag:s29], $0x1  }
0xb8: {  	[sflag:s29] =	ssyncadd.s32 $0xFFFFFFFF  }
0xb9: {  	_ =	strace $0x90000048  }
0xba: {  	_ =	sfence  }
0xbb: {  	s30 =	sld [smem:$0x0];
	_ =	sdelay $0x2  }
0xbc: {  	s31 =	sshll.u32 s1, $0xD;
	s1 =	sshrl.u32 s1, $0x2  }
0xbd: {  	s3 =	sand.u32 $0x4000, s31;
	s1 =	sadd.s32 s1, s30  }
0xbe: {  	s0 =	sor.u32 s3, s0;
	s1 =	sshll.u32 s1, $0x11  }
0xbf: {  	s0 =	sor.u32 s1, s0  }
0xc0: {  	s0 =	sadd.s32 $0x8F2B, s0  }
0xc1: {  	[sflag:s0] =	ssyncadd.remote.s32 $0x1  }
0xc2: {  	_ =	sfence.sel $0xFFFF  }
0xc3: {  	[dreg:$0x0] =	wrdreg $0xFFFFFFFF;
	(pc) =	sbr.abs _section_cstart, $3  }
0xc4: {  	[dreg:$0x1] =	wrdreg $0xFFFFFFFF  }
0xc5: {  	_ =	task.clear_ibuf [dreg:s9], $0x2FFFF;
	_ =	strace $0x9FFFFFFF  }
0xc6: {  	(tm) =	ssettm $0x7FFFFFFF  }
0xc7: {  	_ =	shalt  }
tec
execute0_lowered:
.L_overlay_start_1:
0x0: {  	(tag) =	ssettag $0x1  }
0x1: {  	s1 =	rddreg [dreg:$0x0]  }
0x2: {  	s0 =	rddreg [dreg:$0x1]  }
0x3: {  	s3 =	srdreg.scid;
	s6 =	stileid.u32  }
0x4: {  	s2 =	rddreg [dreg:$0x2];
	s4 =	sand.u32 $0x1, s3;
	s6 =	sshll.u32 s6, $0x1  }
0x5: {  	s5 =	rddreg [dreg:$0x3];
	s3 =	simm.s32 $0x0;
	s6 =	sor.u32 s4, s6  }
0x6: {  	[smem:$0x7FF] =	sst s3;
	s8 =	sshll.u32 s4, $0x6;
	s10 =	ssub.s32 $0x2, s4  }
0x7: {  	s7 =	sshll.u32 s6, $0x9;
	s6 =	sshll.u32 s6, $0xA;
	_ =	strace $0x80000047  }
0x8: {  	s20 =	sshrl.u32 s10, $0x1;
	s9 =	sand.u32 $0x3C00, s7;
	s7 =	sor.u32 s8, s7  }
0x9: {  	s2 =	sadd.s32 s6, s2;
	s9 =	sor.u32 s8, s9;
	s7 =	sshrl.u32 s7, $0x3  }
0xa: {  	s8 =	ssub.s32 s10, s20;
	s19 =	sshrl.u32 s9, $0x3;
	s22 =	sor.u32 $0x40, s7  }
0xb: {  	s25 =	sor.u32 $0x50, s7;
	s26 =	sor.u32 $0x60, s7;
	s9 =	sadd.s32 s0, s22  }
0xc: {  	s11 =	sor.u32 $0x70, s7;
	s10 =	sadd.s32 s0, s26;
	[dreg:$0x8] =	wrdreg s9  }
0xd: {  	s18 =	sor.u32 $0x850, s7;
	s12 =	sadd.s32 s0, s11;
	[dreg:$0xa] =	wrdreg s10  }
0xe: {  	s4 =	sadd.s32 s0, s19;
	s19 =	sadd.s32 s0, s18;
	[dreg:$0xb] =	wrdreg s12  }
0xf: {  	s17 =	sor.u32 $0x840, s7;
	s21 =	sadd.s32 $0x10, s4;
	[dreg:$0x11] =	wrdreg s19  }
0x10: {  	s20 =	sor.u32 $0x860, s7;
	s23 =	sadd.s32 $0x20, s4;
	[dreg:$0x5] =	wrdreg s21  }
0x11: {  	s7 =	sor.u32 $0x870, s7;
	s24 =	sadd.s32 $0x30, s4;
	[dreg:$0x6] =	wrdreg s23  }
0x12: {  	s11 =	simm.s32 $0x2;
	s9 =	sadd.s32 s0, s25;
	[dreg:$0x7] =	wrdreg s24  }
0x13: {  	s18 =	simm.s32 $0x6400;
	s13 =	sadd.s32 $0x800, s4;
	[dreg:$0x9] =	wrdreg s9  }
0x14: {  	s14 =	sadd.s32 $0x810, s4;
	s15 =	sadd.s32 $0x820, s4;
	[dreg:$0xc] =	wrdreg s13  }
0x15: {  	s16 =	sadd.s32 $0x830, s4;
	s19 =	sadd.s32 s5, s6;
	[dreg:$0xd] =	wrdreg s14  }
0x16: {  	s25 =	smax.u32 s8, $0x1;
	s10 =	simm.s32 $0x100;
	[dreg:$0xe] =	wrdreg s15  }
0x17: {  	s12 =	simm.s32 $0x8400;
	[dreg:$0xf] =	wrdreg s16;
	s9 =	sadd.s32 s0, s17  }
0x18: {  	s21 =	sadd.s32 $0x400, s2;
	s22 =	sadd.s32 $0x8000, s19;
	s23 =	sadd.s32 $0x10000, s19  }
0x19: {  	s24 =	sadd.s32 $0x18000, s19;
	[dreg:$0x18] =	wrdreg s25;
	s26 =	sadd.s32 $0x20000, s19  }
0x1a: {  	s28 =	sadd.s32 $0x28000, s19;
	s29 =	sadd.s32 $0x30000, s19;
	s30 =	sadd.s32 $0x38000, s19  }
0x1b: {  	s31 =	sadd.s32 $0x40000, s19;
	s2 =	sadd.s32 $0x48000, s19;
	[dreg:$0x10] =	wrdreg s9  }
0x1c: {  	s5 =	sadd.s32 $0x58000, s19;
	s6 =	sadd.s32 $0x60000, s19;
	[dreg:$0x14] =	wrdreg s21  }
0x1d: {  	s8 =	sadd.s32 $0x70000, s19;
	s13 =	simm.s32 $0x1;
	[dreg:$0x15] =	wrdreg s22  }
0x1e: {  	s14 =	simm.s32 $0x2400;
	s17 =	simm.s32 $0x4400;
	[dreg:$0x16] =	wrdreg s23  }
0x1f: {  	s15 =	simm.s32 $0x0;
	s9 =	sadd.s32 s0, s20;
	[dreg:$0x17] =	wrdreg s24  }
0x20: {  	s0 =	sadd.s32 s0, s7;
	[dreg:$0x19] =	wrdreg s26;
	s7 =	sadd.s32 $0x68000, s19  }
0x21: {  	s20 =	simm.s32 $0x3;
	s21 =	simm.s32 $0x5;
	s22 =	simm.s32 $0x4  }
0x22: {  	s23 =	simm.s32 $0x6;
	s24 =	simm.s32 $0x7;
	[dreg:$0x12] =	wrdreg s9  }
0x23: {  	[dreg:$0x13] =	wrdreg s0;
	s0 =	sadd.s32 $0x50000, s19;
	s9 =	sadd.s32 $0x78000, s19  }
.LBB2_1:
0x24: {  	[tilespmem:s3], [sflag:$0x1] =	stream.linear.gather [hbm4b:s4+s3], $0x40, $0x38;
	[tilespmem:$0x1A400] =	vst v63  }
0x25: {  	s16 =	rddreg [dreg:$0x5];
	s25 =	simm.s32 $0x40  }
0x26: {  	[tilespmem:s25], [sflag:$0x1] =	stream.linear.gather [hbm4b:s16+s3], $0x40, $0x38;
	[tilespmem:$0x1A400] =	vst v63  }
0x27: {  	s26 =	simm.s32 $0x80;
	s25 =	rddreg [dreg:$0x6]  }
0x28: {  	[tilespmem:s26], [sflag:$0x1] =	stream.linear.gather [hbm4b:s25+s3], $0x40, $0x38;
	[tilespmem:$0x1A400] =	vst v63  }
0x29: {  	s25 =	rddreg [dreg:$0x7];
	s26 =	simm.s32 $0xC0  }
0x2a: {  	[tilespmem:s26], [sflag:$0x1] =	stream.linear.gather [hbm4b:s25+s3], $0x40, $0x38;
	[tilespmem:$0x1A400] =	vst v63  }
0x2b: {  	s26 =	rddreg [dreg:$0x8]  }
0x2c: {  	[tilespmem:s10], [sflag:$0x1] =	stream.linear.gather [hbm4b:s26+s3], $0x40, $0x38;
	[tilespmem:$0x1A400] =	vst v63  }
0x2d: {  	s25 =	rddreg [dreg:$0x9];
	s26 =	simm.s32 $0x140  }
0x2e: {  	[tilespmem:s26], [sflag:$0x1] =	stream.linear.gather [hbm4b:s25+s3], $0x40, $0x38;
	[tilespmem:$0x1A400] =	vst v63  }
0x2f: {  	s25 =	rddreg [dreg:$0xa];
	s26 =	simm.s32 $0x180  }
0x30: {  	[tilespmem:s26], [sflag:$0x1] =	stream.linear.gather [hbm4b:s25+s3], $0x40, $0x38;
	[tilespmem:$0x1A400] =	vst v63  }
0x31: {  	s25 =	rddreg [dreg:$0xb];
	s26 =	simm.s32 $0x1C0  }
0x32: {  	[tilespmem:s26], [sflag:$0x1] =	stream.linear.gather [hbm4b:s25+s3], $0x40, $0x38;
	[tilespmem:$0x1A400] =	vst v63  }
0x33: {  	s26 =	rddreg [dreg:$0xc];
	s25 =	simm.s32 $0x200  }
0x34: {  	[tilespmem:s25], [sflag:$0x1] =	stream.linear.gather [hbm4b:s26+s3], $0x40, $0x38;
	[tilespmem:$0x1A400] =	vst v63  }
0x35: {  	s16 =	rddreg [dreg:$0xd];
	s26 =	simm.s32 $0x240  }
0x36: {  	[tilespmem:s26], [sflag:$0x1] =	stream.linear.gather [hbm4b:s16+s3], $0x40, $0x38;
	[tilespmem:$0x1A400] =	vst v63  }
0x37: {  	s16 =	rddreg [dreg:$0xe];
	s26 =	simm.s32 $0x280  }
0x38: {  	[tilespmem:s26], [sflag:$0x1] =	stream.linear.gather [hbm4b:s16+s3], $0x40, $0x38;
	[tilespmem:$0x1A400] =	vst v63  }
0x39: {  	s16 =	rddreg [dreg:$0xf];
	s26 =	simm.s32 $0x2C0  }
0x3a: {  	[tilespmem:s26], [sflag:$0x1] =	stream.linear.gather [hbm4b:s16+s3], $0x40, $0x38;
	[tilespmem:$0x1A400] =	vst v63  }
0x3b: {  	s16 =	rddreg [dreg:$0x10];
	s26 =	simm.s32 $0x300  }
0x3c: {  	[tilespmem:s26], [sflag:$0x1] =	stream.linear.gather [hbm4b:s16+s3], $0x40, $0x38;
	[tilespmem:$0x1A400] =	vst v63  }
0x3d: {  	s16 =	rddreg [dreg:$0x11];
	s26 =	simm.s32 $0x340  }
0x3e: {  	[tilespmem:s26], [sflag:$0x1] =	stream.linear.gather [hbm4b:s16+s3], $0x40, $0x38;
	[tilespmem:$0x1A400] =	vst v63  }
0x3f: {  	s16 =	rddreg [dreg:$0x12];
	s26 =	simm.s32 $0x380  }
0x40: {  	[tilespmem:s26], [sflag:$0x1] =	stream.linear.gather [hbm4b:s16+s3], $0x40, $0x38;
	[tilespmem:$0x1A400] =	vst v63  }
0x41: {  	s16 =	rddreg [dreg:$0x13];
	s26 =	simm.s32 $0x3C0  }
0x42: {  	[tilespmem:s26], [sflag:$0x1] =	stream.linear.gather [hbm4b:s16+s3], $0x40, $0x38;
	[tilespmem:$0x1A400] =	vst v63  }
0x43: {  	s16 =	rddreg [dreg:$0x14];
	s26 =	simm.s32 $0x400  }
0x44: {  	[tilespmem:s26], [sflag:$0x1] =	stream.linear.gather [hbm4b:s16+s3], $0x2000, $0x38;
	[tilespmem:$0x1A400] =	vst v63  }
0x45: {  	_ =	swait.ge [sflag:s13], $0x40  }
0x46: {  	[sflag:s13] =	ssyncset.done $0x0  }
0x47: {  	[sflag:s13] =	ssyncadd.s32 $0xFFFFFFC0  }
0x48: {  	_ =	swait.ge [sflag:s13], $0x40  }
0x49: {  	[sflag:s13] =	ssyncset.done $0x0  }
0x4a: {  	[sflag:s13] =	ssyncadd.s32 $0xFFFFFFC0  }
0x4b: {  	_ =	swait.ge [sflag:s13], $0x40  }
0x4c: {  	[sflag:s13] =	ssyncset.done $0x0  }
0x4d: {  	[sflag:s13] =	ssyncadd.s32 $0xFFFFFFC0  }
0x4e: {  	_ =	swait.ge [sflag:s13], $0x40  }
0x4f: {  	[sflag:s13] =	ssyncset.done $0x0  }
0x50: {  	[sflag:s13] =	ssyncadd.s32 $0xFFFFFFC0  }
0x51: {  	[tilespmem:s14], [sflag:$0x2] =	stream.indirect.gather [hbm4b:s1+s10], $0x80, s3, s10, $0xb8;
	[tilespmem:$0x1A400] =	vst v63  }
0x52: {  	_ =	swait.ge [sflag:s13], $0x40  }
0x53: {  	[sflag:s13] =	ssyncset.done $0x0  }
0x54: {  	[sflag:s13] =	ssyncadd.s32 $0xFFFFFFC0  }
0x55: {  	_ =	swait.ge [sflag:s13], $0x40  }
0x56: {  	[sflag:s13] =	ssyncset.done $0x0  }
0x57: {  	[sflag:s13] =	ssyncadd.s32 $0xFFFFFFC0  }
0x58: {  	_ =	swait.ge [sflag:s13], $0x40  }
0x59: {  	[sflag:s13] =	ssyncset.done $0x0  }
0x5a: {  	[sflag:s13] =	ssyncadd.s32 $0xFFFFFFC0  }
0x5b: {  	_ =	swait.ge [sflag:s13], $0x40  }
0x5c: {  	[sflag:s13] =	ssyncset.done $0x0  }
0x5d: {  	s26 =	simm.s32 $0xA400;
	[sflag:s13] =	ssyncadd.s32 $0xFFFFFFC0  }
0x5e: {  	[tilespmem:s26], [sflag:$0x3] =	stream.indirect.gather [hbm4b:s1+s10], $0x80, s10, s10, $0xb8;
	[tilespmem:$0x1A400] =	vst v63  }
0x5f: {  	_ =	swait.ge [sflag:s13], $0x40  }
0x60: {  	[sflag:s13] =	ssyncset.done $0x0  }
0x61: {  	[sflag:s13] =	ssyncadd.s32 $0xFFFFFFC0  }
0x62: {  	_ =	swait.ge [sflag:s13], $0x40  }
0x63: {  	[sflag:s13] =	ssyncset.done $0x0  }
0x64: {  	[sflag:s13] =	ssyncadd.s32 $0xFFFFFFC0  }
0x65: {  	_ =	swait.ge [sflag:s13], $0x40  }
0x66: {  	[sflag:s13] =	ssyncset.done $0x0  }
0x67: {  	[sflag:s13] =	ssyncadd.s32 $0xFFFFFFC0  }
0x68: {  	_ =	swait.ge [sflag:s13], $0x40  }
0x69: {  	[sflag:s13] =	ssyncset.done $0x0  }
0x6a: {  	[sflag:s13] =	ssyncadd.s32 $0xFFFFFFC0  }
0x6b: {  	_ =	swait.ge [sflag:s13], $0x40  }
0x6c: {  	[sflag:s13] =	ssyncset.done $0x0  }
0x6d: {  	[sflag:s13] =	ssyncadd.s32 $0xFFFFFFC0  }
0x6e: {  	_ =	swait.ge [sflag:s13], $0x40  }
0x6f: {  	[sflag:s13] =	ssyncset.done $0x0  }
0x70: {  	[sflag:s13] =	ssyncadd.s32 $0xFFFFFFC0  }
0x71: {  	_ =	swait.ge [sflag:s13], $0x40  }
0x72: {  	[sflag:s13] =	ssyncset.done $0x0  }
0x73: {  	[sflag:s13] =	ssyncadd.s32 $0xFFFFFFC0  }
0x74: {  	_ =	swait.ge [sflag:s13], $0x40  }
0x75: {  	[sflag:s13] =	ssyncset.done $0x0  }
0x76: {  	[sflag:s13] =	ssyncadd.s32 $0xFFFFFFC0  }
0x77: {  	_ =	swait.ge [sflag:s13], $0x2000  }
0x78: {  	[sflag:s13] =	ssyncset.done $0x0  }
0x79: {  	[sflag:s13] =	ssyncadd.s32 $0xFFFFE000  }
0x7a: {  	_ =	swait.ge [sflag:s11], $0x8000  }
0x7b: {  	[sflag:s11] =	ssyncset.done $0x0  }
0x7c: {  	s26 =	simm.s32 $0x12400;
	[sflag:s11] =	ssyncadd.s32 $0xFFFF8000  }
0x7d: {  	[tilespmem:s26], [sflag:$0x4] =	stream.indirect.gather [hbm4b:s1+s10], $0x80, s25, s10, $0xb8;
	[tilespmem:$0x1A400] =	vst v63  }
0x7e: {  	s25 =	simm.s32 $0x0  }
0x7f: {  	v1 =	vld [tilespmem:s25+$0x8470]  }
0x80: {  	v2 =	vld [tilespmem:s25+$0x2400]  }
0x81: {  	v0 =	vld [tilespmem:s25+$0x470]  }
0x82: {  	v3 =	vld [tilespmem:s25+$0x4400]  }
0x83: {  	v4 =	vld [tilespmem:s25+$0x6400]  }
0x84: {  	v5 =	vld [tilespmem:s25+$0x8400]  }
0x85: {  	v6 =	vld [tilespmem:s25+$0x2410]  }
0x86: {  	v7 =	vld [tilespmem:s25+$0x4410]  }
0x87: {  	v8 =	vld [tilespmem:s25+$0x6410]  }
0x88: {  	v9 =	vld [tilespmem:s25+$0x8410]  }
0x89: {  	v10 =	vld [tilespmem:s25+$0x4420]  }
0x8a: {  	v11 =	vld [tilespmem:s25+$0x6420]  }
0x8b: {  	v12 =	vld [tilespmem:s25+$0x8420]  }
0x8c: {  	v15 =	vld [tilespmem:s25+$0x2430]  }
0x8d: {  	v16 =	vld [tilespmem:s25+$0x4430]  }
0x8e: {  	v20 =	vld [tilespmem:s25+$0x6430]  }
0x8f: {  	v21 =	vld [tilespmem:s25+$0x8430]  }
0x90: {  	v23 =	vld [tilespmem:s25+$0x2440]  }
0x91: {  	v28 =	vld [tilespmem:s25+$0x4440]  }
0x92: {  	v29 =	vld [tilespmem:s25+$0x6440]  }
0x93: {  	v30 =	vld [tilespmem:s25+$0x8440]  }
0x94: {  	v31 =	vld [tilespmem:s25+$0x2450]  }
0x95: {  	v32 =	vld [tilespmem:s25+$0x4450]  }
0x96: {  	v36 =	vld [tilespmem:s25+$0x8450];
	v1 =	vmul.f32 $1.131370830e+01, v1  }
0x97: {  	v37 =	vld [tilespmem:s25+$0x6460];
	v34 =	vmul.f32 $1.131370830e+01, v2;
	v35 =	vmul.f32 $1.131370830e+01, v3  }
0x98: {  	v40 =	vld [tilespmem:s25+$0x8460];
	v38 =	vmul.f32 $1.131370830e+01, v4;
	v39 =	vmul.f32 $1.131370830e+01, v5  }
0x99: {  	v33 =	vld [tilespmem:s25+$0x410];
	v3 =	vmul.f32 $1.131370830e+01, v6;
	v13 =	vmul.f32 $1.131370830e+01, v7  }
0x9a: {  	v2 =	vld [tilespmem:s25+$0x6450];
	v14 =	vmul.f32 $1.131370830e+01, v8;
	v24 =	vmul.f32 $1.131370830e+01, v9  }
0x9b: {  	v5 =	vld [tilespmem:s25+$0x2460];
	v25 =	vmul.f32 $1.131370830e+01, v10;
	v18 =	vmul.f32 $1.131370830e+01, v11  }
0x9c: {  	v8 =	vld [tilespmem:s25+$0x4460];
	v26 =	vmul.f32 $1.131370830e+01, v12;
	v19 =	vmul.f32 $1.131370830e+01, v15  }
0x9d: {  	v11 =	vld [tilespmem:s25+$0x2470];
	v27 =	vmul.f32 $1.131370830e+01, v16;
	v16 =	vmul.f32 $1.131370830e+01, v20  }
0x9e: {  	v22 =	vmul.f32 $1.131370830e+01, v21;
	v15 =	vmul.f32 $1.131370830e+01, v23;
	v23 =	vld [tilespmem:s25+$0x400];
	v1 =	vadd.f32 v1, v0  }
0x9f: {  	v12 =	vld [tilespmem:s25+$0x4470];
	v20 =	vmul.f32 $1.131370830e+01, v28;
	v10 =	vmul.f32 $1.131370830e+01, v29  }
0xa0: {  	v6 =	vmul.f32 $1.131370830e+01, v30;
	v9 =	vmul.f32 $1.131370830e+01, v31;
	[tilespmem:s25+$0x8470] =	vst v1;
	v1 =	vld [tilespmem:s25+$0x2420]  }
0xa1: {  	v21 =	vld [tilespmem:s25+$0x6470];
	v4 =	vmul.f32 $1.131370830e+01, v32;
	v7 =	vmul.f32 $1.131370830e+01, v2  }
0xa2: {  	v32 =	vld [tilespmem:s25+$0x420];
	v28 =	vmul.f32 $1.131370830e+01, v11;
	v11 =	vmul.f32 $1.131370830e+01, v5  }
0xa3: {  	v31 =	vld [tilespmem:s25+$0x430];
	v2 =	vmul.f32 $1.131370830e+01, v8;
	v8 =	vmul.f32 $1.131370830e+01, v37;
	v37 =	vadd.f32 v34, v23  }
0xa4: {  	v30 =	vld [tilespmem:s25+$0x440];
	v5 =	vmul.f32 $1.131370830e+01, v40;
	v34 =	vadd.f32 v39, v23;
	v41 =	vadd.f32 v28, v0  }
0xa5: {  	v29 =	vld [tilespmem:s25+$0x450];
	v17 =	vmul.f32 $1.131370830e+01, v1;
	v1 =	vmul.f32 $1.131370830e+01, v36;
	v36 =	vadd.f32 v35, v23  }
0xa6: {  	s16 =	simm.s32 $0x400;
	s26 =	simm.s32 $0x80;
	v28 =	vld [tilespmem:s25+$0x460];
	v35 =	vadd.f32 v38, v23;
	v23 =	vmul.f32 $1.131370830e+01, v12;
	v12 =	vmul.f32 $1.131370830e+01, v21;
	[tilespmem:s25+$0x2470] =	vst v41  }
.LBB2_2:
0xa7: {  	p0 =	sne.s32 s16, $0x7E00;
	v21 =	vld [tilespmem:s26+$0x8470];
	[tilespmem:s25+$0x2400] =	vst v37;
	v3 =	vadd.f32 v3, v33;
	v13 =	vadd.f32 v13, v33  }
0xa8: {  	v14 =	vadd.f32 v14, v33;
	v24 =	vadd.f32 v24, v33;
	v37 =	vld [tilespmem:s26+$0x2400];
	[tilespmem:s25+$0x4400] =	vst v36  }
0xa9: {  	v17 =	vadd.f32 v17, v32;
	v25 =	vadd.f32 v25, v32;
	v33 =	vld [tilespmem:s26+$0x470];
	[tilespmem:s25+$0x6400] =	vst v35  }
0xaa: {  	v18 =	vadd.f32 v18, v32;
	v26 =	vadd.f32 v26, v32;
	v35 =	vld [tilespmem:s26+$0x4400];
	[tilespmem:s25+$0x8400] =	vst v34  }
0xab: {  	v19 =	vadd.f32 v19, v31;
	v27 =	vadd.f32 v27, v31;
	v32 =	vld [tilespmem:s26+$0x6400];
	[tilespmem:s25+$0x2410] =	vst v3  }
0xac: {  	v16 =	vadd.f32 v16, v31;
	v22 =	vadd.f32 v22, v31;
	v3 =	vld [tilespmem:s26+$0x8400];
	v34 =	vmul.f32 $1.131370830e+01, v21;
	[tilespmem:s25+$0x4410] =	vst v13  }
0xad: {  	v15 =	vadd.f32 v15, v30;
	v20 =	vadd.f32 v20, v30;
	v21 =	vmul.f32 $1.131370830e+01, v37;
	v13 =	vld [tilespmem:s26+$0x2410];
	[tilespmem:s25+$0x6410] =	vst v14  }
0xae: {  	v10 =	vadd.f32 v10, v30;
	v14 =	vld [tilespmem:s26+$0x4410];
	v31 =	vadd.f32 v34, v33;
	[tilespmem:s25+$0x8410] =	vst v24  }
0xaf: {  	v6 =	vadd.f32 v6, v30;
	v9 =	vadd.f32 v9, v29;
	v34 =	vmul.f32 $1.131370830e+01, v35;
	v24 =	vld [tilespmem:s26+$0x6410];
	[tilespmem:s25+$0x2420] =	vst v17  }
0xb0: {  	v4 =	vadd.f32 v4, v29;
	v7 =	vadd.f32 v7, v29;
	v35 =	vmul.f32 $1.131370830e+01, v32;
	v17 =	vld [tilespmem:s26+$0x8410];
	[tilespmem:s26+$0x8470] =	vst v31  }
0xb1: {  	v1 =	vadd.f32 v1, v29;
	v11 =	vadd.f32 v11, v28;
	v38 =	vmul.f32 $1.131370830e+01, v3;
	v30 =	vld [tilespmem:s26+$0x2420];
	[tilespmem:s25+$0x4420] =	vst v25  }
0xb2: {  	v2 =	vadd.f32 v2, v28;
	v8 =	vadd.f32 v8, v28;
	v3 =	vmul.f32 $1.131370830e+01, v13;
	v25 =	vld [tilespmem:s26+$0x4420];
	[tilespmem:s25+$0x6420] =	vst v18  }
0xb3: {  	v23 =	vadd.f32 v23, v0;
	v5 =	vadd.f32 v5, v28;
	v13 =	vmul.f32 $1.131370830e+01, v14;
	v18 =	vld [tilespmem:s26+$0x6420];
	[tilespmem:s25+$0x8420] =	vst v26  }
0xb4: {  	v12 =	vadd.f32 v12, v0;
	v0 =	vmov v33;
	v14 =	vmul.f32 $1.131370830e+01, v24;
	v26 =	vld [tilespmem:s26+$0x8420];
	[tilespmem:s25+$0x2430] =	vst v19  }
0xb5: {  	v24 =	vmul.f32 $1.131370830e+01, v17;
	v19 =	vld [tilespmem:s26+$0x2430];
	[tilespmem:s25+$0x4430] =	vst v27  }
0xb6: {  	v17 =	vmul.f32 $1.131370830e+01, v30;
	v27 =	vld [tilespmem:s26+$0x4430];
	[tilespmem:s25+$0x6430] =	vst v16  }
0xb7: {  	v25 =	vmul.f32 $1.131370830e+01, v25;
	v16 =	vld [tilespmem:s26+$0x6430];
	[tilespmem:s25+$0x8430] =	vst v22  }
0xb8: {  	v18 =	vmul.f32 $1.131370830e+01, v18;
	v22 =	vld [tilespmem:s26+$0x8430];
	[tilespmem:s25+$0x2440] =	vst v15  }
0xb9: {  	v26 =	vmul.f32 $1.131370830e+01, v26;
	v15 =	vld [tilespmem:s26+$0x2440];
	[tilespmem:s25+$0x4440] =	vst v20  }
0xba: {  	v19 =	vmul.f32 $1.131370830e+01, v19;
	v20 =	vld [tilespmem:s26+$0x4440];
	[tilespmem:s25+$0x6440] =	vst v10  }
0xbb: {  	v27 =	vmul.f32 $1.131370830e+01, v27;
	v10 =	vld [tilespmem:s26+$0x6440];
	[tilespmem:s25+$0x8440] =	vst v6  }
0xbc: {  	v16 =	vmul.f32 $1.131370830e+01, v16;
	v6 =	vld [tilespmem:s26+$0x8440];
	[tilespmem:s25+$0x2450] =	vst v9  }
0xbd: {  	v22 =	vmul.f32 $1.131370830e+01, v22;
	v9 =	vld [tilespmem:s26+$0x2450];
	[tilespmem:s25+$0x4450] =	vst v4  }
0xbe: {  	v15 =	vmul.f32 $1.131370830e+01, v15;
	v4 =	vld [tilespmem:s26+$0x4450];
	[tilespmem:s25+$0x6450] =	vst v7  }
0xbf: {  	v20 =	vmul.f32 $1.131370830e+01, v20;
	v7 =	vld [tilespmem:s26+$0x6450];
	[tilespmem:s25+$0x8450] =	vst v1  }
0xc0: {  	v10 =	vmul.f32 $1.131370830e+01, v10;
	v1 =	vld [tilespmem:s26+$0x8450];
	[tilespmem:s25+$0x2460] =	vst v11  }
0xc1: {  	v6 =	vmul.f32 $1.131370830e+01, v6;
	v11 =	vld [tilespmem:s26+$0x2460];
	[tilespmem:s25+$0x4460] =	vst v2  }
0xc2: {  	v9 =	vmul.f32 $1.131370830e+01, v9;
	v2 =	vld [tilespmem:s26+$0x4460];
	[tilespmem:s25+$0x6460] =	vst v8  }
0xc3: {  	v4 =	vmul.f32 $1.131370830e+01, v4;
	v8 =	vld [tilespmem:s26+$0x6460];
	[tilespmem:s25+$0x8460] =	vst v5  }
0xc4: {  	v7 =	vmul.f32 $1.131370830e+01, v7;
	v5 =	vld [tilespmem:s26+$0x8460];
	[tilespmem:s25+$0x4470] =	vst v23  }
0xc5: {  	v1 =	vmul.f32 $1.131370830e+01, v1;
	v23 =	vld [tilespmem:s26+$0x2470];
	[tilespmem:s25+$0x6470] =	vst v12;
	s25 =	smov.u32 s26  }
0xc6: {  	v11 =	vmul.f32 $1.131370830e+01, v11;
	v12 =	vld [tilespmem:s25+$0x4470]  }
0xc7: {  	v2 =	vmul.f32 $1.131370830e+01, v2;
	v28 =	vld [tilespmem:s25+$0x6470]  }
0xc8: {  	v39 =	vld [tilespmem:s25+$0x400];
	v8 =	vmul.f32 $1.131370830e+01, v8  }
0xc9: {  	v33 =	vld [tilespmem:s25+$0x410];
	v5 =	vmul.f32 $1.131370830e+01, v5  }
.Ltmp0:
0xca: {  	v32 =	vld [tilespmem:s25+$0x420];
	v29 =	vmul.f32 $1.131370830e+01, v23;
	(pc) =	sbr.rel @p0 .LBB2_2-.Ltmp0, $4  }
0xcb: {  	v31 =	vld [tilespmem:s25+$0x430];
	v23 =	vmul.f32 $1.131370830e+01, v12  }
0xcc: {  	v30 =	vld [tilespmem:s25+$0x440];
	v40 =	vadd.f32 v29, v0;
	v12 =	vmul.f32 $1.131370830e+01, v28  }
0xcd: {  	v37 =	vadd.f32 v21, v39;
	v36 =	vadd.f32 v34, v39;
	v29 =	vld [tilespmem:s25+$0x450]  }
0xce: {  	s26 =	sshra.s32 s16, $0x2;
	s16 =	sadd.s32 $0x200, s16;
	v35 =	vadd.f32 v35, v39;
	v34 =	vadd.f32 v38, v39;
	v28 =	vld [tilespmem:s25+$0x460];
	[tilespmem:s25+$0x2470] =	vst v40  }
0xcf: {  	[tilespmem:s25+$0x2400] =	vst v37  }
0xd0: {  	[tilespmem:s25+$0x4400] =	vst v36  }
0xd1: {  	v3 =	vadd.f32 v3, v33;
	[tilespmem:s25+$0x6400] =	vst v35  }
0xd2: {  	v13 =	vadd.f32 v13, v33;
	[tilespmem:s25+$0x8400] =	vst v34  }
0xd3: {  	v14 =	vadd.f32 v14, v33;
	[tilespmem:s25+$0x2410] =	vst v3  }
0xd4: {  	v24 =	vadd.f32 v24, v33;
	[tilespmem:s25+$0x4410] =	vst v13  }
0xd5: {  	v17 =	vadd.f32 v17, v32;
	[tilespmem:s25+$0x6410] =	vst v14  }
0xd6: {  	v25 =	vadd.f32 v25, v32;
	[tilespmem:s25+$0x8410] =	vst v24  }
0xd7: {  	v18 =	vadd.f32 v18, v32;
	[tilespmem:s25+$0x2420] =	vst v17  }
0xd8: {  	v26 =	vadd.f32 v26, v32;
	[tilespmem:s25+$0x4420] =	vst v25  }
0xd9: {  	v23 =	vadd.f32 v23, v0;
	[tilespmem:s25+$0x6420] =	vst v18  }
0xda: {  	v0 =	vadd.f32 v12, v0;
	[tilespmem:s25+$0x8420] =	vst v26  }
0xdb: {  	v19 =	vadd.f32 v19, v31;
	[tilespmem:s25+$0x4470] =	vst v23  }
0xdc: {  	v38 =	vld [tilespmem:s26+$0x8470];
	v27 =	vadd.f32 v27, v31;
	[tilespmem:s25+$0x6470] =	vst v0  }
0xdd: {  	v39 =	vld [tilespmem:s26+$0x2400];
	v16 =	vadd.f32 v16, v31;
	[tilespmem:s25+$0x2430] =	vst v19  }
0xde: {  	v21 =	vld [tilespmem:s26+$0x470];
	v22 =	vadd.f32 v22, v31;
	[tilespmem:s25+$0x4430] =	vst v27  }
0xdf: {  	v40 =	vld [tilespmem:s26+$0x4400];
	v15 =	vadd.f32 v15, v30;
	[tilespmem:s25+$0x6430] =	vst v16  }
0xe0: {  	v41 =	vld [tilespmem:s26+$0x6400];
	v20 =	vadd.f32 v20, v30;
	[tilespmem:s25+$0x8430] =	vst v22  }
0xe1: {  	v42 =	vld [tilespmem:s26+$0x8400];
	v10 =	vadd.f32 v10, v30;
	[tilespmem:s25+$0x2440] =	vst v15  }
0xe2: {  	v43 =	vld [tilespmem:s26+$0x2410];
	v6 =	vadd.f32 v6, v30;
	[tilespmem:s25+$0x4440] =	vst v20  }
0xe3: {  	v44 =	vld [tilespmem:s26+$0x4410];
	v9 =	vadd.f32 v9, v29;
	[tilespmem:s25+$0x6440] =	vst v10  }
0xe4: {  	v45 =	vld [tilespmem:s26+$0x6410];
	v4 =	vadd.f32 v4, v29;
	[tilespmem:s25+$0x8440] =	vst v6  }
0xe5: {  	v46 =	vld [tilespmem:s26+$0x8410];
	v1 =	vadd.f32 v1, v29;
	[tilespmem:s25+$0x2450] =	vst v9  }
0xe6: {  	v51 =	vld [tilespmem:s26+$0x2420];
	v7 =	vadd.f32 v7, v29;
	[tilespmem:s25+$0x4450] =	vst v4  }
0xe7: {  	v11 =	vadd.f32 v11, v28;
	[tilespmem:s25+$0x8450] =	vst v1;
	v1 =	vld [tilespmem:s26+$0x400]  }
0xe8: {  	v52 =	vld [tilespmem:s26+$0x4420];
	v2 =	vadd.f32 v2, v28;
	[tilespmem:s25+$0x6450] =	vst v7  }
0xe9: {  	v8 =	vadd.f32 v8, v28;
	v38 =	vmul.f32 $1.131370830e+01, v38;
	v9 =	vld [tilespmem:s26+$0x2470];
	[tilespmem:s25+$0x2460] =	vst v11  }
0xea: {  	v53 =	vld [tilespmem:s26+$0x6420];
	v5 =	vadd.f32 v5, v28;
	v12 =	vmul.f32 $1.131370830e+01, v39;
	[tilespmem:s25+$0x4460] =	vst v2  }
0xeb: {  	v54 =	vld [tilespmem:s26+$0x8420];
	v28 =	vmul.f32 $1.131370830e+01, v40;
	[tilespmem:s25+$0x6460] =	vst v8;
	v38 =	vadd.f32 v38, v21  }
0xec: {  	v29 =	vmul.f32 $1.131370830e+01, v41;
	v11 =	vld [tilespmem:s26+$0x410];
	[tilespmem:s25+$0x8460] =	vst v5;
	v0 =	vadd.f32 v12, v1  }
0xed: {  	v3 =	vld [tilespmem:s26+$0x2430];
	v30 =	vmul.f32 $1.131370830e+01, v42;
	[tilespmem:s26+$0x8470] =	vst v38;
	v28 =	vadd.f32 v28, v1  }
0xee: {  	v2 =	vld [tilespmem:s26+$0x420];
	v8 =	vmul.f32 $1.131370830e+01, v9;
	v29 =	vadd.f32 v29, v1;
	[tilespmem:s26+$0x2400] =	vst v0  }
0xef: {  	v9 =	vld [tilespmem:s26+$0x430];
	v1 =	vadd.f32 v30, v1;
	v0 =	vmul.f32 $1.131370830e+01, v44;
	[tilespmem:s26+$0x4400] =	vst v28  }
0xf0: {  	v13 =	vld [tilespmem:s26+$0x4430];
	v8 =	vadd.f32 v8, v21;
	v28 =	vmul.f32 $1.131370830e+01, v45;
	[tilespmem:s26+$0x6400] =	vst v29  }
0xf1: {  	v14 =	vld [tilespmem:s26+$0x6430];
	[tilespmem:s26+$0x8400] =	vst v1;
	v1 =	vmul.f32 $1.131370830e+01, v51;
	v0 =	vadd.f32 v0, v11  }
0xf2: {  	v25 =	vld [tilespmem:s26+$0x4440];
	v3 =	vmul.f32 $1.131370830e+01, v3;
	[tilespmem:s26+$0x2470] =	vst v8;
	v28 =	vadd.f32 v28, v11  }
0xf3: {  	v24 =	vld [tilespmem:s26+$0x8430];
	v8 =	vmul.f32 $1.131370830e+01, v43;
	v1 =	vadd.f32 v1, v2;
	[tilespmem:s26+$0x4410] =	vst v0  }
0xf4: {  	v5 =	vld [tilespmem:s26+$0x440];
	v29 =	vmul.f32 $1.131370830e+01, v46;
	v3 =	vadd.f32 v3, v9;
	[tilespmem:s26+$0x6410] =	vst v28  }
0xf5: {  	v17 =	vld [tilespmem:s26+$0x2440];
	v8 =	vadd.f32 v8, v11;
	v0 =	vmul.f32 $1.131370830e+01, v53;
	[tilespmem:s26+$0x2420] =	vst v1  }
0xf6: {  	v18 =	vld [tilespmem:s26+$0x6440];
	v11 =	vadd.f32 v29, v11;
	v1 =	vmul.f32 $1.131370830e+01, v13;
	[tilespmem:s26+$0x2430] =	vst v3  }
0xf7: {  	v16 =	vld [tilespmem:s26+$0x6450];
	v3 =	vmul.f32 $1.131370830e+01, v25;
	[tilespmem:s26+$0x2410] =	vst v8;
	v0 =	vadd.f32 v0, v2  }
0xf8: {  	v26 =	vld [tilespmem:s26+$0x8440];
	v8 =	vmul.f32 $1.131370830e+01, v52;
	[tilespmem:s26+$0x8410] =	vst v11;
	v1 =	vadd.f32 v1, v9  }
0xf9: {  	v23 =	vld [tilespmem:s26+$0x450];
	v28 =	vmul.f32 $1.131370830e+01, v54;
	v3 =	vadd.f32 v3, v5;
	[tilespmem:s26+$0x6420] =	vst v0  }
0xfa: {  	v19 =	vld [tilespmem:s26+$0x2450];
	v8 =	vadd.f32 v8, v2;
	v0 =	vmul.f32 $1.131370830e+01, v24;
	[tilespmem:s26+$0x4430] =	vst v1  }
0xfb: {  	v22 =	vld [tilespmem:s26+$0x8450];
	v2 =	vadd.f32 v28, v2;
	v1 =	vmul.f32 $1.131370830e+01, v18;
	[tilespmem:s26+$0x4440] =	vst v3  }
0xfc: {  	v27 =	vld [tilespmem:s26+$0x4450];
	v3 =	vmul.f32 $1.131370830e+01, v16;
	[tilespmem:s26+$0x4420] =	vst v8;
	v0 =	vadd.f32 v0, v9  }
0xfd: {  	v15 =	vld [tilespmem:s26+$0x2460];
	v8 =	vmul.f32 $1.131370830e+01, v14;
	[tilespmem:s26+$0x8420] =	vst v2;
	v1 =	vadd.f32 v1, v5  }
0xfe: {  	v6 =	vld [tilespmem:s26+$0x8460];
	v2 =	vmul.f32 $1.131370830e+01, v17;
	v3 =	vadd.f32 v3, v23;
	[tilespmem:s26+$0x8430] =	vst v0  }
0xff: {  	v20 =	vld [tilespmem:s26+$0x4460];
	v8 =	vadd.f32 v8, v9;
	v0 =	vmul.f32 $1.131370830e+01, v19;
	[tilespmem:s26+$0x6440] =	vst v1  }
0x100: {  	v12 =	vld [tilespmem:s26+$0x460];
	v2 =	vadd.f32 v2, v5;
	v1 =	vmul.f32 $1.131370830e+01, v22;
	[tilespmem:s26+$0x6450] =	vst v3  }
0x101: {  	v10 =	vld [tilespmem:s26+$0x6460];
	[tilespmem:s26+$0x6430] =	vst v8;
	v8 =	vmul.f32 $1.131370830e+01, v26;
	v0 =	vadd.f32 v0, v23  }
0x102: {  	v4 =	vld [tilespmem:s26+$0x4470];
	[tilespmem:s26+$0x2440] =	vst v2;
	v2 =	vmul.f32 $1.131370830e+01, v27;
	v1 =	vadd.f32 v1, v23  }
0x103: {  	v7 =	vld [tilespmem:s26+$0x6470];
	v3 =	vmul.f32 $1.131370830e+01, v6;
	v5 =	vadd.f32 v8, v5;
	[tilespmem:s26+$0x2450] =	vst v0  }
0x104: {  	v2 =	vadd.f32 v2, v23;
	v0 =	vmul.f32 $1.131370830e+01, v20;
	[tilespmem:s26+$0x8450] =	vst v1  }
0x105: {  	v3 =	vadd.f32 v3, v12;
	[tilespmem:s26+$0x8440] =	vst v5;
	v5 =	vmul.f32 $1.131370830e+01, v15  }
0x106: {  	[tilespmem:s26+$0x4450] =	vst v2;
	v2 =	vmul.f32 $1.131370830e+01, v10;
	v0 =	vadd.f32 v0, v12  }
0x107: {  	v1 =	vmul.f32 $1.131370830e+01, v4;
	[tilespmem:s26+$0x8460] =	vst v3;
	v5 =	vadd.f32 v5, v12  }
0x108: {  	v4 =	vmul.f32 $1.131370830e+01, v7;
	v2 =	vadd.f32 v2, v12;
	[tilespmem:s26+$0x4460] =	vst v0  }
0x109: {  	v0 =	vadd.f32 v1, v21;
	[tilespmem:s26+$0x2460] =	vst v5  }
0x10a: {  	v1 =	vadd.f32 v4, v21;
	[tilespmem:s26+$0x6460] =	vst v2  }
0x10b: {  	[tilespmem:s26+$0x4470] =	vst v0  }
0x10c: {  	s16 =	simm.s32 $0x0;
	[tilespmem:s26+$0x6470] =	vst v1  }
0x10d: {  	[hbm4b:s19+s16] =	stream.linear.scatter [tilespmem:s14], [sflag:$0x5], $0x2000, $0x38;
	[tilespmem:$0x1A400] =	vst v63  }
0x10e: {  	s25 =	rddreg [dreg:$0x15]  }
0x10f: {  	[hbm4b:s25+s16] =	stream.linear.scatter [tilespmem:s17], [sflag:$0x5], $0x2000, $0x38;
	[tilespmem:$0x1A400] =	vst v63  }
0x110: {  	s26 =	rddreg [dreg:$0x16]  }
0x111: {  	[hbm4b:s26+s16] =	stream.linear.scatter [tilespmem:s18], [sflag:$0x5], $0x2000, $0x38;
	[tilespmem:$0x1A400] =	vst v63  }
0x112: {  	s26 =	rddreg [dreg:$0x17]  }
0x113: {  	[hbm4b:s26+s16] =	stream.linear.scatter [tilespmem:s12], [sflag:$0x5], $0x2000, $0x38;
	[tilespmem:$0x1A400] =	vst v63  }
0x114: {  	_ =	swait.ge [sflag:s20], $0x8000  }
0x115: {  	[sflag:s20] =	ssyncset.done $0x0  }
0x116: {  	[sflag:s20] =	ssyncadd.s32 $0xFFFF8000  }
0x117: {  	_ =	swait.ge [sflag:s21], $0x2000  }
0x118: {  	[sflag:s21] =	ssyncset.done $0x0  }
0x119: {  	[sflag:s21] =	ssyncadd.s32 $0xFFFFE000  }
0x11a: {  	_ =	swait.ge [sflag:s21], $0x2000  }
0x11b: {  	[sflag:s21] =	ssyncset.done $0x0  }
0x11c: {  	[sflag:s21] =	ssyncadd.s32 $0xFFFFE000  }
0x11d: {  	_ =	swait.ge [sflag:s21], $0x2000  }
0x11e: {  	[sflag:s21] =	ssyncset.done $0x0  }
0x11f: {  	[sflag:s21] =	ssyncadd.s32 $0xFFFFE000  }
0x120: {  	_ =	swait.ge [sflag:s21], $0x2000  }
0x121: {  	[sflag:s21] =	ssyncset.done $0x0  }
0x122: {  	s25 =	simm.s32 $0x0;
	s26 =	simm.s32 $0x300;
	[sflag:s21] =	ssyncadd.s32 $0xFFFFE000  }
0x123: {  	[tilespmem:s14], [sflag:$0x2] =	stream.indirect.gather [hbm4b:s1+s10], $0x80, s26, s10, $0xb8;
	[tilespmem:$0x1A400] =	vst v63  }
0x124: {  	v1 =	vld [tilespmem:s25+$0x10470]  }
0x125: {  	v2 =	vld [tilespmem:s25+$0xA400]  }
0x126: {  	v0 =	vld [tilespmem:s25+$0x470]  }
0x127: {  	v3 =	vld [tilespmem:s25+$0xC400]  }
0x128: {  	v4 =	vld [tilespmem:s25+$0xE400]  }
0x129: {  	v5 =	vld [tilespmem:s25+$0x10400]  }
0x12a: {  	v6 =	vld [tilespmem:s25+$0xA410]  }
0x12b: {  	v7 =	vld [tilespmem:s25+$0xC410]  }
0x12c: {  	v8 =	vld [tilespmem:s25+$0xE410]  }
0x12d: {  	v9 =	vld [tilespmem:s25+$0x10410]  }
0x12e: {  	v10 =	vld [tilespmem:s25+$0xC420]  }
0x12f: {  	v11 =	vld [tilespmem:s25+$0xE420]  }
0x130: {  	v12 =	vld [tilespmem:s25+$0x10420]  }
0x131: {  	v15 =	vld [tilespmem:s25+$0xA430]  }
0x132: {  	v16 =	vld [tilespmem:s25+$0xC430]  }
0x133: {  	v20 =	vld [tilespmem:s25+$0xE430]  }
0x134: {  	v21 =	vld [tilespmem:s25+$0x10430]  }
0x135: {  	v23 =	vld [tilespmem:s25+$0xA440]  }
0x136: {  	v28 =	vld [tilespmem:s25+$0xC440]  }
0x137: {  	v29 =	vld [tilespmem:s25+$0xE440]  }
0x138: {  	v30 =	vld [tilespmem:s25+$0x10440]  }
0x139: {  	v31 =	vld [tilespmem:s25+$0xA450]  }
0x13a: {  	v55 =	vld [tilespmem:s25+$0xC450]  }
0x13b: {  	v59 =	vld [tilespmem:s25+$0x10450];
	v1 =	vmul.f32 $1.131370830e+01, v1;
	v56 =	vmul.f32 $1.131370830e+01, v2  }
0x13c: {  	v61 =	vld [tilespmem:s25+$0xE460];
	v57 =	vmul.f32 $1.131370830e+01, v3;
	v58 =	vmul.f32 $1.131370830e+01, v4  }
0x13d: {  	v62 =	vld [tilespmem:s25+$0x10460];
	v60 =	vmul.f32 $1.131370830e+01, v5;
	v3 =	vmul.f32 $1.131370830e+01, v6  }
0x13e: {  	v33 =	vld [tilespmem:s25+$0x410];
	v13 =	vmul.f32 $1.131370830e+01, v7;
	v14 =	vmul.f32 $1.131370830e+01, v8  }
0x13f: {  	v2 =	vld [tilespmem:s25+$0xE450];
	v24 =	vmul.f32 $1.131370830e+01, v9;
	v25 =	vmul.f32 $1.131370830e+01, v10  }
0x140: {  	v5 =	vld [tilespmem:s25+$0xA460];
	v18 =	vmul.f32 $1.131370830e+01, v11;
	v26 =	vmul.f32 $1.131370830e+01, v12  }
0x141: {  	v19 =	vmul.f32 $1.131370830e+01, v15;
	v11 =	vld [tilespmem:s25+$0xA470];
	v27 =	vmul.f32 $1.131370830e+01, v16  }
0x142: {  	v8 =	vld [tilespmem:s25+$0xC460];
	v16 =	vmul.f32 $1.131370830e+01, v20;
	v22 =	vmul.f32 $1.131370830e+01, v21  }
0x143: {  	v15 =	vmul.f32 $1.131370830e+01, v23;
	v20 =	vmul.f32 $1.131370830e+01, v28;
	v23 =	vld [tilespmem:s25+$0x400]  }
0x144: {  	v12 =	vld [tilespmem:s25+$0xC470];
	v10 =	vmul.f32 $1.131370830e+01, v29;
	v6 =	vmul.f32 $1.131370830e+01, v30;
	v1 =	vadd.f32 v1, v0  }
0x145: {  	v21 =	vld [tilespmem:s25+$0xE470];
	v9 =	vmul.f32 $1.131370830e+01, v31;
	v4 =	vmul.f32 $1.131370830e+01, v55  }
0x146: {  	[tilespmem:s25+$0x10470] =	vst v1;
	v1 =	vld [tilespmem:s25+$0xA420];
	v7 =	vmul.f32 $1.131370830e+01, v2;
	v28 =	vmul.f32 $1.131370830e+01, v11  }
0x147: {  	v32 =	vld [tilespmem:s25+$0x420];
	v11 =	vmul.f32 $1.131370830e+01, v5;
	v2 =	vmul.f32 $1.131370830e+01, v8  }
0x148: {  	v31 =	vld [tilespmem:s25+$0x430];
	v8 =	vmul.f32 $1.131370830e+01, v61;
	v37 =	vadd.f32 v56, v23;
	v36 =	vadd.f32 v57, v23  }
0x149: {  	v30 =	vld [tilespmem:s25+$0x440];
	v5 =	vmul.f32 $1.131370830e+01, v62;
	v35 =	vadd.f32 v58, v23;
	v63 =	vadd.f32 v28, v0  }
0x14a: {  	v29 =	vld [tilespmem:s25+$0x450];
	v34 =	vadd.f32 v60, v23;
	v23 =	vmul.f32 $1.131370830e+01, v12;
	v12 =	vmul.f32 $1.131370830e+01, v21  }
0x14b: {  	s16 =	simm.s32 $0x400;
	s26 =	simm.s32 $0x80;
	v28 =	vld [tilespmem:s25+$0x460];
	v17 =	vmul.f32 $1.131370830e+01, v1;
	v1 =	vmul.f32 $1.131370830e+01, v59;
	[tilespmem:s25+$0xA470] =	vst v63  }
.LBB2_4:
0x14c: {  	p0 =	sne.s32 s16, $0x7E00;
	v21 =	vld [tilespmem:s26+$0x10470];
	[tilespmem:s25+$0xA400] =	vst v37;
	v3 =	vadd.f32 v3, v33;
	v13 =	vadd.f32 v13, v33  }
0x14d: {  	v14 =	vadd.f32 v14, v33;
	v24 =	vadd.f32 v24, v33;
	v37 =	vld [tilespmem:s26+$0xA400];
	[tilespmem:s25+$0xC400] =	vst v36  }
0x14e: {  	v17 =	vadd.f32 v17, v32;
	v25 =	vadd.f32 v25, v32;
	v33 =	vld [tilespmem:s26+$0x470];
	[tilespmem:s25+$0xE400] =	vst v35  }
0x14f: {  	v18 =	vadd.f32 v18, v32;
	v26 =	vadd.f32 v26, v32;
	v35 =	vld [tilespmem:s26+$0xC400];
	[tilespmem:s25+$0x10400] =	vst v34  }
0x150: {  	v19 =	vadd.f32 v19, v31;
	v27 =	vadd.f32 v27, v31;
	v32 =	vld [tilespmem:s26+$0xE400];
	[tilespmem:s25+$0xA410] =	vst v3  }
0x151: {  	v16 =	vadd.f32 v16, v31;
	v22 =	vadd.f32 v22, v31;
	v3 =	vld [tilespmem:s26+$0x10400];
	v34 =	vmul.f32 $1.131370830e+01, v21;
	[tilespmem:s25+$0xC410] =	vst v13  }
0x152: {  	v15 =	vadd.f32 v15, v30;
	v20 =	vadd.f32 v20, v30;
	v21 =	vmul.f32 $1.131370830e+01, v37;
	v13 =	vld [tilespmem:s26+$0xA410];
	[tilespmem:s25+$0xE410] =	vst v14  }
0x153: {  	v10 =	vadd.f32 v10, v30;
	v14 =	vld [tilespmem:s26+$0xC410];
	v31 =	vadd.f32 v34, v33;
	[tilespmem:s25+$0x10410] =	vst v24  }
0x154: {  	v6 =	vadd.f32 v6, v30;
	v9 =	vadd.f32 v9, v29;
	v34 =	vmul.f32 $1.131370830e+01, v35;
	v24 =	vld [tilespmem:s26+$0xE410];
	[tilespmem:s25+$0xA420] =	vst v17  }
0x155: {  	v4 =	vadd.f32 v4, v29;
	v7 =	vadd.f32 v7, v29;
	v35 =	vmul.f32 $1.131370830e+01, v32;
	v17 =	vld [tilespmem:s26+$0x10410];
	[tilespmem:s26+$0x10470] =	vst v31  }
0x156: {  	v1 =	vadd.f32 v1, v29;
	v11 =	vadd.f32 v11, v28;
	v38 =	vmul.f32 $1.131370830e+01, v3;
	v30 =	vld [tilespmem:s26+$0xA420];
	[tilespmem:s25+$0xC420] =	vst v25  }
0x157: {  	v2 =	vadd.f32 v2, v28;
	v8 =	vadd.f32 v8, v28;
	v3 =	vmul.f32 $1.131370830e+01, v13;
	v25 =	vld [tilespmem:s26+$0xC420];
	[tilespmem:s25+$0xE420] =	vst v18  }
0x158: {  	v23 =	vadd.f32 v23, v0;
	v5 =	vadd.f32 v5, v28;
	v13 =	vmul.f32 $1.131370830e+01, v14;
	v18 =	vld [tilespmem:s26+$0xE420];
	[tilespmem:s25+$0x10420] =	vst v26  }
0x159: {  	v12 =	vadd.f32 v12, v0;
	v0 =	vmov v33;
	v14 =	vmul.f32 $1.131370830e+01, v24;
	v26 =	vld [tilespmem:s26+$0x10420];
	[tilespmem:s25+$0xA430] =	vst v19  }
0x15a: {  	v24 =	vmul.f32 $1.131370830e+01, v17;
	v19 =	vld [tilespmem:s26+$0xA430];
	[tilespmem:s25+$0xC430] =	vst v27  }
0x15b: {  	v17 =	vmul.f32 $1.131370830e+01, v30;
	v27 =	vld [tilespmem:s26+$0xC430];
	[tilespmem:s25+$0xE430] =	vst v16  }
0x15c: {  	v25 =	vmul.f32 $1.131370830e+01, v25;
	v16 =	vld [tilespmem:s26+$0xE430];
	[tilespmem:s25+$0x10430] =	vst v22  }
0x15d: {  	v18 =	vmul.f32 $1.131370830e+01, v18;
	v22 =	vld [tilespmem:s26+$0x10430];
	[tilespmem:s25+$0xA440] =	vst v15  }
0x15e: {  	v26 =	vmul.f32 $1.131370830e+01, v26;
	v15 =	vld [tilespmem:s26+$0xA440];
	[tilespmem:s25+$0xC440] =	vst v20  }
0x15f: {  	v19 =	vmul.f32 $1.131370830e+01, v19;
	v20 =	vld [tilespmem:s26+$0xC440];
	[tilespmem:s25+$0xE440] =	vst v10  }
0x160: {  	v27 =	vmul.f32 $1.131370830e+01, v27;
	v10 =	vld [tilespmem:s26+$0xE440];
	[tilespmem:s25+$0x10440] =	vst v6  }
0x161: {  	v16 =	vmul.f32 $1.131370830e+01, v16;
	v6 =	vld [tilespmem:s26+$0x10440];
	[tilespmem:s25+$0xA450] =	vst v9  }
0x162: {  	v22 =	vmul.f32 $1.131370830e+01, v22;
	v9 =	vld [tilespmem:s26+$0xA450];
	[tilespmem:s25+$0xC450] =	vst v4  }
0x163: {  	v15 =	vmul.f32 $1.131370830e+01, v15;
	v4 =	vld [tilespmem:s26+$0xC450];
	[tilespmem:s25+$0xE450] =	vst v7  }
0x164: {  	v20 =	vmul.f32 $1.131370830e+01, v20;
	v7 =	vld [tilespmem:s26+$0xE450];
	[tilespmem:s25+$0x10450] =	vst v1  }
0x165: {  	v10 =	vmul.f32 $1.131370830e+01, v10;
	v1 =	vld [tilespmem:s26+$0x10450];
	[tilespmem:s25+$0xA460] =	vst v11  }
0x166: {  	v6 =	vmul.f32 $1.131370830e+01, v6;
	v11 =	vld [tilespmem:s26+$0xA460];
	[tilespmem:s25+$0xC460] =	vst v2  }
0x167: {  	v9 =	vmul.f32 $1.131370830e+01, v9;
	v2 =	vld [tilespmem:s26+$0xC460];
	[tilespmem:s25+$0xE460] =	vst v8  }
0x168: {  	v4 =	vmul.f32 $1.131370830e+01, v4;
	v8 =	vld [tilespmem:s26+$0xE460];
	[tilespmem:s25+$0x10460] =	vst v5  }
0x169: {  	v7 =	vmul.f32 $1.131370830e+01, v7;
	v5 =	vld [tilespmem:s26+$0x10460];
	[tilespmem:s25+$0xC470] =	vst v23  }
0x16a: {  	v1 =	vmul.f32 $1.131370830e+01, v1;
	v23 =	vld [tilespmem:s26+$0xA470];
	[tilespmem:s25+$0xE470] =	vst v12;
	s25 =	smov.u32 s26  }
0x16b: {  	v11 =	vmul.f32 $1.131370830e+01, v11;
	v12 =	vld [tilespmem:s25+$0xC470]  }
0x16c: {  	v2 =	vmul.f32 $1.131370830e+01, v2;
	v28 =	vld [tilespmem:s25+$0xE470]  }
0x16d: {  	v39 =	vld [tilespmem:s25+$0x400];
	v8 =	vmul.f32 $1.131370830e+01, v8  }
0x16e: {  	v33 =	vld [tilespmem:s25+$0x410];
	v5 =	vmul.f32 $1.131370830e+01, v5  }
.Ltmp1:
0x16f: {  	v32 =	vld [tilespmem:s25+$0x420];
	v29 =	vmul.f32 $1.131370830e+01, v23;
	(pc) =	sbr.rel @p0 .LBB2_4-.Ltmp1, $4  }
0x170: {  	v31 =	vld [tilespmem:s25+$0x430];
	v23 =	vmul.f32 $1.131370830e+01, v12  }
0x171: {  	v30 =	vld [tilespmem:s25+$0x440];
	v40 =	vadd.f32 v29, v0;
	v12 =	vmul.f32 $1.131370830e+01, v28  }
0x172: {  	v37 =	vadd.f32 v21, v39;
	v36 =	vadd.f32 v34, v39;
	v29 =	vld [tilespmem:s25+$0x450]  }
0x173: {  	s26 =	sshra.s32 s16, $0x2;
	s16 =	sadd.s32 $0x200, s16;
	v35 =	vadd.f32 v35, v39;
	v34 =	vadd.f32 v38, v39;
	v28 =	vld [tilespmem:s25+$0x460];
	[tilespmem:s25+$0xA470] =	vst v40  }
0x174: {  	[tilespmem:s25+$0xA400] =	vst v37  }
0x175: {  	[tilespmem:s25+$0xC400] =	vst v36  }
0x176: {  	v3 =	vadd.f32 v3, v33;
	[tilespmem:s25+$0xE400] =	vst v35  }
0x177: {  	v13 =	vadd.f32 v13, v33;
	[tilespmem:s25+$0x10400] =	vst v34  }
0x178: {  	v14 =	vadd.f32 v14, v33;
	[tilespmem:s25+$0xA410] =	vst v3  }
0x179: {  	v24 =	vadd.f32 v24, v33;
	[tilespmem:s25+$0xC410] =	vst v13  }
0x17a: {  	v17 =	vadd.f32 v17, v32;
	[tilespmem:s25+$0xE410] =	vst v14  }
0x17b: {  	v25 =	vadd.f32 v25, v32;
	[tilespmem:s25+$0x10410] =	vst v24  }
0x17c: {  	v18 =	vadd.f32 v18, v32;
	[tilespmem:s25+$0xA420] =	vst v17  }
0x17d: {  	v26 =	vadd.f32 v26, v32;
	[tilespmem:s25+$0xC420] =	vst v25  }
0x17e: {  	v23 =	vadd.f32 v23, v0;
	[tilespmem:s25+$0xE420] =	vst v18  }
0x17f: {  	v0 =	vadd.f32 v12, v0;
	[tilespmem:s25+$0x10420] =	vst v26  }
0x180: {  	v19 =	vadd.f32 v19, v31;
	[tilespmem:s25+$0xC470] =	vst v23  }
0x181: {  	v38 =	vld [tilespmem:s26+$0x10470];
	v27 =	vadd.f32 v27, v31;
	[tilespmem:s25+$0xE470] =	vst v0  }
0x182: {  	v39 =	vld [tilespmem:s26+$0xA400];
	v16 =	vadd.f32 v16, v31;
	[tilespmem:s25+$0xA430] =	vst v19  }
0x183: {  	v21 =	vld [tilespmem:s26+$0x470];
	v22 =	vadd.f32 v22, v31;
	[tilespmem:s25+$0xC430] =	vst v27  }
0x184: {  	v40 =	vld [tilespmem:s26+$0xC400];
	v15 =	vadd.f32 v15, v30;
	[tilespmem:s25+$0xE430] =	vst v16  }
0x185: {  	v41 =	vld [tilespmem:s26+$0xE400];
	v20 =	vadd.f32 v20, v30;
	[tilespmem:s25+$0x10430] =	vst v22  }
0x186: {  	v42 =	vld [tilespmem:s26+$0x10400];
	v10 =	vadd.f32 v10, v30;
	[tilespmem:s25+$0xA440] =	vst v15  }
0x187: {  	v43 =	vld [tilespmem:s26+$0xA410];
	v6 =	vadd.f32 v6, v30;
	[tilespmem:s25+$0xC440] =	vst v20  }
0x188: {  	v44 =	vld [tilespmem:s26+$0xC410];
	v9 =	vadd.f32 v9, v29;
	[tilespmem:s25+$0xE440] =	vst v10  }
0x189: {  	v45 =	vld [tilespmem:s26+$0xE410];
	v4 =	vadd.f32 v4, v29;
	[tilespmem:s25+$0x10440] =	vst v6  }
0x18a: {  	v46 =	vld [tilespmem:s26+$0x10410];
	v1 =	vadd.f32 v1, v29;
	[tilespmem:s25+$0xA450] =	vst v9  }
0x18b: {  	v51 =	vld [tilespmem:s26+$0xA420];
	v7 =	vadd.f32 v7, v29;
	[tilespmem:s25+$0xC450] =	vst v4  }
0x18c: {  	v11 =	vadd.f32 v11, v28;
	[tilespmem:s25+$0x10450] =	vst v1;
	v1 =	vld [tilespmem:s26+$0x400]  }
0x18d: {  	v52 =	vld [tilespmem:s26+$0xC420];
	v2 =	vadd.f32 v2, v28;
	[tilespmem:s25+$0xE450] =	vst v7  }
0x18e: {  	v8 =	vadd.f32 v8, v28;
	v38 =	vmul.f32 $1.131370830e+01, v38;
	v9 =	vld [tilespmem:s26+$0xA470];
	[tilespmem:s25+$0xA460] =	vst v11  }
0x18f: {  	v53 =	vld [tilespmem:s26+$0xE420];
	v5 =	vadd.f32 v5, v28;
	v12 =	vmul.f32 $1.131370830e+01, v39;
	[tilespmem:s25+$0xC460] =	vst v2  }
0x190: {  	v54 =	vld [tilespmem:s26+$0x10420];
	v28 =	vmul.f32 $1.131370830e+01, v40;
	[tilespmem:s25+$0xE460] =	vst v8;
	v38 =	vadd.f32 v38, v21  }
0x191: {  	v29 =	vmul.f32 $1.131370830e+01, v41;
	v11 =	vld [tilespmem:s26+$0x410];
	[tilespmem:s25+$0x10460] =	vst v5;
	v0 =	vadd.f32 v12, v1  }
0x192: {  	v3 =	vld [tilespmem:s26+$0xA430];
	v30 =	vmul.f32 $1.131370830e+01, v42;
	[tilespmem:s26+$0x10470] =	vst v38;
	v28 =	vadd.f32 v28, v1  }
0x193: {  	v2 =	vld [tilespmem:s26+$0x420];
	v8 =	vmul.f32 $1.131370830e+01, v9;
	v29 =	vadd.f32 v29, v1;
	[tilespmem:s26+$0xA400] =	vst v0  }
0x194: {  	v9 =	vld [tilespmem:s26+$0x430];
	v1 =	vadd.f32 v30, v1;
	v0 =	vmul.f32 $1.131370830e+01, v44;
	[tilespmem:s26+$0xC400] =	vst v28  }
0x195: {  	v13 =	vld [tilespmem:s26+$0xC430];
	v8 =	vadd.f32 v8, v21;
	v28 =	vmul.f32 $1.131370830e+01, v45;
	[tilespmem:s26+$0xE400] =	vst v29  }
0x196: {  	v14 =	vld [tilespmem:s26+$0xE430];
	[tilespmem:s26+$0x10400] =	vst v1;
	v1 =	vmul.f32 $1.131370830e+01, v51;
	v0 =	vadd.f32 v0, v11  }
0x197: {  	v25 =	vld [tilespmem:s26+$0xC440];
	v3 =	vmul.f32 $1.131370830e+01, v3;
	[tilespmem:s26+$0xA470] =	vst v8;
	v28 =	vadd.f32 v28, v11  }
0x198: {  	v24 =	vld [tilespmem:s26+$0x10430];
	v8 =	vmul.f32 $1.131370830e+01, v43;
	v1 =	vadd.f32 v1, v2;
	[tilespmem:s26+$0xC410] =	vst v0  }
0x199: {  	v5 =	vld [tilespmem:s26+$0x440];
	v29 =	vmul.f32 $1.131370830e+01, v46;
	v3 =	vadd.f32 v3, v9;
	[tilespmem:s26+$0xE410] =	vst v28  }
0x19a: {  	v17 =	vld [tilespmem:s26+$0xA440];
	v8 =	vadd.f32 v8, v11;
	v0 =	vmul.f32 $1.131370830e+01, v53;
	[tilespmem:s26+$0xA420] =	vst v1  }
0x19b: {  	v18 =	vld [tilespmem:s26+$0xE440];
	v11 =	vadd.f32 v29, v11;
	v1 =	vmul.f32 $1.131370830e+01, v13;
	[tilespmem:s26+$0xA430] =	vst v3  }
0x19c: {  	v16 =	vld [tilespmem:s26+$0xE450];
	v3 =	vmul.f32 $1.131370830e+01, v25;
	[tilespmem:s26+$0xA410] =	vst v8;
	v0 =	vadd.f32 v0, v2  }
0x19d: {  	v26 =	vld [tilespmem:s26+$0x10440];
	v8 =	vmul.f32 $1.131370830e+01, v52;
	[tilespmem:s26+$0x10410] =	vst v11;
	v1 =	vadd.f32 v1, v9  }
0x19e: {  	v23 =	vld [tilespmem:s26+$0x450];
	v28 =	vmul.f32 $1.131370830e+01, v54;
	v3 =	vadd.f32 v3, v5;
	[tilespmem:s26+$0xE420] =	vst v0  }
0x19f: {  	v19 =	vld [tilespmem:s26+$0xA450];
	v8 =	vadd.f32 v8, v2;
	v0 =	vmul.f32 $1.131370830e+01, v24;
	[tilespmem:s26+$0xC430] =	vst v1  }
0x1a0: {  	v22 =	vld [tilespmem:s26+$0x10450];
	v2 =	vadd.f32 v28, v2;
	v1 =	vmul.f32 $1.131370830e+01, v18;
	[tilespmem:s26+$0xC440] =	vst v3  }
0x1a1: {  	v27 =	vld [tilespmem:s26+$0xC450];
	v3 =	vmul.f32 $1.131370830e+01, v16;
	[tilespmem:s26+$0xC420] =	vst v8;
	v0 =	vadd.f32 v0, v9  }
0x1a2: {  	v15 =	vld [tilespmem:s26+$0xA460];
	v8 =	vmul.f32 $1.131370830e+01, v14;
	[tilespmem:s26+$0x10420] =	vst v2;
	v1 =	vadd.f32 v1, v5  }
0x1a3: {  	v6 =	vld [tilespmem:s26+$0x10460];
	v2 =	vmul.f32 $1.131370830e+01, v17;
	v3 =	vadd.f32 v3, v23;
	[tilespmem:s26+$0x10430] =	vst v0  }
0x1a4: {  	v20 =	vld [tilespmem:s26+$0xC460];
	v8 =	vadd.f32 v8, v9;
	v0 =	vmul.f32 $1.131370830e+01, v19;
	[tilespmem:s26+$0xE440] =	vst v1  }
0x1a5: {  	v12 =	vld [tilespmem:s26+$0x460];
	v2 =	vadd.f32 v2, v5;
	v1 =	vmul.f32 $1.131370830e+01, v22;
	[tilespmem:s26+$0xE450] =	vst v3  }
0x1a6: {  	v10 =	vld [tilespmem:s26+$0xE460];
	[tilespmem:s26+$0xE430] =	vst v8;
	v8 =	vmul.f32 $1.131370830e+01, v26;
	v0 =	vadd.f32 v0, v23  }
0x1a7: {  	v4 =	vld [tilespmem:s26+$0xC470];
	[tilespmem:s26+$0xA440] =	vst v2;
	v2 =	vmul.f32 $1.131370830e+01, v27;
	v1 =	vadd.f32 v1, v23  }
0x1a8: {  	v7 =	vld [tilespmem:s26+$0xE470];
	v3 =	vmul.f32 $1.131370830e+01, v6;
	v5 =	vadd.f32 v8, v5;
	[tilespmem:s26+$0xA450] =	vst v0  }
0x1a9: {  	v2 =	vadd.f32 v2, v23;
	v0 =	vmul.f32 $1.131370830e+01, v20;
	[tilespmem:s26+$0x10450] =	vst v1  }
0x1aa: {  	v3 =	vadd.f32 v3, v12;
	[tilespmem:s26+$0x10440] =	vst v5;
	v5 =	vmul.f32 $1.131370830e+01, v15  }
0x1ab: {  	[tilespmem:s26+$0xC450] =	vst v2;
	v2 =	vmul.f32 $1.131370830e+01, v10;
	v0 =	vadd.f32 v0, v12  }
0x1ac: {  	v1 =	vmul.f32 $1.131370830e+01, v4;
	[tilespmem:s26+$0x10460] =	vst v3;
	v5 =	vadd.f32 v5, v12  }
0x1ad: {  	v4 =	vmul.f32 $1.131370830e+01, v7;
	v2 =	vadd.f32 v2, v12;
	[tilespmem:s26+$0xC460] =	vst v0  }
0x1ae: {  	v0 =	vadd.f32 v1, v21;
	[tilespmem:s26+$0xA460] =	vst v5  }
0x1af: {  	v1 =	vadd.f32 v4, v21;
	[tilespmem:s26+$0xE460] =	vst v2  }
0x1b0: {  	[tilespmem:s26+$0xC470] =	vst v0  }
0x1b1: {  	[tilespmem:s26+$0xE470] =	vst v1  }
0x1b2: {  	s16 =	simm.s32 $0x0;
	s26 =	simm.s32 $0xA400;
	s25 =	rddreg [dreg:$0x19]  }
0x1b3: {  	[hbm4b:s25+s16] =	stream.linear.scatter [tilespmem:s26], [sflag:$0x6], $0x2000, $0x38;
	[tilespmem:$0x1A400] =	vst v63  }
0x1b4: {  	s26 =	simm.s32 $0xC400  }
0x1b5: {  	[hbm4b:s28+s16] =	stream.linear.scatter [tilespmem:s26], [sflag:$0x6], $0x2000, $0x38;
	[tilespmem:$0x1A400] =	vst v63  }
0x1b6: {  	s26 =	simm.s32 $0xE400  }
0x1b7: {  	[hbm4b:s29+s16] =	stream.linear.scatter [tilespmem:s26], [sflag:$0x6], $0x2000, $0x38;
	[tilespmem:$0x1A400] =	vst v63  }
0x1b8: {  	s26 =	simm.s32 $0x10400  }
0x1b9: {  	[hbm4b:s30+s16] =	stream.linear.scatter [tilespmem:s26], [sflag:$0x6], $0x2000, $0x38;
	[tilespmem:$0x1A400] =	vst v63  }
0x1ba: {  	_ =	swait.ge [sflag:s22], $0x8000  }
0x1bb: {  	[sflag:s22] =	ssyncset.done $0x0  }
0x1bc: {  	s25 =	simm.s32 $0x0;
	[sflag:s22] =	ssyncadd.s32 $0xFFFF8000  }
0x1bd: {  	v1 =	vld [tilespmem:s25+$0x18470]  }
0x1be: {  	v2 =	vld [tilespmem:s25+$0x12400]  }
0x1bf: {  	v0 =	vld [tilespmem:s25+$0x470]  }
0x1c0: {  	v3 =	vld [tilespmem:s25+$0x14400]  }
0x1c1: {  	v4 =	vld [tilespmem:s25+$0x16400]  }
0x1c2: {  	v5 =	vld [tilespmem:s25+$0x18400]  }
0x1c3: {  	v6 =	vld [tilespmem:s25+$0x12410]  }
0x1c4: {  	v7 =	vld [tilespmem:s25+$0x14410]  }
0x1c5: {  	v8 =	vld [tilespmem:s25+$0x16410]  }
0x1c6: {  	v9 =	vld [tilespmem:s25+$0x18410]  }
0x1c7: {  	v10 =	vld [tilespmem:s25+$0x14420]  }
0x1c8: {  	v11 =	vld [tilespmem:s25+$0x16420]  }
0x1c9: {  	v12 =	vld [tilespmem:s25+$0x18420]  }
0x1ca: {  	v15 =	vld [tilespmem:s25+$0x12430]  }
0x1cb: {  	v16 =	vld [tilespmem:s25+$0x14430]  }
0x1cc: {  	v20 =	vld [tilespmem:s25+$0x16430]  }
0x1cd: {  	v21 =	vld [tilespmem:s25+$0x18430]  }
0x1ce: {  	v23 =	vld [tilespmem:s25+$0x12440]  }
0x1cf: {  	v28 =	vld [tilespmem:s25+$0x14440]  }
0x1d0: {  	v29 =	vld [tilespmem:s25+$0x16440]  }
0x1d1: {  	v30 =	vld [tilespmem:s25+$0x18440]  }
0x1d2: {  	v31 =	vld [tilespmem:s25+$0x12450]  }
0x1d3: {  	v55 =	vld [tilespmem:s25+$0x14450]  }
0x1d4: {  	v59 =	vld [tilespmem:s25+$0x18450];
	v1 =	vmul.f32 $1.131370830e+01, v1;
	v56 =	vmul.f32 $1.131370830e+01, v2  }
0x1d5: {  	v61 =	vld [tilespmem:s25+$0x16460];
	v57 =	vmul.f32 $1.131370830e+01, v3;
	v58 =	vmul.f32 $1.131370830e+01, v4  }
0x1d6: {  	v62 =	vld [tilespmem:s25+$0x18460];
	v60 =	vmul.f32 $1.131370830e+01, v5;
	v3 =	vmul.f32 $1.131370830e+01, v6  }
0x1d7: {  	v33 =	vld [tilespmem:s25+$0x410];
	v13 =	vmul.f32 $1.131370830e+01, v7;
	v14 =	vmul.f32 $1.131370830e+01, v8  }
0x1d8: {  	v2 =	vld [tilespmem:s25+$0x16450];
	v24 =	vmul.f32 $1.131370830e+01, v9;
	v25 =	vmul.f32 $1.131370830e+01, v10  }
0x1d9: {  	v5 =	vld [tilespmem:s25+$0x12460];
	v18 =	vmul.f32 $1.131370830e+01, v11;
	v26 =	vmul.f32 $1.131370830e+01, v12  }
0x1da: {  	v19 =	vmul.f32 $1.131370830e+01, v15;
	v11 =	vld [tilespmem:s25+$0x12470];
	v27 =	vmul.f32 $1.131370830e+01, v16  }
0x1db: {  	v8 =	vld [tilespmem:s25+$0x14460];
	v16 =	vmul.f32 $1.131370830e+01, v20;
	v22 =	vmul.f32 $1.131370830e+01, v21  }
0x1dc: {  	v15 =	vmul.f32 $1.131370830e+01, v23;
	v20 =	vmul.f32 $1.131370830e+01, v28;
	v23 =	vld [tilespmem:s25+$0x400]  }
0x1dd: {  	v12 =	vld [tilespmem:s25+$0x14470];
	v10 =	vmul.f32 $1.131370830e+01, v29;
	v6 =	vmul.f32 $1.131370830e+01, v30;
	v1 =	vadd.f32 v1, v0  }
0x1de: {  	v21 =	vld [tilespmem:s25+$0x16470];
	v9 =	vmul.f32 $1.131370830e+01, v31;
	v4 =	vmul.f32 $1.131370830e+01, v55  }
0x1df: {  	[tilespmem:s25+$0x18470] =	vst v1;
	v1 =	vld [tilespmem:s25+$0x12420];
	v7 =	vmul.f32 $1.131370830e+01, v2;
	v28 =	vmul.f32 $1.131370830e+01, v11  }
0x1e0: {  	v32 =	vld [tilespmem:s25+$0x420];
	v11 =	vmul.f32 $1.131370830e+01, v5;
	v2 =	vmul.f32 $1.131370830e+01, v8  }
0x1e1: {  	v31 =	vld [tilespmem:s25+$0x430];
	v8 =	vmul.f32 $1.131370830e+01, v61;
	v37 =	vadd.f32 v56, v23;
	v36 =	vadd.f32 v57, v23  }
0x1e2: {  	v30 =	vld [tilespmem:s25+$0x440];
	v5 =	vmul.f32 $1.131370830e+01, v62;
	v35 =	vadd.f32 v58, v23;
	v63 =	vadd.f32 v28, v0  }
0x1e3: {  	v29 =	vld [tilespmem:s25+$0x450];
	v34 =	vadd.f32 v60, v23;
	v23 =	vmul.f32 $1.131370830e+01, v12;
	v12 =	vmul.f32 $1.131370830e+01, v21  }
0x1e4: {  	s26 =	simm.s32 $0x80;
	s16 =	simm.s32 $0x400;
	v28 =	vld [tilespmem:s25+$0x460];
	v17 =	vmul.f32 $1.131370830e+01, v1;
	v1 =	vmul.f32 $1.131370830e+01, v59;
	[tilespmem:s25+$0x12470] =	vst v63  }
.LBB2_6:
0x1e5: {  	p0 =	sne.s32 s16, $0x7E00;
	v21 =	vld [tilespmem:s26+$0x18470];
	[tilespmem:s25+$0x12400] =	vst v37;
	v3 =	vadd.f32 v3, v33;
	v13 =	vadd.f32 v13, v33  }
0x1e6: {  	v14 =	vadd.f32 v14, v33;
	v24 =	vadd.f32 v24, v33;
	v37 =	vld [tilespmem:s26+$0x12400];
	[tilespmem:s25+$0x14400] =	vst v36  }
0x1e7: {  	v17 =	vadd.f32 v17, v32;
	v25 =	vadd.f32 v25, v32;
	v33 =	vld [tilespmem:s26+$0x470];
	[tilespmem:s25+$0x16400] =	vst v35  }
0x1e8: {  	v18 =	vadd.f32 v18, v32;
	v26 =	vadd.f32 v26, v32;
	v35 =	vld [tilespmem:s26+$0x14400];
	[tilespmem:s25+$0x18400] =	vst v34  }
0x1e9: {  	v19 =	vadd.f32 v19, v31;
	v27 =	vadd.f32 v27, v31;
	v32 =	vld [tilespmem:s26+$0x16400];
	[tilespmem:s25+$0x12410] =	vst v3  }
0x1ea: {  	v16 =	vadd.f32 v16, v31;
	v22 =	vadd.f32 v22, v31;
	v3 =	vld [tilespmem:s26+$0x18400];
	v34 =	vmul.f32 $1.131370830e+01, v21;
	[tilespmem:s25+$0x14410] =	vst v13  }
0x1eb: {  	v15 =	vadd.f32 v15, v30;
	v20 =	vadd.f32 v20, v30;
	v21 =	vmul.f32 $1.131370830e+01, v37;
	v13 =	vld [tilespmem:s26+$0x12410];
	[tilespmem:s25+$0x16410] =	vst v14  }
0x1ec: {  	v10 =	vadd.f32 v10, v30;
	v14 =	vld [tilespmem:s26+$0x14410];
	v31 =	vadd.f32 v34, v33;
	[tilespmem:s25+$0x18410] =	vst v24  }
0x1ed: {  	v6 =	vadd.f32 v6, v30;
	v9 =	vadd.f32 v9, v29;
	v34 =	vmul.f32 $1.131370830e+01, v35;
	v24 =	vld [tilespmem:s26+$0x16410];
	[tilespmem:s25+$0x12420] =	vst v17  }
0x1ee: {  	v4 =	vadd.f32 v4, v29;
	v7 =	vadd.f32 v7, v29;
	v35 =	vmul.f32 $1.131370830e+01, v32;
	v17 =	vld [tilespmem:s26+$0x18410];
	[tilespmem:s26+$0x18470] =	vst v31  }
0x1ef: {  	v1 =	vadd.f32 v1, v29;
	v11 =	vadd.f32 v11, v28;
	v38 =	vmul.f32 $1.131370830e+01, v3;
	v30 =	vld [tilespmem:s26+$0x12420];
	[tilespmem:s25+$0x14420] =	vst v25  }
0x1f0: {  	v2 =	vadd.f32 v2, v28;
	v8 =	vadd.f32 v8, v28;
	v3 =	vmul.f32 $1.131370830e+01, v13;
	v25 =	vld [tilespmem:s26+$0x14420];
	[tilespmem:s25+$0x16420] =	vst v18  }
0x1f1: {  	v23 =	vadd.f32 v23, v0;
	v5 =	vadd.f32 v5, v28;
	v13 =	vmul.f32 $1.131370830e+01, v14;
	v18 =	vld [tilespmem:s26+$0x16420];
	[tilespmem:s25+$0x18420] =	vst v26  }
0x1f2: {  	v12 =	vadd.f32 v12, v0;
	v0 =	vmov v33;
	v14 =	vmul.f32 $1.131370830e+01, v24;
	v26 =	vld [tilespmem:s26+$0x18420];
	[tilespmem:s25+$0x12430] =	vst v19  }
0x1f3: {  	v24 =	vmul.f32 $1.131370830e+01, v17;
	v19 =	vld [tilespmem:s26+$0x12430];
	[tilespmem:s25+$0x14430] =	vst v27  }
0x1f4: {  	v17 =	vmul.f32 $1.131370830e+01, v30;
	v27 =	vld [tilespmem:s26+$0x14430];
	[tilespmem:s25+$0x16430] =	vst v16  }
0x1f5: {  	v25 =	vmul.f32 $1.131370830e+01, v25;
	v16 =	vld [tilespmem:s26+$0x16430];
	[tilespmem:s25+$0x18430] =	vst v22  }
0x1f6: {  	v18 =	vmul.f32 $1.131370830e+01, v18;
	v22 =	vld [tilespmem:s26+$0x18430];
	[tilespmem:s25+$0x12440] =	vst v15  }
0x1f7: {  	v26 =	vmul.f32 $1.131370830e+01, v26;
	v15 =	vld [tilespmem:s26+$0x12440];
	[tilespmem:s25+$0x14440] =	vst v20  }
0x1f8: {  	v19 =	vmul.f32 $1.131370830e+01, v19;
	v20 =	vld [tilespmem:s26+$0x14440];
	[tilespmem:s25+$0x16440] =	vst v10  }
0x1f9: {  	v27 =	vmul.f32 $1.131370830e+01, v27;
	v10 =	vld [tilespmem:s26+$0x16440];
	[tilespmem:s25+$0x18440] =	vst v6  }
0x1fa: {  	v16 =	vmul.f32 $1.131370830e+01, v16;
	v6 =	vld [tilespmem:s26+$0x18440];
	[tilespmem:s25+$0x12450] =	vst v9  }
0x1fb: {  	v22 =	vmul.f32 $1.131370830e+01, v22;
	v9 =	vld [tilespmem:s26+$0x12450];
	[tilespmem:s25+$0x14450] =	vst v4  }
0x1fc: {  	v15 =	vmul.f32 $1.131370830e+01, v15;
	v4 =	vld [tilespmem:s26+$0x14450];
	[tilespmem:s25+$0x16450] =	vst v7  }
0x1fd: {  	v20 =	vmul.f32 $1.131370830e+01, v20;
	v7 =	vld [tilespmem:s26+$0x16450];
	[tilespmem:s25+$0x18450] =	vst v1  }
0x1fe: {  	v10 =	vmul.f32 $1.131370830e+01, v10;
	v1 =	vld [tilespmem:s26+$0x18450];
	[tilespmem:s25+$0x12460] =	vst v11  }
0x1ff: {  	v6 =	vmul.f32 $1.131370830e+01, v6;
	v11 =	vld [tilespmem:s26+$0x12460];
	[tilespmem:s25+$0x14460] =	vst v2  }
0x200: {  	v9 =	vmul.f32 $1.131370830e+01, v9;
	v2 =	vld [tilespmem:s26+$0x14460];
	[tilespmem:s25+$0x16460] =	vst v8  }
0x201: {  	v4 =	vmul.f32 $1.131370830e+01, v4;
	v8 =	vld [tilespmem:s26+$0x16460];
	[tilespmem:s25+$0x18460] =	vst v5  }
0x202: {  	v7 =	vmul.f32 $1.131370830e+01, v7;
	v5 =	vld [tilespmem:s26+$0x18460];
	[tilespmem:s25+$0x14470] =	vst v23  }
0x203: {  	v1 =	vmul.f32 $1.131370830e+01, v1;
	v23 =	vld [tilespmem:s26+$0x12470];
	[tilespmem:s25+$0x16470] =	vst v12;
	s25 =	smov.u32 s26  }
0x204: {  	v11 =	vmul.f32 $1.131370830e+01, v11;
	v12 =	vld [tilespmem:s25+$0x14470]  }
0x205: {  	v2 =	vmul.f32 $1.131370830e+01, v2;
	v28 =	vld [tilespmem:s25+$0x16470]  }
0x206: {  	v39 =	vld [tilespmem:s25+$0x400];
	v8 =	vmul.f32 $1.131370830e+01, v8  }
0x207: {  	v33 =	vld [tilespmem:s25+$0x410];
	v5 =	vmul.f32 $1.131370830e+01, v5  }
.Ltmp2:
0x208: {  	v32 =	vld [tilespmem:s25+$0x420];
	v29 =	vmul.f32 $1.131370830e+01, v23;
	(pc) =	sbr.rel @p0 .LBB2_6-.Ltmp2, $4  }
0x209: {  	v31 =	vld [tilespmem:s25+$0x430];
	v23 =	vmul.f32 $1.131370830e+01, v12  }
0x20a: {  	v30 =	vld [tilespmem:s25+$0x440];
	v40 =	vadd.f32 v29, v0;
	v12 =	vmul.f32 $1.131370830e+01, v28  }
0x20b: {  	v37 =	vadd.f32 v21, v39;
	v36 =	vadd.f32 v34, v39;
	v29 =	vld [tilespmem:s25+$0x450]  }
0x20c: {  	s26 =	sshra.s32 s16, $0x2;
	s16 =	sadd.s32 $0x200, s16;
	v35 =	vadd.f32 v35, v39;
	v34 =	vadd.f32 v38, v39;
	v28 =	vld [tilespmem:s25+$0x460];
	[tilespmem:s25+$0x12470] =	vst v40  }
0x20d: {  	[tilespmem:s25+$0x12400] =	vst v37  }
0x20e: {  	[tilespmem:s25+$0x14400] =	vst v36  }
0x20f: {  	v3 =	vadd.f32 v3, v33;
	[tilespmem:s25+$0x16400] =	vst v35  }
0x210: {  	v13 =	vadd.f32 v13, v33;
	[tilespmem:s25+$0x18400] =	vst v34  }
0x211: {  	v14 =	vadd.f32 v14, v33;
	[tilespmem:s25+$0x12410] =	vst v3  }
0x212: {  	v24 =	vadd.f32 v24, v33;
	[tilespmem:s25+$0x14410] =	vst v13  }
0x213: {  	v17 =	vadd.f32 v17, v32;
	[tilespmem:s25+$0x16410] =	vst v14  }
0x214: {  	v25 =	vadd.f32 v25, v32;
	[tilespmem:s25+$0x18410] =	vst v24  }
0x215: {  	v18 =	vadd.f32 v18, v32;
	[tilespmem:s25+$0x12420] =	vst v17  }
0x216: {  	v26 =	vadd.f32 v26, v32;
	[tilespmem:s25+$0x14420] =	vst v25  }
0x217: {  	v23 =	vadd.f32 v23, v0;
	[tilespmem:s25+$0x16420] =	vst v18  }
0x218: {  	v0 =	vadd.f32 v12, v0;
	[tilespmem:s25+$0x18420] =	vst v26  }
0x219: {  	v19 =	vadd.f32 v19, v31;
	[tilespmem:s25+$0x14470] =	vst v23  }
0x21a: {  	v38 =	vld [tilespmem:s26+$0x18470];
	v27 =	vadd.f32 v27, v31;
	[tilespmem:s25+$0x16470] =	vst v0  }
0x21b: {  	v39 =	vld [tilespmem:s26+$0x12400];
	v16 =	vadd.f32 v16, v31;
	[tilespmem:s25+$0x12430] =	vst v19  }
0x21c: {  	v21 =	vld [tilespmem:s26+$0x470];
	v22 =	vadd.f32 v22, v31;
	[tilespmem:s25+$0x14430] =	vst v27  }
0x21d: {  	v40 =	vld [tilespmem:s26+$0x14400];
	v15 =	vadd.f32 v15, v30;
	[tilespmem:s25+$0x16430] =	vst v16  }
0x21e: {  	v41 =	vld [tilespmem:s26+$0x16400];
	v20 =	vadd.f32 v20, v30;
	[tilespmem:s25+$0x18430] =	vst v22  }
0x21f: {  	v42 =	vld [tilespmem:s26+$0x18400];
	v10 =	vadd.f32 v10, v30;
	[tilespmem:s25+$0x12440] =	vst v15  }
0x220: {  	v43 =	vld [tilespmem:s26+$0x12410];
	v6 =	vadd.f32 v6, v30;
	[tilespmem:s25+$0x14440] =	vst v20  }
0x221: {  	v44 =	vld [tilespmem:s26+$0x14410];
	v9 =	vadd.f32 v9, v29;
	[tilespmem:s25+$0x16440] =	vst v10  }
0x222: {  	v45 =	vld [tilespmem:s26+$0x16410];
	v4 =	vadd.f32 v4, v29;
	[tilespmem:s25+$0x18440] =	vst v6  }
0x223: {  	v46 =	vld [tilespmem:s26+$0x18410];
	v1 =	vadd.f32 v1, v29;
	[tilespmem:s25+$0x12450] =	vst v9  }
0x224: {  	v51 =	vld [tilespmem:s26+$0x12420];
	v7 =	vadd.f32 v7, v29;
	[tilespmem:s25+$0x14450] =	vst v4  }
0x225: {  	v11 =	vadd.f32 v11, v28;
	[tilespmem:s25+$0x18450] =	vst v1;
	v1 =	vld [tilespmem:s26+$0x400]  }
0x226: {  	v52 =	vld [tilespmem:s26+$0x14420];
	v2 =	vadd.f32 v2, v28;
	[tilespmem:s25+$0x16450] =	vst v7  }
0x227: {  	v8 =	vadd.f32 v8, v28;
	v38 =	vmul.f32 $1.131370830e+01, v38;
	v9 =	vld [tilespmem:s26+$0x12470];
	[tilespmem:s25+$0x12460] =	vst v11  }
0x228: {  	v53 =	vld [tilespmem:s26+$0x16420];
	v5 =	vadd.f32 v5, v28;
	v12 =	vmul.f32 $1.131370830e+01, v39;
	[tilespmem:s25+$0x14460] =	vst v2  }
0x229: {  	v54 =	vld [tilespmem:s26+$0x18420];
	v28 =	vmul.f32 $1.131370830e+01, v40;
	[tilespmem:s25+$0x16460] =	vst v8;
	v38 =	vadd.f32 v38, v21  }
0x22a: {  	v29 =	vmul.f32 $1.131370830e+01, v41;
	v11 =	vld [tilespmem:s26+$0x410];
	[tilespmem:s25+$0x18460] =	vst v5;
	v0 =	vadd.f32 v12, v1  }
0x22b: {  	v3 =	vld [tilespmem:s26+$0x12430];
	v30 =	vmul.f32 $1.131370830e+01, v42;
	[tilespmem:s26+$0x18470] =	vst v38;
	v28 =	vadd.f32 v28, v1  }
0x22c: {  	v2 =	vld [tilespmem:s26+$0x420];
	v8 =	vmul.f32 $1.131370830e+01, v9;
	v29 =	vadd.f32 v29, v1;
	[tilespmem:s26+$0x12400] =	vst v0  }
0x22d: {  	v9 =	vld [tilespmem:s26+$0x430];
	v1 =	vadd.f32 v30, v1;
	v0 =	vmul.f32 $1.131370830e+01, v44;
	[tilespmem:s26+$0x14400] =	vst v28  }
0x22e: {  	v13 =	vld [tilespmem:s26+$0x14430];
	v8 =	vadd.f32 v8, v21;
	v28 =	vmul.f32 $1.131370830e+01, v45;
	[tilespmem:s26+$0x16400] =	vst v29  }
0x22f: {  	v14 =	vld [tilespmem:s26+$0x16430];
	[tilespmem:s26+$0x18400] =	vst v1;
	v1 =	vmul.f32 $1.131370830e+01, v51;
	v0 =	vadd.f32 v0, v11  }
0x230: {  	v25 =	vld [tilespmem:s26+$0x14440];
	v3 =	vmul.f32 $1.131370830e+01, v3;
	[tilespmem:s26+$0x12470] =	vst v8;
	v28 =	vadd.f32 v28, v11  }
0x231: {  	v24 =	vld [tilespmem:s26+$0x18430];
	v8 =	vmul.f32 $1.131370830e+01, v43;
	v1 =	vadd.f32 v1, v2;
	[tilespmem:s26+$0x14410] =	vst v0  }
0x232: {  	v5 =	vld [tilespmem:s26+$0x440];
	v29 =	vmul.f32 $1.131370830e+01, v46;
	v3 =	vadd.f32 v3, v9;
	[tilespmem:s26+$0x16410] =	vst v28  }
0x233: {  	v17 =	vld [tilespmem:s26+$0x12440];
	v8 =	vadd.f32 v8, v11;
	v0 =	vmul.f32 $1.131370830e+01, v53;
	[tilespmem:s26+$0x12420] =	vst v1  }
0x234: {  	v18 =	vld [tilespmem:s26+$0x16440];
	v11 =	vadd.f32 v29, v11;
	v1 =	vmul.f32 $1.131370830e+01, v13;
	[tilespmem:s26+$0x12430] =	vst v3  }
0x235: {  	v16 =	vld [tilespmem:s26+$0x16450];
	v3 =	vmul.f32 $1.131370830e+01, v25;
	[tilespmem:s26+$0x12410] =	vst v8;
	v0 =	vadd.f32 v0, v2  }
0x236: {  	v26 =	vld [tilespmem:s26+$0x18440];
	v8 =	vmul.f32 $1.131370830e+01, v52;
	[tilespmem:s26+$0x18410] =	vst v11;
	v1 =	vadd.f32 v1, v9  }
0x237: {  	v23 =	vld [tilespmem:s26+$0x450];
	v28 =	vmul.f32 $1.131370830e+01, v54;
	v3 =	vadd.f32 v3, v5;
	[tilespmem:s26+$0x16420] =	vst v0  }
0x238: {  	v19 =	vld [tilespmem:s26+$0x12450];
	v8 =	vadd.f32 v8, v2;
	v0 =	vmul.f32 $1.131370830e+01, v24;
	[tilespmem:s26+$0x14430] =	vst v1  }
0x239: {  	v22 =	vld [tilespmem:s26+$0x18450];
	v2 =	vadd.f32 v28, v2;
	v1 =	vmul.f32 $1.131370830e+01, v18;
	[tilespmem:s26+$0x14440] =	vst v3  }
0x23a: {  	v27 =	vld [tilespmem:s26+$0x14450];
	v3 =	vmul.f32 $1.131370830e+01, v16;
	[tilespmem:s26+$0x14420] =	vst v8;
	v0 =	vadd.f32 v0, v9  }
0x23b: {  	v15 =	vld [tilespmem:s26+$0x12460];
	v8 =	vmul.f32 $1.131370830e+01, v14;
	[tilespmem:s26+$0x18420] =	vst v2;
	v1 =	vadd.f32 v1, v5  }
0x23c: {  	v6 =	vld [tilespmem:s26+$0x18460];
	v2 =	vmul.f32 $1.131370830e+01, v17;
	v3 =	vadd.f32 v3, v23;
	[tilespmem:s26+$0x18430] =	vst v0  }
0x23d: {  	v20 =	vld [tilespmem:s26+$0x14460];
	v8 =	vadd.f32 v8, v9;
	v0 =	vmul.f32 $1.131370830e+01, v19;
	[tilespmem:s26+$0x16440] =	vst v1  }
0x23e: {  	v12 =	vld [tilespmem:s26+$0x460];
	v2 =	vadd.f32 v2, v5;
	v1 =	vmul.f32 $1.131370830e+01, v22;
	[tilespmem:s26+$0x16450] =	vst v3  }
0x23f: {  	v10 =	vld [tilespmem:s26+$0x16460];
	[tilespmem:s26+$0x16430] =	vst v8;
	v8 =	vmul.f32 $1.131370830e+01, v26;
	v0 =	vadd.f32 v0, v23  }
0x240: {  	v4 =	vld [tilespmem:s26+$0x14470];
	[tilespmem:s26+$0x12440] =	vst v2;
	v2 =	vmul.f32 $1.131370830e+01, v27;
	v1 =	vadd.f32 v1, v23  }
0x241: {  	v7 =	vld [tilespmem:s26+$0x16470];
	v3 =	vmul.f32 $1.131370830e+01, v6;
	v5 =	vadd.f32 v8, v5;
	[tilespmem:s26+$0x12450] =	vst v0  }
0x242: {  	v2 =	vadd.f32 v2, v23;
	v0 =	vmul.f32 $1.131370830e+01, v20;
	[tilespmem:s26+$0x18450] =	vst v1  }
0x243: {  	v3 =	vadd.f32 v3, v12;
	[tilespmem:s26+$0x18440] =	vst v5;
	v5 =	vmul.f32 $1.131370830e+01, v15  }
0x244: {  	[tilespmem:s26+$0x14450] =	vst v2;
	v2 =	vmul.f32 $1.131370830e+01, v10;
	v0 =	vadd.f32 v0, v12  }
0x245: {  	v1 =	vmul.f32 $1.131370830e+01, v4;
	[tilespmem:s26+$0x18460] =	vst v3;
	v5 =	vadd.f32 v5, v12  }
0x246: {  	v4 =	vmul.f32 $1.131370830e+01, v7;
	v2 =	vadd.f32 v2, v12;
	[tilespmem:s26+$0x14460] =	vst v0  }
0x247: {  	v0 =	vadd.f32 v1, v21;
	[tilespmem:s26+$0x12460] =	vst v5  }
0x248: {  	v1 =	vadd.f32 v4, v21;
	[tilespmem:s26+$0x16460] =	vst v2  }
0x249: {  	[tilespmem:s26+$0x14470] =	vst v0  }
0x24a: {  	s16 =	simm.s32 $0x0;
	[tilespmem:s26+$0x16470] =	vst v1;
	s26 =	simm.s32 $0x12400  }
0x24b: {  	[hbm4b:s31+s16] =	stream.linear.scatter [tilespmem:s26], [sflag:$0x7], $0x2000, $0x38;
	[tilespmem:$0x1A400] =	vst v63  }
0x24c: {  	s26 =	simm.s32 $0x14400  }
0x24d: {  	[hbm4b:s2+s16] =	stream.linear.scatter [tilespmem:s26], [sflag:$0x7], $0x2000, $0x38;
	[tilespmem:$0x1A400] =	vst v63  }
0x24e: {  	s26 =	simm.s32 $0x16400  }
0x24f: {  	[hbm4b:s0+s16] =	stream.linear.scatter [tilespmem:s26], [sflag:$0x7], $0x2000, $0x38;
	[tilespmem:$0x1A400] =	vst v63  }
0x250: {  	s26 =	simm.s32 $0x18400  }
0x251: {  	[hbm4b:s5+s16] =	stream.linear.scatter [tilespmem:s26], [sflag:$0x7], $0x2000, $0x38;
	[tilespmem:$0x1A400] =	vst v63  }
0x252: {  	_ =	swait.ge [sflag:s11], $0x8000  }
0x253: {  	[sflag:s11] =	ssyncset.done $0x0  }
0x254: {  	s25 =	simm.s32 $0x0;
	[sflag:s11] =	ssyncadd.s32 $0xFFFF8000  }
0x255: {  	v1 =	vld [tilespmem:s25+$0x8470]  }
0x256: {  	v2 =	vld [tilespmem:s25+$0x2400]  }
0x257: {  	v0 =	vld [tilespmem:s25+$0x470]  }
0x258: {  	v3 =	vld [tilespmem:s25+$0x4400]  }
0x259: {  	v4 =	vld [tilespmem:s25+$0x6400]  }
0x25a: {  	v5 =	vld [tilespmem:s25+$0x8400]  }
0x25b: {  	v6 =	vld [tilespmem:s25+$0x2410]  }
0x25c: {  	v7 =	vld [tilespmem:s25+$0x4410]  }
0x25d: {  	v8 =	vld [tilespmem:s25+$0x6410]  }
0x25e: {  	v9 =	vld [tilespmem:s25+$0x8410]  }
0x25f: {  	v10 =	vld [tilespmem:s25+$0x4420]  }
0x260: {  	v11 =	vld [tilespmem:s25+$0x6420]  }
0x261: {  	v12 =	vld [tilespmem:s25+$0x8420]  }
0x262: {  	v15 =	vld [tilespmem:s25+$0x2430]  }
0x263: {  	v16 =	vld [tilespmem:s25+$0x4430]  }
0x264: {  	v20 =	vld [tilespmem:s25+$0x6430]  }
0x265: {  	v21 =	vld [tilespmem:s25+$0x8430]  }
0x266: {  	v23 =	vld [tilespmem:s25+$0x2440]  }
0x267: {  	v28 =	vld [tilespmem:s25+$0x4440]  }
0x268: {  	v29 =	vld [tilespmem:s25+$0x6440]  }
0x269: {  	v30 =	vld [tilespmem:s25+$0x8440]  }
0x26a: {  	v31 =	vld [tilespmem:s25+$0x2450]  }
0x26b: {  	v55 =	vld [tilespmem:s25+$0x4450]  }
0x26c: {  	v59 =	vld [tilespmem:s25+$0x8450];
	v1 =	vmul.f32 $1.131370830e+01, v1;
	v56 =	vmul.f32 $1.131370830e+01, v2  }
0x26d: {  	v61 =	vld [tilespmem:s25+$0x6460];
	v57 =	vmul.f32 $1.131370830e+01, v3;
	v58 =	vmul.f32 $1.131370830e+01, v4  }
0x26e: {  	v62 =	vld [tilespmem:s25+$0x8460];
	v60 =	vmul.f32 $1.131370830e+01, v5;
	v3 =	vmul.f32 $1.131370830e+01, v6  }
0x26f: {  	v33 =	vld [tilespmem:s25+$0x410];
	v13 =	vmul.f32 $1.131370830e+01, v7;
	v14 =	vmul.f32 $1.131370830e+01, v8  }
0x270: {  	v2 =	vld [tilespmem:s25+$0x6450];
	v24 =	vmul.f32 $1.131370830e+01, v9;
	v25 =	vmul.f32 $1.131370830e+01, v10  }
0x271: {  	v5 =	vld [tilespmem:s25+$0x2460];
	v18 =	vmul.f32 $1.131370830e+01, v11;
	v26 =	vmul.f32 $1.131370830e+01, v12  }
0x272: {  	v19 =	vmul.f32 $1.131370830e+01, v15;
	v11 =	vld [tilespmem:s25+$0x2470];
	v27 =	vmul.f32 $1.131370830e+01, v16  }
0x273: {  	v8 =	vld [tilespmem:s25+$0x4460];
	v16 =	vmul.f32 $1.131370830e+01, v20;
	v22 =	vmul.f32 $1.131370830e+01, v21  }
0x274: {  	v15 =	vmul.f32 $1.131370830e+01, v23;
	v20 =	vmul.f32 $1.131370830e+01, v28;
	v23 =	vld [tilespmem:s25+$0x400]  }
0x275: {  	v12 =	vld [tilespmem:s25+$0x4470];
	v10 =	vmul.f32 $1.131370830e+01, v29;
	v6 =	vmul.f32 $1.131370830e+01, v30;
	v1 =	vadd.f32 v1, v0  }
0x276: {  	v21 =	vld [tilespmem:s25+$0x6470];
	v9 =	vmul.f32 $1.131370830e+01, v31;
	v4 =	vmul.f32 $1.131370830e+01, v55  }
0x277: {  	[tilespmem:s25+$0x8470] =	vst v1;
	v1 =	vld [tilespmem:s25+$0x2420];
	v7 =	vmul.f32 $1.131370830e+01, v2;
	v28 =	vmul.f32 $1.131370830e+01, v11  }
0x278: {  	v32 =	vld [tilespmem:s25+$0x420];
	v11 =	vmul.f32 $1.131370830e+01, v5;
	v2 =	vmul.f32 $1.131370830e+01, v8  }
0x279: {  	v31 =	vld [tilespmem:s25+$0x430];
	v8 =	vmul.f32 $1.131370830e+01, v61;
	v37 =	vadd.f32 v56, v23;
	v36 =	vadd.f32 v57, v23  }
0x27a: {  	v30 =	vld [tilespmem:s25+$0x440];
	v5 =	vmul.f32 $1.131370830e+01, v62;
	v35 =	vadd.f32 v58, v23;
	v63 =	vadd.f32 v28, v0  }
0x27b: {  	v29 =	vld [tilespmem:s25+$0x450];
	v34 =	vadd.f32 v60, v23;
	v23 =	vmul.f32 $1.131370830e+01, v12;
	v12 =	vmul.f32 $1.131370830e+01, v21  }
0x27c: {  	s26 =	simm.s32 $0x80;
	s16 =	simm.s32 $0x400;
	v28 =	vld [tilespmem:s25+$0x460];
	v17 =	vmul.f32 $1.131370830e+01, v1;
	v1 =	vmul.f32 $1.131370830e+01, v59;
	[tilespmem:s25+$0x2470] =	vst v63  }
.LBB2_8:
0x27d: {  	p0 =	sne.s32 s16, $0x7E00;
	v21 =	vld [tilespmem:s26+$0x8470];
	[tilespmem:s25+$0x2400] =	vst v37;
	v3 =	vadd.f32 v3, v33;
	v13 =	vadd.f32 v13, v33  }
0x27e: {  	v14 =	vadd.f32 v14, v33;
	v24 =	vadd.f32 v24, v33;
	v37 =	vld [tilespmem:s26+$0x2400];
	[tilespmem:s25+$0x4400] =	vst v36  }
0x27f: {  	v17 =	vadd.f32 v17, v32;
	v25 =	vadd.f32 v25, v32;
	v33 =	vld [tilespmem:s26+$0x470];
	[tilespmem:s25+$0x6400] =	vst v35  }
0x280: {  	v18 =	vadd.f32 v18, v32;
	v26 =	vadd.f32 v26, v32;
	v35 =	vld [tilespmem:s26+$0x4400];
	[tilespmem:s25+$0x8400] =	vst v34  }
0x281: {  	v19 =	vadd.f32 v19, v31;
	v27 =	vadd.f32 v27, v31;
	v32 =	vld [tilespmem:s26+$0x6400];
	[tilespmem:s25+$0x2410] =	vst v3  }
0x282: {  	v16 =	vadd.f32 v16, v31;
	v22 =	vadd.f32 v22, v31;
	v3 =	vld [tilespmem:s26+$0x8400];
	v34 =	vmul.f32 $1.131370830e+01, v21;
	[tilespmem:s25+$0x4410] =	vst v13  }
0x283: {  	v15 =	vadd.f32 v15, v30;
	v20 =	vadd.f32 v20, v30;
	v21 =	vmul.f32 $1.131370830e+01, v37;
	v13 =	vld [tilespmem:s26+$0x2410];
	[tilespmem:s25+$0x6410] =	vst v14  }
0x284: {  	v10 =	vadd.f32 v10, v30;
	v14 =	vld [tilespmem:s26+$0x4410];
	v31 =	vadd.f32 v34, v33;
	[tilespmem:s25+$0x8410] =	vst v24  }
0x285: {  	v6 =	vadd.f32 v6, v30;
	v9 =	vadd.f32 v9, v29;
	v34 =	vmul.f32 $1.131370830e+01, v35;
	v24 =	vld [tilespmem:s26+$0x6410];
	[tilespmem:s25+$0x2420] =	vst v17  }
0x286: {  	v4 =	vadd.f32 v4, v29;
	v7 =	vadd.f32 v7, v29;
	v35 =	vmul.f32 $1.131370830e+01, v32;
	v17 =	vld [tilespmem:s26+$0x8410];
	[tilespmem:s26+$0x8470] =	vst v31  }
0x287: {  	v1 =	vadd.f32 v1, v29;
	v11 =	vadd.f32 v11, v28;
	v38 =	vmul.f32 $1.131370830e+01, v3;
	v30 =	vld [tilespmem:s26+$0x2420];
	[tilespmem:s25+$0x4420] =	vst v25  }
0x288: {  	v2 =	vadd.f32 v2, v28;
	v8 =	vadd.f32 v8, v28;
	v3 =	vmul.f32 $1.131370830e+01, v13;
	v25 =	vld [tilespmem:s26+$0x4420];
	[tilespmem:s25+$0x6420] =	vst v18  }
0x289: {  	v23 =	vadd.f32 v23, v0;
	v5 =	vadd.f32 v5, v28;
	v13 =	vmul.f32 $1.131370830e+01, v14;
	v18 =	vld [tilespmem:s26+$0x6420];
	[tilespmem:s25+$0x8420] =	vst v26  }
0x28a: {  	v12 =	vadd.f32 v12, v0;
	v0 =	vmov v33;
	v14 =	vmul.f32 $1.131370830e+01, v24;
	v26 =	vld [tilespmem:s26+$0x8420];
	[tilespmem:s25+$0x2430] =	vst v19  }
0x28b: {  	v24 =	vmul.f32 $1.131370830e+01, v17;
	v19 =	vld [tilespmem:s26+$0x2430];
	[tilespmem:s25+$0x4430] =	vst v27  }
0x28c: {  	v17 =	vmul.f32 $1.131370830e+01, v30;
	v27 =	vld [tilespmem:s26+$0x4430];
	[tilespmem:s25+$0x6430] =	vst v16  }
0x28d: {  	v25 =	vmul.f32 $1.131370830e+01, v25;
	v16 =	vld [tilespmem:s26+$0x6430];
	[tilespmem:s25+$0x8430] =	vst v22  }
0x28e: {  	v18 =	vmul.f32 $1.131370830e+01, v18;
	v22 =	vld [tilespmem:s26+$0x8430];
	[tilespmem:s25+$0x2440] =	vst v15  }
0x28f: {  	v26 =	vmul.f32 $1.131370830e+01, v26;
	v15 =	vld [tilespmem:s26+$0x2440];
	[tilespmem:s25+$0x4440] =	vst v20  }
0x290: {  	v19 =	vmul.f32 $1.131370830e+01, v19;
	v20 =	vld [tilespmem:s26+$0x4440];
	[tilespmem:s25+$0x6440] =	vst v10  }
0x291: {  	v27 =	vmul.f32 $1.131370830e+01, v27;
	v10 =	vld [tilespmem:s26+$0x6440];
	[tilespmem:s25+$0x8440] =	vst v6  }
0x292: {  	v16 =	vmul.f32 $1.131370830e+01, v16;
	v6 =	vld [tilespmem:s26+$0x8440];
	[tilespmem:s25+$0x2450] =	vst v9  }
0x293: {  	v22 =	vmul.f32 $1.131370830e+01, v22;
	v9 =	vld [tilespmem:s26+$0x2450];
	[tilespmem:s25+$0x4450] =	vst v4  }
0x294: {  	v15 =	vmul.f32 $1.131370830e+01, v15;
	v4 =	vld [tilespmem:s26+$0x4450];
	[tilespmem:s25+$0x6450] =	vst v7  }
0x295: {  	v20 =	vmul.f32 $1.131370830e+01, v20;
	v7 =	vld [tilespmem:s26+$0x6450];
	[tilespmem:s25+$0x8450] =	vst v1  }
0x296: {  	v10 =	vmul.f32 $1.131370830e+01, v10;
	v1 =	vld [tilespmem:s26+$0x8450];
	[tilespmem:s25+$0x2460] =	vst v11  }
0x297: {  	v6 =	vmul.f32 $1.131370830e+01, v6;
	v11 =	vld [tilespmem:s26+$0x2460];
	[tilespmem:s25+$0x4460] =	vst v2  }
0x298: {  	v9 =	vmul.f32 $1.131370830e+01, v9;
	v2 =	vld [tilespmem:s26+$0x4460];
	[tilespmem:s25+$0x6460] =	vst v8  }
0x299: {  	v4 =	vmul.f32 $1.131370830e+01, v4;
	v8 =	vld [tilespmem:s26+$0x6460];
	[tilespmem:s25+$0x8460] =	vst v5  }
0x29a: {  	v7 =	vmul.f32 $1.131370830e+01, v7;
	v5 =	vld [tilespmem:s26+$0x8460];
	[tilespmem:s25+$0x4470] =	vst v23  }
0x29b: {  	v1 =	vmul.f32 $1.131370830e+01, v1;
	v23 =	vld [tilespmem:s26+$0x2470];
	[tilespmem:s25+$0x6470] =	vst v12;
	s25 =	smov.u32 s26  }
0x29c: {  	v11 =	vmul.f32 $1.131370830e+01, v11;
	v12 =	vld [tilespmem:s25+$0x4470]  }
0x29d: {  	v2 =	vmul.f32 $1.131370830e+01, v2;
	v28 =	vld [tilespmem:s25+$0x6470]  }
0x29e: {  	v39 =	vld [tilespmem:s25+$0x400];
	v8 =	vmul.f32 $1.131370830e+01, v8  }
0x29f: {  	v33 =	vld [tilespmem:s25+$0x410];
	v5 =	vmul.f32 $1.131370830e+01, v5  }
.Ltmp3:
0x2a0: {  	v32 =	vld [tilespmem:s25+$0x420];
	v29 =	vmul.f32 $1.131370830e+01, v23;
	(pc) =	sbr.rel @p0 .LBB2_8-.Ltmp3, $4  }
0x2a1: {  	v31 =	vld [tilespmem:s25+$0x430];
	v23 =	vmul.f32 $1.131370830e+01, v12  }
0x2a2: {  	v30 =	vld [tilespmem:s25+$0x440];
	v40 =	vadd.f32 v29, v0;
	v12 =	vmul.f32 $1.131370830e+01, v28  }
0x2a3: {  	v37 =	vadd.f32 v21, v39;
	v36 =	vadd.f32 v34, v39;
	v29 =	vld [tilespmem:s25+$0x450]  }
0x2a4: {  	s26 =	sshra.s32 s16, $0x2;
	s16 =	sadd.s32 $0x200, s16;
	v35 =	vadd.f32 v35, v39;
	v34 =	vadd.f32 v38, v39;
	v28 =	vld [tilespmem:s25+$0x460];
	[tilespmem:s25+$0x2470] =	vst v40  }
0x2a5: {  	[tilespmem:s25+$0x2400] =	vst v37  }
0x2a6: {  	[tilespmem:s25+$0x4400] =	vst v36  }
0x2a7: {  	v3 =	vadd.f32 v3, v33;
	[tilespmem:s25+$0x6400] =	vst v35  }
0x2a8: {  	v13 =	vadd.f32 v13, v33;
	[tilespmem:s25+$0x8400] =	vst v34  }
0x2a9: {  	v14 =	vadd.f32 v14, v33;
	[tilespmem:s25+$0x2410] =	vst v3  }
0x2aa: {  	v24 =	vadd.f32 v24, v33;
	[tilespmem:s25+$0x4410] =	vst v13  }
0x2ab: {  	v17 =	vadd.f32 v17, v32;
	[tilespmem:s25+$0x6410] =	vst v14  }
0x2ac: {  	v25 =	vadd.f32 v25, v32;
	[tilespmem:s25+$0x8410] =	vst v24  }
0x2ad: {  	v18 =	vadd.f32 v18, v32;
	[tilespmem:s25+$0x2420] =	vst v17  }
0x2ae: {  	v26 =	vadd.f32 v26, v32;
	[tilespmem:s25+$0x4420] =	vst v25  }
0x2af: {  	v23 =	vadd.f32 v23, v0;
	[tilespmem:s25+$0x6420] =	vst v18  }
0x2b0: {  	v55 =	vadd.f32 v12, v0;
	[tilespmem:s25+$0x8420] =	vst v26  }
0x2b1: {  	v19 =	vadd.f32 v19, v31;
	[tilespmem:s25+$0x4470] =	vst v23  }
0x2b2: {  	v38 =	vld [tilespmem:s26+$0x8470];
	v27 =	vadd.f32 v27, v31;
	[tilespmem:s25+$0x6470] =	vst v55  }
0x2b3: {  	v39 =	vld [tilespmem:s26+$0x2400];
	v16 =	vadd.f32 v16, v31;
	[tilespmem:s25+$0x2430] =	vst v19  }
0x2b4: {  	v21 =	vld [tilespmem:s26+$0x470];
	v22 =	vadd.f32 v22, v31;
	[tilespmem:s25+$0x4430] =	vst v27  }
0x2b5: {  	v40 =	vld [tilespmem:s26+$0x4400];
	v15 =	vadd.f32 v15, v30;
	[tilespmem:s25+$0x6430] =	vst v16  }
0x2b6: {  	v41 =	vld [tilespmem:s26+$0x6400];
	v20 =	vadd.f32 v20, v30;
	[tilespmem:s25+$0x8430] =	vst v22  }
0x2b7: {  	v42 =	vld [tilespmem:s26+$0x8400];
	v10 =	vadd.f32 v10, v30;
	[tilespmem:s25+$0x2440] =	vst v15  }
0x2b8: {  	v43 =	vld [tilespmem:s26+$0x2410];
	v6 =	vadd.f32 v6, v30;
	[tilespmem:s25+$0x4440] =	vst v20  }
0x2b9: {  	v44 =	vld [tilespmem:s26+$0x4410];
	v9 =	vadd.f32 v9, v29;
	[tilespmem:s25+$0x6440] =	vst v10  }
0x2ba: {  	v45 =	vld [tilespmem:s26+$0x6410];
	v4 =	vadd.f32 v4, v29;
	[tilespmem:s25+$0x8440] =	vst v6  }
0x2bb: {  	v49 =	vld [tilespmem:s26+$0x2470];
	v7 =	vadd.f32 v7, v29;
	[tilespmem:s25+$0x2450] =	vst v9  }
0x2bc: {  	v46 =	vld [tilespmem:s26+$0x8410];
	v1 =	vadd.f32 v1, v29;
	[tilespmem:s25+$0x4450] =	vst v4  }
0x2bd: {  	v37 =	vld [tilespmem:s26+$0x2420];
	v11 =	vadd.f32 v11, v28;
	[tilespmem:s25+$0x6450] =	vst v7  }
0x2be: {  	v50 =	vld [tilespmem:s26+$0x400];
	v2 =	vadd.f32 v2, v28;
	[tilespmem:s25+$0x8450] =	vst v1  }
0x2bf: {  	v36 =	vld [tilespmem:s26+$0x4420];
	v8 =	vadd.f32 v8, v28;
	v38 =	vmul.f32 $1.131370830e+01, v38;
	[tilespmem:s25+$0x2460] =	vst v11  }
0x2c0: {  	v47 =	vld [tilespmem:s26+$0x8430];
	v5 =	vadd.f32 v5, v28;
	v53 =	vmul.f32 $1.131370830e+01, v49;
	[tilespmem:s25+$0x4460] =	vst v2  }
0x2c1: {  	v48 =	vld [tilespmem:s26+$0x2440];
	v56 =	vmul.f32 $1.131370830e+01, v39;
	[tilespmem:s25+$0x6460] =	vst v8;
	v38 =	vadd.f32 v38, v21  }
0x2c2: {  	v51 =	vld [tilespmem:s26+$0x410];
	v58 =	vmul.f32 $1.131370830e+01, v40;
	[tilespmem:s25+$0x8460] =	vst v5;
	v8 =	vadd.f32 v53, v21  }
0x2c3: {  	v34 =	vld [tilespmem:s26+$0x8420];
	v60 =	vmul.f32 $1.131370830e+01, v41;
	v61 =	vadd.f32 v56, v50;
	[tilespmem:s26+$0x8470] =	vst v38  }
0x2c4: {  	v52 =	vld [tilespmem:s26+$0x420];
	v62 =	vmul.f32 $1.131370830e+01, v42;
	v28 =	vadd.f32 v58, v50;
	[tilespmem:s26+$0x2470] =	vst v8  }
0x2c5: {  	v54 =	vld [tilespmem:s26+$0x430];
	v63 =	vmul.f32 $1.131370830e+01, v43;
	v29 =	vadd.f32 v60, v50;
	[tilespmem:s26+$0x2400] =	vst v61  }
0x2c6: {  	v35 =	vld [tilespmem:s26+$0x6420];
	v33 =	vmul.f32 $1.131370830e+01, v44;
	v1 =	vadd.f32 v62, v50;
	[tilespmem:s26+$0x4400] =	vst v28  }
0x2c7: {  	v3 =	vld [tilespmem:s26+$0x2430];
	v40 =	vmul.f32 $1.131370830e+01, v46;
	v39 =	vadd.f32 v63, v51;
	[tilespmem:s26+$0x6400] =	vst v29  }
0x2c8: {  	v57 =	vld [tilespmem:s26+$0x440];
	v44 =	vmul.f32 $1.131370830e+01, v34;
	v0 =	vadd.f32 v33, v51;
	[tilespmem:s26+$0x8400] =	vst v1  }
0x2c9: {  	v59 =	vld [tilespmem:s26+$0x450];
	v41 =	vmul.f32 $1.131370830e+01, v37;
	v11 =	vadd.f32 v40, v51;
	[tilespmem:s26+$0x2410] =	vst v39  }
0x2ca: {  	v13 =	vld [tilespmem:s26+$0x4430];
	v42 =	vmul.f32 $1.131370830e+01, v36;
	v2 =	vadd.f32 v44, v52;
	[tilespmem:s26+$0x4410] =	vst v0  }
0x2cb: {  	v12 =	vld [tilespmem:s26+$0x460];
	v43 =	vmul.f32 $1.131370830e+01, v35;
	v1 =	vadd.f32 v41, v52;
	[tilespmem:s26+$0x8410] =	vst v11  }
0x2cc: {  	v25 =	vld [tilespmem:s26+$0x4440];
	v3 =	vmul.f32 $1.131370830e+01, v3;
	v28 =	vadd.f32 v42, v52;
	[tilespmem:s26+$0x8420] =	vst v2  }
0x2cd: {  	v27 =	vld [tilespmem:s26+$0x4450];
	v48 =	vmul.f32 $1.131370830e+01, v48;
	v0 =	vadd.f32 v43, v52;
	[tilespmem:s26+$0x2420] =	vst v1  }
0x2ce: {  	v4 =	vld [tilespmem:s26+$0x4470];
	v38 =	vmul.f32 $1.131370830e+01, v45;
	v3 =	vadd.f32 v3, v54;
	[tilespmem:s26+$0x4420] =	vst v28  }
0x2cf: {  	v7 =	vld [tilespmem:s26+$0x6470];
	v45 =	vmul.f32 $1.131370830e+01, v13;
	v2 =	vadd.f32 v48, v57;
	[tilespmem:s26+$0x6420] =	vst v0  }
0x2d0: {  	v14 =	vld [tilespmem:s26+$0x6430];
	v47 =	vmul.f32 $1.131370830e+01, v47;
	v8 =	vadd.f32 v38, v51;
	[tilespmem:s26+$0x2430] =	vst v3  }
0x2d1: {  	v18 =	vld [tilespmem:s26+$0x6440];
	v49 =	vmul.f32 $1.131370830e+01, v25;
	v1 =	vadd.f32 v45, v54;
	[tilespmem:s26+$0x2440] =	vst v2  }
0x2d2: {  	v26 =	vld [tilespmem:s26+$0x8440];
	v53 =	vmul.f32 $1.131370830e+01, v27;
	v0 =	vadd.f32 v47, v54;
	[tilespmem:s26+$0x6410] =	vst v8  }
0x2d3: {  	v19 =	vld [tilespmem:s26+$0x2450];
	v60 =	vmul.f32 $1.131370830e+01, v4;
	v3 =	vadd.f32 v49, v57;
	[tilespmem:s26+$0x4430] =	vst v1  }
0x2d4: {  	v10 =	vld [tilespmem:s26+$0x6460];
	v61 =	vmul.f32 $1.131370830e+01, v7;
	v2 =	vadd.f32 v53, v59;
	[tilespmem:s26+$0x8430] =	vst v0  }
0x2d5: {  	v16 =	vld [tilespmem:s26+$0x6450];
	v46 =	vmul.f32 $1.131370830e+01, v14;
	v62 =	vadd.f32 v60, v21;
	[tilespmem:s26+$0x4440] =	vst v3  }
0x2d6: {  	v22 =	vld [tilespmem:s26+$0x8450];
	v50 =	vmul.f32 $1.131370830e+01, v18;
	v63 =	vadd.f32 v61, v21;
	[tilespmem:s26+$0x4450] =	vst v2  }
0x2d7: {  	v15 =	vld [tilespmem:s26+$0x2460];
	v51 =	vmul.f32 $1.131370830e+01, v26;
	v8 =	vadd.f32 v46, v54;
	[tilespmem:s26+$0x4470] =	vst v62  }
0x2d8: {  	v20 =	vld [tilespmem:s26+$0x4460];
	v52 =	vmul.f32 $1.131370830e+01, v19;
	v1 =	vadd.f32 v50, v57;
	[tilespmem:s26+$0x6470] =	vst v63  }
0x2d9: {  	v6 =	vld [tilespmem:s26+$0x8460];
	v58 =	vmul.f32 $1.131370830e+01, v10;
	v5 =	vadd.f32 v51, v57;
	[tilespmem:s26+$0x6430] =	vst v8  }
0x2da: {  	v54 =	vmul.f32 $1.131370830e+01, v16;
	v0 =	vadd.f32 v52, v59;
	[tilespmem:s26+$0x6440] =	vst v1  }
0x2db: {  	v55 =	vmul.f32 $1.131370830e+01, v22;
	v2 =	vadd.f32 v58, v12;
	[tilespmem:s26+$0x8440] =	vst v5  }
0x2dc: {  	v56 =	vmul.f32 $1.131370830e+01, v15;
	v3 =	vadd.f32 v54, v59;
	[tilespmem:s26+$0x2450] =	vst v0  }
0x2dd: {  	v57 =	vmul.f32 $1.131370830e+01, v20;
	v1 =	vadd.f32 v55, v59;
	[tilespmem:s26+$0x6460] =	vst v2  }
0x2de: {  	v5 =	vadd.f32 v56, v12;
	v59 =	vmul.f32 $1.131370830e+01, v6;
	[tilespmem:s26+$0x6450] =	vst v3  }
0x2df: {  	v0 =	vadd.f32 v57, v12;
	[tilespmem:s26+$0x8450] =	vst v1  }
0x2e0: {  	[tilespmem:s26+$0x2460] =	vst v5;
	v3 =	vadd.f32 v59, v12  }
0x2e1: {  	[tilespmem:s26+$0x4460] =	vst v0  }
0x2e2: {  	[tilespmem:s26+$0x8460] =	vst v3  }
0x2e3: {  	[hbm4b:s6+s3] =	stream.linear.scatter [tilespmem:s14], [sflag:$0x5], $0x2000, $0x38;
	[tilespmem:$0x1A400] =	vst v63  }
0x2e4: {  	_ = 	snop  }
0x2e5: {  	[hbm4b:s7+s3] =	stream.linear.scatter [tilespmem:s17], [sflag:$0x5], $0x2000, $0x38;
	[tilespmem:$0x1A400] =	vst v63  }
0x2e6: {  	_ = 	snop  }
0x2e7: {  	[hbm4b:s8+s3] =	stream.linear.scatter [tilespmem:s18], [sflag:$0x5], $0x2000, $0x38;
	[tilespmem:$0x1A400] =	vst v63  }
0x2e8: {  	_ = 	snop  }
0x2e9: {  	[hbm4b:s9+s3] =	stream.linear.scatter [tilespmem:s12], [sflag:$0x5], $0x2000, $0x38;
	[tilespmem:$0x1A400] =	vst v63  }
0x2ea: {  	_ =	swait.ge [sflag:s23], $0x2000  }
0x2eb: {  	[sflag:s23] =	ssyncset.done $0x0  }
0x2ec: {  	[sflag:s23] =	ssyncadd.s32 $0xFFFFE000  }
0x2ed: {  	_ =	swait.ge [sflag:s23], $0x2000  }
0x2ee: {  	[sflag:s23] =	ssyncset.done $0x0  }
0x2ef: {  	[sflag:s23] =	ssyncadd.s32 $0xFFFFE000  }
0x2f0: {  	_ =	swait.ge [sflag:s23], $0x2000  }
0x2f1: {  	[sflag:s23] =	ssyncset.done $0x0  }
0x2f2: {  	[sflag:s23] =	ssyncadd.s32 $0xFFFFE000  }
0x2f3: {  	_ =	swait.ge [sflag:s23], $0x2000  }
0x2f4: {  	[sflag:s23] =	ssyncset.done $0x0  }
0x2f5: {  	[sflag:s23] =	ssyncadd.s32 $0xFFFFE000  }
0x2f6: {  	_ =	swait.ge [sflag:s24], $0x2000  }
0x2f7: {  	[sflag:s24] =	ssyncset.done $0x0  }
0x2f8: {  	[sflag:s24] =	ssyncadd.s32 $0xFFFFE000  }
0x2f9: {  	_ =	swait.ge [sflag:s24], $0x2000  }
0x2fa: {  	[sflag:s24] =	ssyncset.done $0x0  }
0x2fb: {  	[sflag:s24] =	ssyncadd.s32 $0xFFFFE000  }
0x2fc: {  	_ =	swait.ge [sflag:s24], $0x2000  }
0x2fd: {  	[sflag:s24] =	ssyncset.done $0x0  }
0x2fe: {  	[sflag:s24] =	ssyncadd.s32 $0xFFFFE000  }
0x2ff: {  	_ =	swait.ge [sflag:s24], $0x2000  }
0x300: {  	[sflag:s24] =	ssyncset.done $0x0  }
0x301: {  	[sflag:s24] =	ssyncadd.s32 $0xFFFFE000  }
0x302: {  	_ =	swait.ge [sflag:s21], $0x2000  }
0x303: {  	[sflag:s21] =	ssyncset.done $0x0  }
0x304: {  	[sflag:s21] =	ssyncadd.s32 $0xFFFFE000  }
0x305: {  	_ =	swait.ge [sflag:s21], $0x2000  }
0x306: {  	[sflag:s21] =	ssyncset.done $0x0  }
0x307: {  	[sflag:s21] =	ssyncadd.s32 $0xFFFFE000  }
0x308: {  	_ =	swait.ge [sflag:s21], $0x2000  }
0x309: {  	[sflag:s21] =	ssyncset.done $0x0  }
0x30a: {  	[sflag:s21] =	ssyncadd.s32 $0xFFFFE000  }
0x30b: {  	_ =	swait.ge [sflag:s21], $0x2000  }
0x30c: {  	s15 =	sadd.s32 $0x1, s15;
	s16 =	rddreg [dreg:$0x18]  }
0x30d: {  	p0 =	sne.s32 s15, s16  }
.Ltmp4:
0x30e: {  	_ = 	snop;
	(pc) =	sbr.rel @p0 .LBB2_1-.Ltmp4, $3  }
0x30f: {  	_ =	sdelay $0x1  }
0x310: {  	[sflag:s21] =	ssyncset.done $0x0  }
0x311: {  	[sflag:s21] =	ssyncadd.s32 $0xFFFFE000  }
0x312: {  	_ =	sfence.sel $0x180000  }
0x313: {  	[bflag:$0x0] =	sbarrier.arrive $0xFFFF  }
0x314: {  	_ =	strace $0x90000047  }
0x315: {  	s0 =	stileid.u32;
	[bflag:$0x2] =	sbarrier.arrive $0xFFFF  }
0x316: {  	p0 =	sne.s32 s0, $0x0;
	s0 =	rddreg [dreg:$0x4]  }
0x317: {  	s0 =	sadd.s32 @!p0 $0x100000, s0  }
0x318: {  	[sflag:s0] =	ssyncadd.tile.s32 @!p0 $0x1;
	_ =	shalt  }
.Lfunc_end2:
_tile_overlayer_lowered:
.L_overlay_start_2:
0x319: {  	(tag) =	ssettag $0x2  }
0x31a: {  	s0 =	rddreg [dreg:$0x0];
	s2 =	stileid.u32  }
0x31b: {  	s1 =	rddreg [dreg:$0x1];
	p0 =	sne.s32 s2, $0x0  }
0x31c: {  	s3 =	rddreg [dreg:$0x2];
	[bflag:$0x3] =	sbarrier.arrive $0xFFFF;
	s2 =	simm.s32 @!p0 $0x1C08  }
0x31d: {  	[timem:s3], [sflag:s2] =	dma.local @!p0 [hbm:s0], s1  }
0x31e: {  	s0 =	simm.s32 @!p0 $0x8  }
0x31f: {  	_ =	swait.ge @!p0 [sflag:s0], s1  }
0x320: {  	s1 =	ssub.s32 @!p0 $0x0, s1;
	[sflag:s0] =	ssyncset.done @!p0 $0x0  }
0x321: {  	[sflag:s0] =	ssyncadd.s32 @!p0 s1  }
0x322: {  	[bflag:$0x3] =	sbarrier.arrive $0xFFFF  }
0x323: {  	_ =	shalt  }

</sc_bundles>
